<compile_context>
chip_gen: v7x
topology: tpu7x:2x2x1
jax: 0.10.2.dev20260603
libtpu: 0.0.44.dev20260713+nightly
codegen_flags: <defaults>
</compile_context>

<pallas_src>
import functools

import jax
import jax.numpy as jnp
from jax import lax
from jax.experimental import pallas as pl
from jax.experimental.pallas import tpu as pltpu
from jax.experimental.pallas import tpu_sc as plsc

N = 10000
E = 320000
D = 128
H = 64
T = 4
L = 3
G = 512

NC, NS = 2, 16
CH = 128
RNG = 2
SB = 16
NP_ = 10240
EP = 327680
GP = 640
ECH_A = EP // (NC * NS) // CH
ECH_L = EP // NS // CH
RB = NP_ // NS // CH
RBP = 16
RG = GP // NS

_mesh = plsc.VectorSubcoreMesh(core_axis_name="c", subcore_axis_name="s",
                               num_cores=NC, num_subcores=NS)


def _zero_stripes(zeros_hbm, zbuf, acc, racc, s):
    pltpu.sync_copy(zeros_hbm, zbuf)

    def body(k, _):
        pltpu.sync_copy(zbuf, acc.at[pl.ds((s * RB + k) * CH, CH)])
        return _

    lax.fori_loop(0, RB, body, None)
    if racc is not None:
        pltpu.sync_copy(zbuf.at[pl.ds(0, RG)], racc.at[pl.ds(s * RG, RG)])


def _edge_loop(table_hbm, src_hbm, dst_hbm, base, idx_s, idx_d,
               rows, gsem, acc, nchunks):

    def gather(c, b):
        pltpu.async_copy(table_hbm.at[idx_s.at[c]], rows[b], gsem[b])

    def gwait(c, b):
        pltpu.make_async_copy(table_hbm.at[idx_s.at[c]], rows[b],
                              gsem[b]).wait()

    def scat(c, b):
        pltpu.sync_copy(rows[b], acc.at[idx_d.at[c]], add=True)

    def outer(ob, _):
        pltpu.sync_copy(src_hbm.at[pl.ds(base + ob * SB, SB)], idx_s)
        pltpu.sync_copy(dst_hbm.at[pl.ds(base + ob * SB, SB)], idx_d)
        for b in range(RNG):
            gather(b, b)

        def grp(q, _):
            c0 = q * RNG
            for b in range(RNG):
                gwait(c0 + b, b)
                scat(c0 + b, b)
                gather(c0 + RNG + b, b)
            return _

        lax.fori_loop(0, SB // RNG - 1, grp, None)
        c0 = SB - RNG
        for b in range(RNG):
            gwait(c0 + b, b)
            scat(c0 + b, b)
        return _

    lax.fori_loop(0, nchunks // SB, outer, None)


def _readout_loop(h_hbm, batch_hbm, bidx, rows, racc, c, s):
    pltpu.sync_copy(batch_hbm.at[pl.ds(s * RBP, RBP)], bidx)

    def body(k, _):
        pltpu.sync_copy(h_hbm.at[pl.ds(c * NP_ + (s * RB + k) * CH, CH)], rows)
        pltpu.sync_copy(rows, racc.at[bidx.at[k]], add=True)
        return _

    lax.fori_loop(0, RB, body, None)


def _copyout_acc(acc, rows, out_hbm, c, s):
    def body(k, _):
        r0 = (s * RB + k) * CH
        pltpu.sync_copy(acc.at[pl.ds(r0, CH)], rows)
        pltpu.sync_copy(rows, out_hbm.at[c, pl.ds(r0, CH)])
        return _

    lax.fori_loop(0, RB, body, None)


def _copyout_racc(racc, rows, r_hbm, c, s):
    pltpu.sync_copy(racc.at[pl.ds(s * RG, RG)], rows.at[pl.ds(0, RG)])
    pltpu.sync_copy(rows.at[pl.ds(0, RG)], r_hbm.at[c, pl.ds(s * RG, RG)])


_RING_SCRATCH = ([pltpu.VMEM((CH, D), jnp.float32)] * RNG
                 + [pltpu.SemaphoreType.DMA] * RNG)


@functools.partial(
    pl.kernel,
    out_type=jax.ShapeDtypeStruct((NC, NP_, D), jnp.float32),
    mesh=_mesh,
    scratch_types=[
        pltpu.VMEM_SHARED((NP_, D), jnp.float32),
        pltpu.VMEM((SB, CH), jnp.int32),
        pltpu.VMEM((SB, CH), jnp.int32),
    ] + _RING_SCRATCH,
)
def _sc_agg_x(x_hbm, src_hbm, dst_hbm, zeros_hbm, out_hbm,
              acc, idx_s, idx_d, *ring):
    rows, gsem = ring[:RNG], ring[RNG:]
    c = lax.axis_index("c")
    s = lax.axis_index("s")
    tid = c * NS + s
    _zero_stripes(zeros_hbm, rows[0], acc, None, s)
    plsc.subcore_barrier()
    _edge_loop(x_hbm, src_hbm, dst_hbm, tid * ECH_A, idx_s, idx_d,
               rows, gsem, acc, ECH_A)
    plsc.subcore_barrier()
    _copyout_acc(acc, rows[0], out_hbm, c, s)


def _make_sc_agg_h():
    @functools.partial(
        pl.kernel,
        out_type=(jax.ShapeDtypeStruct((NC, NP_, D), jnp.float32),
                  jax.ShapeDtypeStruct((NC, GP, D), jnp.float32)),
        mesh=_mesh,
        scratch_types=[
            pltpu.VMEM_SHARED((NP_, D), jnp.float32),
            pltpu.VMEM_SHARED((GP, D), jnp.float32),
            pltpu.VMEM((SB, CH), jnp.int32),
            pltpu.VMEM((SB, CH), jnp.int32),
            pltpu.VMEM((RBP, CH), jnp.int32),
        ] + _RING_SCRATCH,
    )
    def _sc_agg_h(h_hbm, srcb_hbm, dstd_hbm, batch_hbm, zeros_hbm,
                  agg_hbm, r_hbm, acc, racc, idx_s, idx_d, bidx, *ring):
        rows, gsem = ring[:RNG], ring[RNG:]
        c = lax.axis_index("c")
        s = lax.axis_index("s")
        _zero_stripes(zeros_hbm, rows[0], acc, racc, s)
        plsc.subcore_barrier()
        base = c * (EP // CH) + s * ECH_L
        _edge_loop(h_hbm, srcb_hbm, dstd_hbm, base, idx_s, idx_d,
                   rows, gsem, acc, ECH_L)
        _readout_loop(h_hbm, batch_hbm, bidx, rows[0], racc, c, s)
        plsc.subcore_barrier()
        _copyout_acc(acc, rows[0], agg_hbm, c, s)
        _copyout_racc(racc, rows[0], r_hbm, c, s)

    return _sc_agg_h


_sc_agg_h = _make_sc_agg_h()


@functools.partial(
    pl.kernel,
    out_type=jax.ShapeDtypeStruct((NC, GP, D), jnp.float32),
    mesh=_mesh,
    scratch_types=[
        pltpu.VMEM_SHARED((GP, D), jnp.float32),
        pltpu.VMEM((RBP, CH), jnp.int32),
        pltpu.VMEM((CH, D), jnp.float32),
    ],
)
def _sc_readout(h_hbm, batch_hbm, zeros_hbm, r_hbm, racc, bidx, rows):
    c = lax.axis_index("c")
    s = lax.axis_index("s")
    pltpu.sync_copy(zeros_hbm, rows)
    pltpu.sync_copy(rows.at[pl.ds(0, RG)], racc.at[pl.ds(s * RG, RG)])
    plsc.subcore_barrier()
    _readout_loop(h_hbm, batch_hbm, bidx, rows, racc, c, s)
    plsc.subcore_barrier()
    _copyout_racc(racc, rows, r_hbm, c, s)


_BN = 256


def _tc1_body(x_ref, a_ref, b_ref, w_ref, bias_ref, o_ref):
    u = x_ref[...] + a_ref[0] + b_ref[0]
    h = jnp.dot(u, w_ref[...], preferred_element_type=jnp.float32)
    o_ref[0] = jnp.maximum(h + bias_ref[0], 0.0)


def _tc1(x_pad, agg0p, w_cat, b_cat):
    return pl.pallas_call(
        _tc1_body,
        grid=(NC, NP_ // _BN),
        in_specs=[
            pl.BlockSpec((_BN, D), lambda h, i: (i, 0)),
            pl.BlockSpec((1, _BN, D), lambda h, i: (0, i, 0)),
            pl.BlockSpec((1, _BN, D), lambda h, i: (1, i, 0)),
            pl.BlockSpec((D, D), lambda h, i: (0, h)),
            pl.BlockSpec((1, 1, D), lambda h, i: (h, 0, 0)),
        ],
        out_specs=pl.BlockSpec((1, _BN, D), lambda h, i: (h, i, 0)),
        out_shape=jax.ShapeDtypeStruct((NC, NP_, D), jnp.float32),
    )(x_pad, agg0p, agg0p, w_cat, b_cat)


def _tc_mlp_body(v_ref, a_ref, w_ref, bias_ref, o_ref):
    u = v_ref[0] + a_ref[0]
    h = jnp.dot(u, w_ref[0], preferred_element_type=jnp.float32)
    o_ref[0] = jnp.maximum(h + bias_ref[0], 0.0)


def _tc_mlp(h_prev, agg, w_quad, b_cat):
    return pl.pallas_call(
        _tc_mlp_body,
        grid=(NC, NP_ // _BN),
        in_specs=[
            pl.BlockSpec((1, _BN, D), lambda h, i: (h, i, 0)),
            pl.BlockSpec((1, _BN, D), lambda h, i: (h, i, 0)),
            pl.BlockSpec((1, D, D), lambda h, i: (h, 0, 0)),
            pl.BlockSpec((1, 1, D), lambda h, i: (h, 0, 0)),
        ],
        out_specs=pl.BlockSpec((1, _BN, D), lambda h, i: (h, i, 0)),
        out_shape=jax.ShapeDtypeStruct((NC, NP_, D), jnp.float32),
    )(h_prev, agg, w_quad, b_cat)


def _quad(W):
    q = jnp.zeros((NC, 2 * H, 2 * H), jnp.float32)
    q = q.at[:, :H, :H].set(W[0::2])
    q = q.at[:, H:, H:].set(W[1::2])
    return q


def _fold(r):
    return jnp.concatenate([r[0, :G], r[1, :G]], axis=1).reshape(G, T, H)


def kernel(x, edge_index, batch, W0, b0, W1, b1, W2, b2, bias):
    srcp = jnp.full((EP,), NP_ - 1, jnp.int32).at[:E].set(edge_index[0])
    dstp = (jnp.full((EP,), NP_ - 1, jnp.int32).at[:E].set(edge_index[1])
            .reshape(EP // CH, CH))
    srcb = jnp.stack([srcp, srcp + NP_]).reshape(NC * (EP // CH), CH)
    dstd = jnp.concatenate([dstp, dstp], axis=0)
    srcp = srcp.reshape(EP // CH, CH)
    batchp = jnp.full((NS, RBP, CH), G, jnp.int32).at[:, :RB].set(
        jnp.full((NP_,), G, jnp.int32).at[:N].set(batch)
        .reshape(NS, RB, CH)).reshape(NS * RBP, CH)
    x_pad = jnp.zeros((NP_, D), jnp.float32).at[:N].set(x)
    zeros_blk = jnp.zeros((CH, D), jnp.float32)

    w0_cat = jnp.moveaxis(W0, 0, 1).reshape(D, T * H)
    b0_cat = b0.reshape(NC, 1, D)
    w1_quad, b1_cat = _quad(W1), b1.reshape(NC, 1, D)
    w2_quad, b2_cat = _quad(W2), b2.reshape(NC, 1, D)

    agg0p = _sc_agg_x(x_pad, srcp, dstp, zeros_blk)
    h1 = _tc1(x_pad, agg0p, w0_cat, b0_cat)
    h1f = h1.reshape(NC * NP_, D)
    agg1, r1 = _sc_agg_h(h1f, srcb, dstd, batchp, zeros_blk)
    h2 = _tc_mlp(h1, agg1, w1_quad, b1_cat)
    h2f = h2.reshape(NC * NP_, D)
    agg2, r2 = _sc_agg_h(h2f, srcb, dstd, batchp, zeros_blk)
    h3 = _tc_mlp(h2, agg2, w2_quad, b2_cat)
    r3 = _sc_readout(h3.reshape(NC * NP_, D), batchp, zeros_blk)

    out = jnp.concatenate([_fold(r1), _fold(r2), _fold(r3)], axis=2)
    return out.at[:, 0, :].add(bias[0, 0])

# --- scband reference (transcript-rebuilt; emitter-appended) ---
"""Pipeline reference for scband-graph-neutral-ad-31447750541904 (READ-ONLY COPY).

The authoritative reference and input builder live on the scoring server;
editing this copy changes nothing except your own understanding.
"""

import jax, jax.numpy as jnp
import numpy as np

N = 10000   # nodes
E = 320000  # edges
D = 128     # dim_features
H = 64      # hidden_dim
T = 4       # num_trans
L = 3       # num_layers
G = 512     # number of graphs in the batch


def setup_inputs(seed: int = 0) -> dict:
    key = jax.random.key(seed)
    ks = jax.random.split(key, 12)
    x = jax.random.normal(ks[0], (N, D), dtype=jnp.float32)
    edge_index = jax.random.randint(ks[1], (2, E), 0, N, dtype=jnp.int32)
    batch = jnp.sort(jax.random.randint(ks[2], (N,), 0, G, dtype=jnp.int32))
    # GIN parameters for each of the T transformations (stacked on leading axis)
    W0 = jax.random.normal(ks[3], (T, D, H), dtype=jnp.float32) * 0.05
    b0 = jnp.zeros((T, H), dtype=jnp.float32)
    W1 = jax.random.normal(ks[4], (T, H, H), dtype=jnp.float32) * 0.05
    b1 = jnp.zeros((T, H), dtype=jnp.float32)
    W2 = jax.random.normal(ks[5], (T, H, H), dtype=jnp.float32) * 0.05
    b2 = jnp.zeros((T, H), dtype=jnp.float32)
    # learned bias of shape [1, 1, hidden_dim * num_layers]
    bias = jax.random.normal(ks[6], (1, 1, H * L), dtype=jnp.float32)
    return {"x": x, "edge_index": edge_index, "batch": batch,
            "W0": W0, "b0": b0, "W1": W1, "b1": b1, "W2": W2, "b2": b2,
            "bias": bias}


def _gin_forward(x, edge_index, batch, W0, b0, W1, b1, W2, b2):
    # GIN with sum aggregation, eps=0, per-layer global-add-pool readout,
    # concatenated across layers (standard GIN readout used in NeutraL-AD).
    src = edge_index[0]
    dst = edge_index[1]
    h = x
    readouts = []
    for (W, b) in ((W0, b0), (W1, b1), (W2, b2)):
        agg = jax.ops.segment_sum(h[src], dst, num_segments=N)
        h = jax.nn.relu((h + agg) @ W + b)  # (1+eps)*h + agg with eps=0, then MLP
        readouts.append(jax.ops.segment_sum(h, batch, num_segments=G))
    return jnp.concatenate(readouts, axis=1)  # [G, H*L]


def reference(x, edge_index, batch, W0, b0, W1, b1, W2, b2, bias):
    z_cat = []
    for t in range(T):
        z = _gin_forward(x, edge_index, batch,
                         W0[t], b0[t], W1[t], b1[t], W2[t], b2[t])
        if t == 0:
            z = z + bias[:, 0]
        z_cat.append(z[:, None, :])
    return jnp.concatenate(z_cat, axis=1)  # [G, T, H*L]

if __name__ == "__main__":
    import jax
    _d = setup_inputs()
    print(jax.jit(kernel)(*tuple(_d.values())))

</pallas_src>

<mosaic_0001>
#map = affine_map<(d0, d1) -> (0, 0)>
#map1 = affine_map<(d0, d1) -> (0, 0, 0)>
module attributes {stable_mosaic.version = 14 : i64} {
  func.func @_sc_agg_x(%arg0: i32, %arg1: i32, %arg2: memref<10240x128xf32, #tpu.memory_space<hbm>>, %arg3: memref<2560x128xi32, #tpu.memory_space<hbm>>, %arg4: memref<2560x128xi32, #tpu.memory_space<hbm>>, %arg5: memref<128x128xf32, #tpu.memory_space<hbm>>, %arg6: memref<2x10240x128xf32, #tpu.memory_space<hbm>>, %arg7: memref<10240x128xf32, #tpu.memory_space<vmem_shared>>, %arg8: memref<16x128xi32, #tpu.memory_space<vmem>>, %arg9: memref<16x128xi32, #tpu.memory_space<vmem>>, %arg10: memref<128x128xf32, #tpu.memory_space<vmem>>, %arg11: memref<128x128xf32, #tpu.memory_space<vmem>>, %arg12: memref<!tpu.dma_semaphore, #tpu.memory_space<semaphore_mem>>, %arg13: memref<!tpu.dma_semaphore, #tpu.memory_space<semaphore_mem>>) attributes {dimension_semantics = [#tpu.dimension_semantics<core_parallel>, #tpu.dimension_semantics<subcore_parallel>], iteration_bounds = array<i64: 2, 16>, scalar_prefetch = 0 : i64, scratch_operands = 7 : i64, tpu.core_type = #tpu.core_type<sc_vector_subcore>, window_params = [{transform_indices = #map}, {transform_indices = #map}, {transform_indices = #map}, {transform_indices = #map}, {transform_indices = #map1}]} {
    %mul3A = arith.constant 16 : i32
    %mul3A_0 = arith.muli %arg0, %mul3A : i32
    %add3A = arith.addi %mul3A_0, %arg1 : i32
    "tpu.region"() ({
      %run_scoped3A = tpu.sem_alloc : memref<!tpu.dma_semaphore, #tpu.memory_space<semaphore_mem>>
      tpu.enqueue_dma source(%arg5 : memref<128x128xf32, #tpu.memory_space<hbm>>) target(%arg10 : memref<128x128xf32, #tpu.memory_space<vmem>>) target_semaphore(%run_scoped3A : memref<!tpu.dma_semaphore, #tpu.memory_space<semaphore_mem>>)
      tpu.wait_dma2 semaphore(%run_scoped3A : memref<!tpu.dma_semaphore, #tpu.memory_space<semaphore_mem>>) src(%arg5 : memref<128x128xf32, #tpu.memory_space<hbm>>) dst(%arg10 : memref<128x128xf32, #tpu.memory_space<vmem>>)
      tpu.yield
    }) : () -> ()
    %scan3A = arith.constant 0 : i32
    %scan3A_1 = arith.constant 5 : i32
    %scan3A_2 = arith.addi %scan3A, %scan3A_1 : i32
    %scan3A_3 = arith.constant 1 : i32
    scf.for %scan3A_18 = %scan3A to %scan3A_2 step %scan3A_3  : i32 {
      %mul3A_19 = arith.constant 5 : i32
      %mul3A_20 = arith.muli %arg1, %mul3A_19 : i32
      %add3A_21 = arith.addi %mul3A_20, %scan3A_18 : i32
      %mul3A_22 = arith.constant 128 : i32
      %mul3A_23 = arith.muli %add3A_21, %mul3A_22 : i32
      "tpu.region"() ({
        %run_scoped3A = tpu.sem_alloc : memref<!tpu.dma_semaphore, #tpu.memory_space<semaphore_mem>>
        %dma_start3A = arith.constant 0 : i32
        %dma_start3A_24 = tpu.memref_slice %arg7[%mul3A_23, %dma_start3A] : memref<10240x128xf32, #tpu.memory_space<vmem_shared>> -> memref<128x128xf32, #tpu.memory_space<vmem_shared>>
        %dma_start3A_25 = arith.constant 0 : i32
        %dma_start3A_26 = tpu.memref_slice %arg7[%mul3A_23, %dma_start3A_25] : memref<10240x128xf32, #tpu.memory_space<vmem_shared>> -> memref<128x128xf32, #tpu.memory_space<vmem_shared>>
        tpu.enqueue_dma source(%arg10 : memref<128x128xf32, #tpu.memory_space<vmem>>) target(%dma_start3A_26 : memref<128x128xf32, #tpu.memory_space<vmem_shared>>) target_semaphore(%run_scoped3A : memref<!tpu.dma_semaphore, #tpu.memory_space<semaphore_mem>>)
        %dma_wait3A = arith.constant 0 : i32
        %dma_wait3A_27 = tpu.memref_slice %arg7[%mul3A_23, %dma_wait3A] : memref<10240x128xf32, #tpu.memory_space<vmem_shared>> -> memref<128x128xf32, #tpu.memory_space<vmem_shared>>
        %dma_wait3A_28 = arith.constant 0 : i32
        %dma_wait3A_29 = tpu.memref_slice %arg7[%mul3A_23, %dma_wait3A_28] : memref<10240x128xf32, #tpu.memory_space<vmem_shared>> -> memref<128x128xf32, #tpu.memory_space<vmem_shared>>
        tpu.wait_dma2 semaphore(%run_scoped3A : memref<!tpu.dma_semaphore, #tpu.memory_space<semaphore_mem>>) src(%arg10 : memref<128x128xf32, #tpu.memory_space<vmem>>) dst(%dma_wait3A_29 : memref<128x128xf32, #tpu.memory_space<vmem_shared>>)
        tpu.yield
      }) : () -> ()
    }
    %scan3A_4 = arith.constant 5 : i32
    %barrier3A = arith.constant 0 : index
    tpu.barrier barrier_id(%barrier3A)
    %mul3A_5 = arith.constant 80 : i32
    %mul3A_6 = arith.muli %add3A, %mul3A_5 : i32
    %scan3A_7 = arith.constant 0 : i32
    %scan3A_8 = arith.constant 5 : i32
    %scan3A_9 = arith.addi %scan3A_7, %scan3A_8 : i32
    %scan3A_10 = arith.constant 1 : i32
    scf.for %scan3A_18 = %scan3A_7 to %scan3A_9 step %scan3A_10  : i32 {
      %mul3A_19 = arith.constant 16 : i32
      %mul3A_20 = arith.muli %scan3A_18, %mul3A_19 : i32
      %add3A_21 = arith.addi %mul3A_6, %mul3A_20 : i32
      "tpu.region"() ({
        %run_scoped3A_57 = tpu.sem_alloc : memref<!tpu.dma_semaphore, #tpu.memory_space<semaphore_mem>>
        %dma_start3A_58 = arith.constant 0 : i32
        %dma_start3A_59 = tpu.memref_slice %arg3[%add3A_21, %dma_start3A_58] : memref<2560x128xi32, #tpu.memory_space<hbm>> -> memref<16x128xi32, #tpu.memory_space<hbm>>
        %dma_start3A_60 = arith.constant 0 : i32
        %dma_start3A_61 = tpu.memref_slice %arg3[%add3A_21, %dma_start3A_60] : memref<2560x128xi32, #tpu.memory_space<hbm>> -> memref<16x128xi32, #tpu.memory_space<hbm>>
        tpu.enqueue_dma source(%dma_start3A_61 : memref<16x128xi32, #tpu.memory_space<hbm>>) target(%arg8 : memref<16x128xi32, #tpu.memory_space<vmem>>) target_semaphore(%run_scoped3A_57 : memref<!tpu.dma_semaphore, #tpu.memory_space<semaphore_mem>>)
        %dma_wait3A_62 = arith.constant 0 : i32
        %dma_wait3A_63 = tpu.memref_slice %arg3[%add3A_21, %dma_wait3A_62] : memref<2560x128xi32, #tpu.memory_space<hbm>> -> memref<16x128xi32, #tpu.memory_space<hbm>>
        %dma_wait3A_64 = arith.constant 0 : i32
        %dma_wait3A_65 = tpu.memref_slice %arg3[%add3A_21, %dma_wait3A_64] : memref<2560x128xi32, #tpu.memory_space<hbm>> -> memref<16x128xi32, #tpu.memory_space<hbm>>
        tpu.wait_dma2 semaphore(%run_scoped3A_57 : memref<!tpu.dma_semaphore, #tpu.memory_space<semaphore_mem>>) src(%dma_wait3A_65 : memref<16x128xi32, #tpu.memory_space<hbm>>) dst(%arg8 : memref<16x128xi32, #tpu.memory_space<vmem>>)
        tpu.yield
      }) : () -> ()
      %mul3A_22 = arith.constant 16 : i32
      %mul3A_23 = arith.muli %scan3A_18, %mul3A_22 : i32
      %add3A_24 = arith.addi %mul3A_6, %mul3A_23 : i32
      "tpu.region"() ({
        %run_scoped3A_57 = tpu.sem_alloc : memref<!tpu.dma_semaphore, #tpu.memory_space<semaphore_mem>>
        %dma_start3A_58 = arith.constant 0 : i32
        %dma_start3A_59 = tpu.memref_slice %arg4[%add3A_24, %dma_start3A_58] : memref<2560x128xi32, #tpu.memory_space<hbm>> -> memref<16x128xi32, #tpu.memory_space<hbm>>
        %dma_start3A_60 = arith.constant 0 : i32
        %dma_start3A_61 = tpu.memref_slice %arg4[%add3A_24, %dma_start3A_60] : memref<2560x128xi32, #tpu.memory_space<hbm>> -> memref<16x128xi32, #tpu.memory_space<hbm>>
        tpu.enqueue_dma source(%dma_start3A_61 : memref<16x128xi32, #tpu.memory_space<hbm>>) target(%arg9 : memref<16x128xi32, #tpu.memory_space<vmem>>) target_semaphore(%run_scoped3A_57 : memref<!tpu.dma_semaphore, #tpu.memory_space<semaphore_mem>>)
        %dma_wait3A_62 = arith.constant 0 : i32
        %dma_wait3A_63 = tpu.memref_slice %arg4[%add3A_24, %dma_wait3A_62] : memref<2560x128xi32, #tpu.memory_space<hbm>> -> memref<16x128xi32, #tpu.memory_space<hbm>>
        %dma_wait3A_64 = arith.constant 0 : i32
        %dma_wait3A_65 = tpu.memref_slice %arg4[%add3A_24, %dma_wait3A_64] : memref<2560x128xi32, #tpu.memory_space<hbm>> -> memref<16x128xi32, #tpu.memory_space<hbm>>
        tpu.wait_dma2 semaphore(%run_scoped3A_57 : memref<!tpu.dma_semaphore, #tpu.memory_space<semaphore_mem>>) src(%dma_wait3A_65 : memref<16x128xi32, #tpu.memory_space<hbm>>) dst(%arg9 : memref<16x128xi32, #tpu.memory_space<vmem>>)
        tpu.yield
      }) : () -> ()
      %dma_start3A = arith.constant 0 : i32
      %dma_start3A_25 = arith.constant 0 : i32
      %dma_start3A_26 = tpu.memref_slice %arg8[%dma_start3A, %dma_start3A_25] : memref<16x128xi32, #tpu.memory_space<vmem>> -> memref<1x128xi32, #tpu.memory_space<vmem>>
      %dma_start3A_27 = tpu.memref_squeeze %dma_start3A_26 : memref<1x128xi32, #tpu.memory_space<vmem>> -> memref<128xi32, #tpu.memory_space<vmem>>
      %dma_start3A_28 = arith.constant 0 : i32
      %dma_start3A_29 = arith.constant 0 : i32
      %dma_start3A_30 = tpu.memref_slice %arg2[%dma_start3A_28, %dma_start3A_29] : memref<10240x128xf32, #tpu.memory_space<hbm>> -> memref<10240x128xf32, #tpu.memory_space<hbm>>
      tpu.enqueue_indirect_dma source(%dma_start3A_30 : memref<10240x128xf32, #tpu.memory_space<hbm>>) target(%arg10 : memref<128x128xf32, #tpu.memory_space<vmem>>) offsets(%dma_start3A_27 : memref<128xi32, #tpu.memory_space<vmem>>) semaphore(%arg12 : memref<!tpu.dma_semaphore, #tpu.memory_space<semaphore_mem>>)
      %dma_start3A_31 = arith.constant 1 : i32
      %dma_start3A_32 = arith.constant 0 : i32
      %dma_start3A_33 = tpu.memref_slice %arg8[%dma_start3A_31, %dma_start3A_32] : memref<16x128xi32, #tpu.memory_space<vmem>> -> memref<1x128xi32, #tpu.memory_space<vmem>>
      %dma_start3A_34 = tpu.memref_squeeze %dma_start3A_33 : memref<1x128xi32, #tpu.memory_space<vmem>> -> memref<128xi32, #tpu.memory_space<vmem>>
      %dma_start3A_35 = arith.constant 0 : i32
      %dma_start3A_36 = arith.constant 0 : i32
      %dma_start3A_37 = tpu.memref_slice %arg2[%dma_start3A_35, %dma_start3A_36] : memref<10240x128xf32, #tpu.memory_space<hbm>> -> memref<10240x128xf32, #tpu.memory_space<hbm>>
      tpu.enqueue_indirect_dma source(%dma_start3A_37 : memref<10240x128xf32, #tpu.memory_space<hbm>>) target(%arg11 : memref<128x128xf32, #tpu.memory_space<vmem>>) offsets(%dma_start3A_34 : memref<128xi32, #tpu.memory_space<vmem>>) semaphore(%arg13 : memref<!tpu.dma_semaphore, #tpu.memory_space<semaphore_mem>>)
      %scan3A_38 = arith.constant 0 : i32
      %scan3A_39 = arith.constant 7 : i32
      %scan3A_40 = arith.addi %scan3A_38, %scan3A_39 : i32
      %scan3A_41 = arith.constant 1 : i32
      scf.for %scan3A_57 = %scan3A_38 to %scan3A_40 step %scan3A_41  : i32 {
        %mul3A_58 = arith.constant 2 : i32
        %mul3A_59 = arith.muli %scan3A_57, %mul3A_58 : i32
        %add3A_60 = arith.constant 0 : i32
        %add3A_61 = arith.addi %mul3A_59, %add3A_60 : i32
        %dma_wait3A_62 = arith.constant 0 : i32
        %dma_wait3A_63 = tpu.memref_slice %arg8[%add3A_61, %dma_wait3A_62] : memref<16x128xi32, #tpu.memory_space<vmem>> -> memref<1x128xi32, #tpu.memory_space<vmem>>
        %dma_wait3A_64 = tpu.memref_squeeze %dma_wait3A_63 : memref<1x128xi32, #tpu.memory_space<vmem>> -> memref<128xi32, #tpu.memory_space<vmem>>
        %dma_wait3A_65 = arith.constant 0 : i32
        %dma_wait3A_66 = arith.constant 0 : i32
        %dma_wait3A_67 = tpu.memref_slice %arg2[%dma_wait3A_65, %dma_wait3A_66] : memref<10240x128xf32, #tpu.memory_space<hbm>> -> memref<10240x128xf32, #tpu.memory_space<hbm>>
        tpu.wait_indirect_dma semaphore(%arg12 : memref<!tpu.dma_semaphore, #tpu.memory_space<semaphore_mem>>) src(%dma_wait3A_67 : memref<10240x128xf32, #tpu.memory_space<hbm>>) dst(%arg10 : memref<128x128xf32, #tpu.memory_space<vmem>>)
        %add3A_68 = arith.constant 0 : i32
        %add3A_69 = arith.addi %mul3A_59, %add3A_68 : i32
        "tpu.region"() ({
          %run_scoped3A_100 = tpu.sem_alloc : memref<!tpu.dma_semaphore, #tpu.memory_space<semaphore_mem>>
          %dma_start3A_101 = arith.constant 0 : i32
          %dma_start3A_102 = tpu.memref_slice %arg9[%add3A_69, %dma_start3A_101] : memref<16x128xi32, #tpu.memory_space<vmem>> -> memref<1x128xi32, #tpu.memory_space<vmem>>
          %dma_start3A_103 = tpu.memref_squeeze %dma_start3A_102 : memref<1x128xi32, #tpu.memory_space<vmem>> -> memref<128xi32, #tpu.memory_space<vmem>>
          %dma_start3A_104 = arith.constant 0 : i32
          %dma_start3A_105 = arith.constant 0 : i32
          %dma_start3A_106 = tpu.memref_slice %arg7[%dma_start3A_104, %dma_start3A_105] : memref<10240x128xf32, #tpu.memory_space<vmem_shared>> -> memref<10240x128xf32, #tpu.memory_space<vmem_shared>>
          tpu.enqueue_indirect_dma source(%arg10 : memref<128x128xf32, #tpu.memory_space<vmem>>) target(%dma_start3A_106 : memref<10240x128xf32, #tpu.memory_space<vmem_shared>>) offsets(%dma_start3A_103 : memref<128xi32, #tpu.memory_space<vmem>>) semaphore(%run_scoped3A_100 : memref<!tpu.dma_semaphore, #tpu.memory_space<semaphore_mem>>) {add = true}
          %dma_wait3A_107 = arith.constant 0 : i32
          %dma_wait3A_108 = tpu.memref_slice %arg9[%add3A_69, %dma_wait3A_107] : memref<16x128xi32, #tpu.memory_space<vmem>> -> memref<1x128xi32, #tpu.memory_space<vmem>>
          %dma_wait3A_109 = tpu.memref_squeeze %dma_wait3A_108 : memref<1x128xi32, #tpu.memory_space<vmem>> -> memref<128xi32, #tpu.memory_space<vmem>>
          %dma_wait3A_110 = arith.constant 0 : i32
          %dma_wait3A_111 = arith.constant 0 : i32
          %dma_wait3A_112 = tpu.memref_slice %arg7[%dma_wait3A_110, %dma_wait3A_111] : memref<10240x128xf32, #tpu.memory_space<vmem_shared>> -> memref<10240x128xf32, #tpu.memory_space<vmem_shared>>
          tpu.wait_indirect_dma semaphore(%run_scoped3A_100 : memref<!tpu.dma_semaphore, #tpu.memory_space<semaphore_mem>>) src(%arg10 : memref<128x128xf32, #tpu.memory_space<vmem>>) dst(%dma_wait3A_112 : memref<10240x128xf32, #tpu.memory_space<vmem_shared>>)
          tpu.yield
        }) : () -> ()
        %add3A_70 = arith.constant 2 : i32
        %add3A_71 = arith.addi %mul3A_59, %add3A_70 : i32
        %add3A_72 = arith.constant 0 : i32
        %add3A_73 = arith.addi %add3A_71, %add3A_72 : i32
        %dma_start3A_74 = arith.constant 0 : i32
        %dma_start3A_75 = tpu.memref_slice %arg8[%add3A_73, %dma_start3A_74] : memref<16x128xi32, #tpu.memory_space<vmem>> -> memref<1x128xi32, #tpu.memory_space<vmem>>
        %dma_start3A_76 = tpu.memref_squeeze %dma_start3A_75 : memref<1x128xi32, #tpu.memory_space<vmem>> -> memref<128xi32, #tpu.memory_space<vmem>>
        %dma_start3A_77 = arith.constant 0 : i32
        %dma_start3A_78 = arith.constant 0 : i32
        %dma_start3A_79 = tpu.memref_slice %arg2[%dma_start3A_77, %dma_start3A_78] : memref<10240x128xf32, #tpu.memory_space<hbm>> -> memref<10240x128xf32, #tpu.memory_space<hbm>>
        tpu.enqueue_indirect_dma source(%dma_start3A_79 : memref<10240x128xf32, #tpu.memory_space<hbm>>) target(%arg10 : memref<128x128xf32, #tpu.memory_space<vmem>>) offsets(%dma_start3A_76 : memref<128xi32, #tpu.memory_space<vmem>>) semaphore(%arg12 : memref<!tpu.dma_semaphore, #tpu.memory_space<semaphore_mem>>)
        %add3A_80 = arith.constant 1 : i32
        %add3A_81 = arith.addi %mul3A_59, %add3A_80 : i32
        %dma_wait3A_82 = arith.constant 0 : i32
        %dma_wait3A_83 = tpu.memref_slice %arg8[%add3A_81, %dma_wait3A_82] : memref<16x128xi32, #tpu.memory_space<vmem>> -> memref<1x128xi32, #tpu.memory_space<vmem>>
        %dma_wait3A_84 = tpu.memref_squeeze %dma_wait3A_83 : memref<1x128xi32, #tpu.memory_space<vmem>> -> memref<128xi32, #tpu.memory_space<vmem>>
        %dma_wait3A_85 = arith.constant 0 : i32
        %dma_wait3A_86 = arith.constant 0 : i32
        %dma_wait3A_87 = tpu.memref_slice %arg2[%dma_wait3A_85, %dma_wait3A_86] : memref<10240x128xf32, #tpu.memory_space<hbm>> -> memref<10240x128xf32, #tpu.memory_space<hbm>>
        tpu.wait_indirect_dma semaphore(%arg13 : memref<!tpu.dma_semaphore, #tpu.memory_space<semaphore_mem>>) src(%dma_wait3A_87 : memref<10240x128xf32, #tpu.memory_space<hbm>>) dst(%arg11 : memref<128x128xf32, #tpu.memory_space<vmem>>)
        %add3A_88 = arith.constant 1 : i32
        %add3A_89 = arith.addi %mul3A_59, %add3A_88 : i32
        "tpu.region"() ({
          %run_scoped3A_100 = tpu.sem_alloc : memref<!tpu.dma_semaphore, #tpu.memory_space<semaphore_mem>>
          %dma_start3A_101 = arith.constant 0 : i32
          %dma_start3A_102 = tpu.memref_slice %arg9[%add3A_89, %dma_start3A_101] : memref<16x128xi32, #tpu.memory_space<vmem>> -> memref<1x128xi32, #tpu.memory_space<vmem>>
          %dma_start3A_103 = tpu.memref_squeeze %dma_start3A_102 : memref<1x128xi32, #tpu.memory_space<vmem>> -> memref<128xi32, #tpu.memory_space<vmem>>
          %dma_start3A_104 = arith.constant 0 : i32
          %dma_start3A_105 = arith.constant 0 : i32
          %dma_start3A_106 = tpu.memref_slice %arg7[%dma_start3A_104, %dma_start3A_105] : memref<10240x128xf32, #tpu.memory_space<vmem_shared>> -> memref<10240x128xf32, #tpu.memory_space<vmem_shared>>
          tpu.enqueue_indirect_dma source(%arg11 : memref<128x128xf32, #tpu.memory_space<vmem>>) target(%dma_start3A_106 : memref<10240x128xf32, #tpu.memory_space<vmem_shared>>) offsets(%dma_start3A_103 : memref<128xi32, #tpu.memory_space<vmem>>) semaphore(%run_scoped3A_100 : memref<!tpu.dma_semaphore, #tpu.memory_space<semaphore_mem>>) {add = true}
          %dma_wait3A_107 = arith.constant 0 : i32
          %dma_wait3A_108 = tpu.memref_slice %arg9[%add3A_89, %dma_wait3A_107] : memref<16x128xi32, #tpu.memory_space<vmem>> -> memref<1x128xi32, #tpu.memory_space<vmem>>
          %dma_wait3A_109 = tpu.memref_squeeze %dma_wait3A_108 : memref<1x128xi32, #tpu.memory_space<vmem>> -> memref<128xi32, #tpu.memory_space<vmem>>
          %dma_wait3A_110 = arith.constant 0 : i32
          %dma_wait3A_111 = arith.constant 0 : i32
          %dma_wait3A_112 = tpu.memref_slice %arg7[%dma_wait3A_110, %dma_wait3A_111] : memref<10240x128xf32, #tpu.memory_space<vmem_shared>> -> memref<10240x128xf32, #tpu.memory_space<vmem_shared>>
          tpu.wait_indirect_dma semaphore(%run_scoped3A_100 : memref<!tpu.dma_semaphore, #tpu.memory_space<semaphore_mem>>) src(%arg11 : memref<128x128xf32, #tpu.memory_space<vmem>>) dst(%dma_wait3A_112 : memref<10240x128xf32, #tpu.memory_space<vmem_shared>>)
          tpu.yield
        }) : () -> ()
        %add3A_90 = arith.constant 2 : i32
        %add3A_91 = arith.addi %mul3A_59, %add3A_90 : i32
        %add3A_92 = arith.constant 1 : i32
        %add3A_93 = arith.addi %add3A_91, %add3A_92 : i32
        %dma_start3A_94 = arith.constant 0 : i32
        %dma_start3A_95 = tpu.memref_slice %arg8[%add3A_93, %dma_start3A_94] : memref<16x128xi32, #tpu.memory_space<vmem>> -> memref<1x128xi32, #tpu.memory_space<vmem>>
        %dma_start3A_96 = tpu.memref_squeeze %dma_start3A_95 : memref<1x128xi32, #tpu.memory_space<vmem>> -> memref<128xi32, #tpu.memory_space<vmem>>
        %dma_start3A_97 = arith.constant 0 : i32
        %dma_start3A_98 = arith.constant 0 : i32
        %dma_start3A_99 = tpu.memref_slice %arg2[%dma_start3A_97, %dma_start3A_98] : memref<10240x128xf32, #tpu.memory_space<hbm>> -> memref<10240x128xf32, #tpu.memory_space<hbm>>
        tpu.enqueue_indirect_dma source(%dma_start3A_99 : memref<10240x128xf32, #tpu.memory_space<hbm>>) target(%arg11 : memref<128x128xf32, #tpu.memory_space<vmem>>) offsets(%dma_start3A_96 : memref<128xi32, #tpu.memory_space<vmem>>) semaphore(%arg13 : memref<!tpu.dma_semaphore, #tpu.memory_space<semaphore_mem>>)
      }
      %scan3A_42 = arith.constant 7 : i32
      %dma_wait3A = arith.constant 14 : i32
      %dma_wait3A_43 = arith.constant 0 : i32
      %dma_wait3A_44 = tpu.memref_slice %arg8[%dma_wait3A, %dma_wait3A_43] : memref<16x128xi32, #tpu.memory_space<vmem>> -> memref<1x128xi32, #tpu.memory_space<vmem>>
      %dma_wait3A_45 = tpu.memref_squeeze %dma_wait3A_44 : memref<1x128xi32, #tpu.memory_space<vmem>> -> memref<128xi32, #tpu.memory_space<vmem>>
      %dma_wait3A_46 = arith.constant 0 : i32
      %dma_wait3A_47 = arith.constant 0 : i32
      %dma_wait3A_48 = tpu.memref_slice %arg2[%dma_wait3A_46, %dma_wait3A_47] : memref<10240x128xf32, #tpu.memory_space<hbm>> -> memref<10240x128xf32, #tpu.memory_space<hbm>>
      tpu.wait_indirect_dma semaphore(%arg12 : memref<!tpu.dma_semaphore, #tpu.memory_space<semaphore_mem>>) src(%dma_wait3A_48 : memref<10240x128xf32, #tpu.memory_space<hbm>>) dst(%arg10 : memref<128x128xf32, #tpu.memory_space<vmem>>)
      %run_scoped3A = arith.constant 14 : i32
      "tpu.region"() ({
        %run_scoped3A_57 = tpu.sem_alloc : memref<!tpu.dma_semaphore, #tpu.memory_space<semaphore_mem>>
        %dma_start3A_58 = arith.constant 0 : i32
        %dma_start3A_59 = tpu.memref_slice %arg9[%run_scoped3A, %dma_start3A_58] : memref<16x128xi32, #tpu.memory_space<vmem>> -> memref<1x128xi32, #tpu.memory_space<vmem>>
        %dma_start3A_60 = tpu.memref_squeeze %dma_start3A_59 : memref<1x128xi32, #tpu.memory_space<vmem>> -> memref<128xi32, #tpu.memory_space<vmem>>
        %dma_start3A_61 = arith.constant 0 : i32
        %dma_start3A_62 = arith.constant 0 : i32
        %dma_start3A_63 = tpu.memref_slice %arg7[%dma_start3A_61, %dma_start3A_62] : memref<10240x128xf32, #tpu.memory_space<vmem_shared>> -> memref<10240x128xf32, #tpu.memory_space<vmem_shared>>
        tpu.enqueue_indirect_dma source(%arg10 : memref<128x128xf32, #tpu.memory_space<vmem>>) target(%dma_start3A_63 : memref<10240x128xf32, #tpu.memory_space<vmem_shared>>) offsets(%dma_start3A_60 : memref<128xi32, #tpu.memory_space<vmem>>) semaphore(%run_scoped3A_57 : memref<!tpu.dma_semaphore, #tpu.memory_space<semaphore_mem>>) {add = true}
        %dma_wait3A_64 = arith.constant 0 : i32
        %dma_wait3A_65 = tpu.memref_slice %arg9[%run_scoped3A, %dma_wait3A_64] : memref<16x128xi32, #tpu.memory_space<vmem>> -> memref<1x128xi32, #tpu.memory_space<vmem>>
        %dma_wait3A_66 = tpu.memref_squeeze %dma_wait3A_65 : memref<1x128xi32, #tpu.memory_space<vmem>> -> memref<128xi32, #tpu.memory_space<vmem>>
        %dma_wait3A_67 = arith.constant 0 : i32
        %dma_wait3A_68 = arith.constant 0 : i32
        %dma_wait3A_69 = tpu.memref_slice %arg7[%dma_wait3A_67, %dma_wait3A_68] : memref<10240x128xf32, #tpu.memory_space<vmem_shared>> -> memref<10240x128xf32, #tpu.memory_space<vmem_shared>>
        tpu.wait_indirect_dma semaphore(%run_scoped3A_57 : memref<!tpu.dma_semaphore, #tpu.memory_space<semaphore_mem>>) src(%arg10 : memref<128x128xf32, #tpu.memory_space<vmem>>) dst(%dma_wait3A_69 : memref<10240x128xf32, #tpu.memory_space<vmem_shared>>)
        tpu.yield
      }) : () -> ()
      %dma_wait3A_49 = arith.constant 15 : i32
      %dma_wait3A_50 = arith.constant 0 : i32
      %dma_wait3A_51 = tpu.memref_slice %arg8[%dma_wait3A_49, %dma_wait3A_50] : memref<16x128xi32, #tpu.memory_space<vmem>> -> memref<1x128xi32, #tpu.memory_space<vmem>>
      %dma_wait3A_52 = tpu.memref_squeeze %dma_wait3A_51 : memref<1x128xi32, #tpu.memory_space<vmem>> -> memref<128xi32, #tpu.memory_space<vmem>>
      %dma_wait3A_53 = arith.constant 0 : i32
      %dma_wait3A_54 = arith.constant 0 : i32
      %dma_wait3A_55 = tpu.memref_slice %arg2[%dma_wait3A_53, %dma_wait3A_54] : memref<10240x128xf32, #tpu.memory_space<hbm>> -> memref<10240x128xf32, #tpu.memory_space<hbm>>
      tpu.wait_indirect_dma semaphore(%arg13 : memref<!tpu.dma_semaphore, #tpu.memory_space<semaphore_mem>>) src(%dma_wait3A_55 : memref<10240x128xf32, #tpu.memory_space<hbm>>) dst(%arg11 : memref<128x128xf32, #tpu.memory_space<vmem>>)
      %run_scoped3A_56 = arith.constant 15 : i32
      "tpu.region"() ({
        %run_scoped3A_57 = tpu.sem_alloc : memref<!tpu.dma_semaphore, #tpu.memory_space<semaphore_mem>>
        %dma_start3A_58 = arith.constant 0 : i32
        %dma_start3A_59 = tpu.memref_slice %arg9[%run_scoped3A_56, %dma_start3A_58] : memref<16x128xi32, #tpu.memory_space<vmem>> -> memref<1x128xi32, #tpu.memory_space<vmem>>
        %dma_start3A_60 = tpu.memref_squeeze %dma_start3A_59 : memref<1x128xi32, #tpu.memory_space<vmem>> -> memref<128xi32, #tpu.memory_space<vmem>>
        %dma_start3A_61 = arith.constant 0 : i32
        %dma_start3A_62 = arith.constant 0 : i32
        %dma_start3A_63 = tpu.memref_slice %arg7[%dma_start3A_61, %dma_start3A_62] : memref<10240x128xf32, #tpu.memory_space<vmem_shared>> -> memref<10240x128xf32, #tpu.memory_space<vmem_shared>>
        tpu.enqueue_indirect_dma source(%arg11 : memref<128x128xf32, #tpu.memory_space<vmem>>) target(%dma_start3A_63 : memref<10240x128xf32, #tpu.memory_space<vmem_shared>>) offsets(%dma_start3A_60 : memref<128xi32, #tpu.memory_space<vmem>>) semaphore(%run_scoped3A_57 : memref<!tpu.dma_semaphore, #tpu.memory_space<semaphore_mem>>) {add = true}
        %dma_wait3A_64 = arith.constant 0 : i32
        %dma_wait3A_65 = tpu.memref_slice %arg9[%run_scoped3A_56, %dma_wait3A_64] : memref<16x128xi32, #tpu.memory_space<vmem>> -> memref<1x128xi32, #tpu.memory_space<vmem>>
        %dma_wait3A_66 = tpu.memref_squeeze %dma_wait3A_65 : memref<1x128xi32, #tpu.memory_space<vmem>> -> memref<128xi32, #tpu.memory_space<vmem>>
        %dma_wait3A_67 = arith.constant 0 : i32
        %dma_wait3A_68 = arith.constant 0 : i32
        %dma_wait3A_69 = tpu.memref_slice %arg7[%dma_wait3A_67, %dma_wait3A_68] : memref<10240x128xf32, #tpu.memory_space<vmem_shared>> -> memref<10240x128xf32, #tpu.memory_space<vmem_shared>>
        tpu.wait_indirect_dma semaphore(%run_scoped3A_57 : memref<!tpu.dma_semaphore, #tpu.memory_space<semaphore_mem>>) src(%arg11 : memref<128x128xf32, #tpu.memory_space<vmem>>) dst(%dma_wait3A_69 : memref<10240x128xf32, #tpu.memory_space<vmem_shared>>)
        tpu.yield
      }) : () -> ()
    }
    %scan3A_11 = arith.constant 5 : i32
    %barrier3A_12 = arith.constant 0 : index
    tpu.barrier barrier_id(%barrier3A_12)
    %scan3A_13 = arith.constant 0 : i32
    %scan3A_14 = arith.constant 5 : i32
    %scan3A_15 = arith.addi %scan3A_13, %scan3A_14 : i32
    %scan3A_16 = arith.constant 1 : i32
    scf.for %scan3A_18 = %scan3A_13 to %scan3A_15 step %scan3A_16  : i32 {
      %mul3A_19 = arith.constant 5 : i32
      %mul3A_20 = arith.muli %arg1, %mul3A_19 : i32
      %add3A_21 = arith.addi %mul3A_20, %scan3A_18 : i32
      %mul3A_22 = arith.constant 128 : i32
      %mul3A_23 = arith.muli %add3A_21, %mul3A_22 : i32
      "tpu.region"() ({
        %run_scoped3A = tpu.sem_alloc : memref<!tpu.dma_semaphore, #tpu.memory_space<semaphore_mem>>
        %dma_start3A = arith.constant 0 : i32
        %dma_start3A_24 = tpu.memref_slice %arg7[%mul3A_23, %dma_start3A] : memref<10240x128xf32, #tpu.memory_space<vmem_shared>> -> memref<128x128xf32, #tpu.memory_space<vmem_shared>>
        %dma_start3A_25 = arith.constant 0 : i32
        %dma_start3A_26 = tpu.memref_slice %arg7[%mul3A_23, %dma_start3A_25] : memref<10240x128xf32, #tpu.memory_space<vmem_shared>> -> memref<128x128xf32, #tpu.memory_space<vmem_shared>>
        tpu.enqueue_dma source(%dma_start3A_26 : memref<128x128xf32, #tpu.memory_space<vmem_shared>>) target(%arg10 : memref<128x128xf32, #tpu.memory_space<vmem>>) target_semaphore(%run_scoped3A : memref<!tpu.dma_semaphore, #tpu.memory_space<semaphore_mem>>)
        %dma_wait3A = arith.constant 0 : i32
        %dma_wait3A_27 = tpu.memref_slice %arg7[%mul3A_23, %dma_wait3A] : memref<10240x128xf32, #tpu.memory_space<vmem_shared>> -> memref<128x128xf32, #tpu.memory_space<vmem_shared>>
        %dma_wait3A_28 = arith.constant 0 : i32
        %dma_wait3A_29 = tpu.memref_slice %arg7[%mul3A_23, %dma_wait3A_28] : memref<10240x128xf32, #tpu.memory_space<vmem_shared>> -> memref<128x128xf32, #tpu.memory_space<vmem_shared>>
        tpu.wait_dma2 semaphore(%run_scoped3A : memref<!tpu.dma_semaphore, #tpu.memory_space<semaphore_mem>>) src(%dma_wait3A_29 : memref<128x128xf32, #tpu.memory_space<vmem_shared>>) dst(%arg10 : memref<128x128xf32, #tpu.memory_space<vmem>>)
        tpu.yield
      }) : () -> ()
      "tpu.region"() ({
        %run_scoped3A = tpu.sem_alloc : memref<!tpu.dma_semaphore, #tpu.memory_space<semaphore_mem>>
        %dma_start3A = arith.constant 0 : i32
        %dma_start3A_24 = tpu.memref_slice %arg6[%arg0, %mul3A_23, %dma_start3A] : memref<2x10240x128xf32, #tpu.memory_space<hbm>> -> memref<1x128x128xf32, #tpu.memory_space<hbm>>
        %dma_start3A_25 = tpu.memref_squeeze %dma_start3A_24 : memref<1x128x128xf32, #tpu.memory_space<hbm>> -> memref<128x128xf32, #tpu.memory_space<hbm>>
        %dma_start3A_26 = arith.constant 0 : i32
        %dma_start3A_27 = tpu.memref_slice %arg6[%arg0, %mul3A_23, %dma_start3A_26] : memref<2x10240x128xf32, #tpu.memory_space<hbm>> -> memref<1x128x128xf32, #tpu.memory_space<hbm>>
        %dma_start3A_28 = tpu.memref_squeeze %dma_start3A_27 : memref<1x128x128xf32, #tpu.memory_space<hbm>> -> memref<128x128xf32, #tpu.memory_space<hbm>>
        tpu.enqueue_dma source(%arg10 : memref<128x128xf32, #tpu.memory_space<vmem>>) target(%dma_start3A_28 : memref<128x128xf32, #tpu.memory_space<hbm>>) target_semaphore(%run_scoped3A : memref<!tpu.dma_semaphore, #tpu.memory_space<semaphore_mem>>)
        %dma_wait3A = arith.constant 0 : i32
        %dma_wait3A_29 = tpu.memref_slice %arg6[%arg0, %mul3A_23, %dma_wait3A] : memref<2x10240x128xf32, #tpu.memory_space<hbm>> -> memref<1x128x128xf32, #tpu.memory_space<hbm>>
        %dma_wait3A_30 = tpu.memref_squeeze %dma_wait3A_29 : memref<1x128x128xf32, #tpu.memory_space<hbm>> -> memref<128x128xf32, #tpu.memory_space<hbm>>
        %dma_wait3A_31 = arith.constant 0 : i32
        %dma_wait3A_32 = tpu.memref_slice %arg6[%arg0, %mul3A_23, %dma_wait3A_31] : memref<2x10240x128xf32, #tpu.memory_space<hbm>> -> memref<1x128x128xf32, #tpu.memory_space<hbm>>
        %dma_wait3A_33 = tpu.memref_squeeze %dma_wait3A_32 : memref<1x128x128xf32, #tpu.memory_space<hbm>> -> memref<128x128xf32, #tpu.memory_space<hbm>>
        tpu.wait_dma2 semaphore(%run_scoped3A : memref<!tpu.dma_semaphore, #tpu.memory_space<semaphore_mem>>) src(%arg10 : memref<128x128xf32, #tpu.memory_space<vmem>>) dst(%dma_wait3A_33 : memref<128x128xf32, #tpu.memory_space<hbm>>)
        tpu.yield
      }) : () -> ()
    }
    %scan3A_17 = arith.constant 5 : i32
    return
  }
}

#map = affine_map<(d0, d1) -> (0, 0)>
#map1 = affine_map<(d0, d1) -> (0, 0, 0)>
module attributes {stable_mosaic.version = 14 : i64} {
  func.func @_sc_readout(%arg0: i32, %arg1: i32, %arg2: memref<20480x128xf32, #tpu.memory_space<hbm>>, %arg3: memref<256x128xi32, #tpu.memory_space<hbm>>, %arg4: memref<128x128xf32, #tpu.memory_space<hbm>>, %arg5: memref<2x640x128xf32, #tpu.memory_space<hbm>>, %arg6: memref<640x128xf32, #tpu.memory_space<vmem_shared>>, %arg7: memref<16x128xi32, #tpu.memory_space<vmem>>, %arg8: memref<128x128xf32, #tpu.memory_space<vmem>>) attributes {dimension_semantics = [#tpu.dimension_semantics<core_parallel>, #tpu.dimension_semantics<subcore_parallel>], iteration_bounds = array<i64: 2, 16>, scalar_prefetch = 0 : i64, scratch_operands = 3 : i64, tpu.core_type = #tpu.core_type<sc_vector_subcore>, window_params = [{transform_indices = #map}, {transform_indices = #map}, {transform_indices = #map}, {transform_indices = #map1}]} {
    "tpu.region"() ({
      %run_scoped3A = tpu.sem_alloc : memref<!tpu.dma_semaphore, #tpu.memory_space<semaphore_mem>>
      tpu.enqueue_dma source(%arg4 : memref<128x128xf32, #tpu.memory_space<hbm>>) target(%arg8 : memref<128x128xf32, #tpu.memory_space<vmem>>) target_semaphore(%run_scoped3A : memref<!tpu.dma_semaphore, #tpu.memory_space<semaphore_mem>>)
      tpu.wait_dma2 semaphore(%run_scoped3A : memref<!tpu.dma_semaphore, #tpu.memory_space<semaphore_mem>>) src(%arg4 : memref<128x128xf32, #tpu.memory_space<hbm>>) dst(%arg8 : memref<128x128xf32, #tpu.memory_space<vmem>>)
      tpu.yield
    }) : () -> ()
    %mul3A = arith.constant 40 : i32
    %mul3A_0 = arith.muli %arg1, %mul3A : i32
    "tpu.region"() ({
      %run_scoped3A = tpu.sem_alloc : memref<!tpu.dma_semaphore, #tpu.memory_space<semaphore_mem>>
      %dma_start3A = arith.constant 0 : i32
      %dma_start3A_12 = arith.constant 0 : i32
      %dma_start3A_13 = tpu.memref_slice %arg8[%dma_start3A, %dma_start3A_12] : memref<128x128xf32, #tpu.memory_space<vmem>> -> memref<40x128xf32, #tpu.memory_space<vmem>>
      %dma_start3A_14 = arith.constant 0 : i32
      %dma_start3A_15 = tpu.memref_slice %arg6[%mul3A_0, %dma_start3A_14] : memref<640x128xf32, #tpu.memory_space<vmem_shared>> -> memref<40x128xf32, #tpu.memory_space<vmem_shared>>
      %dma_start3A_16 = arith.constant 0 : i32
      %dma_start3A_17 = tpu.memref_slice %arg6[%mul3A_0, %dma_start3A_16] : memref<640x128xf32, #tpu.memory_space<vmem_shared>> -> memref<40x128xf32, #tpu.memory_space<vmem_shared>>
      %dma_start3A_18 = arith.constant 0 : i32
      %dma_start3A_19 = arith.constant 0 : i32
      %dma_start3A_20 = tpu.memref_slice %arg8[%dma_start3A_18, %dma_start3A_19] : memref<128x128xf32, #tpu.memory_space<vmem>> -> memref<40x128xf32, #tpu.memory_space<vmem>>
      tpu.enqueue_dma source(%dma_start3A_20 : memref<40x128xf32, #tpu.memory_space<vmem>>) target(%dma_start3A_17 : memref<40x128xf32, #tpu.memory_space<vmem_shared>>) target_semaphore(%run_scoped3A : memref<!tpu.dma_semaphore, #tpu.memory_space<semaphore_mem>>)
      %dma_wait3A = arith.constant 0 : i32
      %dma_wait3A_21 = arith.constant 0 : i32
      %dma_wait3A_22 = tpu.memref_slice %arg8[%dma_wait3A, %dma_wait3A_21] : memref<128x128xf32, #tpu.memory_space<vmem>> -> memref<40x128xf32, #tpu.memory_space<vmem>>
      %dma_wait3A_23 = arith.constant 0 : i32
      %dma_wait3A_24 = tpu.memref_slice %arg6[%mul3A_0, %dma_wait3A_23] : memref<640x128xf32, #tpu.memory_space<vmem_shared>> -> memref<40x128xf32, #tpu.memory_space<vmem_shared>>
      %dma_wait3A_25 = arith.constant 0 : i32
      %dma_wait3A_26 = tpu.memref_slice %arg6[%mul3A_0, %dma_wait3A_25] : memref<640x128xf32, #tpu.memory_space<vmem_shared>> -> memref<40x128xf32, #tpu.memory_space<vmem_shared>>
      %dma_wait3A_27 = arith.constant 0 : i32
      %dma_wait3A_28 = arith.constant 0 : i32
      %dma_wait3A_29 = tpu.memref_slice %arg8[%dma_wait3A_27, %dma_wait3A_28] : memref<128x128xf32, #tpu.memory_space<vmem>> -> memref<40x128xf32, #tpu.memory_space<vmem>>
      tpu.wait_dma2 semaphore(%run_scoped3A : memref<!tpu.dma_semaphore, #tpu.memory_space<semaphore_mem>>) src(%dma_wait3A_29 : memref<40x128xf32, #tpu.memory_space<vmem>>) dst(%dma_wait3A_26 : memref<40x128xf32, #tpu.memory_space<vmem_shared>>)
      tpu.yield
    }) : () -> ()
    %barrier3A = arith.constant 0 : index
    tpu.barrier barrier_id(%barrier3A)
    %mul3A_1 = arith.constant 16 : i32
    %mul3A_2 = arith.muli %arg1, %mul3A_1 : i32
    "tpu.region"() ({
      %run_scoped3A = tpu.sem_alloc : memref<!tpu.dma_semaphore, #tpu.memory_space<semaphore_mem>>
      %dma_start3A = arith.constant 0 : i32
      %dma_start3A_12 = tpu.memref_slice %arg3[%mul3A_2, %dma_start3A] : memref<256x128xi32, #tpu.memory_space<hbm>> -> memref<16x128xi32, #tpu.memory_space<hbm>>
      %dma_start3A_13 = arith.constant 0 : i32
      %dma_start3A_14 = tpu.memref_slice %arg3[%mul3A_2, %dma_start3A_13] : memref<256x128xi32, #tpu.memory_space<hbm>> -> memref<16x128xi32, #tpu.memory_space<hbm>>
      tpu.enqueue_dma source(%dma_start3A_14 : memref<16x128xi32, #tpu.memory_space<hbm>>) target(%arg7 : memref<16x128xi32, #tpu.memory_space<vmem>>) target_semaphore(%run_scoped3A : memref<!tpu.dma_semaphore, #tpu.memory_space<semaphore_mem>>)
      %dma_wait3A = arith.constant 0 : i32
      %dma_wait3A_15 = tpu.memref_slice %arg3[%mul3A_2, %dma_wait3A] : memref<256x128xi32, #tpu.memory_space<hbm>> -> memref<16x128xi32, #tpu.memory_space<hbm>>
      %dma_wait3A_16 = arith.constant 0 : i32
      %dma_wait3A_17 = tpu.memref_slice %arg3[%mul3A_2, %dma_wait3A_16] : memref<256x128xi32, #tpu.memory_space<hbm>> -> memref<16x128xi32, #tpu.memory_space<hbm>>
      tpu.wait_dma2 semaphore(%run_scoped3A : memref<!tpu.dma_semaphore, #tpu.memory_space<semaphore_mem>>) src(%dma_wait3A_17 : memref<16x128xi32, #tpu.memory_space<hbm>>) dst(%arg7 : memref<16x128xi32, #tpu.memory_space<vmem>>)
      tpu.yield
    }) : () -> ()
    %scan3A = arith.constant 0 : i32
    %scan3A_3 = arith.constant 5 : i32
    %scan3A_4 = arith.addi %scan3A, %scan3A_3 : i32
    %scan3A_5 = arith.constant 1 : i32
    scf.for %scan3A_12 = %scan3A to %scan3A_4 step %scan3A_5  : i32 {
      %mul3A_13 = arith.constant 10240 : i32
      %mul3A_14 = arith.muli %arg0, %mul3A_13 : i32
      %mul3A_15 = arith.constant 5 : i32
      %mul3A_16 = arith.muli %arg1, %mul3A_15 : i32
      %add3A = arith.addi %mul3A_16, %scan3A_12 : i32
      %mul3A_17 = arith.constant 128 : i32
      %mul3A_18 = arith.muli %add3A, %mul3A_17 : i32
      %add3A_19 = arith.addi %mul3A_14, %mul3A_18 : i32
      "tpu.region"() ({
        %run_scoped3A = tpu.sem_alloc : memref<!tpu.dma_semaphore, #tpu.memory_space<semaphore_mem>>
        %dma_start3A = arith.constant 0 : i32
        %dma_start3A_20 = tpu.memref_slice %arg2[%add3A_19, %dma_start3A] : memref<20480x128xf32, #tpu.memory_space<hbm>> -> memref<128x128xf32, #tpu.memory_space<hbm>>
        %dma_start3A_21 = arith.constant 0 : i32
        %dma_start3A_22 = tpu.memref_slice %arg2[%add3A_19, %dma_start3A_21] : memref<20480x128xf32, #tpu.memory_space<hbm>> -> memref<128x128xf32, #tpu.memory_space<hbm>>
        tpu.enqueue_dma source(%dma_start3A_22 : memref<128x128xf32, #tpu.memory_space<hbm>>) target(%arg8 : memref<128x128xf32, #tpu.memory_space<vmem>>) target_semaphore(%run_scoped3A : memref<!tpu.dma_semaphore, #tpu.memory_space<semaphore_mem>>)
        %dma_wait3A = arith.constant 0 : i32
        %dma_wait3A_23 = tpu.memref_slice %arg2[%add3A_19, %dma_wait3A] : memref<20480x128xf32, #tpu.memory_space<hbm>> -> memref<128x128xf32, #tpu.memory_space<hbm>>
        %dma_wait3A_24 = arith.constant 0 : i32
        %dma_wait3A_25 = tpu.memref_slice %arg2[%add3A_19, %dma_wait3A_24] : memref<20480x128xf32, #tpu.memory_space<hbm>> -> memref<128x128xf32, #tpu.memory_space<hbm>>
        tpu.wait_dma2 semaphore(%run_scoped3A : memref<!tpu.dma_semaphore, #tpu.memory_space<semaphore_mem>>) src(%dma_wait3A_25 : memref<128x128xf32, #tpu.memory_space<hbm>>) dst(%arg8 : memref<128x128xf32, #tpu.memory_space<vmem>>)
        tpu.yield
      }) : () -> ()
      "tpu.region"() ({
        %run_scoped3A = tpu.sem_alloc : memref<!tpu.dma_semaphore, #tpu.memory_space<semaphore_mem>>
        %dma_start3A = arith.constant 0 : i32
        %dma_start3A_20 = tpu.memref_slice %arg7[%scan3A_12, %dma_start3A] : memref<16x128xi32, #tpu.memory_space<vmem>> -> memref<1x128xi32, #tpu.memory_space<vmem>>
        %dma_start3A_21 = tpu.memref_squeeze %dma_start3A_20 : memref<1x128xi32, #tpu.memory_space<vmem>> -> memref<128xi32, #tpu.memory_space<vmem>>
        %dma_start3A_22 = arith.constant 0 : i32
        %dma_start3A_23 = arith.constant 0 : i32
        %dma_start3A_24 = tpu.memref_slice %arg6[%dma_start3A_22, %dma_start3A_23] : memref<640x128xf32, #tpu.memory_space<vmem_shared>> -> memref<640x128xf32, #tpu.memory_space<vmem_shared>>
        tpu.enqueue_indirect_dma source(%arg8 : memref<128x128xf32, #tpu.memory_space<vmem>>) target(%dma_start3A_24 : memref<640x128xf32, #tpu.memory_space<vmem_shared>>) offsets(%dma_start3A_21 : memref<128xi32, #tpu.memory_space<vmem>>) semaphore(%run_scoped3A : memref<!tpu.dma_semaphore, #tpu.memory_space<semaphore_mem>>) {add = true}
        %dma_wait3A = arith.constant 0 : i32
        %dma_wait3A_25 = tpu.memref_slice %arg7[%scan3A_12, %dma_wait3A] : memref<16x128xi32, #tpu.memory_space<vmem>> -> memref<1x128xi32, #tpu.memory_space<vmem>>
        %dma_wait3A_26 = tpu.memref_squeeze %dma_wait3A_25 : memref<1x128xi32, #tpu.memory_space<vmem>> -> memref<128xi32, #tpu.memory_space<vmem>>
        %dma_wait3A_27 = arith.constant 0 : i32
        %dma_wait3A_28 = arith.constant 0 : i32
        %dma_wait3A_29 = tpu.memref_slice %arg6[%dma_wait3A_27, %dma_wait3A_28] : memref<640x128xf32, #tpu.memory_space<vmem_shared>> -> memref<640x128xf32, #tpu.memory_space<vmem_shared>>
        tpu.wait_indirect_dma semaphore(%run_scoped3A : memref<!tpu.dma_semaphore, #tpu.memory_space<semaphore_mem>>) src(%arg8 : memref<128x128xf32, #tpu.memory_space<vmem>>) dst(%dma_wait3A_29 : memref<640x128xf32, #tpu.memory_space<vmem_shared>>)
        tpu.yield
      }) : () -> ()
    }
    %scan3A_6 = arith.constant 5 : i32
    %barrier3A_7 = arith.constant 0 : index
    tpu.barrier barrier_id(%barrier3A_7)
    %mul3A_8 = arith.constant 40 : i32
    %mul3A_9 = arith.muli %arg1, %mul3A_8 : i32
    "tpu.region"() ({
      %run_scoped3A = tpu.sem_alloc : memref<!tpu.dma_semaphore, #tpu.memory_space<semaphore_mem>>
      %dma_start3A = arith.constant 0 : i32
      %dma_start3A_12 = arith.constant 0 : i32
      %dma_start3A_13 = tpu.memref_slice %arg8[%dma_start3A, %dma_start3A_12] : memref<128x128xf32, #tpu.memory_space<vmem>> -> memref<40x128xf32, #tpu.memory_space<vmem>>
      %dma_start3A_14 = arith.constant 0 : i32
      %dma_start3A_15 = tpu.memref_slice %arg6[%mul3A_9, %dma_start3A_14] : memref<640x128xf32, #tpu.memory_space<vmem_shared>> -> memref<40x128xf32, #tpu.memory_space<vmem_shared>>
      %dma_start3A_16 = arith.constant 0 : i32
      %dma_start3A_17 = arith.constant 0 : i32
      %dma_start3A_18 = tpu.memref_slice %arg8[%dma_start3A_16, %dma_start3A_17] : memref<128x128xf32, #tpu.memory_space<vmem>> -> memref<40x128xf32, #tpu.memory_space<vmem>>
      %dma_start3A_19 = arith.constant 0 : i32
      %dma_start3A_20 = tpu.memref_slice %arg6[%mul3A_9, %dma_start3A_19] : memref<640x128xf32, #tpu.memory_space<vmem_shared>> -> memref<40x128xf32, #tpu.memory_space<vmem_shared>>
      tpu.enqueue_dma source(%dma_start3A_20 : memref<40x128xf32, #tpu.memory_space<vmem_shared>>) target(%dma_start3A_18 : memref<40x128xf32, #tpu.memory_space<vmem>>) target_semaphore(%run_scoped3A : memref<!tpu.dma_semaphore, #tpu.memory_space<semaphore_mem>>)
      %dma_wait3A = arith.constant 0 : i32
      %dma_wait3A_21 = arith.constant 0 : i32
      %dma_wait3A_22 = tpu.memref_slice %arg8[%dma_wait3A, %dma_wait3A_21] : memref<128x128xf32, #tpu.memory_space<vmem>> -> memref<40x128xf32, #tpu.memory_space<vmem>>
      %dma_wait3A_23 = arith.constant 0 : i32
      %dma_wait3A_24 = tpu.memref_slice %arg6[%mul3A_9, %dma_wait3A_23] : memref<640x128xf32, #tpu.memory_space<vmem_shared>> -> memref<40x128xf32, #tpu.memory_space<vmem_shared>>
      %dma_wait3A_25 = arith.constant 0 : i32
      %dma_wait3A_26 = arith.constant 0 : i32
      %dma_wait3A_27 = tpu.memref_slice %arg8[%dma_wait3A_25, %dma_wait3A_26] : memref<128x128xf32, #tpu.memory_space<vmem>> -> memref<40x128xf32, #tpu.memory_space<vmem>>
      %dma_wait3A_28 = arith.constant 0 : i32
      %dma_wait3A_29 = tpu.memref_slice %arg6[%mul3A_9, %dma_wait3A_28] : memref<640x128xf32, #tpu.memory_space<vmem_shared>> -> memref<40x128xf32, #tpu.memory_space<vmem_shared>>
      tpu.wait_dma2 semaphore(%run_scoped3A : memref<!tpu.dma_semaphore, #tpu.memory_space<semaphore_mem>>) src(%dma_wait3A_29 : memref<40x128xf32, #tpu.memory_space<vmem_shared>>) dst(%dma_wait3A_27 : memref<40x128xf32, #tpu.memory_space<vmem>>)
      tpu.yield
    }) : () -> ()
    %mul3A_10 = arith.constant 40 : i32
    %mul3A_11 = arith.muli %arg1, %mul3A_10 : i32
    "tpu.region"() ({
      %run_scoped3A = tpu.sem_alloc : memref<!tpu.dma_semaphore, #tpu.memory_space<semaphore_mem>>
      %dma_start3A = arith.constant 0 : i32
      %dma_start3A_12 = arith.constant 0 : i32
      %dma_start3A_13 = tpu.memref_slice %arg8[%dma_start3A, %dma_start3A_12] : memref<128x128xf32, #tpu.memory_space<vmem>> -> memref<40x128xf32, #tpu.memory_space<vmem>>
      %dma_start3A_14 = arith.constant 0 : i32
      %dma_start3A_15 = tpu.memref_slice %arg5[%arg0, %mul3A_11, %dma_start3A_14] : memref<2x640x128xf32, #tpu.memory_space<hbm>> -> memref<1x40x128xf32, #tpu.memory_space<hbm>>
      %dma_start3A_16 = tpu.memref_squeeze %dma_start3A_15 : memref<1x40x128xf32, #tpu.memory_space<hbm>> -> memref<40x128xf32, #tpu.memory_space<hbm>>
      %dma_start3A_17 = arith.constant 0 : i32
      %dma_start3A_18 = tpu.memref_slice %arg5[%arg0, %mul3A_11, %dma_start3A_17] : memref<2x640x128xf32, #tpu.memory_space<hbm>> -> memref<1x40x128xf32, #tpu.memory_space<hbm>>
      %dma_start3A_19 = tpu.memref_squeeze %dma_start3A_18 : memref<1x40x128xf32, #tpu.memory_space<hbm>> -> memref<40x128xf32, #tpu.memory_space<hbm>>
      %dma_start3A_20 = arith.constant 0 : i32
      %dma_start3A_21 = arith.constant 0 : i32
      %dma_start3A_22 = tpu.memref_slice %arg8[%dma_start3A_20, %dma_start3A_21] : memref<128x128xf32, #tpu.memory_space<vmem>> -> memref<40x128xf32, #tpu.memory_space<vmem>>
      tpu.enqueue_dma source(%dma_start3A_22 : memref<40x128xf32, #tpu.memory_space<vmem>>) target(%dma_start3A_19 : memref<40x128xf32, #tpu.memory_space<hbm>>) target_semaphore(%run_scoped3A : memref<!tpu.dma_semaphore, #tpu.memory_space<semaphore_mem>>)
      %dma_wait3A = arith.constant 0 : i32
      %dma_wait3A_23 = arith.constant 0 : i32
      %dma_wait3A_24 = tpu.memref_slice %arg8[%dma_wait3A, %dma_wait3A_23] : memref<128x128xf32, #tpu.memory_space<vmem>> -> memref<40x128xf32, #tpu.memory_space<vmem>>
      %dma_wait3A_25 = arith.constant 0 : i32
      %dma_wait3A_26 = tpu.memref_slice %arg5[%arg0, %mul3A_11, %dma_wait3A_25] : memref<2x640x128xf32, #tpu.memory_space<hbm>> -> memref<1x40x128xf32, #tpu.memory_space<hbm>>
      %dma_wait3A_27 = tpu.memref_squeeze %dma_wait3A_26 : memref<1x40x128xf32, #tpu.memory_space<hbm>> -> memref<40x128xf32, #tpu.memory_space<hbm>>
      %dma_wait3A_28 = arith.constant 0 : i32
      %dma_wait3A_29 = tpu.memref_slice %arg5[%arg0, %mul3A_11, %dma_wait3A_28] : memref<2x640x128xf32, #tpu.memory_space<hbm>> -> memref<1x40x128xf32, #tpu.memory_space<hbm>>
      %dma_wait3A_30 = tpu.memref_squeeze %dma_wait3A_29 : memref<1x40x128xf32, #tpu.memory_space<hbm>> -> memref<40x128xf32, #tpu.memory_space<hbm>>
      %dma_wait3A_31 = arith.constant 0 : i32
      %dma_wait3A_32 = arith.constant 0 : i32
      %dma_wait3A_33 = tpu.memref_slice %arg8[%dma_wait3A_31, %dma_wait3A_32] : memref<128x128xf32, #tpu.memory_space<vmem>> -> memref<40x128xf32, #tpu.memory_space<vmem>>
      tpu.wait_dma2 semaphore(%run_scoped3A : memref<!tpu.dma_semaphore, #tpu.memory_space<semaphore_mem>>) src(%dma_wait3A_33 : memref<40x128xf32, #tpu.memory_space<vmem>>) dst(%dma_wait3A_30 : memref<40x128xf32, #tpu.memory_space<hbm>>)
      tpu.yield
    }) : () -> ()
    return
  }
}

#map = affine_map<(d0, d1) -> (0, 0)>
#map1 = affine_map<(d0, d1) -> (0, 0, 0)>
module attributes {stable_mosaic.version = 14 : i64} {
  func.func @_sc_agg_h(%arg0: i32, %arg1: i32, %arg2: memref<20480x128xf32, #tpu.memory_space<hbm>>, %arg3: memref<5120x128xi32, #tpu.memory_space<hbm>>, %arg4: memref<5120x128xi32, #tpu.memory_space<hbm>>, %arg5: memref<256x128xi32, #tpu.memory_space<hbm>>, %arg6: memref<128x128xf32, #tpu.memory_space<hbm>>, %arg7: memref<2x10240x128xf32, #tpu.memory_space<hbm>>, %arg8: memref<2x640x128xf32, #tpu.memory_space<hbm>>, %arg9: memref<10240x128xf32, #tpu.memory_space<vmem_shared>>, %arg10: memref<640x128xf32, #tpu.memory_space<vmem_shared>>, %arg11: memref<16x128xi32, #tpu.memory_space<vmem>>, %arg12: memref<16x128xi32, #tpu.memory_space<vmem>>, %arg13: memref<16x128xi32, #tpu.memory_space<vmem>>, %arg14: memref<128x128xf32, #tpu.memory_space<vmem>>, %arg15: memref<128x128xf32, #tpu.memory_space<vmem>>, %arg16: memref<!tpu.dma_semaphore, #tpu.memory_space<semaphore_mem>>, %arg17: memref<!tpu.dma_semaphore, #tpu.memory_space<semaphore_mem>>) attributes {dimension_semantics = [#tpu.dimension_semantics<core_parallel>, #tpu.dimension_semantics<subcore_parallel>], iteration_bounds = array<i64: 2, 16>, scalar_prefetch = 0 : i64, scratch_operands = 9 : i64, tpu.core_type = #tpu.core_type<sc_vector_subcore>, window_params = [{transform_indices = #map}, {transform_indices = #map}, {transform_indices = #map}, {transform_indices = #map}, {transform_indices = #map}, {transform_indices = #map1}, {transform_indices = #map1}]} {
    "tpu.region"() ({
      %run_scoped3A = tpu.sem_alloc : memref<!tpu.dma_semaphore, #tpu.memory_space<semaphore_mem>>
      tpu.enqueue_dma source(%arg6 : memref<128x128xf32, #tpu.memory_space<hbm>>) target(%arg14 : memref<128x128xf32, #tpu.memory_space<vmem>>) target_semaphore(%run_scoped3A : memref<!tpu.dma_semaphore, #tpu.memory_space<semaphore_mem>>)
      tpu.wait_dma2 semaphore(%run_scoped3A : memref<!tpu.dma_semaphore, #tpu.memory_space<semaphore_mem>>) src(%arg6 : memref<128x128xf32, #tpu.memory_space<hbm>>) dst(%arg14 : memref<128x128xf32, #tpu.memory_space<vmem>>)
      tpu.yield
    }) : () -> ()
    %scan3A = arith.constant 0 : i32
    %scan3A_0 = arith.constant 5 : i32
    %scan3A_1 = arith.addi %scan3A, %scan3A_0 : i32
    %scan3A_2 = arith.constant 1 : i32
    scf.for %scan3A_31 = %scan3A to %scan3A_1 step %scan3A_2  : i32 {
      %mul3A_32 = arith.constant 5 : i32
      %mul3A_33 = arith.muli %arg1, %mul3A_32 : i32
      %add3A_34 = arith.addi %mul3A_33, %scan3A_31 : i32
      %mul3A_35 = arith.constant 128 : i32
      %mul3A_36 = arith.muli %add3A_34, %mul3A_35 : i32
      "tpu.region"() ({
        %run_scoped3A = tpu.sem_alloc : memref<!tpu.dma_semaphore, #tpu.memory_space<semaphore_mem>>
        %dma_start3A = arith.constant 0 : i32
        %dma_start3A_37 = tpu.memref_slice %arg9[%mul3A_36, %dma_start3A] : memref<10240x128xf32, #tpu.memory_space<vmem_shared>> -> memref<128x128xf32, #tpu.memory_space<vmem_shared>>
        %dma_start3A_38 = arith.constant 0 : i32
        %dma_start3A_39 = tpu.memref_slice %arg9[%mul3A_36, %dma_start3A_38] : memref<10240x128xf32, #tpu.memory_space<vmem_shared>> -> memref<128x128xf32, #tpu.memory_space<vmem_shared>>
        tpu.enqueue_dma source(%arg14 : memref<128x128xf32, #tpu.memory_space<vmem>>) target(%dma_start3A_39 : memref<128x128xf32, #tpu.memory_space<vmem_shared>>) target_semaphore(%run_scoped3A : memref<!tpu.dma_semaphore, #tpu.memory_space<semaphore_mem>>)
        %dma_wait3A = arith.constant 0 : i32
        %dma_wait3A_40 = tpu.memref_slice %arg9[%mul3A_36, %dma_wait3A] : memref<10240x128xf32, #tpu.memory_space<vmem_shared>> -> memref<128x128xf32, #tpu.memory_space<vmem_shared>>
        %dma_wait3A_41 = arith.constant 0 : i32
        %dma_wait3A_42 = tpu.memref_slice %arg9[%mul3A_36, %dma_wait3A_41] : memref<10240x128xf32, #tpu.memory_space<vmem_shared>> -> memref<128x128xf32, #tpu.memory_space<vmem_shared>>
        tpu.wait_dma2 semaphore(%run_scoped3A : memref<!tpu.dma_semaphore, #tpu.memory_space<semaphore_mem>>) src(%arg14 : memref<128x128xf32, #tpu.memory_space<vmem>>) dst(%dma_wait3A_42 : memref<128x128xf32, #tpu.memory_space<vmem_shared>>)
        tpu.yield
      }) : () -> ()
    }
    %scan3A_3 = arith.constant 5 : i32
    %mul3A = arith.constant 40 : i32
    %mul3A_4 = arith.muli %arg1, %mul3A : i32
    "tpu.region"() ({
      %run_scoped3A = tpu.sem_alloc : memref<!tpu.dma_semaphore, #tpu.memory_space<semaphore_mem>>
      %dma_start3A = arith.constant 0 : i32
      %dma_start3A_31 = arith.constant 0 : i32
      %dma_start3A_32 = tpu.memref_slice %arg14[%dma_start3A, %dma_start3A_31] : memref<128x128xf32, #tpu.memory_space<vmem>> -> memref<40x128xf32, #tpu.memory_space<vmem>>
      %dma_start3A_33 = arith.constant 0 : i32
      %dma_start3A_34 = tpu.memref_slice %arg10[%mul3A_4, %dma_start3A_33] : memref<640x128xf32, #tpu.memory_space<vmem_shared>> -> memref<40x128xf32, #tpu.memory_space<vmem_shared>>
      %dma_start3A_35 = arith.constant 0 : i32
      %dma_start3A_36 = tpu.memref_slice %arg10[%mul3A_4, %dma_start3A_35] : memref<640x128xf32, #tpu.memory_space<vmem_shared>> -> memref<40x128xf32, #tpu.memory_space<vmem_shared>>
      %dma_start3A_37 = arith.constant 0 : i32
      %dma_start3A_38 = arith.constant 0 : i32
      %dma_start3A_39 = tpu.memref_slice %arg14[%dma_start3A_37, %dma_start3A_38] : memref<128x128xf32, #tpu.memory_space<vmem>> -> memref<40x128xf32, #tpu.memory_space<vmem>>
      tpu.enqueue_dma source(%dma_start3A_39 : memref<40x128xf32, #tpu.memory_space<vmem>>) target(%dma_start3A_36 : memref<40x128xf32, #tpu.memory_space<vmem_shared>>) target_semaphore(%run_scoped3A : memref<!tpu.dma_semaphore, #tpu.memory_space<semaphore_mem>>)
      %dma_wait3A = arith.constant 0 : i32
      %dma_wait3A_40 = arith.constant 0 : i32
      %dma_wait3A_41 = tpu.memref_slice %arg14[%dma_wait3A, %dma_wait3A_40] : memref<128x128xf32, #tpu.memory_space<vmem>> -> memref<40x128xf32, #tpu.memory_space<vmem>>
      %dma_wait3A_42 = arith.constant 0 : i32
      %dma_wait3A_43 = tpu.memref_slice %arg10[%mul3A_4, %dma_wait3A_42] : memref<640x128xf32, #tpu.memory_space<vmem_shared>> -> memref<40x128xf32, #tpu.memory_space<vmem_shared>>
      %dma_wait3A_44 = arith.constant 0 : i32
      %dma_wait3A_45 = tpu.memref_slice %arg10[%mul3A_4, %dma_wait3A_44] : memref<640x128xf32, #tpu.memory_space<vmem_shared>> -> memref<40x128xf32, #tpu.memory_space<vmem_shared>>
      %dma_wait3A_46 = arith.constant 0 : i32
      %dma_wait3A_47 = arith.constant 0 : i32
      %dma_wait3A_48 = tpu.memref_slice %arg14[%dma_wait3A_46, %dma_wait3A_47] : memref<128x128xf32, #tpu.memory_space<vmem>> -> memref<40x128xf32, #tpu.memory_space<vmem>>
      tpu.wait_dma2 semaphore(%run_scoped3A : memref<!tpu.dma_semaphore, #tpu.memory_space<semaphore_mem>>) src(%dma_wait3A_48 : memref<40x128xf32, #tpu.memory_space<vmem>>) dst(%dma_wait3A_45 : memref<40x128xf32, #tpu.memory_space<vmem_shared>>)
      tpu.yield
    }) : () -> ()
    %barrier3A = arith.constant 0 : index
    tpu.barrier barrier_id(%barrier3A)
    %mul3A_5 = arith.constant 2560 : i32
    %mul3A_6 = arith.muli %arg0, %mul3A_5 : i32
    %mul3A_7 = arith.constant 160 : i32
    %mul3A_8 = arith.muli %arg1, %mul3A_7 : i32
    %add3A = arith.addi %mul3A_6, %mul3A_8 : i32
    %scan3A_9 = arith.constant 0 : i32
    %scan3A_10 = arith.constant 10 : i32
    %scan3A_11 = arith.addi %scan3A_9, %scan3A_10 : i32
    %scan3A_12 = arith.constant 1 : i32
    scf.for %scan3A_31 = %scan3A_9 to %scan3A_11 step %scan3A_12  : i32 {
      %mul3A_32 = arith.constant 16 : i32
      %mul3A_33 = arith.muli %scan3A_31, %mul3A_32 : i32
      %add3A_34 = arith.addi %add3A, %mul3A_33 : i32
      "tpu.region"() ({
        %run_scoped3A_70 = tpu.sem_alloc : memref<!tpu.dma_semaphore, #tpu.memory_space<semaphore_mem>>
        %dma_start3A_71 = arith.constant 0 : i32
        %dma_start3A_72 = tpu.memref_slice %arg3[%add3A_34, %dma_start3A_71] : memref<5120x128xi32, #tpu.memory_space<hbm>> -> memref<16x128xi32, #tpu.memory_space<hbm>>
        %dma_start3A_73 = arith.constant 0 : i32
        %dma_start3A_74 = tpu.memref_slice %arg3[%add3A_34, %dma_start3A_73] : memref<5120x128xi32, #tpu.memory_space<hbm>> -> memref<16x128xi32, #tpu.memory_space<hbm>>
        tpu.enqueue_dma source(%dma_start3A_74 : memref<16x128xi32, #tpu.memory_space<hbm>>) target(%arg11 : memref<16x128xi32, #tpu.memory_space<vmem>>) target_semaphore(%run_scoped3A_70 : memref<!tpu.dma_semaphore, #tpu.memory_space<semaphore_mem>>)
        %dma_wait3A_75 = arith.constant 0 : i32
        %dma_wait3A_76 = tpu.memref_slice %arg3[%add3A_34, %dma_wait3A_75] : memref<5120x128xi32, #tpu.memory_space<hbm>> -> memref<16x128xi32, #tpu.memory_space<hbm>>
        %dma_wait3A_77 = arith.constant 0 : i32
        %dma_wait3A_78 = tpu.memref_slice %arg3[%add3A_34, %dma_wait3A_77] : memref<5120x128xi32, #tpu.memory_space<hbm>> -> memref<16x128xi32, #tpu.memory_space<hbm>>
        tpu.wait_dma2 semaphore(%run_scoped3A_70 : memref<!tpu.dma_semaphore, #tpu.memory_space<semaphore_mem>>) src(%dma_wait3A_78 : memref<16x128xi32, #tpu.memory_space<hbm>>) dst(%arg11 : memref<16x128xi32, #tpu.memory_space<vmem>>)
        tpu.yield
      }) : () -> ()
      %mul3A_35 = arith.constant 16 : i32
      %mul3A_36 = arith.muli %scan3A_31, %mul3A_35 : i32
      %add3A_37 = arith.addi %add3A, %mul3A_36 : i32
      "tpu.region"() ({
        %run_scoped3A_70 = tpu.sem_alloc : memref<!tpu.dma_semaphore, #tpu.memory_space<semaphore_mem>>
        %dma_start3A_71 = arith.constant 0 : i32
        %dma_start3A_72 = tpu.memref_slice %arg4[%add3A_37, %dma_start3A_71] : memref<5120x128xi32, #tpu.memory_space<hbm>> -> memref<16x128xi32, #tpu.memory_space<hbm>>
        %dma_start3A_73 = arith.constant 0 : i32
        %dma_start3A_74 = tpu.memref_slice %arg4[%add3A_37, %dma_start3A_73] : memref<5120x128xi32, #tpu.memory_space<hbm>> -> memref<16x128xi32, #tpu.memory_space<hbm>>
        tpu.enqueue_dma source(%dma_start3A_74 : memref<16x128xi32, #tpu.memory_space<hbm>>) target(%arg12 : memref<16x128xi32, #tpu.memory_space<vmem>>) target_semaphore(%run_scoped3A_70 : memref<!tpu.dma_semaphore, #tpu.memory_space<semaphore_mem>>)
        %dma_wait3A_75 = arith.constant 0 : i32
        %dma_wait3A_76 = tpu.memref_slice %arg4[%add3A_37, %dma_wait3A_75] : memref<5120x128xi32, #tpu.memory_space<hbm>> -> memref<16x128xi32, #tpu.memory_space<hbm>>
        %dma_wait3A_77 = arith.constant 0 : i32
        %dma_wait3A_78 = tpu.memref_slice %arg4[%add3A_37, %dma_wait3A_77] : memref<5120x128xi32, #tpu.memory_space<hbm>> -> memref<16x128xi32, #tpu.memory_space<hbm>>
        tpu.wait_dma2 semaphore(%run_scoped3A_70 : memref<!tpu.dma_semaphore, #tpu.memory_space<semaphore_mem>>) src(%dma_wait3A_78 : memref<16x128xi32, #tpu.memory_space<hbm>>) dst(%arg12 : memref<16x128xi32, #tpu.memory_space<vmem>>)
        tpu.yield
      }) : () -> ()
      %dma_start3A = arith.constant 0 : i32
      %dma_start3A_38 = arith.constant 0 : i32
      %dma_start3A_39 = tpu.memref_slice %arg11[%dma_start3A, %dma_start3A_38] : memref<16x128xi32, #tpu.memory_space<vmem>> -> memref<1x128xi32, #tpu.memory_space<vmem>>
      %dma_start3A_40 = tpu.memref_squeeze %dma_start3A_39 : memref<1x128xi32, #tpu.memory_space<vmem>> -> memref<128xi32, #tpu.memory_space<vmem>>
      %dma_start3A_41 = arith.constant 0 : i32
      %dma_start3A_42 = arith.constant 0 : i32
      %dma_start3A_43 = tpu.memref_slice %arg2[%dma_start3A_41, %dma_start3A_42] : memref<20480x128xf32, #tpu.memory_space<hbm>> -> memref<20480x128xf32, #tpu.memory_space<hbm>>
      tpu.enqueue_indirect_dma source(%dma_start3A_43 : memref<20480x128xf32, #tpu.memory_space<hbm>>) target(%arg14 : memref<128x128xf32, #tpu.memory_space<vmem>>) offsets(%dma_start3A_40 : memref<128xi32, #tpu.memory_space<vmem>>) semaphore(%arg16 : memref<!tpu.dma_semaphore, #tpu.memory_space<semaphore_mem>>)
      %dma_start3A_44 = arith.constant 1 : i32
      %dma_start3A_45 = arith.constant 0 : i32
      %dma_start3A_46 = tpu.memref_slice %arg11[%dma_start3A_44, %dma_start3A_45] : memref<16x128xi32, #tpu.memory_space<vmem>> -> memref<1x128xi32, #tpu.memory_space<vmem>>
      %dma_start3A_47 = tpu.memref_squeeze %dma_start3A_46 : memref<1x128xi32, #tpu.memory_space<vmem>> -> memref<128xi32, #tpu.memory_space<vmem>>
      %dma_start3A_48 = arith.constant 0 : i32
      %dma_start3A_49 = arith.constant 0 : i32
      %dma_start3A_50 = tpu.memref_slice %arg2[%dma_start3A_48, %dma_start3A_49] : memref<20480x128xf32, #tpu.memory_space<hbm>> -> memref<20480x128xf32, #tpu.memory_space<hbm>>
      tpu.enqueue_indirect_dma source(%dma_start3A_50 : memref<20480x128xf32, #tpu.memory_space<hbm>>) target(%arg15 : memref<128x128xf32, #tpu.memory_space<vmem>>) offsets(%dma_start3A_47 : memref<128xi32, #tpu.memory_space<vmem>>) semaphore(%arg17 : memref<!tpu.dma_semaphore, #tpu.memory_space<semaphore_mem>>)
      %scan3A_51 = arith.constant 0 : i32
      %scan3A_52 = arith.constant 7 : i32
      %scan3A_53 = arith.addi %scan3A_51, %scan3A_52 : i32
      %scan3A_54 = arith.constant 1 : i32
      scf.for %scan3A_70 = %scan3A_51 to %scan3A_53 step %scan3A_54  : i32 {
        %mul3A_71 = arith.constant 2 : i32
        %mul3A_72 = arith.muli %scan3A_70, %mul3A_71 : i32
        %add3A_73 = arith.constant 0 : i32
        %add3A_74 = arith.addi %mul3A_72, %add3A_73 : i32
        %dma_wait3A_75 = arith.constant 0 : i32
        %dma_wait3A_76 = tpu.memref_slice %arg11[%add3A_74, %dma_wait3A_75] : memref<16x128xi32, #tpu.memory_space<vmem>> -> memref<1x128xi32, #tpu.memory_space<vmem>>
        %dma_wait3A_77 = tpu.memref_squeeze %dma_wait3A_76 : memref<1x128xi32, #tpu.memory_space<vmem>> -> memref<128xi32, #tpu.memory_space<vmem>>
        %dma_wait3A_78 = arith.constant 0 : i32
        %dma_wait3A_79 = arith.constant 0 : i32
        %dma_wait3A_80 = tpu.memref_slice %arg2[%dma_wait3A_78, %dma_wait3A_79] : memref<20480x128xf32, #tpu.memory_space<hbm>> -> memref<20480x128xf32, #tpu.memory_space<hbm>>
        tpu.wait_indirect_dma semaphore(%arg16 : memref<!tpu.dma_semaphore, #tpu.memory_space<semaphore_mem>>) src(%dma_wait3A_80 : memref<20480x128xf32, #tpu.memory_space<hbm>>) dst(%arg14 : memref<128x128xf32, #tpu.memory_space<vmem>>)
        %add3A_81 = arith.constant 0 : i32
        %add3A_82 = arith.addi %mul3A_72, %add3A_81 : i32
        "tpu.region"() ({
          %run_scoped3A_113 = tpu.sem_alloc : memref<!tpu.dma_semaphore, #tpu.memory_space<semaphore_mem>>
          %dma_start3A_114 = arith.constant 0 : i32
          %dma_start3A_115 = tpu.memref_slice %arg12[%add3A_82, %dma_start3A_114] : memref<16x128xi32, #tpu.memory_space<vmem>> -> memref<1x128xi32, #tpu.memory_space<vmem>>
          %dma_start3A_116 = tpu.memref_squeeze %dma_start3A_115 : memref<1x128xi32, #tpu.memory_space<vmem>> -> memref<128xi32, #tpu.memory_space<vmem>>
          %dma_start3A_117 = arith.constant 0 : i32
          %dma_start3A_118 = arith.constant 0 : i32
          %dma_start3A_119 = tpu.memref_slice %arg9[%dma_start3A_117, %dma_start3A_118] : memref<10240x128xf32, #tpu.memory_space<vmem_shared>> -> memref<10240x128xf32, #tpu.memory_space<vmem_shared>>
          tpu.enqueue_indirect_dma source(%arg14 : memref<128x128xf32, #tpu.memory_space<vmem>>) target(%dma_start3A_119 : memref<10240x128xf32, #tpu.memory_space<vmem_shared>>) offsets(%dma_start3A_116 : memref<128xi32, #tpu.memory_space<vmem>>) semaphore(%run_scoped3A_113 : memref<!tpu.dma_semaphore, #tpu.memory_space<semaphore_mem>>) {add = true}
          %dma_wait3A_120 = arith.constant 0 : i32
          %dma_wait3A_121 = tpu.memref_slice %arg12[%add3A_82, %dma_wait3A_120] : memref<16x128xi32, #tpu.memory_space<vmem>> -> memref<1x128xi32, #tpu.memory_space<vmem>>
          %dma_wait3A_122 = tpu.memref_squeeze %dma_wait3A_121 : memref<1x128xi32, #tpu.memory_space<vmem>> -> memref<128xi32, #tpu.memory_space<vmem>>
          %dma_wait3A_123 = arith.constant 0 : i32
          %dma_wait3A_124 = arith.constant 0 : i32
          %dma_wait3A_125 = tpu.memref_slice %arg9[%dma_wait3A_123, %dma_wait3A_124] : memref<10240x128xf32, #tpu.memory_space<vmem_shared>> -> memref<10240x128xf32, #tpu.memory_space<vmem_shared>>
          tpu.wait_indirect_dma semaphore(%run_scoped3A_113 : memref<!tpu.dma_semaphore, #tpu.memory_space<semaphore_mem>>) src(%arg14 : memref<128x128xf32, #tpu.memory_space<vmem>>) dst(%dma_wait3A_125 : memref<10240x128xf32, #tpu.memory_space<vmem_shared>>)
          tpu.yield
        }) : () -> ()
        %add3A_83 = arith.constant 2 : i32
        %add3A_84 = arith.addi %mul3A_72, %add3A_83 : i32
        %add3A_85 = arith.constant 0 : i32
        %add3A_86 = arith.addi %add3A_84, %add3A_85 : i32
        %dma_start3A_87 = arith.constant 0 : i32
        %dma_start3A_88 = tpu.memref_slice %arg11[%add3A_86, %dma_start3A_87] : memref<16x128xi32, #tpu.memory_space<vmem>> -> memref<1x128xi32, #tpu.memory_space<vmem>>
        %dma_start3A_89 = tpu.memref_squeeze %dma_start3A_88 : memref<1x128xi32, #tpu.memory_space<vmem>> -> memref<128xi32, #tpu.memory_space<vmem>>
        %dma_start3A_90 = arith.constant 0 : i32
        %dma_start3A_91 = arith.constant 0 : i32
        %dma_start3A_92 = tpu.memref_slice %arg2[%dma_start3A_90, %dma_start3A_91] : memref<20480x128xf32, #tpu.memory_space<hbm>> -> memref<20480x128xf32, #tpu.memory_space<hbm>>
        tpu.enqueue_indirect_dma source(%dma_start3A_92 : memref<20480x128xf32, #tpu.memory_space<hbm>>) target(%arg14 : memref<128x128xf32, #tpu.memory_space<vmem>>) offsets(%dma_start3A_89 : memref<128xi32, #tpu.memory_space<vmem>>) semaphore(%arg16 : memref<!tpu.dma_semaphore, #tpu.memory_space<semaphore_mem>>)
        %add3A_93 = arith.constant 1 : i32
        %add3A_94 = arith.addi %mul3A_72, %add3A_93 : i32
        %dma_wait3A_95 = arith.constant 0 : i32
        %dma_wait3A_96 = tpu.memref_slice %arg11[%add3A_94, %dma_wait3A_95] : memref<16x128xi32, #tpu.memory_space<vmem>> -> memref<1x128xi32, #tpu.memory_space<vmem>>
        %dma_wait3A_97 = tpu.memref_squeeze %dma_wait3A_96 : memref<1x128xi32, #tpu.memory_space<vmem>> -> memref<128xi32, #tpu.memory_space<vmem>>
        %dma_wait3A_98 = arith.constant 0 : i32
        %dma_wait3A_99 = arith.constant 0 : i32
        %dma_wait3A_100 = tpu.memref_slice %arg2[%dma_wait3A_98, %dma_wait3A_99] : memref<20480x128xf32, #tpu.memory_space<hbm>> -> memref<20480x128xf32, #tpu.memory_space<hbm>>
        tpu.wait_indirect_dma semaphore(%arg17 : memref<!tpu.dma_semaphore, #tpu.memory_space<semaphore_mem>>) src(%dma_wait3A_100 : memref<20480x128xf32, #tpu.memory_space<hbm>>) dst(%arg15 : memref<128x128xf32, #tpu.memory_space<vmem>>)
        %add3A_101 = arith.constant 1 : i32
        %add3A_102 = arith.addi %mul3A_72, %add3A_101 : i32
        "tpu.region"() ({
          %run_scoped3A_113 = tpu.sem_alloc : memref<!tpu.dma_semaphore, #tpu.memory_space<semaphore_mem>>
          %dma_start3A_114 = arith.constant 0 : i32
          %dma_start3A_115 = tpu.memref_slice %arg12[%add3A_102, %dma_start3A_114] : memref<16x128xi32, #tpu.memory_space<vmem>> -> memref<1x128xi32, #tpu.memory_space<vmem>>
          %dma_start3A_116 = tpu.memref_squeeze %dma_start3A_115 : memref<1x128xi32, #tpu.memory_space<vmem>> -> memref<128xi32, #tpu.memory_space<vmem>>
          %dma_start3A_117 = arith.constant 0 : i32
          %dma_start3A_118 = arith.constant 0 : i32
          %dma_start3A_119 = tpu.memref_slice %arg9[%dma_start3A_117, %dma_start3A_118] : memref<10240x128xf32, #tpu.memory_space<vmem_shared>> -> memref<10240x128xf32, #tpu.memory_space<vmem_shared>>
          tpu.enqueue_indirect_dma source(%arg15 : memref<128x128xf32, #tpu.memory_space<vmem>>) target(%dma_start3A_119 : memref<10240x128xf32, #tpu.memory_space<vmem_shared>>) offsets(%dma_start3A_116 : memref<128xi32, #tpu.memory_space<vmem>>) semaphore(%run_scoped3A_113 : memref<!tpu.dma_semaphore, #tpu.memory_space<semaphore_mem>>) {add = true}
          %dma_wait3A_120 = arith.constant 0 : i32
          %dma_wait3A_121 = tpu.memref_slice %arg12[%add3A_102, %dma_wait3A_120] : memref<16x128xi32, #tpu.memory_space<vmem>> -> memref<1x128xi32, #tpu.memory_space<vmem>>
          %dma_wait3A_122 = tpu.memref_squeeze %dma_wait3A_121 : memref<1x128xi32, #tpu.memory_space<vmem>> -> memref<128xi32, #tpu.memory_space<vmem>>
          %dma_wait3A_123 = arith.constant 0 : i32
          %dma_wait3A_124 = arith.constant 0 : i32
          %dma_wait3A_125 = tpu.memref_slice %arg9[%dma_wait3A_123, %dma_wait3A_124] : memref<10240x128xf32, #tpu.memory_space<vmem_shared>> -> memref<10240x128xf32, #tpu.memory_space<vmem_shared>>
          tpu.wait_indirect_dma semaphore(%run_scoped3A_113 : memref<!tpu.dma_semaphore, #tpu.memory_space<semaphore_mem>>) src(%arg15 : memref<128x128xf32, #tpu.memory_space<vmem>>) dst(%dma_wait3A_125 : memref<10240x128xf32, #tpu.memory_space<vmem_shared>>)
          tpu.yield
        }) : () -> ()
        %add3A_103 = arith.constant 2 : i32
        %add3A_104 = arith.addi %mul3A_72, %add3A_103 : i32
        %add3A_105 = arith.constant 1 : i32
        %add3A_106 = arith.addi %add3A_104, %add3A_105 : i32
        %dma_start3A_107 = arith.constant 0 : i32
        %dma_start3A_108 = tpu.memref_slice %arg11[%add3A_106, %dma_start3A_107] : memref<16x128xi32, #tpu.memory_space<vmem>> -> memref<1x128xi32, #tpu.memory_space<vmem>>
        %dma_start3A_109 = tpu.memref_squeeze %dma_start3A_108 : memref<1x128xi32, #tpu.memory_space<vmem>> -> memref<128xi32, #tpu.memory_space<vmem>>
        %dma_start3A_110 = arith.constant 0 : i32
        %dma_start3A_111 = arith.constant 0 : i32
        %dma_start3A_112 = tpu.memref_slice %arg2[%dma_start3A_110, %dma_start3A_111] : memref<20480x128xf32, #tpu.memory_space<hbm>> -> memref<20480x128xf32, #tpu.memory_space<hbm>>
        tpu.enqueue_indirect_dma source(%dma_start3A_112 : memref<20480x128xf32, #tpu.memory_space<hbm>>) target(%arg15 : memref<128x128xf32, #tpu.memory_space<vmem>>) offsets(%dma_start3A_109 : memref<128xi32, #tpu.memory_space<vmem>>) semaphore(%arg17 : memref<!tpu.dma_semaphore, #tpu.memory_space<semaphore_mem>>)
      }
      %scan3A_55 = arith.constant 7 : i32
      %dma_wait3A = arith.constant 14 : i32
      %dma_wait3A_56 = arith.constant 0 : i32
      %dma_wait3A_57 = tpu.memref_slice %arg11[%dma_wait3A, %dma_wait3A_56] : memref<16x128xi32, #tpu.memory_space<vmem>> -> memref<1x128xi32, #tpu.memory_space<vmem>>
      %dma_wait3A_58 = tpu.memref_squeeze %dma_wait3A_57 : memref<1x128xi32, #tpu.memory_space<vmem>> -> memref<128xi32, #tpu.memory_space<vmem>>
      %dma_wait3A_59 = arith.constant 0 : i32
      %dma_wait3A_60 = arith.constant 0 : i32
      %dma_wait3A_61 = tpu.memref_slice %arg2[%dma_wait3A_59, %dma_wait3A_60] : memref<20480x128xf32, #tpu.memory_space<hbm>> -> memref<20480x128xf32, #tpu.memory_space<hbm>>
      tpu.wait_indirect_dma semaphore(%arg16 : memref<!tpu.dma_semaphore, #tpu.memory_space<semaphore_mem>>) src(%dma_wait3A_61 : memref<20480x128xf32, #tpu.memory_space<hbm>>) dst(%arg14 : memref<128x128xf32, #tpu.memory_space<vmem>>)
      %run_scoped3A = arith.constant 14 : i32
      "tpu.region"() ({
        %run_scoped3A_70 = tpu.sem_alloc : memref<!tpu.dma_semaphore, #tpu.memory_space<semaphore_mem>>
        %dma_start3A_71 = arith.constant 0 : i32
        %dma_start3A_72 = tpu.memref_slice %arg12[%run_scoped3A, %dma_start3A_71] : memref<16x128xi32, #tpu.memory_space<vmem>> -> memref<1x128xi32, #tpu.memory_space<vmem>>
        %dma_start3A_73 = tpu.memref_squeeze %dma_start3A_72 : memref<1x128xi32, #tpu.memory_space<vmem>> -> memref<128xi32, #tpu.memory_space<vmem>>
        %dma_start3A_74 = arith.constant 0 : i32
        %dma_start3A_75 = arith.constant 0 : i32
        %dma_start3A_76 = tpu.memref_slice %arg9[%dma_start3A_74, %dma_start3A_75] : memref<10240x128xf32, #tpu.memory_space<vmem_shared>> -> memref<10240x128xf32, #tpu.memory_space<vmem_shared>>
        tpu.enqueue_indirect_dma source(%arg14 : memref<128x128xf32, #tpu.memory_space<vmem>>) target(%dma_start3A_76 : memref<10240x128xf32, #tpu.memory_space<vmem_shared>>) offsets(%dma_start3A_73 : memref<128xi32, #tpu.memory_space<vmem>>) semaphore(%run_scoped3A_70 : memref<!tpu.dma_semaphore, #tpu.memory_space<semaphore_mem>>) {add = true}
        %dma_wait3A_77 = arith.constant 0 : i32
        %dma_wait3A_78 = tpu.memref_slice %arg12[%run_scoped3A, %dma_wait3A_77] : memref<16x128xi32, #tpu.memory_space<vmem>> -> memref<1x128xi32, #tpu.memory_space<vmem>>
        %dma_wait3A_79 = tpu.memref_squeeze %dma_wait3A_78 : memref<1x128xi32, #tpu.memory_space<vmem>> -> memref<128xi32, #tpu.memory_space<vmem>>
        %dma_wait3A_80 = arith.constant 0 : i32
        %dma_wait3A_81 = arith.constant 0 : i32
        %dma_wait3A_82 = tpu.memref_slice %arg9[%dma_wait3A_80, %dma_wait3A_81] : memref<10240x128xf32, #tpu.memory_space<vmem_shared>> -> memref<10240x128xf32, #tpu.memory_space<vmem_shared>>
        tpu.wait_indirect_dma semaphore(%run_scoped3A_70 : memref<!tpu.dma_semaphore, #tpu.memory_space<semaphore_mem>>) src(%arg14 : memref<128x128xf32, #tpu.memory_space<vmem>>) dst(%dma_wait3A_82 : memref<10240x128xf32, #tpu.memory_space<vmem_shared>>)
        tpu.yield
      }) : () -> ()
      %dma_wait3A_62 = arith.constant 15 : i32
      %dma_wait3A_63 = arith.constant 0 : i32
      %dma_wait3A_64 = tpu.memref_slice %arg11[%dma_wait3A_62, %dma_wait3A_63] : memref<16x128xi32, #tpu.memory_space<vmem>> -> memref<1x128xi32, #tpu.memory_space<vmem>>
      %dma_wait3A_65 = tpu.memref_squeeze %dma_wait3A_64 : memref<1x128xi32, #tpu.memory_space<vmem>> -> memref<128xi32, #tpu.memory_space<vmem>>
      %dma_wait3A_66 = arith.constant 0 : i32
      %dma_wait3A_67 = arith.constant 0 : i32
      %dma_wait3A_68 = tpu.memref_slice %arg2[%dma_wait3A_66, %dma_wait3A_67] : memref<20480x128xf32, #tpu.memory_space<hbm>> -> memref<20480x128xf32, #tpu.memory_space<hbm>>
      tpu.wait_indirect_dma semaphore(%arg17 : memref<!tpu.dma_semaphore, #tpu.memory_space<semaphore_mem>>) src(%dma_wait3A_68 : memref<20480x128xf32, #tpu.memory_space<hbm>>) dst(%arg15 : memref<128x128xf32, #tpu.memory_space<vmem>>)
      %run_scoped3A_69 = arith.constant 15 : i32
      "tpu.region"() ({
        %run_scoped3A_70 = tpu.sem_alloc : memref<!tpu.dma_semaphore, #tpu.memory_space<semaphore_mem>>
        %dma_start3A_71 = arith.constant 0 : i32
        %dma_start3A_72 = tpu.memref_slice %arg12[%run_scoped3A_69, %dma_start3A_71] : memref<16x128xi32, #tpu.memory_space<vmem>> -> memref<1x128xi32, #tpu.memory_space<vmem>>
        %dma_start3A_73 = tpu.memref_squeeze %dma_start3A_72 : memref<1x128xi32, #tpu.memory_space<vmem>> -> memref<128xi32, #tpu.memory_space<vmem>>
        %dma_start3A_74 = arith.constant 0 : i32
        %dma_start3A_75 = arith.constant 0 : i32
        %dma_start3A_76 = tpu.memref_slice %arg9[%dma_start3A_74, %dma_start3A_75] : memref<10240x128xf32, #tpu.memory_space<vmem_shared>> -> memref<10240x128xf32, #tpu.memory_space<vmem_shared>>
        tpu.enqueue_indirect_dma source(%arg15 : memref<128x128xf32, #tpu.memory_space<vmem>>) target(%dma_start3A_76 : memref<10240x128xf32, #tpu.memory_space<vmem_shared>>) offsets(%dma_start3A_73 : memref<128xi32, #tpu.memory_space<vmem>>) semaphore(%run_scoped3A_70 : memref<!tpu.dma_semaphore, #tpu.memory_space<semaphore_mem>>) {add = true}
        %dma_wait3A_77 = arith.constant 0 : i32
        %dma_wait3A_78 = tpu.memref_slice %arg12[%run_scoped3A_69, %dma_wait3A_77] : memref<16x128xi32, #tpu.memory_space<vmem>> -> memref<1x128xi32, #tpu.memory_space<vmem>>
        %dma_wait3A_79 = tpu.memref_squeeze %dma_wait3A_78 : memref<1x128xi32, #tpu.memory_space<vmem>> -> memref<128xi32, #tpu.memory_space<vmem>>
        %dma_wait3A_80 = arith.constant 0 : i32
        %dma_wait3A_81 = arith.constant 0 : i32
        %dma_wait3A_82 = tpu.memref_slice %arg9[%dma_wait3A_80, %dma_wait3A_81] : memref<10240x128xf32, #tpu.memory_space<vmem_shared>> -> memref<10240x128xf32, #tpu.memory_space<vmem_shared>>
        tpu.wait_indirect_dma semaphore(%run_scoped3A_70 : memref<!tpu.dma_semaphore, #tpu.memory_space<semaphore_mem>>) src(%arg15 : memref<128x128xf32, #tpu.memory_space<vmem>>) dst(%dma_wait3A_82 : memref<10240x128xf32, #tpu.memory_space<vmem_shared>>)
        tpu.yield
      }) : () -> ()
    }
    %scan3A_13 = arith.constant 10 : i32
    %mul3A_14 = arith.constant 16 : i32
    %mul3A_15 = arith.muli %arg1, %mul3A_14 : i32
    "tpu.region"() ({
      %run_scoped3A = tpu.sem_alloc : memref<!tpu.dma_semaphore, #tpu.memory_space<semaphore_mem>>
      %dma_start3A = arith.constant 0 : i32
      %dma_start3A_31 = tpu.memref_slice %arg5[%mul3A_15, %dma_start3A] : memref<256x128xi32, #tpu.memory_space<hbm>> -> memref<16x128xi32, #tpu.memory_space<hbm>>
      %dma_start3A_32 = arith.constant 0 : i32
      %dma_start3A_33 = tpu.memref_slice %arg5[%mul3A_15, %dma_start3A_32] : memref<256x128xi32, #tpu.memory_space<hbm>> -> memref<16x128xi32, #tpu.memory_space<hbm>>
      tpu.enqueue_dma source(%dma_start3A_33 : memref<16x128xi32, #tpu.memory_space<hbm>>) target(%arg13 : memref<16x128xi32, #tpu.memory_space<vmem>>) target_semaphore(%run_scoped3A : memref<!tpu.dma_semaphore, #tpu.memory_space<semaphore_mem>>)
      %dma_wait3A = arith.constant 0 : i32
      %dma_wait3A_34 = tpu.memref_slice %arg5[%mul3A_15, %dma_wait3A] : memref<256x128xi32, #tpu.memory_space<hbm>> -> memref<16x128xi32, #tpu.memory_space<hbm>>
      %dma_wait3A_35 = arith.constant 0 : i32
      %dma_wait3A_36 = tpu.memref_slice %arg5[%mul3A_15, %dma_wait3A_35] : memref<256x128xi32, #tpu.memory_space<hbm>> -> memref<16x128xi32, #tpu.memory_space<hbm>>
      tpu.wait_dma2 semaphore(%run_scoped3A : memref<!tpu.dma_semaphore, #tpu.memory_space<semaphore_mem>>) src(%dma_wait3A_36 : memref<16x128xi32, #tpu.memory_space<hbm>>) dst(%arg13 : memref<16x128xi32, #tpu.memory_space<vmem>>)
      tpu.yield
    }) : () -> ()
    %scan3A_16 = arith.constant 0 : i32
    %scan3A_17 = arith.constant 5 : i32
    %scan3A_18 = arith.addi %scan3A_16, %scan3A_17 : i32
    %scan3A_19 = arith.constant 1 : i32
    scf.for %scan3A_31 = %scan3A_16 to %scan3A_18 step %scan3A_19  : i32 {
      %mul3A_32 = arith.constant 10240 : i32
      %mul3A_33 = arith.muli %arg0, %mul3A_32 : i32
      %mul3A_34 = arith.constant 5 : i32
      %mul3A_35 = arith.muli %arg1, %mul3A_34 : i32
      %add3A_36 = arith.addi %mul3A_35, %scan3A_31 : i32
      %mul3A_37 = arith.constant 128 : i32
      %mul3A_38 = arith.muli %add3A_36, %mul3A_37 : i32
      %add3A_39 = arith.addi %mul3A_33, %mul3A_38 : i32
      "tpu.region"() ({
        %run_scoped3A = tpu.sem_alloc : memref<!tpu.dma_semaphore, #tpu.memory_space<semaphore_mem>>
        %dma_start3A = arith.constant 0 : i32
        %dma_start3A_40 = tpu.memref_slice %arg2[%add3A_39, %dma_start3A] : memref<20480x128xf32, #tpu.memory_space<hbm>> -> memref<128x128xf32, #tpu.memory_space<hbm>>
        %dma_start3A_41 = arith.constant 0 : i32
        %dma_start3A_42 = tpu.memref_slice %arg2[%add3A_39, %dma_start3A_41] : memref<20480x128xf32, #tpu.memory_space<hbm>> -> memref<128x128xf32, #tpu.memory_space<hbm>>
        tpu.enqueue_dma source(%dma_start3A_42 : memref<128x128xf32, #tpu.memory_space<hbm>>) target(%arg14 : memref<128x128xf32, #tpu.memory_space<vmem>>) target_semaphore(%run_scoped3A : memref<!tpu.dma_semaphore, #tpu.memory_space<semaphore_mem>>)
        %dma_wait3A = arith.constant 0 : i32
        %dma_wait3A_43 = tpu.memref_slice %arg2[%add3A_39, %dma_wait3A] : memref<20480x128xf32, #tpu.memory_space<hbm>> -> memref<128x128xf32, #tpu.memory_space<hbm>>
        %dma_wait3A_44 = arith.constant 0 : i32
        %dma_wait3A_45 = tpu.memref_slice %arg2[%add3A_39, %dma_wait3A_44] : memref<20480x128xf32, #tpu.memory_space<hbm>> -> memref<128x128xf32, #tpu.memory_space<hbm>>
        tpu.wait_dma2 semaphore(%run_scoped3A : memref<!tpu.dma_semaphore, #tpu.memory_space<semaphore_mem>>) src(%dma_wait3A_45 : memref<128x128xf32, #tpu.memory_space<hbm>>) dst(%arg14 : memref<128x128xf32, #tpu.memory_space<vmem>>)
        tpu.yield
      }) : () -> ()
      "tpu.region"() ({
        %run_scoped3A = tpu.sem_alloc : memref<!tpu.dma_semaphore, #tpu.memory_space<semaphore_mem>>
        %dma_start3A = arith.constant 0 : i32
        %dma_start3A_40 = tpu.memref_slice %arg13[%scan3A_31, %dma_start3A] : memref<16x128xi32, #tpu.memory_space<vmem>> -> memref<1x128xi32, #tpu.memory_space<vmem>>
        %dma_start3A_41 = tpu.memref_squeeze %dma_start3A_40 : memref<1x128xi32, #tpu.memory_space<vmem>> -> memref<128xi32, #tpu.memory_space<vmem>>
        %dma_start3A_42 = arith.constant 0 : i32
        %dma_start3A_43 = arith.constant 0 : i32
        %dma_start3A_44 = tpu.memref_slice %arg10[%dma_start3A_42, %dma_start3A_43] : memref<640x128xf32, #tpu.memory_space<vmem_shared>> -> memref<640x128xf32, #tpu.memory_space<vmem_shared>>
        tpu.enqueue_indirect_dma source(%arg14 : memref<128x128xf32, #tpu.memory_space<vmem>>) target(%dma_start3A_44 : memref<640x128xf32, #tpu.memory_space<vmem_shared>>) offsets(%dma_start3A_41 : memref<128xi32, #tpu.memory_space<vmem>>) semaphore(%run_scoped3A : memref<!tpu.dma_semaphore, #tpu.memory_space<semaphore_mem>>) {add = true}
        %dma_wait3A = arith.constant 0 : i32
        %dma_wait3A_45 = tpu.memref_slice %arg13[%scan3A_31, %dma_wait3A] : memref<16x128xi32, #tpu.memory_space<vmem>> -> memref<1x128xi32, #tpu.memory_space<vmem>>
        %dma_wait3A_46 = tpu.memref_squeeze %dma_wait3A_45 : memref<1x128xi32, #tpu.memory_space<vmem>> -> memref<128xi32, #tpu.memory_space<vmem>>
        %dma_wait3A_47 = arith.constant 0 : i32
        %dma_wait3A_48 = arith.constant 0 : i32
        %dma_wait3A_49 = tpu.memref_slice %arg10[%dma_wait3A_47, %dma_wait3A_48] : memref<640x128xf32, #tpu.memory_space<vmem_shared>> -> memref<640x128xf32, #tpu.memory_space<vmem_shared>>
        tpu.wait_indirect_dma semaphore(%run_scoped3A : memref<!tpu.dma_semaphore, #tpu.memory_space<semaphore_mem>>) src(%arg14 : memref<128x128xf32, #tpu.memory_space<vmem>>) dst(%dma_wait3A_49 : memref<640x128xf32, #tpu.memory_space<vmem_shared>>)
        tpu.yield
      }) : () -> ()
    }
    %scan3A_20 = arith.constant 5 : i32
    %barrier3A_21 = arith.constant 0 : index
    tpu.barrier barrier_id(%barrier3A_21)
    %scan3A_22 = arith.constant 0 : i32
    %scan3A_23 = arith.constant 5 : i32
    %scan3A_24 = arith.addi %scan3A_22, %scan3A_23 : i32
    %scan3A_25 = arith.constant 1 : i32
    scf.for %scan3A_31 = %scan3A_22 to %scan3A_24 step %scan3A_25  : i32 {
      %mul3A_32 = arith.constant 5 : i32
      %mul3A_33 = arith.muli %arg1, %mul3A_32 : i32
      %add3A_34 = arith.addi %mul3A_33, %scan3A_31 : i32
      %mul3A_35 = arith.constant 128 : i32
      %mul3A_36 = arith.muli %add3A_34, %mul3A_35 : i32
      "tpu.region"() ({
        %run_scoped3A = tpu.sem_alloc : memref<!tpu.dma_semaphore, #tpu.memory_space<semaphore_mem>>
        %dma_start3A = arith.constant 0 : i32
        %dma_start3A_37 = tpu.memref_slice %arg9[%mul3A_36, %dma_start3A] : memref<10240x128xf32, #tpu.memory_space<vmem_shared>> -> memref<128x128xf32, #tpu.memory_space<vmem_shared>>
        %dma_start3A_38 = arith.constant 0 : i32
        %dma_start3A_39 = tpu.memref_slice %arg9[%mul3A_36, %dma_start3A_38] : memref<10240x128xf32, #tpu.memory_space<vmem_shared>> -> memref<128x128xf32, #tpu.memory_space<vmem_shared>>
        tpu.enqueue_dma source(%dma_start3A_39 : memref<128x128xf32, #tpu.memory_space<vmem_shared>>) target(%arg14 : memref<128x128xf32, #tpu.memory_space<vmem>>) target_semaphore(%run_scoped3A : memref<!tpu.dma_semaphore, #tpu.memory_space<semaphore_mem>>)
        %dma_wait3A = arith.constant 0 : i32
        %dma_wait3A_40 = tpu.memref_slice %arg9[%mul3A_36, %dma_wait3A] : memref<10240x128xf32, #tpu.memory_space<vmem_shared>> -> memref<128x128xf32, #tpu.memory_space<vmem_shared>>
        %dma_wait3A_41 = arith.constant 0 : i32
        %dma_wait3A_42 = tpu.memref_slice %arg9[%mul3A_36, %dma_wait3A_41] : memref<10240x128xf32, #tpu.memory_space<vmem_shared>> -> memref<128x128xf32, #tpu.memory_space<vmem_shared>>
        tpu.wait_dma2 semaphore(%run_scoped3A : memref<!tpu.dma_semaphore, #tpu.memory_space<semaphore_mem>>) src(%dma_wait3A_42 : memref<128x128xf32, #tpu.memory_space<vmem_shared>>) dst(%arg14 : memref<128x128xf32, #tpu.memory_space<vmem>>)
        tpu.yield
      }) : () -> ()
      "tpu.region"() ({
        %run_scoped3A = tpu.sem_alloc : memref<!tpu.dma_semaphore, #tpu.memory_space<semaphore_mem>>
        %dma_start3A = arith.constant 0 : i32
        %dma_start3A_37 = tpu.memref_slice %arg7[%arg0, %mul3A_36, %dma_start3A] : memref<2x10240x128xf32, #tpu.memory_space<hbm>> -> memref<1x128x128xf32, #tpu.memory_space<hbm>>
        %dma_start3A_38 = tpu.memref_squeeze %dma_start3A_37 : memref<1x128x128xf32, #tpu.memory_space<hbm>> -> memref<128x128xf32, #tpu.memory_space<hbm>>
        %dma_start3A_39 = arith.constant 0 : i32
        %dma_start3A_40 = tpu.memref_slice %arg7[%arg0, %mul3A_36, %dma_start3A_39] : memref<2x10240x128xf32, #tpu.memory_space<hbm>> -> memref<1x128x128xf32, #tpu.memory_space<hbm>>
        %dma_start3A_41 = tpu.memref_squeeze %dma_start3A_40 : memref<1x128x128xf32, #tpu.memory_space<hbm>> -> memref<128x128xf32, #tpu.memory_space<hbm>>
        tpu.enqueue_dma source(%arg14 : memref<128x128xf32, #tpu.memory_space<vmem>>) target(%dma_start3A_41 : memref<128x128xf32, #tpu.memory_space<hbm>>) target_semaphore(%run_scoped3A : memref<!tpu.dma_semaphore, #tpu.memory_space<semaphore_mem>>)
        %dma_wait3A = arith.constant 0 : i32
        %dma_wait3A_42 = tpu.memref_slice %arg7[%arg0, %mul3A_36, %dma_wait3A] : memref<2x10240x128xf32, #tpu.memory_space<hbm>> -> memref<1x128x128xf32, #tpu.memory_space<hbm>>
        %dma_wait3A_43 = tpu.memref_squeeze %dma_wait3A_42 : memref<1x128x128xf32, #tpu.memory_space<hbm>> -> memref<128x128xf32, #tpu.memory_space<hbm>>
        %dma_wait3A_44 = arith.constant 0 : i32
        %dma_wait3A_45 = tpu.memref_slice %arg7[%arg0, %mul3A_36, %dma_wait3A_44] : memref<2x10240x128xf32, #tpu.memory_space<hbm>> -> memref<1x128x128xf32, #tpu.memory_space<hbm>>
        %dma_wait3A_46 = tpu.memref_squeeze %dma_wait3A_45 : memref<1x128x128xf32, #tpu.memory_space<hbm>> -> memref<128x128xf32, #tpu.memory_space<hbm>>
        tpu.wait_dma2 semaphore(%run_scoped3A : memref<!tpu.dma_semaphore, #tpu.memory_space<semaphore_mem>>) src(%arg14 : memref<128x128xf32, #tpu.memory_space<vmem>>) dst(%dma_wait3A_46 : memref<128x128xf32, #tpu.memory_space<hbm>>)
        tpu.yield
      }) : () -> ()
    }
    %scan3A_26 = arith.constant 5 : i32
    %mul3A_27 = arith.constant 40 : i32
    %mul3A_28 = arith.muli %arg1, %mul3A_27 : i32
    "tpu.region"() ({
      %run_scoped3A = tpu.sem_alloc : memref<!tpu.dma_semaphore, #tpu.memory_space<semaphore_mem>>
      %dma_start3A = arith.constant 0 : i32
      %dma_start3A_31 = arith.constant 0 : i32
      %dma_start3A_32 = tpu.memref_slice %arg14[%dma_start3A, %dma_start3A_31] : memref<128x128xf32, #tpu.memory_space<vmem>> -> memref<40x128xf32, #tpu.memory_space<vmem>>
      %dma_start3A_33 = arith.constant 0 : i32
      %dma_start3A_34 = tpu.memref_slice %arg10[%mul3A_28, %dma_start3A_33] : memref<640x128xf32, #tpu.memory_space<vmem_shared>> -> memref<40x128xf32, #tpu.memory_space<vmem_shared>>
      %dma_start3A_35 = arith.constant 0 : i32
      %dma_start3A_36 = arith.constant 0 : i32
      %dma_start3A_37 = tpu.memref_slice %arg14[%dma_start3A_35, %dma_start3A_36] : memref<128x128xf32, #tpu.memory_space<vmem>> -> memref<40x128xf32, #tpu.memory_space<vmem>>
      %dma_start3A_38 = arith.constant 0 : i32
      %dma_start3A_39 = tpu.memref_slice %arg10[%mul3A_28, %dma_start3A_38] : memref<640x128xf32, #tpu.memory_space<vmem_shared>> -> memref<40x128xf32, #tpu.memory_space<vmem_shared>>
      tpu.enqueue_dma source(%dma_start3A_39 : memref<40x128xf32, #tpu.memory_space<vmem_shared>>) target(%dma_start3A_37 : memref<40x128xf32, #tpu.memory_space<vmem>>) target_semaphore(%run_scoped3A : memref<!tpu.dma_semaphore, #tpu.memory_space<semaphore_mem>>)
      %dma_wait3A = arith.constant 0 : i32
      %dma_wait3A_40 = arith.constant 0 : i32
      %dma_wait3A_41 = tpu.memref_slice %arg14[%dma_wait3A, %dma_wait3A_40] : memref<128x128xf32, #tpu.memory_space<vmem>> -> memref<40x128xf32, #tpu.memory_space<vmem>>
      %dma_wait3A_42 = arith.constant 0 : i32
      %dma_wait3A_43 = tpu.memref_slice %arg10[%mul3A_28, %dma_wait3A_42] : memref<640x128xf32, #tpu.memory_space<vmem_shared>> -> memref<40x128xf32, #tpu.memory_space<vmem_shared>>
      %dma_wait3A_44 = arith.constant 0 : i32
      %dma_wait3A_45 = arith.constant 0 : i32
      %dma_wait3A_46 = tpu.memref_slice %arg14[%dma_wait3A_44, %dma_wait3A_45] : memref<128x128xf32, #tpu.memory_space<vmem>> -> memref<40x128xf32, #tpu.memory_space<vmem>>
      %dma_wait3A_47 = arith.constant 0 : i32
      %dma_wait3A_48 = tpu.memref_slice %arg10[%mul3A_28, %dma_wait3A_47] : memref<640x128xf32, #tpu.memory_space<vmem_shared>> -> memref<40x128xf32, #tpu.memory_space<vmem_shared>>
      tpu.wait_dma2 semaphore(%run_scoped3A : memref<!tpu.dma_semaphore, #tpu.memory_space<semaphore_mem>>) src(%dma_wait3A_48 : memref<40x128xf32, #tpu.memory_space<vmem_shared>>) dst(%dma_wait3A_46 : memref<40x128xf32, #tpu.memory_space<vmem>>)
      tpu.yield
    }) : () -> ()
    %mul3A_29 = arith.constant 40 : i32
    %mul3A_30 = arith.muli %arg1, %mul3A_29 : i32
    "tpu.region"() ({
      %run_scoped3A = tpu.sem_alloc : memref<!tpu.dma_semaphore, #tpu.memory_space<semaphore_mem>>
      %dma_start3A = arith.constant 0 : i32
      %dma_start3A_31 = arith.constant 0 : i32
      %dma_start3A_32 = tpu.memref_slice %arg14[%dma_start3A, %dma_start3A_31] : memref<128x128xf32, #tpu.memory_space<vmem>> -> memref<40x128xf32, #tpu.memory_space<vmem>>
      %dma_start3A_33 = arith.constant 0 : i32
      %dma_start3A_34 = tpu.memref_slice %arg8[%arg0, %mul3A_30, %dma_start3A_33] : memref<2x640x128xf32, #tpu.memory_space<hbm>> -> memref<1x40x128xf32, #tpu.memory_space<hbm>>
      %dma_start3A_35 = tpu.memref_squeeze %dma_start3A_34 : memref<1x40x128xf32, #tpu.memory_space<hbm>> -> memref<40x128xf32, #tpu.memory_space<hbm>>
      %dma_start3A_36 = arith.constant 0 : i32
      %dma_start3A_37 = tpu.memref_slice %arg8[%arg0, %mul3A_30, %dma_start3A_36] : memref<2x640x128xf32, #tpu.memory_space<hbm>> -> memref<1x40x128xf32, #tpu.memory_space<hbm>>
      %dma_start3A_38 = tpu.memref_squeeze %dma_start3A_37 : memref<1x40x128xf32, #tpu.memory_space<hbm>> -> memref<40x128xf32, #tpu.memory_space<hbm>>
      %dma_start3A_39 = arith.constant 0 : i32
      %dma_start3A_40 = arith.constant 0 : i32
      %dma_start3A_41 = tpu.memref_slice %arg14[%dma_start3A_39, %dma_start3A_40] : memref<128x128xf32, #tpu.memory_space<vmem>> -> memref<40x128xf32, #tpu.memory_space<vmem>>
      tpu.enqueue_dma source(%dma_start3A_41 : memref<40x128xf32, #tpu.memory_space<vmem>>) target(%dma_start3A_38 : memref<40x128xf32, #tpu.memory_space<hbm>>) target_semaphore(%run_scoped3A : memref<!tpu.dma_semaphore, #tpu.memory_space<semaphore_mem>>)
      %dma_wait3A = arith.constant 0 : i32
      %dma_wait3A_42 = arith.constant 0 : i32
      %dma_wait3A_43 = tpu.memref_slice %arg14[%dma_wait3A, %dma_wait3A_42] : memref<128x128xf32, #tpu.memory_space<vmem>> -> memref<40x128xf32, #tpu.memory_space<vmem>>
      %dma_wait3A_44 = arith.constant 0 : i32
      %dma_wait3A_45 = tpu.memref_slice %arg8[%arg0, %mul3A_30, %dma_wait3A_44] : memref<2x640x128xf32, #tpu.memory_space<hbm>> -> memref<1x40x128xf32, #tpu.memory_space<hbm>>
      %dma_wait3A_46 = tpu.memref_squeeze %dma_wait3A_45 : memref<1x40x128xf32, #tpu.memory_space<hbm>> -> memref<40x128xf32, #tpu.memory_space<hbm>>
      %dma_wait3A_47 = arith.constant 0 : i32
      %dma_wait3A_48 = tpu.memref_slice %arg8[%arg0, %mul3A_30, %dma_wait3A_47] : memref<2x640x128xf32, #tpu.memory_space<hbm>> -> memref<1x40x128xf32, #tpu.memory_space<hbm>>
      %dma_wait3A_49 = tpu.memref_squeeze %dma_wait3A_48 : memref<1x40x128xf32, #tpu.memory_space<hbm>> -> memref<40x128xf32, #tpu.memory_space<hbm>>
      %dma_wait3A_50 = arith.constant 0 : i32
      %dma_wait3A_51 = arith.constant 0 : i32
      %dma_wait3A_52 = tpu.memref_slice %arg14[%dma_wait3A_50, %dma_wait3A_51] : memref<128x128xf32, #tpu.memory_space<vmem>> -> memref<40x128xf32, #tpu.memory_space<vmem>>
      tpu.wait_dma2 semaphore(%run_scoped3A : memref<!tpu.dma_semaphore, #tpu.memory_space<semaphore_mem>>) src(%dma_wait3A_52 : memref<40x128xf32, #tpu.memory_space<vmem>>) dst(%dma_wait3A_49 : memref<40x128xf32, #tpu.memory_space<hbm>>)
      tpu.yield
    }) : () -> ()
    return
  }
}

#map = affine_map<(d0, d1) -> (0, 0)>
#map1 = affine_map<(d0, d1) -> (0, 0, 0)>
module attributes {stable_mosaic.version = 14 : i64} {
  func.func @_sc_agg_h(%arg0: i32, %arg1: i32, %arg2: memref<20480x128xf32, #tpu.memory_space<hbm>>, %arg3: memref<5120x128xi32, #tpu.memory_space<hbm>>, %arg4: memref<5120x128xi32, #tpu.memory_space<hbm>>, %arg5: memref<256x128xi32, #tpu.memory_space<hbm>>, %arg6: memref<128x128xf32, #tpu.memory_space<hbm>>, %arg7: memref<2x10240x128xf32, #tpu.memory_space<hbm>>, %arg8: memref<2x640x128xf32, #tpu.memory_space<hbm>>, %arg9: memref<10240x128xf32, #tpu.memory_space<vmem_shared>>, %arg10: memref<640x128xf32, #tpu.memory_space<vmem_shared>>, %arg11: memref<16x128xi32, #tpu.memory_space<vmem>>, %arg12: memref<16x128xi32, #tpu.memory_space<vmem>>, %arg13: memref<16x128xi32, #tpu.memory_space<vmem>>, %arg14: memref<128x128xf32, #tpu.memory_space<vmem>>, %arg15: memref<128x128xf32, #tpu.memory_space<vmem>>, %arg16: memref<!tpu.dma_semaphore, #tpu.memory_space<semaphore_mem>>, %arg17: memref<!tpu.dma_semaphore, #tpu.memory_space<semaphore_mem>>) attributes {dimension_semantics = [#tpu.dimension_semantics<core_parallel>, #tpu.dimension_semantics<subcore_parallel>], iteration_bounds = array<i64: 2, 16>, scalar_prefetch = 0 : i64, scratch_operands = 9 : i64, tpu.core_type = #tpu.core_type<sc_vector_subcore>, window_params = [{transform_indices = #map}, {transform_indices = #map}, {transform_indices = #map}, {transform_indices = #map}, {transform_indices = #map}, {transform_indices = #map1}, {transform_indices = #map1}]} {
    "tpu.region"() ({
      %run_scoped3A = tpu.sem_alloc : memref<!tpu.dma_semaphore, #tpu.memory_space<semaphore_mem>>
      tpu.enqueue_dma source(%arg6 : memref<128x128xf32, #tpu.memory_space<hbm>>) target(%arg14 : memref<128x128xf32, #tpu.memory_space<vmem>>) target_semaphore(%run_scoped3A : memref<!tpu.dma_semaphore, #tpu.memory_space<semaphore_mem>>)
      tpu.wait_dma2 semaphore(%run_scoped3A : memref<!tpu.dma_semaphore, #tpu.memory_space<semaphore_mem>>) src(%arg6 : memref<128x128xf32, #tpu.memory_space<hbm>>) dst(%arg14 : memref<128x128xf32, #tpu.memory_space<vmem>>)
      tpu.yield
    }) : () -> ()
    %scan3A = arith.constant 0 : i32
    %scan3A_0 = arith.constant 5 : i32
    %scan3A_1 = arith.addi %scan3A, %scan3A_0 : i32
    %scan3A_2 = arith.constant 1 : i32
    scf.for %scan3A_31 = %scan3A to %scan3A_1 step %scan3A_2  : i32 {
      %mul3A_32 = arith.constant 5 : i32
      %mul3A_33 = arith.muli %arg1, %mul3A_32 : i32
      %add3A_34 = arith.addi %mul3A_33, %scan3A_31 : i32
      %mul3A_35 = arith.constant 128 : i32
      %mul3A_36 = arith.muli %add3A_34, %mul3A_35 : i32
      "tpu.region"() ({
        %run_scoped3A = tpu.sem_alloc : memref<!tpu.dma_semaphore, #tpu.memory_space<semaphore_mem>>
        %dma_start3A = arith.constant 0 : i32
        %dma_start3A_37 = tpu.memref_slice %arg9[%mul3A_36, %dma_start3A] : memref<10240x128xf32, #tpu.memory_space<vmem_shared>> -> memref<128x128xf32, #tpu.memory_space<vmem_shared>>
        %dma_start3A_38 = arith.constant 0 : i32
        %dma_start3A_39 = tpu.memref_slice %arg9[%mul3A_36, %dma_start3A_38] : memref<10240x128xf32, #tpu.memory_space<vmem_shared>> -> memref<128x128xf32, #tpu.memory_space<vmem_shared>>
        tpu.enqueue_dma source(%arg14 : memref<128x128xf32, #tpu.memory_space<vmem>>) target(%dma_start3A_39 : memref<128x128xf32, #tpu.memory_space<vmem_shared>>) target_semaphore(%run_scoped3A : memref<!tpu.dma_semaphore, #tpu.memory_space<semaphore_mem>>)
        %dma_wait3A = arith.constant 0 : i32
        %dma_wait3A_40 = tpu.memref_slice %arg9[%mul3A_36, %dma_wait3A] : memref<10240x128xf32, #tpu.memory_space<vmem_shared>> -> memref<128x128xf32, #tpu.memory_space<vmem_shared>>
        %dma_wait3A_41 = arith.constant 0 : i32
        %dma_wait3A_42 = tpu.memref_slice %arg9[%mul3A_36, %dma_wait3A_41] : memref<10240x128xf32, #tpu.memory_space<vmem_shared>> -> memref<128x128xf32, #tpu.memory_space<vmem_shared>>
        tpu.wait_dma2 semaphore(%run_scoped3A : memref<!tpu.dma_semaphore, #tpu.memory_space<semaphore_mem>>) src(%arg14 : memref<128x128xf32, #tpu.memory_space<vmem>>) dst(%dma_wait3A_42 : memref<128x128xf32, #tpu.memory_space<vmem_shared>>)
        tpu.yield
      }) : () -> ()
    }
    %scan3A_3 = arith.constant 5 : i32
    %mul3A = arith.constant 40 : i32
    %mul3A_4 = arith.muli %arg1, %mul3A : i32
    "tpu.region"() ({
      %run_scoped3A = tpu.sem_alloc : memref<!tpu.dma_semaphore, #tpu.memory_space<semaphore_mem>>
      %dma_start3A = arith.constant 0 : i32
      %dma_start3A_31 = arith.constant 0 : i32
      %dma_start3A_32 = tpu.memref_slice %arg14[%dma_start3A, %dma_start3A_31] : memref<128x128xf32, #tpu.memory_space<vmem>> -> memref<40x128xf32, #tpu.memory_space<vmem>>
      %dma_start3A_33 = arith.constant 0 : i32
      %dma_start3A_34 = tpu.memref_slice %arg10[%mul3A_4, %dma_start3A_33] : memref<640x128xf32, #tpu.memory_space<vmem_shared>> -> memref<40x128xf32, #tpu.memory_space<vmem_shared>>
      %dma_start3A_35 = arith.constant 0 : i32
      %dma_start3A_36 = tpu.memref_slice %arg10[%mul3A_4, %dma_start3A_35] : memref<640x128xf32, #tpu.memory_space<vmem_shared>> -> memref<40x128xf32, #tpu.memory_space<vmem_shared>>
      %dma_start3A_37 = arith.constant 0 : i32
      %dma_start3A_38 = arith.constant 0 : i32
      %dma_start3A_39 = tpu.memref_slice %arg14[%dma_start3A_37, %dma_start3A_38] : memref<128x128xf32, #tpu.memory_space<vmem>> -> memref<40x128xf32, #tpu.memory_space<vmem>>
      tpu.enqueue_dma source(%dma_start3A_39 : memref<40x128xf32, #tpu.memory_space<vmem>>) target(%dma_start3A_36 : memref<40x128xf32, #tpu.memory_space<vmem_shared>>) target_semaphore(%run_scoped3A : memref<!tpu.dma_semaphore, #tpu.memory_space<semaphore_mem>>)
      %dma_wait3A = arith.constant 0 : i32
      %dma_wait3A_40 = arith.constant 0 : i32
      %dma_wait3A_41 = tpu.memref_slice %arg14[%dma_wait3A, %dma_wait3A_40] : memref<128x128xf32, #tpu.memory_space<vmem>> -> memref<40x128xf32, #tpu.memory_space<vmem>>
      %dma_wait3A_42 = arith.constant 0 : i32
      %dma_wait3A_43 = tpu.memref_slice %arg10[%mul3A_4, %dma_wait3A_42] : memref<640x128xf32, #tpu.memory_space<vmem_shared>> -> memref<40x128xf32, #tpu.memory_space<vmem_shared>>
      %dma_wait3A_44 = arith.constant 0 : i32
      %dma_wait3A_45 = tpu.memref_slice %arg10[%mul3A_4, %dma_wait3A_44] : memref<640x128xf32, #tpu.memory_space<vmem_shared>> -> memref<40x128xf32, #tpu.memory_space<vmem_shared>>
      %dma_wait3A_46 = arith.constant 0 : i32
      %dma_wait3A_47 = arith.constant 0 : i32
      %dma_wait3A_48 = tpu.memref_slice %arg14[%dma_wait3A_46, %dma_wait3A_47] : memref<128x128xf32, #tpu.memory_space<vmem>> -> memref<40x128xf32, #tpu.memory_space<vmem>>
      tpu.wait_dma2 semaphore(%run_scoped3A : memref<!tpu.dma_semaphore, #tpu.memory_space<semaphore_mem>>) src(%dma_wait3A_48 : memref<40x128xf32, #tpu.memory_space<vmem>>) dst(%dma_wait3A_45 : memref<40x128xf32, #tpu.memory_space<vmem_shared>>)
      tpu.yield
    }) : () -> ()
    %barrier3A = arith.constant 0 : index
    tpu.barrier barrier_id(%barrier3A)
    %mul3A_5 = arith.constant 2560 : i32
    %mul3A_6 = arith.muli %arg0, %mul3A_5 : i32
    %mul3A_7 = arith.constant 160 : i32
    %mul3A_8 = arith.muli %arg1, %mul3A_7 : i32
    %add3A = arith.addi %mul3A_6, %mul3A_8 : i32
    %scan3A_9 = arith.constant 0 : i32
    %scan3A_10 = arith.constant 10 : i32
    %scan3A_11 = arith.addi %scan3A_9, %scan3A_10 : i32
    %scan3A_12 = arith.constant 1 : i32
    scf.for %scan3A_31 = %scan3A_9 to %scan3A_11 step %scan3A_12  : i32 {
      %mul3A_32 = arith.constant 16 : i32
      %mul3A_33 = arith.muli %scan3A_31, %mul3A_32 : i32
      %add3A_34 = arith.addi %add3A, %mul3A_33 : i32
      "tpu.region"() ({
        %run_scoped3A_70 = tpu.sem_alloc : memref<!tpu.dma_semaphore, #tpu.memory_space<semaphore_mem>>
        %dma_start3A_71 = arith.constant 0 : i32
        %dma_start3A_72 = tpu.memref_slice %arg3[%add3A_34, %dma_start3A_71] : memref<5120x128xi32, #tpu.memory_space<hbm>> -> memref<16x128xi32, #tpu.memory_space<hbm>>
        %dma_start3A_73 = arith.constant 0 : i32
        %dma_start3A_74 = tpu.memref_slice %arg3[%add3A_34, %dma_start3A_73] : memref<5120x128xi32, #tpu.memory_space<hbm>> -> memref<16x128xi32, #tpu.memory_space<hbm>>
        tpu.enqueue_dma source(%dma_start3A_74 : memref<16x128xi32, #tpu.memory_space<hbm>>) target(%arg11 : memref<16x128xi32, #tpu.memory_space<vmem>>) target_semaphore(%run_scoped3A_70 : memref<!tpu.dma_semaphore, #tpu.memory_space<semaphore_mem>>)
        %dma_wait3A_75 = arith.constant 0 : i32
        %dma_wait3A_76 = tpu.memref_slice %arg3[%add3A_34, %dma_wait3A_75] : memref<5120x128xi32, #tpu.memory_space<hbm>> -> memref<16x128xi32, #tpu.memory_space<hbm>>
        %dma_wait3A_77 = arith.constant 0 : i32
        %dma_wait3A_78 = tpu.memref_slice %arg3[%add3A_34, %dma_wait3A_77] : memref<5120x128xi32, #tpu.memory_space<hbm>> -> memref<16x128xi32, #tpu.memory_space<hbm>>
        tpu.wait_dma2 semaphore(%run_scoped3A_70 : memref<!tpu.dma_semaphore, #tpu.memory_space<semaphore_mem>>) src(%dma_wait3A_78 : memref<16x128xi32, #tpu.memory_space<hbm>>) dst(%arg11 : memref<16x128xi32, #tpu.memory_space<vmem>>)
        tpu.yield
      }) : () -> ()
      %mul3A_35 = arith.constant 16 : i32
      %mul3A_36 = arith.muli %scan3A_31, %mul3A_35 : i32
      %add3A_37 = arith.addi %add3A, %mul3A_36 : i32
      "tpu.region"() ({
        %run_scoped3A_70 = tpu.sem_alloc : memref<!tpu.dma_semaphore, #tpu.memory_space<semaphore_mem>>
        %dma_start3A_71 = arith.constant 0 : i32
        %dma_start3A_72 = tpu.memref_slice %arg4[%add3A_37, %dma_start3A_71] : memref<5120x128xi32, #tpu.memory_space<hbm>> -> memref<16x128xi32, #tpu.memory_space<hbm>>
        %dma_start3A_73 = arith.constant 0 : i32
        %dma_start3A_74 = tpu.memref_slice %arg4[%add3A_37, %dma_start3A_73] : memref<5120x128xi32, #tpu.memory_space<hbm>> -> memref<16x128xi32, #tpu.memory_space<hbm>>
        tpu.enqueue_dma source(%dma_start3A_74 : memref<16x128xi32, #tpu.memory_space<hbm>>) target(%arg12 : memref<16x128xi32, #tpu.memory_space<vmem>>) target_semaphore(%run_scoped3A_70 : memref<!tpu.dma_semaphore, #tpu.memory_space<semaphore_mem>>)
        %dma_wait3A_75 = arith.constant 0 : i32
        %dma_wait3A_76 = tpu.memref_slice %arg4[%add3A_37, %dma_wait3A_75] : memref<5120x128xi32, #tpu.memory_space<hbm>> -> memref<16x128xi32, #tpu.memory_space<hbm>>
        %dma_wait3A_77 = arith.constant 0 : i32
        %dma_wait3A_78 = tpu.memref_slice %arg4[%add3A_37, %dma_wait3A_77] : memref<5120x128xi32, #tpu.memory_space<hbm>> -> memref<16x128xi32, #tpu.memory_space<hbm>>
        tpu.wait_dma2 semaphore(%run_scoped3A_70 : memref<!tpu.dma_semaphore, #tpu.memory_space<semaphore_mem>>) src(%dma_wait3A_78 : memref<16x128xi32, #tpu.memory_space<hbm>>) dst(%arg12 : memref<16x128xi32, #tpu.memory_space<vmem>>)
        tpu.yield
      }) : () -> ()
      %dma_start3A = arith.constant 0 : i32
      %dma_start3A_38 = arith.constant 0 : i32
      %dma_start3A_39 = tpu.memref_slice %arg11[%dma_start3A, %dma_start3A_38] : memref<16x128xi32, #tpu.memory_space<vmem>> -> memref<1x128xi32, #tpu.memory_space<vmem>>
      %dma_start3A_40 = tpu.memref_squeeze %dma_start3A_39 : memref<1x128xi32, #tpu.memory_space<vmem>> -> memref<128xi32, #tpu.memory_space<vmem>>
      %dma_start3A_41 = arith.constant 0 : i32
      %dma_start3A_42 = arith.constant 0 : i32
      %dma_start3A_43 = tpu.memref_slice %arg2[%dma_start3A_41, %dma_start3A_42] : memref<20480x128xf32, #tpu.memory_space<hbm>> -> memref<20480x128xf32, #tpu.memory_space<hbm>>
      tpu.enqueue_indirect_dma source(%dma_start3A_43 : memref<20480x128xf32, #tpu.memory_space<hbm>>) target(%arg14 : memref<128x128xf32, #tpu.memory_space<vmem>>) offsets(%dma_start3A_40 : memref<128xi32, #tpu.memory_space<vmem>>) semaphore(%arg16 : memref<!tpu.dma_semaphore, #tpu.memory_space<semaphore_mem>>)
      %dma_start3A_44 = arith.constant 1 : i32
      %dma_start3A_45 = arith.constant 0 : i32
      %dma_start3A_46 = tpu.memref_slice %arg11[%dma_start3A_44, %dma_start3A_45] : memref<16x128xi32, #tpu.memory_space<vmem>> -> memref<1x128xi32, #tpu.memory_space<vmem>>
      %dma_start3A_47 = tpu.memref_squeeze %dma_start3A_46 : memref<1x128xi32, #tpu.memory_space<vmem>> -> memref<128xi32, #tpu.memory_space<vmem>>
      %dma_start3A_48 = arith.constant 0 : i32
      %dma_start3A_49 = arith.constant 0 : i32
      %dma_start3A_50 = tpu.memref_slice %arg2[%dma_start3A_48, %dma_start3A_49] : memref<20480x128xf32, #tpu.memory_space<hbm>> -> memref<20480x128xf32, #tpu.memory_space<hbm>>
      tpu.enqueue_indirect_dma source(%dma_start3A_50 : memref<20480x128xf32, #tpu.memory_space<hbm>>) target(%arg15 : memref<128x128xf32, #tpu.memory_space<vmem>>) offsets(%dma_start3A_47 : memref<128xi32, #tpu.memory_space<vmem>>) semaphore(%arg17 : memref<!tpu.dma_semaphore, #tpu.memory_space<semaphore_mem>>)
      %scan3A_51 = arith.constant 0 : i32
      %scan3A_52 = arith.constant 7 : i32
      %scan3A_53 = arith.addi %scan3A_51, %scan3A_52 : i32
      %scan3A_54 = arith.constant 1 : i32
      scf.for %scan3A_70 = %scan3A_51 to %scan3A_53 step %scan3A_54  : i32 {
        %mul3A_71 = arith.constant 2 : i32
        %mul3A_72 = arith.muli %scan3A_70, %mul3A_71 : i32
        %add3A_73 = arith.constant 0 : i32
        %add3A_74 = arith.addi %mul3A_72, %add3A_73 : i32
        %dma_wait3A_75 = arith.constant 0 : i32
        %dma_wait3A_76 = tpu.memref_slice %arg11[%add3A_74, %dma_wait3A_75] : memref<16x128xi32, #tpu.memory_space<vmem>> -> memref<1x128xi32, #tpu.memory_space<vmem>>
        %dma_wait3A_77 = tpu.memref_squeeze %dma_wait3A_76 : memref<1x128xi32, #tpu.memory_space<vmem>> -> memref<128xi32, #tpu.memory_space<vmem>>
        %dma_wait3A_78 = arith.constant 0 : i32
        %dma_wait3A_79 = arith.constant 0 : i32
        %dma_wait3A_80 = tpu.memref_slice %arg2[%dma_wait3A_78, %dma_wait3A_79] : memref<20480x128xf32, #tpu.memory_space<hbm>> -> memref<20480x128xf32, #tpu.memory_space<hbm>>
        tpu.wait_indirect_dma semaphore(%arg16 : memref<!tpu.dma_semaphore, #tpu.memory_space<semaphore_mem>>) src(%dma_wait3A_80 : memref<20480x128xf32, #tpu.memory_space<hbm>>) dst(%arg14 : memref<128x128xf32, #tpu.memory_space<vmem>>)
        %add3A_81 = arith.constant 0 : i32
        %add3A_82 = arith.addi %mul3A_72, %add3A_81 : i32
        "tpu.region"() ({
          %run_scoped3A_113 = tpu.sem_alloc : memref<!tpu.dma_semaphore, #tpu.memory_space<semaphore_mem>>
          %dma_start3A_114 = arith.constant 0 : i32
          %dma_start3A_115 = tpu.memref_slice %arg12[%add3A_82, %dma_start3A_114] : memref<16x128xi32, #tpu.memory_space<vmem>> -> memref<1x128xi32, #tpu.memory_space<vmem>>
          %dma_start3A_116 = tpu.memref_squeeze %dma_start3A_115 : memref<1x128xi32, #tpu.memory_space<vmem>> -> memref<128xi32, #tpu.memory_space<vmem>>
          %dma_start3A_117 = arith.constant 0 : i32
          %dma_start3A_118 = arith.constant 0 : i32
          %dma_start3A_119 = tpu.memref_slice %arg9[%dma_start3A_117, %dma_start3A_118] : memref<10240x128xf32, #tpu.memory_space<vmem_shared>> -> memref<10240x128xf32, #tpu.memory_space<vmem_shared>>
          tpu.enqueue_indirect_dma source(%arg14 : memref<128x128xf32, #tpu.memory_space<vmem>>) target(%dma_start3A_119 : memref<10240x128xf32, #tpu.memory_space<vmem_shared>>) offsets(%dma_start3A_116 : memref<128xi32, #tpu.memory_space<vmem>>) semaphore(%run_scoped3A_113 : memref<!tpu.dma_semaphore, #tpu.memory_space<semaphore_mem>>) {add = true}
          %dma_wait3A_120 = arith.constant 0 : i32
          %dma_wait3A_121 = tpu.memref_slice %arg12[%add3A_82, %dma_wait3A_120] : memref<16x128xi32, #tpu.memory_space<vmem>> -> memref<1x128xi32, #tpu.memory_space<vmem>>
          %dma_wait3A_122 = tpu.memref_squeeze %dma_wait3A_121 : memref<1x128xi32, #tpu.memory_space<vmem>> -> memref<128xi32, #tpu.memory_space<vmem>>
          %dma_wait3A_123 = arith.constant 0 : i32
          %dma_wait3A_124 = arith.constant 0 : i32
          %dma_wait3A_125 = tpu.memref_slice %arg9[%dma_wait3A_123, %dma_wait3A_124] : memref<10240x128xf32, #tpu.memory_space<vmem_shared>> -> memref<10240x128xf32, #tpu.memory_space<vmem_shared>>
          tpu.wait_indirect_dma semaphore(%run_scoped3A_113 : memref<!tpu.dma_semaphore, #tpu.memory_space<semaphore_mem>>) src(%arg14 : memref<128x128xf32, #tpu.memory_space<vmem>>) dst(%dma_wait3A_125 : memref<10240x128xf32, #tpu.memory_space<vmem_shared>>)
          tpu.yield
        }) : () -> ()
        %add3A_83 = arith.constant 2 : i32
        %add3A_84 = arith.addi %mul3A_72, %add3A_83 : i32
        %add3A_85 = arith.constant 0 : i32
        %add3A_86 = arith.addi %add3A_84, %add3A_85 : i32
        %dma_start3A_87 = arith.constant 0 : i32
        %dma_start3A_88 = tpu.memref_slice %arg11[%add3A_86, %dma_start3A_87] : memref<16x128xi32, #tpu.memory_space<vmem>> -> memref<1x128xi32, #tpu.memory_space<vmem>>
        %dma_start3A_89 = tpu.memref_squeeze %dma_start3A_88 : memref<1x128xi32, #tpu.memory_space<vmem>> -> memref<128xi32, #tpu.memory_space<vmem>>
        %dma_start3A_90 = arith.constant 0 : i32
        %dma_start3A_91 = arith.constant 0 : i32
        %dma_start3A_92 = tpu.memref_slice %arg2[%dma_start3A_90, %dma_start3A_91] : memref<20480x128xf32, #tpu.memory_space<hbm>> -> memref<20480x128xf32, #tpu.memory_space<hbm>>
        tpu.enqueue_indirect_dma source(%dma_start3A_92 : memref<20480x128xf32, #tpu.memory_space<hbm>>) target(%arg14 : memref<128x128xf32, #tpu.memory_space<vmem>>) offsets(%dma_start3A_89 : memref<128xi32, #tpu.memory_space<vmem>>) semaphore(%arg16 : memref<!tpu.dma_semaphore, #tpu.memory_space<semaphore_mem>>)
        %add3A_93 = arith.constant 1 : i32
        %add3A_94 = arith.addi %mul3A_72, %add3A_93 : i32
        %dma_wait3A_95 = arith.constant 0 : i32
        %dma_wait3A_96 = tpu.memref_slice %arg11[%add3A_94, %dma_wait3A_95] : memref<16x128xi32, #tpu.memory_space<vmem>> -> memref<1x128xi32, #tpu.memory_space<vmem>>
        %dma_wait3A_97 = tpu.memref_squeeze %dma_wait3A_96 : memref<1x128xi32, #tpu.memory_space<vmem>> -> memref<128xi32, #tpu.memory_space<vmem>>
        %dma_wait3A_98 = arith.constant 0 : i32
        %dma_wait3A_99 = arith.constant 0 : i32
        %dma_wait3A_100 = tpu.memref_slice %arg2[%dma_wait3A_98, %dma_wait3A_99] : memref<20480x128xf32, #tpu.memory_space<hbm>> -> memref<20480x128xf32, #tpu.memory_space<hbm>>
        tpu.wait_indirect_dma semaphore(%arg17 : memref<!tpu.dma_semaphore, #tpu.memory_space<semaphore_mem>>) src(%dma_wait3A_100 : memref<20480x128xf32, #tpu.memory_space<hbm>>) dst(%arg15 : memref<128x128xf32, #tpu.memory_space<vmem>>)
        %add3A_101 = arith.constant 1 : i32
        %add3A_102 = arith.addi %mul3A_72, %add3A_101 : i32
        "tpu.region"() ({
          %run_scoped3A_113 = tpu.sem_alloc : memref<!tpu.dma_semaphore, #tpu.memory_space<semaphore_mem>>
          %dma_start3A_114 = arith.constant 0 : i32
          %dma_start3A_115 = tpu.memref_slice %arg12[%add3A_102, %dma_start3A_114] : memref<16x128xi32, #tpu.memory_space<vmem>> -> memref<1x128xi32, #tpu.memory_space<vmem>>
          %dma_start3A_116 = tpu.memref_squeeze %dma_start3A_115 : memref<1x128xi32, #tpu.memory_space<vmem>> -> memref<128xi32, #tpu.memory_space<vmem>>
          %dma_start3A_117 = arith.constant 0 : i32
          %dma_start3A_118 = arith.constant 0 : i32
          %dma_start3A_119 = tpu.memref_slice %arg9[%dma_start3A_117, %dma_start3A_118] : memref<10240x128xf32, #tpu.memory_space<vmem_shared>> -> memref<10240x128xf32, #tpu.memory_space<vmem_shared>>
          tpu.enqueue_indirect_dma source(%arg15 : memref<128x128xf32, #tpu.memory_space<vmem>>) target(%dma_start3A_119 : memref<10240x128xf32, #tpu.memory_space<vmem_shared>>) offsets(%dma_start3A_116 : memref<128xi32, #tpu.memory_space<vmem>>) semaphore(%run_scoped3A_113 : memref<!tpu.dma_semaphore, #tpu.memory_space<semaphore_mem>>) {add = true}
          %dma_wait3A_120 = arith.constant 0 : i32
          %dma_wait3A_121 = tpu.memref_slice %arg12[%add3A_102, %dma_wait3A_120] : memref<16x128xi32, #tpu.memory_space<vmem>> -> memref<1x128xi32, #tpu.memory_space<vmem>>
          %dma_wait3A_122 = tpu.memref_squeeze %dma_wait3A_121 : memref<1x128xi32, #tpu.memory_space<vmem>> -> memref<128xi32, #tpu.memory_space<vmem>>
          %dma_wait3A_123 = arith.constant 0 : i32
          %dma_wait3A_124 = arith.constant 0 : i32
          %dma_wait3A_125 = tpu.memref_slice %arg9[%dma_wait3A_123, %dma_wait3A_124] : memref<10240x128xf32, #tpu.memory_space<vmem_shared>> -> memref<10240x128xf32, #tpu.memory_space<vmem_shared>>
          tpu.wait_indirect_dma semaphore(%run_scoped3A_113 : memref<!tpu.dma_semaphore, #tpu.memory_space<semaphore_mem>>) src(%arg15 : memref<128x128xf32, #tpu.memory_space<vmem>>) dst(%dma_wait3A_125 : memref<10240x128xf32, #tpu.memory_space<vmem_shared>>)
          tpu.yield
        }) : () -> ()
        %add3A_103 = arith.constant 2 : i32
        %add3A_104 = arith.addi %mul3A_72, %add3A_103 : i32
        %add3A_105 = arith.constant 1 : i32
        %add3A_106 = arith.addi %add3A_104, %add3A_105 : i32
        %dma_start3A_107 = arith.constant 0 : i32
        %dma_start3A_108 = tpu.memref_slice %arg11[%add3A_106, %dma_start3A_107] : memref<16x128xi32, #tpu.memory_space<vmem>> -> memref<1x128xi32, #tpu.memory_space<vmem>>
        %dma_start3A_109 = tpu.memref_squeeze %dma_start3A_108 : memref<1x128xi32, #tpu.memory_space<vmem>> -> memref<128xi32, #tpu.memory_space<vmem>>
        %dma_start3A_110 = arith.constant 0 : i32
        %dma_start3A_111 = arith.constant 0 : i32
        %dma_start3A_112 = tpu.memref_slice %arg2[%dma_start3A_110, %dma_start3A_111] : memref<20480x128xf32, #tpu.memory_space<hbm>> -> memref<20480x128xf32, #tpu.memory_space<hbm>>
        tpu.enqueue_indirect_dma source(%dma_start3A_112 : memref<20480x128xf32, #tpu.memory_space<hbm>>) target(%arg15 : memref<128x128xf32, #tpu.memory_space<vmem>>) offsets(%dma_start3A_109 : memref<128xi32, #tpu.memory_space<vmem>>) semaphore(%arg17 : memref<!tpu.dma_semaphore, #tpu.memory_space<semaphore_mem>>)
      }
      %scan3A_55 = arith.constant 7 : i32
      %dma_wait3A = arith.constant 14 : i32
      %dma_wait3A_56 = arith.constant 0 : i32
      %dma_wait3A_57 = tpu.memref_slice %arg11[%dma_wait3A, %dma_wait3A_56] : memref<16x128xi32, #tpu.memory_space<vmem>> -> memref<1x128xi32, #tpu.memory_space<vmem>>
      %dma_wait3A_58 = tpu.memref_squeeze %dma_wait3A_57 : memref<1x128xi32, #tpu.memory_space<vmem>> -> memref<128xi32, #tpu.memory_space<vmem>>
      %dma_wait3A_59 = arith.constant 0 : i32
      %dma_wait3A_60 = arith.constant 0 : i32
      %dma_wait3A_61 = tpu.memref_slice %arg2[%dma_wait3A_59, %dma_wait3A_60] : memref<20480x128xf32, #tpu.memory_space<hbm>> -> memref<20480x128xf32, #tpu.memory_space<hbm>>
      tpu.wait_indirect_dma semaphore(%arg16 : memref<!tpu.dma_semaphore, #tpu.memory_space<semaphore_mem>>) src(%dma_wait3A_61 : memref<20480x128xf32, #tpu.memory_space<hbm>>) dst(%arg14 : memref<128x128xf32, #tpu.memory_space<vmem>>)
      %run_scoped3A = arith.constant 14 : i32
      "tpu.region"() ({
        %run_scoped3A_70 = tpu.sem_alloc : memref<!tpu.dma_semaphore, #tpu.memory_space<semaphore_mem>>
        %dma_start3A_71 = arith.constant 0 : i32
        %dma_start3A_72 = tpu.memref_slice %arg12[%run_scoped3A, %dma_start3A_71] : memref<16x128xi32, #tpu.memory_space<vmem>> -> memref<1x128xi32, #tpu.memory_space<vmem>>
        %dma_start3A_73 = tpu.memref_squeeze %dma_start3A_72 : memref<1x128xi32, #tpu.memory_space<vmem>> -> memref<128xi32, #tpu.memory_space<vmem>>
        %dma_start3A_74 = arith.constant 0 : i32
        %dma_start3A_75 = arith.constant 0 : i32
        %dma_start3A_76 = tpu.memref_slice %arg9[%dma_start3A_74, %dma_start3A_75] : memref<10240x128xf32, #tpu.memory_space<vmem_shared>> -> memref<10240x128xf32, #tpu.memory_space<vmem_shared>>
        tpu.enqueue_indirect_dma source(%arg14 : memref<128x128xf32, #tpu.memory_space<vmem>>) target(%dma_start3A_76 : memref<10240x128xf32, #tpu.memory_space<vmem_shared>>) offsets(%dma_start3A_73 : memref<128xi32, #tpu.memory_space<vmem>>) semaphore(%run_scoped3A_70 : memref<!tpu.dma_semaphore, #tpu.memory_space<semaphore_mem>>) {add = true}
        %dma_wait3A_77 = arith.constant 0 : i32
        %dma_wait3A_78 = tpu.memref_slice %arg12[%run_scoped3A, %dma_wait3A_77] : memref<16x128xi32, #tpu.memory_space<vmem>> -> memref<1x128xi32, #tpu.memory_space<vmem>>
        %dma_wait3A_79 = tpu.memref_squeeze %dma_wait3A_78 : memref<1x128xi32, #tpu.memory_space<vmem>> -> memref<128xi32, #tpu.memory_space<vmem>>
        %dma_wait3A_80 = arith.constant 0 : i32
        %dma_wait3A_81 = arith.constant 0 : i32
        %dma_wait3A_82 = tpu.memref_slice %arg9[%dma_wait3A_80, %dma_wait3A_81] : memref<10240x128xf32, #tpu.memory_space<vmem_shared>> -> memref<10240x128xf32, #tpu.memory_space<vmem_shared>>
        tpu.wait_indirect_dma semaphore(%run_scoped3A_70 : memref<!tpu.dma_semaphore, #tpu.memory_space<semaphore_mem>>) src(%arg14 : memref<128x128xf32, #tpu.memory_space<vmem>>) dst(%dma_wait3A_82 : memref<10240x128xf32, #tpu.memory_space<vmem_shared>>)
        tpu.yield
      }) : () -> ()
      %dma_wait3A_62 = arith.constant 15 : i32
      %dma_wait3A_63 = arith.constant 0 : i32
      %dma_wait3A_64 = tpu.memref_slice %arg11[%dma_wait3A_62, %dma_wait3A_63] : memref<16x128xi32, #tpu.memory_space<vmem>> -> memref<1x128xi32, #tpu.memory_space<vmem>>
      %dma_wait3A_65 = tpu.memref_squeeze %dma_wait3A_64 : memref<1x128xi32, #tpu.memory_space<vmem>> -> memref<128xi32, #tpu.memory_space<vmem>>
      %dma_wait3A_66 = arith.constant 0 : i32
      %dma_wait3A_67 = arith.constant 0 : i32
      %dma_wait3A_68 = tpu.memref_slice %arg2[%dma_wait3A_66, %dma_wait3A_67] : memref<20480x128xf32, #tpu.memory_space<hbm>> -> memref<20480x128xf32, #tpu.memory_space<hbm>>
      tpu.wait_indirect_dma semaphore(%arg17 : memref<!tpu.dma_semaphore, #tpu.memory_space<semaphore_mem>>) src(%dma_wait3A_68 : memref<20480x128xf32, #tpu.memory_space<hbm>>) dst(%arg15 : memref<128x128xf32, #tpu.memory_space<vmem>>)
      %run_scoped3A_69 = arith.constant 15 : i32
      "tpu.region"() ({
        %run_scoped3A_70 = tpu.sem_alloc : memref<!tpu.dma_semaphore, #tpu.memory_space<semaphore_mem>>
        %dma_start3A_71 = arith.constant 0 : i32
        %dma_start3A_72 = tpu.memref_slice %arg12[%run_scoped3A_69, %dma_start3A_71] : memref<16x128xi32, #tpu.memory_space<vmem>> -> memref<1x128xi32, #tpu.memory_space<vmem>>
        %dma_start3A_73 = tpu.memref_squeeze %dma_start3A_72 : memref<1x128xi32, #tpu.memory_space<vmem>> -> memref<128xi32, #tpu.memory_space<vmem>>
        %dma_start3A_74 = arith.constant 0 : i32
        %dma_start3A_75 = arith.constant 0 : i32
        %dma_start3A_76 = tpu.memref_slice %arg9[%dma_start3A_74, %dma_start3A_75] : memref<10240x128xf32, #tpu.memory_space<vmem_shared>> -> memref<10240x128xf32, #tpu.memory_space<vmem_shared>>
        tpu.enqueue_indirect_dma source(%arg15 : memref<128x128xf32, #tpu.memory_space<vmem>>) target(%dma_start3A_76 : memref<10240x128xf32, #tpu.memory_space<vmem_shared>>) offsets(%dma_start3A_73 : memref<128xi32, #tpu.memory_space<vmem>>) semaphore(%run_scoped3A_70 : memref<!tpu.dma_semaphore, #tpu.memory_space<semaphore_mem>>) {add = true}
        %dma_wait3A_77 = arith.constant 0 : i32
        %dma_wait3A_78 = tpu.memref_slice %arg12[%run_scoped3A_69, %dma_wait3A_77] : memref<16x128xi32, #tpu.memory_space<vmem>> -> memref<1x128xi32, #tpu.memory_space<vmem>>
        %dma_wait3A_79 = tpu.memref_squeeze %dma_wait3A_78 : memref<1x128xi32, #tpu.memory_space<vmem>> -> memref<128xi32, #tpu.memory_space<vmem>>
        %dma_wait3A_80 = arith.constant 0 : i32
        %dma_wait3A_81 = arith.constant 0 : i32
        %dma_wait3A_82 = tpu.memref_slice %arg9[%dma_wait3A_80, %dma_wait3A_81] : memref<10240x128xf32, #tpu.memory_space<vmem_shared>> -> memref<10240x128xf32, #tpu.memory_space<vmem_shared>>
        tpu.wait_indirect_dma semaphore(%run_scoped3A_70 : memref<!tpu.dma_semaphore, #tpu.memory_space<semaphore_mem>>) src(%arg15 : memref<128x128xf32, #tpu.memory_space<vmem>>) dst(%dma_wait3A_82 : memref<10240x128xf32, #tpu.memory_space<vmem_shared>>)
        tpu.yield
      }) : () -> ()
    }
    %scan3A_13 = arith.constant 10 : i32
    %mul3A_14 = arith.constant 16 : i32
    %mul3A_15 = arith.muli %arg1, %mul3A_14 : i32
    "tpu.region"() ({
      %run_scoped3A = tpu.sem_alloc : memref<!tpu.dma_semaphore, #tpu.memory_space<semaphore_mem>>
      %dma_start3A = arith.constant 0 : i32
      %dma_start3A_31 = tpu.memref_slice %arg5[%mul3A_15, %dma_start3A] : memref<256x128xi32, #tpu.memory_space<hbm>> -> memref<16x128xi32, #tpu.memory_space<hbm>>
      %dma_start3A_32 = arith.constant 0 : i32
      %dma_start3A_33 = tpu.memref_slice %arg5[%mul3A_15, %dma_start3A_32] : memref<256x128xi32, #tpu.memory_space<hbm>> -> memref<16x128xi32, #tpu.memory_space<hbm>>
      tpu.enqueue_dma source(%dma_start3A_33 : memref<16x128xi32, #tpu.memory_space<hbm>>) target(%arg13 : memref<16x128xi32, #tpu.memory_space<vmem>>) target_semaphore(%run_scoped3A : memref<!tpu.dma_semaphore, #tpu.memory_space<semaphore_mem>>)
      %dma_wait3A = arith.constant 0 : i32
      %dma_wait3A_34 = tpu.memref_slice %arg5[%mul3A_15, %dma_wait3A] : memref<256x128xi32, #tpu.memory_space<hbm>> -> memref<16x128xi32, #tpu.memory_space<hbm>>
      %dma_wait3A_35 = arith.constant 0 : i32
      %dma_wait3A_36 = tpu.memref_slice %arg5[%mul3A_15, %dma_wait3A_35] : memref<256x128xi32, #tpu.memory_space<hbm>> -> memref<16x128xi32, #tpu.memory_space<hbm>>
      tpu.wait_dma2 semaphore(%run_scoped3A : memref<!tpu.dma_semaphore, #tpu.memory_space<semaphore_mem>>) src(%dma_wait3A_36 : memref<16x128xi32, #tpu.memory_space<hbm>>) dst(%arg13 : memref<16x128xi32, #tpu.memory_space<vmem>>)
      tpu.yield
    }) : () -> ()
    %scan3A_16 = arith.constant 0 : i32
    %scan3A_17 = arith.constant 5 : i32
    %scan3A_18 = arith.addi %scan3A_16, %scan3A_17 : i32
    %scan3A_19 = arith.constant 1 : i32
    scf.for %scan3A_31 = %scan3A_16 to %scan3A_18 step %scan3A_19  : i32 {
      %mul3A_32 = arith.constant 10240 : i32
      %mul3A_33 = arith.muli %arg0, %mul3A_32 : i32
      %mul3A_34 = arith.constant 5 : i32
      %mul3A_35 = arith.muli %arg1, %mul3A_34 : i32
      %add3A_36 = arith.addi %mul3A_35, %scan3A_31 : i32
      %mul3A_37 = arith.constant 128 : i32
      %mul3A_38 = arith.muli %add3A_36, %mul3A_37 : i32
      %add3A_39 = arith.addi %mul3A_33, %mul3A_38 : i32
      "tpu.region"() ({
        %run_scoped3A = tpu.sem_alloc : memref<!tpu.dma_semaphore, #tpu.memory_space<semaphore_mem>>
        %dma_start3A = arith.constant 0 : i32
        %dma_start3A_40 = tpu.memref_slice %arg2[%add3A_39, %dma_start3A] : memref<20480x128xf32, #tpu.memory_space<hbm>> -> memref<128x128xf32, #tpu.memory_space<hbm>>
        %dma_start3A_41 = arith.constant 0 : i32
        %dma_start3A_42 = tpu.memref_slice %arg2[%add3A_39, %dma_start3A_41] : memref<20480x128xf32, #tpu.memory_space<hbm>> -> memref<128x128xf32, #tpu.memory_space<hbm>>
        tpu.enqueue_dma source(%dma_start3A_42 : memref<128x128xf32, #tpu.memory_space<hbm>>) target(%arg14 : memref<128x128xf32, #tpu.memory_space<vmem>>) target_semaphore(%run_scoped3A : memref<!tpu.dma_semaphore, #tpu.memory_space<semaphore_mem>>)
        %dma_wait3A = arith.constant 0 : i32
        %dma_wait3A_43 = tpu.memref_slice %arg2[%add3A_39, %dma_wait3A] : memref<20480x128xf32, #tpu.memory_space<hbm>> -> memref<128x128xf32, #tpu.memory_space<hbm>>
        %dma_wait3A_44 = arith.constant 0 : i32
        %dma_wait3A_45 = tpu.memref_slice %arg2[%add3A_39, %dma_wait3A_44] : memref<20480x128xf32, #tpu.memory_space<hbm>> -> memref<128x128xf32, #tpu.memory_space<hbm>>
        tpu.wait_dma2 semaphore(%run_scoped3A : memref<!tpu.dma_semaphore, #tpu.memory_space<semaphore_mem>>) src(%dma_wait3A_45 : memref<128x128xf32, #tpu.memory_space<hbm>>) dst(%arg14 : memref<128x128xf32, #tpu.memory_space<vmem>>)
        tpu.yield
      }) : () -> ()
      "tpu.region"() ({
        %run_scoped3A = tpu.sem_alloc : memref<!tpu.dma_semaphore, #tpu.memory_space<semaphore_mem>>
        %dma_start3A = arith.constant 0 : i32
        %dma_start3A_40 = tpu.memref_slice %arg13[%scan3A_31, %dma_start3A] : memref<16x128xi32, #tpu.memory_space<vmem>> -> memref<1x128xi32, #tpu.memory_space<vmem>>
        %dma_start3A_41 = tpu.memref_squeeze %dma_start3A_40 : memref<1x128xi32, #tpu.memory_space<vmem>> -> memref<128xi32, #tpu.memory_space<vmem>>
        %dma_start3A_42 = arith.constant 0 : i32
        %dma_start3A_43 = arith.constant 0 : i32
        %dma_start3A_44 = tpu.memref_slice %arg10[%dma_start3A_42, %dma_start3A_43] : memref<640x128xf32, #tpu.memory_space<vmem_shared>> -> memref<640x128xf32, #tpu.memory_space<vmem_shared>>
        tpu.enqueue_indirect_dma source(%arg14 : memref<128x128xf32, #tpu.memory_space<vmem>>) target(%dma_start3A_44 : memref<640x128xf32, #tpu.memory_space<vmem_shared>>) offsets(%dma_start3A_41 : memref<128xi32, #tpu.memory_space<vmem>>) semaphore(%run_scoped3A : memref<!tpu.dma_semaphore, #tpu.memory_space<semaphore_mem>>) {add = true}
        %dma_wait3A = arith.constant 0 : i32
        %dma_wait3A_45 = tpu.memref_slice %arg13[%scan3A_31, %dma_wait3A] : memref<16x128xi32, #tpu.memory_space<vmem>> -> memref<1x128xi32, #tpu.memory_space<vmem>>
        %dma_wait3A_46 = tpu.memref_squeeze %dma_wait3A_45 : memref<1x128xi32, #tpu.memory_space<vmem>> -> memref<128xi32, #tpu.memory_space<vmem>>
        %dma_wait3A_47 = arith.constant 0 : i32
        %dma_wait3A_48 = arith.constant 0 : i32
        %dma_wait3A_49 = tpu.memref_slice %arg10[%dma_wait3A_47, %dma_wait3A_48] : memref<640x128xf32, #tpu.memory_space<vmem_shared>> -> memref<640x128xf32, #tpu.memory_space<vmem_shared>>
        tpu.wait_indirect_dma semaphore(%run_scoped3A : memref<!tpu.dma_semaphore, #tpu.memory_space<semaphore_mem>>) src(%arg14 : memref<128x128xf32, #tpu.memory_space<vmem>>) dst(%dma_wait3A_49 : memref<640x128xf32, #tpu.memory_space<vmem_shared>>)
        tpu.yield
      }) : () -> ()
    }
    %scan3A_20 = arith.constant 5 : i32
    %barrier3A_21 = arith.constant 0 : index
    tpu.barrier barrier_id(%barrier3A_21)
    %scan3A_22 = arith.constant 0 : i32
    %scan3A_23 = arith.constant 5 : i32
    %scan3A_24 = arith.addi %scan3A_22, %scan3A_23 : i32
    %scan3A_25 = arith.constant 1 : i32
    scf.for %scan3A_31 = %scan3A_22 to %scan3A_24 step %scan3A_25  : i32 {
      %mul3A_32 = arith.constant 5 : i32
      %mul3A_33 = arith.muli %arg1, %mul3A_32 : i32
      %add3A_34 = arith.addi %mul3A_33, %scan3A_31 : i32
      %mul3A_35 = arith.constant 128 : i32
      %mul3A_36 = arith.muli %add3A_34, %mul3A_35 : i32
      "tpu.region"() ({
        %run_scoped3A = tpu.sem_alloc : memref<!tpu.dma_semaphore, #tpu.memory_space<semaphore_mem>>
        %dma_start3A = arith.constant 0 : i32
        %dma_start3A_37 = tpu.memref_slice %arg9[%mul3A_36, %dma_start3A] : memref<10240x128xf32, #tpu.memory_space<vmem_shared>> -> memref<128x128xf32, #tpu.memory_space<vmem_shared>>
        %dma_start3A_38 = arith.constant 0 : i32
        %dma_start3A_39 = tpu.memref_slice %arg9[%mul3A_36, %dma_start3A_38] : memref<10240x128xf32, #tpu.memory_space<vmem_shared>> -> memref<128x128xf32, #tpu.memory_space<vmem_shared>>
        tpu.enqueue_dma source(%dma_start3A_39 : memref<128x128xf32, #tpu.memory_space<vmem_shared>>) target(%arg14 : memref<128x128xf32, #tpu.memory_space<vmem>>) target_semaphore(%run_scoped3A : memref<!tpu.dma_semaphore, #tpu.memory_space<semaphore_mem>>)
        %dma_wait3A = arith.constant 0 : i32
        %dma_wait3A_40 = tpu.memref_slice %arg9[%mul3A_36, %dma_wait3A] : memref<10240x128xf32, #tpu.memory_space<vmem_shared>> -> memref<128x128xf32, #tpu.memory_space<vmem_shared>>
        %dma_wait3A_41 = arith.constant 0 : i32
        %dma_wait3A_42 = tpu.memref_slice %arg9[%mul3A_36, %dma_wait3A_41] : memref<10240x128xf32, #tpu.memory_space<vmem_shared>> -> memref<128x128xf32, #tpu.memory_space<vmem_shared>>
        tpu.wait_dma2 semaphore(%run_scoped3A : memref<!tpu.dma_semaphore, #tpu.memory_space<semaphore_mem>>) src(%dma_wait3A_42 : memref<128x128xf32, #tpu.memory_space<vmem_shared>>) dst(%arg14 : memref<128x128xf32, #tpu.memory_space<vmem>>)
        tpu.yield
      }) : () -> ()
      "tpu.region"() ({
        %run_scoped3A = tpu.sem_alloc : memref<!tpu.dma_semaphore, #tpu.memory_space<semaphore_mem>>
        %dma_start3A = arith.constant 0 : i32
        %dma_start3A_37 = tpu.memref_slice %arg7[%arg0, %mul3A_36, %dma_start3A] : memref<2x10240x128xf32, #tpu.memory_space<hbm>> -> memref<1x128x128xf32, #tpu.memory_space<hbm>>
        %dma_start3A_38 = tpu.memref_squeeze %dma_start3A_37 : memref<1x128x128xf32, #tpu.memory_space<hbm>> -> memref<128x128xf32, #tpu.memory_space<hbm>>
        %dma_start3A_39 = arith.constant 0 : i32
        %dma_start3A_40 = tpu.memref_slice %arg7[%arg0, %mul3A_36, %dma_start3A_39] : memref<2x10240x128xf32, #tpu.memory_space<hbm>> -> memref<1x128x128xf32, #tpu.memory_space<hbm>>
        %dma_start3A_41 = tpu.memref_squeeze %dma_start3A_40 : memref<1x128x128xf32, #tpu.memory_space<hbm>> -> memref<128x128xf32, #tpu.memory_space<hbm>>
        tpu.enqueue_dma source(%arg14 : memref<128x128xf32, #tpu.memory_space<vmem>>) target(%dma_start3A_41 : memref<128x128xf32, #tpu.memory_space<hbm>>) target_semaphore(%run_scoped3A : memref<!tpu.dma_semaphore, #tpu.memory_space<semaphore_mem>>)
        %dma_wait3A = arith.constant 0 : i32
        %dma_wait3A_42 = tpu.memref_slice %arg7[%arg0, %mul3A_36, %dma_wait3A] : memref<2x10240x128xf32, #tpu.memory_space<hbm>> -> memref<1x128x128xf32, #tpu.memory_space<hbm>>
        %dma_wait3A_43 = tpu.memref_squeeze %dma_wait3A_42 : memref<1x128x128xf32, #tpu.memory_space<hbm>> -> memref<128x128xf32, #tpu.memory_space<hbm>>
        %dma_wait3A_44 = arith.constant 0 : i32
        %dma_wait3A_45 = tpu.memref_slice %arg7[%arg0, %mul3A_36, %dma_wait3A_44] : memref<2x10240x128xf32, #tpu.memory_space<hbm>> -> memref<1x128x128xf32, #tpu.memory_space<hbm>>
        %dma_wait3A_46 = tpu.memref_squeeze %dma_wait3A_45 : memref<1x128x128xf32, #tpu.memory_space<hbm>> -> memref<128x128xf32, #tpu.memory_space<hbm>>
        tpu.wait_dma2 semaphore(%run_scoped3A : memref<!tpu.dma_semaphore, #tpu.memory_space<semaphore_mem>>) src(%arg14 : memref<128x128xf32, #tpu.memory_space<vmem>>) dst(%dma_wait3A_46 : memref<128x128xf32, #tpu.memory_space<hbm>>)
        tpu.yield
      }) : () -> ()
    }
    %scan3A_26 = arith.constant 5 : i32
    %mul3A_27 = arith.constant 40 : i32
    %mul3A_28 = arith.muli %arg1, %mul3A_27 : i32
    "tpu.region"() ({
      %run_scoped3A = tpu.sem_alloc : memref<!tpu.dma_semaphore, #tpu.memory_space<semaphore_mem>>
      %dma_start3A = arith.constant 0 : i32
      %dma_start3A_31 = arith.constant 0 : i32
      %dma_start3A_32 = tpu.memref_slice %arg14[%dma_start3A, %dma_start3A_31] : memref<128x128xf32, #tpu.memory_space<vmem>> -> memref<40x128xf32, #tpu.memory_space<vmem>>
      %dma_start3A_33 = arith.constant 0 : i32
      %dma_start3A_34 = tpu.memref_slice %arg10[%mul3A_28, %dma_start3A_33] : memref<640x128xf32, #tpu.memory_space<vmem_shared>> -> memref<40x128xf32, #tpu.memory_space<vmem_shared>>
      %dma_start3A_35 = arith.constant 0 : i32
      %dma_start3A_36 = arith.constant 0 : i32
      %dma_start3A_37 = tpu.memref_slice %arg14[%dma_start3A_35, %dma_start3A_36] : memref<128x128xf32, #tpu.memory_space<vmem>> -> memref<40x128xf32, #tpu.memory_space<vmem>>
      %dma_start3A_38 = arith.constant 0 : i32
      %dma_start3A_39 = tpu.memref_slice %arg10[%mul3A_28, %dma_start3A_38] : memref<640x128xf32, #tpu.memory_space<vmem_shared>> -> memref<40x128xf32, #tpu.memory_space<vmem_shared>>
      tpu.enqueue_dma source(%dma_start3A_39 : memref<40x128xf32, #tpu.memory_space<vmem_shared>>) target(%dma_start3A_37 : memref<40x128xf32, #tpu.memory_space<vmem>>) target_semaphore(%run_scoped3A : memref<!tpu.dma_semaphore, #tpu.memory_space<semaphore_mem>>)
      %dma_wait3A = arith.constant 0 : i32
      %dma_wait3A_40 = arith.constant 0 : i32
      %dma_wait3A_41 = tpu.memref_slice %arg14[%dma_wait3A, %dma_wait3A_40] : memref<128x128xf32, #tpu.memory_space<vmem>> -> memref<40x128xf32, #tpu.memory_space<vmem>>
      %dma_wait3A_42 = arith.constant 0 : i32
      %dma_wait3A_43 = tpu.memref_slice %arg10[%mul3A_28, %dma_wait3A_42] : memref<640x128xf32, #tpu.memory_space<vmem_shared>> -> memref<40x128xf32, #tpu.memory_space<vmem_shared>>
      %dma_wait3A_44 = arith.constant 0 : i32
      %dma_wait3A_45 = arith.constant 0 : i32
      %dma_wait3A_46 = tpu.memref_slice %arg14[%dma_wait3A_44, %dma_wait3A_45] : memref<128x128xf32, #tpu.memory_space<vmem>> -> memref<40x128xf32, #tpu.memory_space<vmem>>
      %dma_wait3A_47 = arith.constant 0 : i32
      %dma_wait3A_48 = tpu.memref_slice %arg10[%mul3A_28, %dma_wait3A_47] : memref<640x128xf32, #tpu.memory_space<vmem_shared>> -> memref<40x128xf32, #tpu.memory_space<vmem_shared>>
      tpu.wait_dma2 semaphore(%run_scoped3A : memref<!tpu.dma_semaphore, #tpu.memory_space<semaphore_mem>>) src(%dma_wait3A_48 : memref<40x128xf32, #tpu.memory_space<vmem_shared>>) dst(%dma_wait3A_46 : memref<40x128xf32, #tpu.memory_space<vmem>>)
      tpu.yield
    }) : () -> ()
    %mul3A_29 = arith.constant 40 : i32
    %mul3A_30 = arith.muli %arg1, %mul3A_29 : i32
    "tpu.region"() ({
      %run_scoped3A = tpu.sem_alloc : memref<!tpu.dma_semaphore, #tpu.memory_space<semaphore_mem>>
      %dma_start3A = arith.constant 0 : i32
      %dma_start3A_31 = arith.constant 0 : i32
      %dma_start3A_32 = tpu.memref_slice %arg14[%dma_start3A, %dma_start3A_31] : memref<128x128xf32, #tpu.memory_space<vmem>> -> memref<40x128xf32, #tpu.memory_space<vmem>>
      %dma_start3A_33 = arith.constant 0 : i32
      %dma_start3A_34 = tpu.memref_slice %arg8[%arg0, %mul3A_30, %dma_start3A_33] : memref<2x640x128xf32, #tpu.memory_space<hbm>> -> memref<1x40x128xf32, #tpu.memory_space<hbm>>
      %dma_start3A_35 = tpu.memref_squeeze %dma_start3A_34 : memref<1x40x128xf32, #tpu.memory_space<hbm>> -> memref<40x128xf32, #tpu.memory_space<hbm>>
      %dma_start3A_36 = arith.constant 0 : i32
      %dma_start3A_37 = tpu.memref_slice %arg8[%arg0, %mul3A_30, %dma_start3A_36] : memref<2x640x128xf32, #tpu.memory_space<hbm>> -> memref<1x40x128xf32, #tpu.memory_space<hbm>>
      %dma_start3A_38 = tpu.memref_squeeze %dma_start3A_37 : memref<1x40x128xf32, #tpu.memory_space<hbm>> -> memref<40x128xf32, #tpu.memory_space<hbm>>
      %dma_start3A_39 = arith.constant 0 : i32
      %dma_start3A_40 = arith.constant 0 : i32
      %dma_start3A_41 = tpu.memref_slice %arg14[%dma_start3A_39, %dma_start3A_40] : memref<128x128xf32, #tpu.memory_space<vmem>> -> memref<40x128xf32, #tpu.memory_space<vmem>>
      tpu.enqueue_dma source(%dma_start3A_41 : memref<40x128xf32, #tpu.memory_space<vmem>>) target(%dma_start3A_38 : memref<40x128xf32, #tpu.memory_space<hbm>>) target_semaphore(%run_scoped3A : memref<!tpu.dma_semaphore, #tpu.memory_space<semaphore_mem>>)
      %dma_wait3A = arith.constant 0 : i32
      %dma_wait3A_42 = arith.constant 0 : i32
      %dma_wait3A_43 = tpu.memref_slice %arg14[%dma_wait3A, %dma_wait3A_42] : memref<128x128xf32, #tpu.memory_space<vmem>> -> memref<40x128xf32, #tpu.memory_space<vmem>>
      %dma_wait3A_44 = arith.constant 0 : i32
      %dma_wait3A_45 = tpu.memref_slice %arg8[%arg0, %mul3A_30, %dma_wait3A_44] : memref<2x640x128xf32, #tpu.memory_space<hbm>> -> memref<1x40x128xf32, #tpu.memory_space<hbm>>
      %dma_wait3A_46 = tpu.memref_squeeze %dma_wait3A_45 : memref<1x40x128xf32, #tpu.memory_space<hbm>> -> memref<40x128xf32, #tpu.memory_space<hbm>>
      %dma_wait3A_47 = arith.constant 0 : i32
      %dma_wait3A_48 = tpu.memref_slice %arg8[%arg0, %mul3A_30, %dma_wait3A_47] : memref<2x640x128xf32, #tpu.memory_space<hbm>> -> memref<1x40x128xf32, #tpu.memory_space<hbm>>
      %dma_wait3A_49 = tpu.memref_squeeze %dma_wait3A_48 : memref<1x40x128xf32, #tpu.memory_space<hbm>> -> memref<40x128xf32, #tpu.memory_space<hbm>>
      %dma_wait3A_50 = arith.constant 0 : i32
      %dma_wait3A_51 = arith.constant 0 : i32
      %dma_wait3A_52 = tpu.memref_slice %arg14[%dma_wait3A_50, %dma_wait3A_51] : memref<128x128xf32, #tpu.memory_space<vmem>> -> memref<40x128xf32, #tpu.memory_space<vmem>>
      tpu.wait_dma2 semaphore(%run_scoped3A : memref<!tpu.dma_semaphore, #tpu.memory_space<semaphore_mem>>) src(%dma_wait3A_52 : memref<40x128xf32, #tpu.memory_space<vmem>>) dst(%dma_wait3A_49 : memref<40x128xf32, #tpu.memory_space<hbm>>)
      tpu.yield
    }) : () -> ()
    return
  }
}

module attributes {stable_mosaic.version = 14 : i64} {
  func.func @_tc1_body(%arg0: i32, %arg1: i32, %arg2: memref<256x128xf32, #tpu.memory_space<vmem>>, %arg3: memref<1x256x128xf32, #tpu.memory_space<vmem>>, %arg4: memref<1x256x128xf32, #tpu.memory_space<vmem>>, %arg5: memref<128x128xf32, #tpu.memory_space<vmem>>, %arg6: memref<1x1x128xf32, #tpu.memory_space<vmem>>, %arg7: memref<1x256x128xf32, #tpu.memory_space<vmem>>) attributes {dimension_semantics = [#tpu.dimension_semantics<arbitrary>, #tpu.dimension_semantics<arbitrary>], iteration_bounds = array<i64: 2, 40>, scalar_prefetch = 0 : i64, scratch_operands = 0 : i64, tpu.core_type = #tpu.core_type<tc>, window_params = [{transform_indices = @transform_0, window_bounds = array<i64: 256, 128>}, {transform_indices = @transform_1, window_bounds = array<i64: 1, 256, 128>}, {transform_indices = @transform_2, window_bounds = array<i64: 1, 256, 128>}, {transform_indices = @transform_3, window_bounds = array<i64: 128, 128>}, {transform_indices = @transform_4, window_bounds = array<i64: 1, 1, 128>}, {transform_indices = @transform_5, window_bounds = array<i64: 1, 256, 128>}]} {
    %get3A = arith.constant 0 : index
    %get3A_0 = arith.constant 0 : index
    %get3A_1 = vector.load %arg2[%get3A, %get3A_0] : memref<256x128xf32, #tpu.memory_space<vmem>>, vector<256x128xf32>
    %get3A_2 = arith.constant 0 : index
    %get3A_3 = arith.constant 0 : index
    %get3A_4 = arith.constant 0 : index
    %get3A_5 = vector.load %arg3[%get3A_2, %get3A_3, %get3A_4] : memref<1x256x128xf32, #tpu.memory_space<vmem>>, vector<1x256x128xf32>
    %get3A_6 = vector.shape_cast %get3A_5 : vector<1x256x128xf32> to vector<256x128xf32>
    %add3A = arith.addf %get3A_1, %get3A_6 : vector<256x128xf32>
    %get3A_7 = arith.constant 0 : index
    %get3A_8 = arith.constant 0 : index
    %get3A_9 = arith.constant 0 : index
    %get3A_10 = vector.load %arg4[%get3A_7, %get3A_8, %get3A_9] : memref<1x256x128xf32, #tpu.memory_space<vmem>>, vector<1x256x128xf32>
    %get3A_11 = vector.shape_cast %get3A_10 : vector<1x256x128xf32> to vector<256x128xf32>
    %add3A_12 = arith.addf %add3A, %get3A_11 : vector<256x128xf32>
    %get3A_13 = arith.constant 0 : index
    %get3A_14 = arith.constant 0 : index
    %get3A_15 = vector.load %arg5[%get3A_13, %get3A_14] : memref<128x128xf32, #tpu.memory_space<vmem>>, vector<128x128xf32>
    %dot_general3A = arith.constant dense<0.000000e+00> : vector<256x128xf32>
    %dot_general3A_16 = tpu.matmul %add3A_12, %get3A_15, %dot_general3A {dimension_numbers = #tpu.dot_dimension_numbers<[1], [0], [0], [1], [0, 0, 1, 1], [], []>, transpose_lhs_hint = false} : vector<256x128xf32>, vector<128x128xf32>, vector<256x128xf32> -> vector<256x128xf32>
    %get3A_17 = arith.constant 0 : index
    %get3A_18 = arith.constant 0 : index
    %get3A_19 = arith.constant 0 : index
    %get3A_20 = vector.load %arg6[%get3A_17, %get3A_18, %get3A_19] : memref<1x1x128xf32, #tpu.memory_space<vmem>>, vector<1x1x128xf32>
    %get3A_21 = vector.shape_cast %get3A_20 : vector<1x1x128xf32> to vector<1x128xf32>
    %add3A_22 = vector.broadcast %get3A_21 : vector<1x128xf32> to vector<256x128xf32>
    %add3A_23 = arith.addf %dot_general3A_16, %add3A_22 : vector<256x128xf32>
    %max3A = arith.constant 0.000000e+00 : f32
    %max3A_24 = vector.broadcast %max3A : f32 to vector<256x128xf32>
    %max3A_25 = arith.maximumf %add3A_23, %max3A_24 : vector<256x128xf32>
    %swap3A = arith.constant 0 : index
    %swap3A_26 = arith.constant 0 : index
    %swap3A_27 = arith.constant 0 : index
    %swap3A_28 = vector.load %arg7[%swap3A, %swap3A_26, %swap3A_27] : memref<1x256x128xf32, #tpu.memory_space<vmem>>, vector<1x256x128xf32>
    %swap3A_29 = vector.shape_cast %swap3A_28 : vector<1x256x128xf32> to vector<256x128xf32>
    %swap3A_30 = vector.shape_cast %max3A_25 : vector<256x128xf32> to vector<1x256x128xf32>
    tpu.vector_store %arg7[%swap3A, %swap3A_26, %swap3A_27], %swap3A_30 {strides = array<i32>} : memref<1x256x128xf32, #tpu.memory_space<vmem>>, vector<1x256x128xf32>,
    return
  }
  func.func @transform_0(%arg0: i32, %arg1: i32) -> (i32, i32) {
    %c0_i32 = arith.constant 0 : i32
    %c0_i32_0 = arith.constant 0 : i32
    return %arg1, %c0_i32 : i32, i32
  }
  func.func @transform_1(%arg0: i32, %arg1: i32) -> (i32, i32, i32) {
    %c0_i32 = arith.constant 0 : i32
    %c0_i32_0 = arith.constant 0 : i32
    %c0_i32_1 = arith.constant 0 : i32
    return %c0_i32, %arg1, %c0_i32_0 : i32, i32, i32
  }
  func.func @transform_2(%arg0: i32, %arg1: i32) -> (i32, i32, i32) {
    %c1_i32 = arith.constant 1 : i32
    %c0_i32 = arith.constant 0 : i32
    %c0_i32_0 = arith.constant 0 : i32
    return %c1_i32, %arg1, %c0_i32 : i32, i32, i32
  }
  func.func @transform_3(%arg0: i32, %arg1: i32) -> (i32, i32) {
    %c0_i32 = arith.constant 0 : i32
    %c0_i32_0 = arith.constant 0 : i32
    return %c0_i32, %arg0 : i32, i32
  }
  func.func @transform_4(%arg0: i32, %arg1: i32) -> (i32, i32, i32) {
    %c0_i32 = arith.constant 0 : i32
    %c0_i32_0 = arith.constant 0 : i32
    %c0_i32_1 = arith.constant 0 : i32
    return %arg0, %c0_i32, %c0_i32_0 : i32, i32, i32
  }
  func.func @transform_5(%arg0: i32, %arg1: i32) -> (i32, i32, i32) {
    %c0_i32 = arith.constant 0 : i32
    %c0_i32_0 = arith.constant 0 : i32
    return %arg0, %arg1, %c0_i32 : i32, i32, i32
  }
}

module attributes {stable_mosaic.version = 14 : i64} {
  func.func @_tc_mlp_body(%arg0: i32, %arg1: i32, %arg2: memref<1x256x128xf32, #tpu.memory_space<vmem>>, %arg3: memref<1x256x128xf32, #tpu.memory_space<vmem>>, %arg4: memref<1x128x128xf32, #tpu.memory_space<vmem>>, %arg5: memref<1x1x128xf32, #tpu.memory_space<vmem>>, %arg6: memref<1x256x128xf32, #tpu.memory_space<vmem>>) attributes {dimension_semantics = [#tpu.dimension_semantics<arbitrary>, #tpu.dimension_semantics<arbitrary>], iteration_bounds = array<i64: 2, 40>, scalar_prefetch = 0 : i64, scratch_operands = 0 : i64, tpu.core_type = #tpu.core_type<tc>, window_params = [{transform_indices = @transform_0, window_bounds = array<i64: 1, 256, 128>}, {transform_indices = @transform_1, window_bounds = array<i64: 1, 256, 128>}, {transform_indices = @transform_2, window_bounds = array<i64: 1, 128, 128>}, {transform_indices = @transform_3, window_bounds = array<i64: 1, 1, 128>}, {transform_indices = @transform_4, window_bounds = array<i64: 1, 256, 128>}]} {
    %get3A = arith.constant 0 : index
    %get3A_0 = arith.constant 0 : index
    %get3A_1 = arith.constant 0 : index
    %get3A_2 = vector.load %arg2[%get3A, %get3A_0, %get3A_1] : memref<1x256x128xf32, #tpu.memory_space<vmem>>, vector<1x256x128xf32>
    %get3A_3 = vector.shape_cast %get3A_2 : vector<1x256x128xf32> to vector<256x128xf32>
    %get3A_4 = arith.constant 0 : index
    %get3A_5 = arith.constant 0 : index
    %get3A_6 = arith.constant 0 : index
    %get3A_7 = vector.load %arg3[%get3A_4, %get3A_5, %get3A_6] : memref<1x256x128xf32, #tpu.memory_space<vmem>>, vector<1x256x128xf32>
    %get3A_8 = vector.shape_cast %get3A_7 : vector<1x256x128xf32> to vector<256x128xf32>
    %add3A = arith.addf %get3A_3, %get3A_8 : vector<256x128xf32>
    %get3A_9 = arith.constant 0 : index
    %get3A_10 = arith.constant 0 : index
    %get3A_11 = arith.constant 0 : index
    %get3A_12 = vector.load %arg4[%get3A_9, %get3A_10, %get3A_11] : memref<1x128x128xf32, #tpu.memory_space<vmem>>, vector<1x128x128xf32>
    %get3A_13 = vector.shape_cast %get3A_12 : vector<1x128x128xf32> to vector<128x128xf32>
    %dot_general3A = arith.constant dense<0.000000e+00> : vector<256x128xf32>
    %dot_general3A_14 = tpu.matmul %add3A, %get3A_13, %dot_general3A {dimension_numbers = #tpu.dot_dimension_numbers<[1], [0], [0], [1], [0, 0, 1, 1], [], []>, transpose_lhs_hint = false} : vector<256x128xf32>, vector<128x128xf32>, vector<256x128xf32> -> vector<256x128xf32>
    %get3A_15 = arith.constant 0 : index
    %get3A_16 = arith.constant 0 : index
    %get3A_17 = arith.constant 0 : index
    %get3A_18 = vector.load %arg5[%get3A_15, %get3A_16, %get3A_17] : memref<1x1x128xf32, #tpu.memory_space<vmem>>, vector<1x1x128xf32>
    %get3A_19 = vector.shape_cast %get3A_18 : vector<1x1x128xf32> to vector<1x128xf32>
    %add3A_20 = vector.broadcast %get3A_19 : vector<1x128xf32> to vector<256x128xf32>
    %add3A_21 = arith.addf %dot_general3A_14, %add3A_20 : vector<256x128xf32>
    %max3A = arith.constant 0.000000e+00 : f32
    %max3A_22 = vector.broadcast %max3A : f32 to vector<256x128xf32>
    %max3A_23 = arith.maximumf %add3A_21, %max3A_22 : vector<256x128xf32>
    %swap3A = arith.constant 0 : index
    %swap3A_24 = arith.constant 0 : index
    %swap3A_25 = arith.constant 0 : index
    %swap3A_26 = vector.load %arg6[%swap3A, %swap3A_24, %swap3A_25] : memref<1x256x128xf32, #tpu.memory_space<vmem>>, vector<1x256x128xf32>
    %swap3A_27 = vector.shape_cast %swap3A_26 : vector<1x256x128xf32> to vector<256x128xf32>
    %swap3A_28 = vector.shape_cast %max3A_23 : vector<256x128xf32> to vector<1x256x128xf32>
    tpu.vector_store %arg6[%swap3A, %swap3A_24, %swap3A_25], %swap3A_28 {strides = array<i32>} : memref<1x256x128xf32, #tpu.memory_space<vmem>>, vector<1x256x128xf32>,
    return
  }
  func.func @transform_0(%arg0: i32, %arg1: i32) -> (i32, i32, i32) {
    %c0_i32 = arith.constant 0 : i32
    %c0_i32_0 = arith.constant 0 : i32
    return %arg0, %arg1, %c0_i32 : i32, i32, i32
  }
  func.func @transform_1(%arg0: i32, %arg1: i32) -> (i32, i32, i32) {
    %c0_i32 = arith.constant 0 : i32
    %c0_i32_0 = arith.constant 0 : i32
    return %arg0, %arg1, %c0_i32 : i32, i32, i32
  }
  func.func @transform_2(%arg0: i32, %arg1: i32) -> (i32, i32, i32) {
    %c0_i32 = arith.constant 0 : i32
    %c0_i32_0 = arith.constant 0 : i32
    %c0_i32_1 = arith.constant 0 : i32
    return %arg0, %c0_i32, %c0_i32_0 : i32, i32, i32
  }
  func.func @transform_3(%arg0: i32, %arg1: i32) -> (i32, i32, i32) {
    %c0_i32 = arith.constant 0 : i32
    %c0_i32_0 = arith.constant 0 : i32
    %c0_i32_1 = arith.constant 0 : i32
    return %arg0, %c0_i32, %c0_i32_0 : i32, i32, i32
  }
  func.func @transform_4(%arg0: i32, %arg1: i32) -> (i32, i32, i32) {
    %c0_i32 = arith.constant 0 : i32
    %c0_i32_0 = arith.constant 0 : i32
    return %arg0, %arg1, %c0_i32 : i32, i32, i32
  }
}

</mosaic_0001>

<sc_bundles>
// kernel: kernel.12.cloned.1.call-start
scs
__scs_entry_jumppad:
0x0: {  	(pc) =	sbr.rel $0x88, $3  }
0x1: {  	(tag) =	ssettag $0x0;
	lr =	simm.s32 $0x1  }
0x2: {  	[smem:$0x3F97] =	sst lr;
	_ =	strace $0xD0000000  }
0x3: {  	_ = 	snop  }
0x4: {  	_ = 	snop  }
0x5: {  	_ = 	snop  }
0x6: {  	_ = 	snop  }
0x7: {  	_ = 	snop  }
__scs_overlays_trampoline_lowered:
0x8: {  	[smem:$0x3FA6] =	sst s0  }
0x9: {  	[smem:$0x3FA7] =	sst s1  }
0xa: {  	[smem:$0x3FA8] =	sst s2  }
0xb: {  	[smem:$0x3FA9] =	sst s3  }
0xc: {  	[smem:$0x3FAA] =	sst s4  }
0xd: {  	[smem:$0x3FAB] =	sst s5  }
0xe: {  	[smem:$0x3FAC] =	sst s6  }
0xf: {  	[smem:$0x3FAD] =	sst s7  }
0x10: {  	[smem:$0x3FAE] =	sst s8  }
0x11: {  	[smem:$0x3FAF] =	sst s9;
	s0 =	simm.s32 @!p0 $0x0  }
0x12: {  	s1 =	sld [smem:$0x3F95];
	s0 =	simm.s32 @p0 $0x1  }
0x13: {  	[smem:$0x3FB0] =	sst s0;
	s0 =	simm.s32 @!p1 $0x0  }
0x14: {  	s2 =	sld [smem:$0x3F94];
	s0 =	simm.s32 @p1 $0x1  }
0x15: {  	[smem:$0x3FB1] =	sst s0;
	s0 =	simm.s32 @!p2 $0x0  }
0x16: {  	s3 =	sld [smem:$0x3FDB];
	s0 =	simm.s32 @p2 $0x1  }
0x17: {  	s4 =	simm.s32 $0x1BF5;
	[smem:$0x3FB3] =	sst s0  }
0x18: {  	s0 =	sld [smem:$0x3F96];
	_ =	swait.ge [sflag:s4], $0x0  }
0x19: {  	s7 =	sld [smem:$0x3F97]  }
0x1a: {  	s8 =	sadd.s32 $0xFFFFE003, lr  }
0x1b: {  	s9 =	sadd.s32 $0xFFFFFEF7, lr;
	s5 =	simm.s32 $0xFFFFFFFF;
	p2 =	slt.u32 s8, $0xFFFFF086  }
0x1c: {  	p1 =	slt.u32 s9, $0xF7A;
	s5 =	simm.s32 @!p2 $0x0  }
0x1d: {  	s5 =	simm.s32 @p1 $0x1;
	p0 =	seq.s32 s7, s2  }
0x1e: {  	s7 =	smul.u32 @!p0 $0xF7A, s2;
	p2 =	seq.s32 @!p0 s5, $0x0  }
0x1f: {  	s9 =	smul.u32 $0xF7A, s1;
	s8 =	simm.s32 @!p0 $0x1BF5;
	p2 =	por !p2, p0  }
0x20: {  	[sflag:s8] =	ssyncset.s32 @!p0 $0xFFFFF086;
	s6 =	sadd.s32 @!p0 s3, s7;
	s7 =	simm.s32 @!p0 $0x108  }
0x21: {  	s3 =	sadd.s32 s3, s9;
	s6 =	sadd.s32 @!p0 $0x88, s6;
	s7 =	simm.s32 @p2 $0x1082  }
0x22: {  	[simem:s7], [sflag:s8] =	dma.local @!p0 [hbm:s6], $0xF7A  }
0x23: {  	s9 =	sor.u32 $0xD0000000, s2;
	s6 =	simm.s32 $0x108;
	_ =	swait.ge @!p0 [sflag:s8], $0x0  }
0x24: {  	s3 =	sadd.s32 $0x88, s3;
	s6 =	simm.s32 @!p1 $0x1082;
	[sflag:s4] =	ssyncset.s32 $0xFFFFF086  }
0x25: {  	[simem:s6], [sflag:s4] =	dma.local [hbm:s3], $0xF7A  }
0x26: {  	[smem:$0x3F97] =	sst s1;
	(tag) =	ssettag s2;
	_ =	strace s9  }
0x27: {  	s1 =	sld [smem:$0x3FA7]  }
0x28: {  	s2 =	sld [smem:$0x3FA8]  }
0x29: {  	s4 =	sld [smem:$0x3FAA]  }
0x2a: {  	p0 =	seq.s32 s5, $0x0;
	s5 =	sld [smem:$0x3FAB]  }
0x2b: {  	s6 =	sld [smem:$0x3FAC]  }
0x2c: {  	s7 =	sld [smem:$0x3FAD]  }
0x2d: {  	s3 =	simm.s32 $0x108;
	s8 =	sld [smem:$0x3FAE]  }
0x2e: {  	s3 =	simm.s32 @!p0 $0x1082;
	s9 =	sld [smem:$0x3FAF]  }
0x2f: {  	lr =	sadd.s32 s0, s3;
	s0 =	sld [smem:$0x3FA6]  }
0x30: {  	s3 =	sld [smem:$0x3FA9]  }
0x31: {  	[smem:$0x3FB2] =	sst s10  }
0x32: {  	s10 =	sld [smem:$0x3FB0];
	_ =	sdelay $0x3  }
0x33: {  	p0 =	seq.s32 s10, $0x1;
	s10 =	sld [smem:$0x3FB2];
	_ =	sdelay $0x3  }
0x34: {  	[smem:$0x3FB2] =	sst s10  }
0x35: {  	s10 =	sld [smem:$0x3FB1];
	_ =	sdelay $0x3  }
0x36: {  	p1 =	seq.s32 s10, $0x1;
	s10 =	sld [smem:$0x3FB2];
	_ =	sdelay $0x3  }
0x37: {  	[smem:$0x3FB2] =	sst s10  }
0x38: {  	s10 =	sld [smem:$0x3FB3]  }
0x39: {  	_ = 	snop;
	(pc) =	sbr.ind lr, $3  }
0x3a: {  	_ = 	snop  }
0x3b: {  	_ = 	snop  }
0x3c: {  	p2 =	seq.s32 s10, $0x1;
	s10 =	sld [smem:$0x3FB2]  }
0x3d: {  	_ =	shalt  }
0x3e: {  	_ =	shalt  }
0x3f: {  	_ =	shalt  }
0x40: {  	_ =	shalt  }
0x41: {  	_ =	shalt  }
0x42: {  	_ =	shalt  }
0x43: {  	_ =	shalt  }
0x44: {  	_ =	shalt  }
0x45: {  	_ =	shalt  }
0x46: {  	_ =	shalt  }
0x47: {  	_ =	shalt  }
0x48: {  	_ =	shalt  }
0x49: {  	_ =	shalt  }
0x4a: {  	_ =	shalt  }
0x4b: {  	_ =	shalt  }
0x4c: {  	_ =	shalt  }
0x4d: {  	_ =	shalt  }
0x4e: {  	_ =	shalt  }
0x4f: {  	_ =	shalt  }
0x50: {  	_ =	shalt  }
0x51: {  	_ =	shalt  }
0x52: {  	_ =	shalt  }
0x53: {  	_ =	shalt  }
0x54: {  	_ =	shalt  }
0x55: {  	_ =	shalt  }
0x56: {  	_ =	shalt  }
0x57: {  	_ =	shalt  }
0x58: {  	_ =	shalt  }
0x59: {  	_ =	shalt  }
0x5a: {  	_ =	shalt  }
0x5b: {  	_ =	shalt  }
0x5c: {  	_ =	shalt  }
0x5d: {  	_ =	shalt  }
0x5e: {  	_ =	shalt  }
0x5f: {  	_ =	shalt  }
0x60: {  	_ =	shalt  }
0x61: {  	_ =	shalt  }
0x62: {  	_ =	shalt  }
0x63: {  	_ =	shalt  }
0x64: {  	_ =	shalt  }
0x65: {  	_ =	shalt  }
0x66: {  	_ =	shalt  }
0x67: {  	_ =	shalt  }
0x68: {  	_ =	shalt  }
0x69: {  	_ =	shalt  }
0x6a: {  	_ =	shalt  }
0x6b: {  	_ =	shalt  }
0x6c: {  	_ =	shalt  }
0x6d: {  	_ =	shalt  }
0x6e: {  	_ =	shalt  }
0x6f: {  	_ =	shalt  }
0x70: {  	_ =	shalt  }
0x71: {  	_ =	shalt  }
0x72: {  	_ =	shalt  }
0x73: {  	_ =	shalt  }
0x74: {  	_ =	shalt  }
0x75: {  	_ =	shalt  }
0x76: {  	_ =	shalt  }
0x77: {  	_ =	shalt  }
0x78: {  	_ =	shalt  }
0x79: {  	_ =	shalt  }
0x7a: {  	_ =	shalt  }
0x7b: {  	_ =	shalt  }
0x7c: {  	_ =	shalt  }
0x7d: {  	_ =	shalt  }
0x7e: {  	_ =	shalt  }
0x7f: {  	_ =	shalt  }
0x80: {  	_ =	shalt  }
0x81: {  	_ =	shalt  }
0x82: {  	_ =	shalt  }
0x83: {  	_ =	shalt  }
0x84: {  	_ =	shalt  }
0x85: {  	_ =	shalt  }
0x86: {  	_ =	shalt  }
0x87: {  	_ =	shalt  }
.Lfunc_end0:
.L_simem_size_0:
called_computation.1_lowered:
.L_overlay_start_0:
0x88: {  	s2 =	sld [smem:$0x3FD9]  }
0x89: {  	s3 =	sld [smem:$0x3FFE];
	_ =	sdelay $0x1  }
0x8a: {  	s1 =	srdreg.scid  }
0x8b: {  	s0 =	sand.u32 $0x1, s1  }
0x8c: {  	s16 =	sshll.u32 s0, $0xA;
	s2 =	sadd.s32 s3, s2  }
0x8d: {  	s2 =	sadd.s32 s2, s16  }
0x8e: {  	[smem:$0x3FBE] =	sst s2  }
0x8f: {  	_ = 	snop  }
0x90: {  	(tm) =	ssettm $0x1  }
0x91: {  	s17 =	sld [smem:$0x3FFB];
	_ =	sdelay $0x3  }
0x92: {  	_ =	strace s17  }
0x93: {  	s2 =	sld [smem:$0x3FFC];
	_ =	sdelay $0x3  }
0x94: {  	_ =	strace s2  }
0x95: {  	s2 =	sld [smem:$0x3FFD];
	_ =	sdelay $0x3  }
0x96: {  	_ =	strace s2  }
0x97: {  	_ =	strace $0x8FFFFFFF  }
0x98: {  	s18 =	sld [smem:$0x3FDB];
	_ =	sdelay $0x1  }
0x99: {  	s19 =	simm.s32 $_scs_section_size  }
0x9a: {  	s4 =	simm.s32 $_size__tile_overlayer_lowered;
	s5 =	simm.s32 $_tile_overlayer_lowered  }
0x9b: {  	s22 =	simm.s32 $0x1BFF;
	s21 =	sshll.u32 s5, $0x1;
	s2 =	sadd.s32 s19, s18  }
0x9c: {  	s6 =	simm.s32 $0x0;
	s20 =	sshll.u32 s4, $0x1;
	s4 =	sadd.s32 s21, s2  }
0x9d: {  	[timem:s6], [sflag:s22] =	dma.local [hbm:s4], s20  }
0x9e: {  	_ =	swait.ge [sflag:s22], s20  }
0x9f: {  	s3 =	ssub.s32 $0x0, s20;
	[sflag:s22] =	ssyncset.done $0x0  }
0xa0: {  	[sflag:s22] =	ssyncadd.s32 s3;
	_ =	sdelay $0x1  }
0xa1: {  	s23 =	simm.s32 $0x1B8B  }
0xa2: {  	_ =	swait.ge [sflag:s23], $0x1  }
0xa3: {  	[sflag:s23] =	ssyncset.done $0x0  }
0xa4: {  	s25 =	simm.s32 $0x1B8E;
	s24 =	sld [smem:$0x3FFE];
	[sflag:s23] =	ssyncadd.s32 $0xFFFFFFFF  }
0xa5: {  	s26 =	simm.s32 $execute0_lowered;
	[smem:$0x3FD2] =	sst s25  }
0xa6: {  	s4 =	sshll.u32 s26, $0x1;
	_ =	strace $0x80000049;
	[dreg:$0x1] =	wrdreg $0xFFFFFFFF  }
0xa7: {  	s28 =	simm.s32 $_size_execute0_lowered;
	s2 =	sadd.s32 s2, s4;
	[dreg:$0x0] =	wrdreg $0x0  }
0xa8: {  	s4 =	sshll.u32 s28, $0x1;
	[dreg:$0x2] =	wrdreg s2  }
0xa9: {  	[dreg:$0x3] =	wrdreg s4  }
0xaa: {  	[dreg:$0x4] =	wrdreg $0xC0  }
0xab: {  	_ =	task [dreg:s6], $0x5FFFF  }
0xac: {  	[dreg:$0x1] =	wrdreg $0xFFFFFFFF  }
0xad: {  	[dreg:$0x0] =	wrdreg $0x60  }
0xae: {  	[dreg:$0x2] =	wrdreg s24  }
0xaf: {  	[dreg:$0x3] =	wrdreg $0x0  }
0xb0: {  	[dreg:$0x4] =	wrdreg $0x140000  }
0xb1: {  	[dreg:$0x5] =	wrdreg $0x9  }
0xb2: {  	_ =	task.clear_ibuf [dreg:s6], $0x6FFFF;
	_ =	strace $0x90000049  }
0xb3: {  	s29 =	simm.s32 $0x9;
	_ =	strace $0x8000004B  }
0xb4: {  	_ =	swait.ge [sflag:s29], $0x1  }
0xb5: {  	[sflag:s29] =	ssyncadd.s32 $0xFFFFFFFF  }
0xb6: {  	_ =	strace $0x9000004B  }
0xb7: {  	_ =	sfence  }
0xb8: {  	s30 =	sld [smem:$0x0];
	_ =	sdelay $0x2  }
0xb9: {  	s31 =	sshll.u32 s1, $0xD;
	s1 =	sshrl.u32 s1, $0x2  }
0xba: {  	s3 =	sand.u32 $0x4000, s31;
	s1 =	sadd.s32 s1, s30  }
0xbb: {  	s0 =	sor.u32 s3, s0;
	s1 =	sshll.u32 s1, $0x11  }
0xbc: {  	s0 =	sor.u32 s1, s0  }
0xbd: {  	s0 =	sadd.s32 $0x8F2B, s0  }
0xbe: {  	[sflag:s0] =	ssyncadd.remote.s32 $0x1  }
0xbf: {  	_ =	sfence.sel $0xFFFF  }
0xc0: {  	[dreg:$0x0] =	wrdreg $0xFFFFFFFF;
	(pc) =	sbr.abs _section_cstart, $3  }
0xc1: {  	[dreg:$0x1] =	wrdreg $0xFFFFFFFF  }
0xc2: {  	_ =	task.clear_ibuf [dreg:s6], $0x2FFFF;
	_ =	strace $0x9FFFFFFF  }
0xc3: {  	(tm) =	ssettm $0x7FFFFFFF  }
tec
execute0_lowered:
.L_overlay_start_1:
0x0: {  	(tag) =	ssettag $0x1  }
0x1: {  	s2 =	rddreg [dreg:$0x0]  }
0x2: {  	s1 =	rddreg [dreg:$0x1]  }
0x3: {  	s11 =	rddreg [dreg:$0x2];
	s0 =	srdreg.scid;
	s4 =	simm.s32 $0x0  }
0x4: {  	s12 =	stileid.u32;
	s18 =	simm.s32 $0x15480;
	s19 =	simm.s32 $0x15500  }
0x5: {  	s20 =	simm.s32 $0x15C80;
	s28 =	simm.s32 $0x3;
	s29 =	simm.s32 $0x15400  }
0x6: {  	s30 =	simm.s32 $0x15C00;
	s31 =	simm.s32 $0x80;
	s8 =	smul.u32 $0x1400, s12  }
0x7: {  	s3 =	sand.u32 $0x1, s0;
	[smem:$0x7FF] =	sst s4;
	s10 =	smul.u32 $0x5000, s12  }
0x8: {  	s7 =	sshll.u32 s12, $0x8;
	s21 =	sadd.s32 $0x38000, s2;
	s25 =	smul.u32 $0x50000, s12  }
0x9: {  	s26 =	smul.u32 $0x14000, s12;
	_ =	strace $0x8000004A;
	[dreg:$0x14] =	wrdreg s21  }
0xa: {  	s5 =	sadd.s32 $0x38800, s2;
	s0 =	smul.u32 $0xA000, s3;
	[dreg:$0x6] =	wrdreg s18  }
0xb: {  	s6 =	smul.u32 $0x14000, s3;
	s7 =	sadd.s32 s7, s2;
	[dreg:$0x7] =	wrdreg s19  }
0xc: {  	s22 =	ssub.s32 $0x2, s3;
	s3 =	smul.u32 $0x140000, s3;
	[dreg:$0x8] =	wrdreg s20  }
0xd: {  	s21 =	simm.s32 $0x15580;
	s18 =	simm.s32 $0x15E80;
	s19 =	simm.s32 $0x15780  }
0xe: {  	s23 =	sshrl.u32 s22, $0x1;
	s24 =	sshrl.u32 s10, $0x2;
	[dreg:$0x9] =	wrdreg s21  }
0xf: {  	s7 =	sadd.s32 $0x9C800, s7;
	s10 =	smul.u32 $0xA00, s12;
	[dreg:$0x10] =	wrdreg s18  }
0x10: {  	s12 =	sadd.s32 $0x4000, s26;
	[dreg:$0x11] =	wrdreg s19;
	s21 =	simm.s32 $0x15F00  }
0x11: {  	s18 =	simm.s32 $0x15980;
	s9 =	sadd.s32 s0, s2;
	s0 =	sadd.s32 $0xB1800, s2  }
0x12: {  	s6 =	sadd.s32 s8, s6;
	s8 =	sadd.s32 s24, s11;
	[dreg:$0x16] =	wrdreg s7  }
0x13: {  	s15 =	sadd.s32 s12, s1;
	s7 =	sadd.s32 s3, s26;
	[dreg:$0x12] =	wrdreg s21  }
0x14: {  	s24 =	simm.s32 $0x15600;
	s6 =	sshrl.u32 s6, $0x3;
	[dreg:$0x15] =	wrdreg s8  }
0x15: {  	s8 =	sshrl.u32 s25, $0x2;
	s7 =	sshrl.u32 s7, $0x3;
	[dreg:$0xb] =	wrdreg s24  }
0x16: {  	s25 =	simm.s32 $0x15D80;
	[dreg:$0x1a] =	wrdreg s15;
	s2 =	sadd.s32 s6, s2  }
0x17: {  	s6 =	ssub.s32 s22, s23;
	s22 =	sadd.s32 s5, s7;
	[dreg:$0xc] =	wrdreg s25  }
0x18: {  	s19 =	simm.s32 $0x16100;
	s23 =	simm.s32 $0x15D00;
	[dreg:$0x1e] =	wrdreg s22  }
0x19: {  	s21 =	simm.s32 $0x16180;
	s7 =	sadd.s32 s0, s7;
	[dreg:$0xa] =	wrdreg s23  }
0x1a: {  	s14 =	sadd.s32 s8, s1;
	s8 =	sadd.s32 s10, s9;
	[smem:$0x7F7] =	sst s7  }
0x1b: {  	s9 =	sadd.s32 $0xC000, s26;
	s2 =	sadd.s32 $0x6000, s2;
	[dreg:$0x18] =	wrdreg s14  }
0x1c: {  	s10 =	sadd.s32 $0x10000, s26;
	s11 =	smax.u32 s6, $0x1;
	[dreg:$0x17] =	wrdreg s2  }
0x1d: {  	s6 =	sadd.s32 $0x8000, s26;
	s17 =	sadd.s32 s9, s1;
	[dreg:$0x19] =	wrdreg s11  }
0x1e: {  	s16 =	sadd.s32 $0x88800, s8;
	s8 =	sadd.s32 $0x9D800, s8;
	[dreg:$0x1c] =	wrdreg s17  }
0x1f: {  	s9 =	sadd.s32 s3, s9;
	s22 =	simm.s32 $0x15800;
	[dreg:$0x4] =	wrdreg s16  }
0x20: {  	s7 =	simm.s32 $0x15B80;
	s13 =	sadd.s32 s6, s1;
	[dreg:$0x5] =	wrdreg s8  }
0x21: {  	s2 =	sadd.s32 s3, s12;
	s12 =	simm.s32 $0x15680;
	s6 =	sadd.s32 s3, s6  }
0x22: {  	s16 =	simm.s32 $0x15E00;
	s17 =	simm.s32 $0x15700;
	[dreg:$0x13] =	wrdreg s22  }
0x23: {  	s3 =	sadd.s32 s3, s10;
	s9 =	sshrl.u32 s9, $0x3;
	[dreg:$0x1b] =	wrdreg s13  }
0x24: {  	s8 =	simm.s32 $0x15F80;
	s11 =	simm.s32 $0x16000;
	[dreg:$0xd] =	wrdreg s12  }
0x25: {  	s22 =	simm.s32 $0x15A80;
	s13 =	sadd.s32 s10, s1;
	[dreg:$0xe] =	wrdreg s16  }
0x26: {  	s2 =	sshrl.u32 s2, $0x3;
	[dreg:$0xf] =	wrdreg s17;
	s23 =	sadd.s32 s5, s9  }
0x27: {  	s6 =	sshrl.u32 s6, $0x3;
	s25 =	sadd.s32 s0, s9;
	[smem:$0x7F6] =	sst s23  }
0x28: {  	s3 =	sshrl.u32 s3, $0x3;
	s9 =	simm.s32 $0x15880;
	[smem:$0x7FA] =	sst s25  }
0x29: {  	s16 =	simm.s32 $0x15900;
	s26 =	sadd.s32 s5, s2;
	[dreg:$0x1d] =	wrdreg s13  }
0x2a: {  	s17 =	simm.s32 $0x16080;
	s20 =	sadd.s32 s5, s6;
	[dreg:$0x1f] =	wrdreg s26  }
0x2b: {  	s10 =	simm.s32 $0x16300;
	s2 =	sadd.s32 s0, s2;
	[smem:$0x7F5] =	sst s20  }
0x2c: {  	s12 =	simm.s32 $0x16380;
	s24 =	sadd.s32 s0, s6;
	[smem:$0x7F8] =	sst s2  }
0x2d: {  	s0 =	sadd.s32 s0, s3;
	s6 =	simm.s32 $0x2;
	[smem:$0x7F9] =	sst s24  }
0x2e: {  	s23 =	simm.s32 $0x16200;
	s25 =	simm.s32 $0x16280;
	[smem:$0x7FB] =	sst s0  }
0x2f: {  	s26 =	sadd.s32 s5, s3;
	s0 =	simm.s32 $0x1AC00;
	s3 =	simm.s32 $0x1  }
0x30: {  	s20 =	simm.s32 $0x15A00;
	s2 =	simm.s32 $0x0;
	[smem:$0x7FC] =	sst s26  }
0x31: {  	s24 =	simm.s32 $0x15B00;
	s26 =	simm.s32 $0x16C00;
	[smem:$0x7FD] =	sst s2  }
.LBB2_1:
0x32: {  	s2 =	rddreg [dreg:$0x14]  }
0x33: {  	[tilespmem:s26], [sflag:$0x3] =	stream.linear.gather [hbm4b:s2+s4], $0x4000, $0x38;
	[tilespmem:$0x1EC00] =	vst v63  }
0x34: {  	_ =	swait.ge [sflag:s28], $0x4000  }
0x35: {  	[sflag:s28] =	ssyncset.done $0x0  }
0x36: {  	[sflag:s28] =	ssyncadd.s32 $0xFFFFC000  }
0x37: {  	[spmem:s14] =	stream.linear.scatter [tilespmem:s26], [sflag:$0x3], $0x4000, $0x38;
	[tilespmem:$0x1EC00] =	vst v63  }
0x38: {  	_ =	swait.ge [sflag:s28], $0x4000  }
0x39: {  	[sflag:s28] =	ssyncset.done $0x0  }
0x3a: {  	[sflag:s28] =	ssyncadd.s32 $0xFFFFC000  }
0x3b: {  	[spmem:s15] =	stream.linear.scatter [tilespmem:s26], [sflag:$0x3], $0x4000, $0x38;
	[tilespmem:$0x1EC00] =	vst v63  }
0x3c: {  	_ =	swait.ge [sflag:s28], $0x4000  }
0x3d: {  	[sflag:s28] =	ssyncset.done $0x0  }
0x3e: {  	s14 =	rddreg [dreg:$0x1b];
	[sflag:s28] =	ssyncadd.s32 $0xFFFFC000  }
0x3f: {  	[spmem:s14] =	stream.linear.scatter [tilespmem:s26], [sflag:$0x3], $0x4000, $0x38;
	[tilespmem:$0x1EC00] =	vst v63  }
0x40: {  	_ =	swait.ge [sflag:s28], $0x4000  }
0x41: {  	[sflag:s28] =	ssyncset.done $0x0  }
0x42: {  	s15 =	rddreg [dreg:$0x1c];
	[sflag:s28] =	ssyncadd.s32 $0xFFFFC000  }
0x43: {  	[spmem:s15] =	stream.linear.scatter [tilespmem:s26], [sflag:$0x3], $0x4000, $0x38;
	[tilespmem:$0x1EC00] =	vst v63  }
0x44: {  	_ =	swait.ge [sflag:s28], $0x4000  }
0x45: {  	[sflag:s28] =	ssyncset.done $0x0  }
0x46: {  	[sflag:s28] =	ssyncadd.s32 $0xFFFFC000  }
0x47: {  	[spmem:s13] =	stream.linear.scatter [tilespmem:s26], [sflag:$0x3], $0x4000, $0x38;
	[tilespmem:$0x1EC00] =	vst v63  }
0x48: {  	_ =	swait.ge [sflag:s28], $0x4000  }
0x49: {  	[sflag:s28] =	ssyncset.done $0x0  }
0x4a: {  	s14 =	rddreg [dreg:$0x15];
	[sflag:s28] =	ssyncadd.s32 $0xFFFFC000  }
0x4b: {  	[spmem:s14] =	stream.linear.scatter [tilespmem:s26], [sflag:$0x3], $0x1400, $0x38;
	[tilespmem:$0x1EC00] =	vst v63  }
0x4c: {  	_ =	swait.ge [sflag:s28], $0x1400  }
0x4d: {  	[sflag:s28] =	ssyncset.done $0x0  }
0x4e: {  	[sflag:s28] =	ssyncadd.s32 $0xFFFFEC00  }
0x4f: {  	[bflag:$0x0] =	sbarrier.arrive $0xFFFF  }
0x50: {  	s15 =	rddreg [dreg:$0x4]  }
0x51: {  	s2 =	sadd.s32 $0x0, s15  }
0x52: {  	[tilespmem:s29], [sflag:$0x3] =	stream.linear.gather [hbm4b:s2+s4], $0x800, $0x38;
	[tilespmem:$0x1EC00] =	vst v63  }
0x53: {  	_ =	swait.ge [sflag:s28], $0x800  }
0x54: {  	s13 =	rddreg [dreg:$0x5];
	[sflag:s28] =	ssyncset.done $0x0  }
0x55: {  	[sflag:s28] =	ssyncadd.s32 $0xFFFFF800;
	s2 =	sadd.s32 $0x0, s13  }
0x56: {  	[tilespmem:s30], [sflag:$0x3] =	stream.linear.gather [hbm4b:s2+s4], $0x800, $0x38;
	[tilespmem:$0x1EC00] =	vst v63  }
0x57: {  	_ =	swait.ge [sflag:s28], $0x800  }
0x58: {  	[sflag:s28] =	ssyncset.done $0x0  }
0x59: {  	[sflag:s28] =	ssyncadd.s32 $0xFFFFF800  }
0x5a: {  	[tilespmem:s26], [sflag:$0x1] =	stream.indirect.gather [hbm4b:s5+s31], $0x80, s29, s31, $0xb8;
	[tilespmem:$0x1EC00] =	vst v63  }
0x5b: {  	s14 =	rddreg [dreg:$0x6]  }
0x5c: {  	[tilespmem:s0], [sflag:$0x2] =	stream.indirect.gather [hbm4b:s5+s31], $0x80, s14, s31, $0xb8;
	[tilespmem:$0x1EC00] =	vst v63  }
0x5d: {  	_ =	swait.ge [sflag:s3], $0x4000  }
0x5e: {  	[sflag:s3] =	ssyncset.done $0x0  }
0x5f: {  	[sflag:s3] =	ssyncadd.s32 $0xFFFFC000  }
0x60: {  	[spmem:s1] =	stream.indirect.scatter.add.f32 [tilespmem:s26], [sflag:$0x3], $0x80, s30, s31, $0xb8;
	[tilespmem:$0x1EC00] =	vst v63  }
0x61: {  	_ =	swait.ge [sflag:s28], $0x4000  }
0x62: {  	[sflag:s28] =	ssyncset.done $0x0  }
0x63: {  	s15 =	rddreg [dreg:$0x7];
	[sflag:s28] =	ssyncadd.s32 $0xFFFFC000  }
0x64: {  	[tilespmem:s26], [sflag:$0x1] =	stream.indirect.gather [hbm4b:s5+s31], $0x80, s15, s31, $0xb8;
	[tilespmem:$0x1EC00] =	vst v63  }
0x65: {  	_ =	swait.ge [sflag:s6], $0x4000  }
0x66: {  	[sflag:s6] =	ssyncset.done $0x0  }
0x67: {  	s13 =	rddreg [dreg:$0x8];
	[sflag:s6] =	ssyncadd.s32 $0xFFFFC000  }
0x68: {  	[spmem:s1] =	stream.indirect.scatter.add.f32 [tilespmem:s0], [sflag:$0x3], $0x80, s13, s31, $0xb8;
	[tilespmem:$0x1EC00] =	vst v63  }
0x69: {  	_ =	swait.ge [sflag:s28], $0x4000  }
0x6a: {  	[sflag:s28] =	ssyncset.done $0x0  }
0x6b: {  	s14 =	rddreg [dreg:$0x9];
	[sflag:s28] =	ssyncadd.s32 $0xFFFFC000  }
0x6c: {  	[tilespmem:s0], [sflag:$0x2] =	stream.indirect.gather [hbm4b:s5+s31], $0x80, s14, s31, $0xb8;
	[tilespmem:$0x1EC00] =	vst v63  }
0x6d: {  	_ =	swait.ge [sflag:s3], $0x4000  }
0x6e: {  	[sflag:s3] =	ssyncset.done $0x0  }
0x6f: {  	s15 =	rddreg [dreg:$0xa];
	[sflag:s3] =	ssyncadd.s32 $0xFFFFC000  }
0x70: {  	[spmem:s1] =	stream.indirect.scatter.add.f32 [tilespmem:s26], [sflag:$0x3], $0x80, s15, s31, $0xb8;
	[tilespmem:$0x1EC00] =	vst v63  }
0x71: {  	_ =	swait.ge [sflag:s28], $0x4000  }
0x72: {  	[sflag:s28] =	ssyncset.done $0x0  }
0x73: {  	s13 =	rddreg [dreg:$0xb];
	[sflag:s28] =	ssyncadd.s32 $0xFFFFC000  }
0x74: {  	[tilespmem:s26], [sflag:$0x1] =	stream.indirect.gather [hbm4b:s5+s31], $0x80, s13, s31, $0xb8;
	[tilespmem:$0x1EC00] =	vst v63  }
0x75: {  	_ =	swait.ge [sflag:s6], $0x4000  }
0x76: {  	[sflag:s6] =	ssyncset.done $0x0  }
0x77: {  	s14 =	rddreg [dreg:$0xc];
	[sflag:s6] =	ssyncadd.s32 $0xFFFFC000  }
0x78: {  	[spmem:s1] =	stream.indirect.scatter.add.f32 [tilespmem:s0], [sflag:$0x3], $0x80, s14, s31, $0xb8;
	[tilespmem:$0x1EC00] =	vst v63  }
0x79: {  	_ =	swait.ge [sflag:s28], $0x4000  }
0x7a: {  	[sflag:s28] =	ssyncset.done $0x0  }
0x7b: {  	s15 =	rddreg [dreg:$0xd];
	[sflag:s28] =	ssyncadd.s32 $0xFFFFC000  }
0x7c: {  	[tilespmem:s0], [sflag:$0x2] =	stream.indirect.gather [hbm4b:s5+s31], $0x80, s15, s31, $0xb8;
	[tilespmem:$0x1EC00] =	vst v63  }
0x7d: {  	_ =	swait.ge [sflag:s3], $0x4000  }
0x7e: {  	[sflag:s3] =	ssyncset.done $0x0  }
0x7f: {  	s13 =	rddreg [dreg:$0xe];
	[sflag:s3] =	ssyncadd.s32 $0xFFFFC000  }
0x80: {  	[spmem:s1] =	stream.indirect.scatter.add.f32 [tilespmem:s26], [sflag:$0x3], $0x80, s13, s31, $0xb8;
	[tilespmem:$0x1EC00] =	vst v63  }
0x81: {  	_ =	swait.ge [sflag:s28], $0x4000  }
0x82: {  	[sflag:s28] =	ssyncset.done $0x0  }
0x83: {  	s14 =	rddreg [dreg:$0xf];
	[sflag:s28] =	ssyncadd.s32 $0xFFFFC000  }
0x84: {  	[tilespmem:s26], [sflag:$0x1] =	stream.indirect.gather [hbm4b:s5+s31], $0x80, s14, s31, $0xb8;
	[tilespmem:$0x1EC00] =	vst v63  }
0x85: {  	_ =	swait.ge [sflag:s6], $0x4000  }
0x86: {  	[sflag:s6] =	ssyncset.done $0x0  }
0x87: {  	s15 =	rddreg [dreg:$0x10];
	[sflag:s6] =	ssyncadd.s32 $0xFFFFC000  }
0x88: {  	[spmem:s1] =	stream.indirect.scatter.add.f32 [tilespmem:s0], [sflag:$0x3], $0x80, s15, s31, $0xb8;
	[tilespmem:$0x1EC00] =	vst v63  }
0x89: {  	_ =	swait.ge [sflag:s28], $0x4000  }
0x8a: {  	[sflag:s28] =	ssyncset.done $0x0  }
0x8b: {  	s13 =	rddreg [dreg:$0x11];
	[sflag:s28] =	ssyncadd.s32 $0xFFFFC000  }
0x8c: {  	[tilespmem:s0], [sflag:$0x2] =	stream.indirect.gather [hbm4b:s5+s31], $0x80, s13, s31, $0xb8;
	[tilespmem:$0x1EC00] =	vst v63  }
0x8d: {  	_ =	swait.ge [sflag:s3], $0x4000  }
0x8e: {  	[sflag:s3] =	ssyncset.done $0x0  }
0x8f: {  	s14 =	rddreg [dreg:$0x12];
	[sflag:s3] =	ssyncadd.s32 $0xFFFFC000  }
0x90: {  	[spmem:s1] =	stream.indirect.scatter.add.f32 [tilespmem:s26], [sflag:$0x3], $0x80, s14, s31, $0xb8;
	[tilespmem:$0x1EC00] =	vst v63  }
0x91: {  	_ =	swait.ge [sflag:s28], $0x4000  }
0x92: {  	[sflag:s28] =	ssyncset.done $0x0  }
0x93: {  	s15 =	rddreg [dreg:$0x13];
	[sflag:s28] =	ssyncadd.s32 $0xFFFFC000  }
0x94: {  	[tilespmem:s26], [sflag:$0x1] =	stream.indirect.gather [hbm4b:s5+s31], $0x80, s15, s31, $0xb8;
	[tilespmem:$0x1EC00] =	vst v63  }
0x95: {  	_ =	swait.ge [sflag:s6], $0x4000  }
0x96: {  	[sflag:s6] =	ssyncset.done $0x0  }
0x97: {  	[sflag:s6] =	ssyncadd.s32 $0xFFFFC000  }
0x98: {  	[spmem:s1] =	stream.indirect.scatter.add.f32 [tilespmem:s0], [sflag:$0x3], $0x80, s8, s31, $0xb8;
	[tilespmem:$0x1EC00] =	vst v63  }
0x99: {  	_ =	swait.ge [sflag:s28], $0x4000  }
0x9a: {  	[sflag:s28] =	ssyncset.done $0x0  }
0x9b: {  	[sflag:s28] =	ssyncadd.s32 $0xFFFFC000  }
0x9c: {  	[tilespmem:s0], [sflag:$0x2] =	stream.indirect.gather [hbm4b:s5+s31], $0x80, s9, s31, $0xb8;
	[tilespmem:$0x1EC00] =	vst v63  }
0x9d: {  	_ =	swait.ge [sflag:s3], $0x4000  }
0x9e: {  	[sflag:s3] =	ssyncset.done $0x0  }
0x9f: {  	[sflag:s3] =	ssyncadd.s32 $0xFFFFC000  }
0xa0: {  	[spmem:s1] =	stream.indirect.scatter.add.f32 [tilespmem:s26], [sflag:$0x3], $0x80, s11, s31, $0xb8;
	[tilespmem:$0x1EC00] =	vst v63  }
0xa1: {  	_ =	swait.ge [sflag:s28], $0x4000  }
0xa2: {  	[sflag:s28] =	ssyncset.done $0x0  }
0xa3: {  	[sflag:s28] =	ssyncadd.s32 $0xFFFFC000  }
0xa4: {  	[tilespmem:s26], [sflag:$0x1] =	stream.indirect.gather [hbm4b:s5+s31], $0x80, s16, s31, $0xb8;
	[tilespmem:$0x1EC00] =	vst v63  }
0xa5: {  	_ =	swait.ge [sflag:s6], $0x4000  }
0xa6: {  	[sflag:s6] =	ssyncset.done $0x0  }
0xa7: {  	[sflag:s6] =	ssyncadd.s32 $0xFFFFC000  }
0xa8: {  	[spmem:s1] =	stream.indirect.scatter.add.f32 [tilespmem:s0], [sflag:$0x3], $0x80, s17, s31, $0xb8;
	[tilespmem:$0x1EC00] =	vst v63  }
0xa9: {  	_ =	swait.ge [sflag:s28], $0x4000  }
0xaa: {  	[sflag:s28] =	ssyncset.done $0x0  }
0xab: {  	[sflag:s28] =	ssyncadd.s32 $0xFFFFC000  }
0xac: {  	[tilespmem:s0], [sflag:$0x2] =	stream.indirect.gather [hbm4b:s5+s31], $0x80, s18, s31, $0xb8;
	[tilespmem:$0x1EC00] =	vst v63  }
0xad: {  	_ =	swait.ge [sflag:s3], $0x4000  }
0xae: {  	[sflag:s3] =	ssyncset.done $0x0  }
0xaf: {  	[sflag:s3] =	ssyncadd.s32 $0xFFFFC000  }
0xb0: {  	[spmem:s1] =	stream.indirect.scatter.add.f32 [tilespmem:s26], [sflag:$0x3], $0x80, s19, s31, $0xb8;
	[tilespmem:$0x1EC00] =	vst v63  }
0xb1: {  	_ =	swait.ge [sflag:s28], $0x4000  }
0xb2: {  	[sflag:s28] =	ssyncset.done $0x0  }
0xb3: {  	[sflag:s28] =	ssyncadd.s32 $0xFFFFC000  }
0xb4: {  	[tilespmem:s26], [sflag:$0x1] =	stream.indirect.gather [hbm4b:s5+s31], $0x80, s20, s31, $0xb8;
	[tilespmem:$0x1EC00] =	vst v63  }
0xb5: {  	_ =	swait.ge [sflag:s6], $0x4000  }
0xb6: {  	[sflag:s6] =	ssyncset.done $0x0  }
0xb7: {  	[sflag:s6] =	ssyncadd.s32 $0xFFFFC000  }
0xb8: {  	[spmem:s1] =	stream.indirect.scatter.add.f32 [tilespmem:s0], [sflag:$0x3], $0x80, s21, s31, $0xb8;
	[tilespmem:$0x1EC00] =	vst v63  }
0xb9: {  	_ =	swait.ge [sflag:s28], $0x4000  }
0xba: {  	[sflag:s28] =	ssyncset.done $0x0  }
0xbb: {  	[sflag:s28] =	ssyncadd.s32 $0xFFFFC000  }
0xbc: {  	[tilespmem:s0], [sflag:$0x2] =	stream.indirect.gather [hbm4b:s5+s31], $0x80, s22, s31, $0xb8;
	[tilespmem:$0x1EC00] =	vst v63  }
0xbd: {  	_ =	swait.ge [sflag:s3], $0x4000  }
0xbe: {  	[sflag:s3] =	ssyncset.done $0x0  }
0xbf: {  	[sflag:s3] =	ssyncadd.s32 $0xFFFFC000  }
0xc0: {  	[spmem:s1] =	stream.indirect.scatter.add.f32 [tilespmem:s26], [sflag:$0x3], $0x80, s23, s31, $0xb8;
	[tilespmem:$0x1EC00] =	vst v63  }
0xc1: {  	_ =	swait.ge [sflag:s28], $0x4000  }
0xc2: {  	[sflag:s28] =	ssyncset.done $0x0  }
0xc3: {  	[sflag:s28] =	ssyncadd.s32 $0xFFFFC000  }
0xc4: {  	[tilespmem:s26], [sflag:$0x1] =	stream.indirect.gather [hbm4b:s5+s31], $0x80, s24, s31, $0xb8;
	[tilespmem:$0x1EC00] =	vst v63  }
0xc5: {  	_ =	swait.ge [sflag:s6], $0x4000  }
0xc6: {  	[sflag:s6] =	ssyncset.done $0x0  }
0xc7: {  	[sflag:s6] =	ssyncadd.s32 $0xFFFFC000  }
0xc8: {  	[spmem:s1] =	stream.indirect.scatter.add.f32 [tilespmem:s0], [sflag:$0x3], $0x80, s25, s31, $0xb8;
	[tilespmem:$0x1EC00] =	vst v63  }
0xc9: {  	_ =	swait.ge [sflag:s28], $0x4000  }
0xca: {  	[sflag:s28] =	ssyncset.done $0x0  }
0xcb: {  	[sflag:s28] =	ssyncadd.s32 $0xFFFFC000  }
0xcc: {  	[tilespmem:s0], [sflag:$0x2] =	stream.indirect.gather [hbm4b:s5+s31], $0x80, s7, s31, $0xb8;
	[tilespmem:$0x1EC00] =	vst v63  }
0xcd: {  	_ =	swait.ge [sflag:s3], $0x4000  }
0xce: {  	[sflag:s3] =	ssyncset.done $0x0  }
0xcf: {  	[sflag:s3] =	ssyncadd.s32 $0xFFFFC000  }
0xd0: {  	[spmem:s1] =	stream.indirect.scatter.add.f32 [tilespmem:s26], [sflag:$0x3], $0x80, s10, s31, $0xb8;
	[tilespmem:$0x1EC00] =	vst v63  }
0xd1: {  	_ =	swait.ge [sflag:s28], $0x4000  }
0xd2: {  	[sflag:s28] =	ssyncset.done $0x0  }
0xd3: {  	[sflag:s28] =	ssyncadd.s32 $0xFFFFC000  }
0xd4: {  	_ =	swait.ge [sflag:s6], $0x4000  }
0xd5: {  	[sflag:s6] =	ssyncset.done $0x0  }
0xd6: {  	[sflag:s6] =	ssyncadd.s32 $0xFFFFC000  }
0xd7: {  	[spmem:s1] =	stream.indirect.scatter.add.f32 [tilespmem:s0], [sflag:$0x3], $0x80, s12, s31, $0xb8;
	[tilespmem:$0x1EC00] =	vst v63  }
0xd8: {  	s14 =	simm.s32 $0x100;
	_ =	swait.ge [sflag:s28], $0x4000  }
0xd9: {  	s15 =	simm.s32 $0x200;
	s2 =	rddreg [dreg:$0x4];
	[sflag:s28] =	ssyncset.done $0x0  }
.LBB2_2:
0xda: {  	[sflag:s28] =	ssyncadd.s32 $0xFFFFC000;
	s2 =	sadd.s32 s14, s2  }
0xdb: {  	[tilespmem:s29], [sflag:$0x3] =	stream.linear.gather [hbm4b:s2+s4], $0x800, $0x38;
	[tilespmem:$0x1EC00] =	vst v63  }
0xdc: {  	_ =	swait.ge [sflag:s28], $0x800  }
0xdd: {  	s2 =	rddreg [dreg:$0x5];
	[sflag:s28] =	ssyncset.done $0x0  }
0xde: {  	[sflag:s28] =	ssyncadd.s32 $0xFFFFF800;
	s2 =	sadd.s32 s14, s2  }
0xdf: {  	[tilespmem:s30], [sflag:$0x3] =	stream.linear.gather [hbm4b:s2+s4], $0x800, $0x38;
	[tilespmem:$0x1EC00] =	vst v63  }
0xe0: {  	_ =	swait.ge [sflag:s28], $0x800  }
0xe1: {  	[sflag:s28] =	ssyncset.done $0x0  }
0xe2: {  	s13 =	smov.u32 s15;
	[sflag:s28] =	ssyncadd.s32 $0xFFFFF800  }
0xe3: {  	[tilespmem:s26], [sflag:$0x1] =	stream.indirect.gather [hbm4b:s5+s31], $0x80, s29, s31, $0xb8;
	[tilespmem:$0x1EC00] =	vst v63  }
0xe4: {  	s14 =	smov.u32 s13;
	s13 =	rddreg [dreg:$0x6]  }
0xe5: {  	[tilespmem:s0], [sflag:$0x2] =	stream.indirect.gather [hbm4b:s5+s31], $0x80, s13, s31, $0xb8;
	[tilespmem:$0x1EC00] =	vst v63  }
0xe6: {  	_ =	swait.ge [sflag:s3], $0x4000  }
0xe7: {  	[sflag:s3] =	ssyncset.done $0x0  }
0xe8: {  	[sflag:s3] =	ssyncadd.s32 $0xFFFFC000  }
0xe9: {  	[spmem:s1] =	stream.indirect.scatter.add.f32 [tilespmem:s26], [sflag:$0x3], $0x80, s30, s31, $0xb8;
	[tilespmem:$0x1EC00] =	vst v63  }
0xea: {  	_ =	swait.ge [sflag:s28], $0x4000  }
0xeb: {  	[sflag:s28] =	ssyncset.done $0x0  }
0xec: {  	s13 =	rddreg [dreg:$0x7];
	[sflag:s28] =	ssyncadd.s32 $0xFFFFC000  }
0xed: {  	[tilespmem:s26], [sflag:$0x1] =	stream.indirect.gather [hbm4b:s5+s31], $0x80, s13, s31, $0xb8;
	[tilespmem:$0x1EC00] =	vst v63  }
0xee: {  	_ =	swait.ge [sflag:s6], $0x4000  }
0xef: {  	[sflag:s6] =	ssyncset.done $0x0  }
0xf0: {  	s13 =	rddreg [dreg:$0x8];
	[sflag:s6] =	ssyncadd.s32 $0xFFFFC000  }
0xf1: {  	[spmem:s1] =	stream.indirect.scatter.add.f32 [tilespmem:s0], [sflag:$0x3], $0x80, s13, s31, $0xb8;
	[tilespmem:$0x1EC00] =	vst v63  }
0xf2: {  	_ =	swait.ge [sflag:s28], $0x4000  }
0xf3: {  	[sflag:s28] =	ssyncset.done $0x0  }
0xf4: {  	s13 =	rddreg [dreg:$0x9];
	[sflag:s28] =	ssyncadd.s32 $0xFFFFC000  }
0xf5: {  	[tilespmem:s0], [sflag:$0x2] =	stream.indirect.gather [hbm4b:s5+s31], $0x80, s13, s31, $0xb8;
	[tilespmem:$0x1EC00] =	vst v63  }
0xf6: {  	_ =	swait.ge [sflag:s3], $0x4000  }
0xf7: {  	[sflag:s3] =	ssyncset.done $0x0  }
0xf8: {  	s13 =	rddreg [dreg:$0xa];
	[sflag:s3] =	ssyncadd.s32 $0xFFFFC000  }
0xf9: {  	[spmem:s1] =	stream.indirect.scatter.add.f32 [tilespmem:s26], [sflag:$0x3], $0x80, s13, s31, $0xb8;
	[tilespmem:$0x1EC00] =	vst v63  }
0xfa: {  	_ =	swait.ge [sflag:s28], $0x4000  }
0xfb: {  	[sflag:s28] =	ssyncset.done $0x0  }
0xfc: {  	s13 =	rddreg [dreg:$0xb];
	[sflag:s28] =	ssyncadd.s32 $0xFFFFC000  }
0xfd: {  	[tilespmem:s26], [sflag:$0x1] =	stream.indirect.gather [hbm4b:s5+s31], $0x80, s13, s31, $0xb8;
	[tilespmem:$0x1EC00] =	vst v63  }
0xfe: {  	_ =	swait.ge [sflag:s6], $0x4000  }
0xff: {  	[sflag:s6] =	ssyncset.done $0x0  }
0x100: {  	s13 =	rddreg [dreg:$0xc];
	[sflag:s6] =	ssyncadd.s32 $0xFFFFC000  }
0x101: {  	[spmem:s1] =	stream.indirect.scatter.add.f32 [tilespmem:s0], [sflag:$0x3], $0x80, s13, s31, $0xb8;
	[tilespmem:$0x1EC00] =	vst v63  }
0x102: {  	_ =	swait.ge [sflag:s28], $0x4000  }
0x103: {  	[sflag:s28] =	ssyncset.done $0x0  }
0x104: {  	s13 =	rddreg [dreg:$0xd];
	[sflag:s28] =	ssyncadd.s32 $0xFFFFC000  }
0x105: {  	[tilespmem:s0], [sflag:$0x2] =	stream.indirect.gather [hbm4b:s5+s31], $0x80, s13, s31, $0xb8;
	[tilespmem:$0x1EC00] =	vst v63  }
0x106: {  	_ =	swait.ge [sflag:s3], $0x4000  }
0x107: {  	[sflag:s3] =	ssyncset.done $0x0  }
0x108: {  	s13 =	rddreg [dreg:$0xe];
	[sflag:s3] =	ssyncadd.s32 $0xFFFFC000  }
0x109: {  	[spmem:s1] =	stream.indirect.scatter.add.f32 [tilespmem:s26], [sflag:$0x3], $0x80, s13, s31, $0xb8;
	[tilespmem:$0x1EC00] =	vst v63  }
0x10a: {  	_ =	swait.ge [sflag:s28], $0x4000  }
0x10b: {  	[sflag:s28] =	ssyncset.done $0x0  }
0x10c: {  	s13 =	rddreg [dreg:$0xf];
	[sflag:s28] =	ssyncadd.s32 $0xFFFFC000  }
0x10d: {  	[tilespmem:s26], [sflag:$0x1] =	stream.indirect.gather [hbm4b:s5+s31], $0x80, s13, s31, $0xb8;
	[tilespmem:$0x1EC00] =	vst v63  }
0x10e: {  	_ =	swait.ge [sflag:s6], $0x4000  }
0x10f: {  	[sflag:s6] =	ssyncset.done $0x0  }
0x110: {  	s13 =	rddreg [dreg:$0x10];
	[sflag:s6] =	ssyncadd.s32 $0xFFFFC000  }
0x111: {  	[spmem:s1] =	stream.indirect.scatter.add.f32 [tilespmem:s0], [sflag:$0x3], $0x80, s13, s31, $0xb8;
	[tilespmem:$0x1EC00] =	vst v63  }
0x112: {  	_ =	swait.ge [sflag:s28], $0x4000  }
0x113: {  	[sflag:s28] =	ssyncset.done $0x0  }
0x114: {  	s13 =	rddreg [dreg:$0x11];
	[sflag:s28] =	ssyncadd.s32 $0xFFFFC000  }
0x115: {  	[tilespmem:s0], [sflag:$0x2] =	stream.indirect.gather [hbm4b:s5+s31], $0x80, s13, s31, $0xb8;
	[tilespmem:$0x1EC00] =	vst v63  }
0x116: {  	_ =	swait.ge [sflag:s3], $0x4000  }
0x117: {  	[sflag:s3] =	ssyncset.done $0x0  }
0x118: {  	s13 =	rddreg [dreg:$0x12];
	[sflag:s3] =	ssyncadd.s32 $0xFFFFC000  }
0x119: {  	[spmem:s1] =	stream.indirect.scatter.add.f32 [tilespmem:s26], [sflag:$0x3], $0x80, s13, s31, $0xb8;
	[tilespmem:$0x1EC00] =	vst v63  }
0x11a: {  	_ =	swait.ge [sflag:s28], $0x4000  }
0x11b: {  	[sflag:s28] =	ssyncset.done $0x0  }
0x11c: {  	s13 =	rddreg [dreg:$0x13];
	[sflag:s28] =	ssyncadd.s32 $0xFFFFC000  }
0x11d: {  	[tilespmem:s26], [sflag:$0x1] =	stream.indirect.gather [hbm4b:s5+s31], $0x80, s13, s31, $0xb8;
	[tilespmem:$0x1EC00] =	vst v63  }
0x11e: {  	_ =	swait.ge [sflag:s6], $0x4000  }
0x11f: {  	[sflag:s6] =	ssyncset.done $0x0  }
0x120: {  	[sflag:s6] =	ssyncadd.s32 $0xFFFFC000  }
0x121: {  	[spmem:s1] =	stream.indirect.scatter.add.f32 [tilespmem:s0], [sflag:$0x3], $0x80, s8, s31, $0xb8;
	[tilespmem:$0x1EC00] =	vst v63  }
0x122: {  	_ =	swait.ge [sflag:s28], $0x4000  }
0x123: {  	[sflag:s28] =	ssyncset.done $0x0  }
0x124: {  	[sflag:s28] =	ssyncadd.s32 $0xFFFFC000  }
0x125: {  	[tilespmem:s0], [sflag:$0x2] =	stream.indirect.gather [hbm4b:s5+s31], $0x80, s9, s31, $0xb8;
	[tilespmem:$0x1EC00] =	vst v63  }
0x126: {  	_ =	swait.ge [sflag:s3], $0x4000  }
0x127: {  	[sflag:s3] =	ssyncset.done $0x0  }
0x128: {  	[sflag:s3] =	ssyncadd.s32 $0xFFFFC000  }
0x129: {  	[spmem:s1] =	stream.indirect.scatter.add.f32 [tilespmem:s26], [sflag:$0x3], $0x80, s11, s31, $0xb8;
	[tilespmem:$0x1EC00] =	vst v63  }
0x12a: {  	_ =	swait.ge [sflag:s28], $0x4000  }
0x12b: {  	[sflag:s28] =	ssyncset.done $0x0  }
0x12c: {  	[sflag:s28] =	ssyncadd.s32 $0xFFFFC000  }
0x12d: {  	[tilespmem:s26], [sflag:$0x1] =	stream.indirect.gather [hbm4b:s5+s31], $0x80, s16, s31, $0xb8;
	[tilespmem:$0x1EC00] =	vst v63  }
0x12e: {  	_ =	swait.ge [sflag:s6], $0x4000  }
0x12f: {  	[sflag:s6] =	ssyncset.done $0x0  }
0x130: {  	[sflag:s6] =	ssyncadd.s32 $0xFFFFC000  }
0x131: {  	[spmem:s1] =	stream.indirect.scatter.add.f32 [tilespmem:s0], [sflag:$0x3], $0x80, s17, s31, $0xb8;
	[tilespmem:$0x1EC00] =	vst v63  }
0x132: {  	_ =	swait.ge [sflag:s28], $0x4000  }
0x133: {  	[sflag:s28] =	ssyncset.done $0x0  }
0x134: {  	[sflag:s28] =	ssyncadd.s32 $0xFFFFC000  }
0x135: {  	[tilespmem:s0], [sflag:$0x2] =	stream.indirect.gather [hbm4b:s5+s31], $0x80, s18, s31, $0xb8;
	[tilespmem:$0x1EC00] =	vst v63  }
0x136: {  	_ =	swait.ge [sflag:s3], $0x4000  }
0x137: {  	[sflag:s3] =	ssyncset.done $0x0  }
0x138: {  	[sflag:s3] =	ssyncadd.s32 $0xFFFFC000  }
0x139: {  	[spmem:s1] =	stream.indirect.scatter.add.f32 [tilespmem:s26], [sflag:$0x3], $0x80, s19, s31, $0xb8;
	[tilespmem:$0x1EC00] =	vst v63  }
0x13a: {  	_ =	swait.ge [sflag:s28], $0x4000  }
0x13b: {  	[sflag:s28] =	ssyncset.done $0x0  }
0x13c: {  	[sflag:s28] =	ssyncadd.s32 $0xFFFFC000  }
0x13d: {  	[tilespmem:s26], [sflag:$0x1] =	stream.indirect.gather [hbm4b:s5+s31], $0x80, s20, s31, $0xb8;
	[tilespmem:$0x1EC00] =	vst v63  }
0x13e: {  	_ =	swait.ge [sflag:s6], $0x4000  }
0x13f: {  	[sflag:s6] =	ssyncset.done $0x0  }
0x140: {  	[sflag:s6] =	ssyncadd.s32 $0xFFFFC000  }
0x141: {  	[spmem:s1] =	stream.indirect.scatter.add.f32 [tilespmem:s0], [sflag:$0x3], $0x80, s21, s31, $0xb8;
	[tilespmem:$0x1EC00] =	vst v63  }
0x142: {  	_ =	swait.ge [sflag:s28], $0x4000  }
0x143: {  	[sflag:s28] =	ssyncset.done $0x0  }
0x144: {  	[sflag:s28] =	ssyncadd.s32 $0xFFFFC000  }
0x145: {  	[tilespmem:s0], [sflag:$0x2] =	stream.indirect.gather [hbm4b:s5+s31], $0x80, s22, s31, $0xb8;
	[tilespmem:$0x1EC00] =	vst v63  }
0x146: {  	_ =	swait.ge [sflag:s3], $0x4000  }
0x147: {  	[sflag:s3] =	ssyncset.done $0x0  }
0x148: {  	[sflag:s3] =	ssyncadd.s32 $0xFFFFC000  }
0x149: {  	[spmem:s1] =	stream.indirect.scatter.add.f32 [tilespmem:s26], [sflag:$0x3], $0x80, s23, s31, $0xb8;
	[tilespmem:$0x1EC00] =	vst v63  }
0x14a: {  	_ =	swait.ge [sflag:s28], $0x4000  }
0x14b: {  	[sflag:s28] =	ssyncset.done $0x0  }
0x14c: {  	[sflag:s28] =	ssyncadd.s32 $0xFFFFC000  }
0x14d: {  	[tilespmem:s26], [sflag:$0x1] =	stream.indirect.gather [hbm4b:s5+s31], $0x80, s24, s31, $0xb8;
	[tilespmem:$0x1EC00] =	vst v63  }
0x14e: {  	_ =	swait.ge [sflag:s6], $0x4000  }
0x14f: {  	[sflag:s6] =	ssyncset.done $0x0  }
0x150: {  	[sflag:s6] =	ssyncadd.s32 $0xFFFFC000  }
0x151: {  	[spmem:s1] =	stream.indirect.scatter.add.f32 [tilespmem:s0], [sflag:$0x3], $0x80, s25, s31, $0xb8;
	[tilespmem:$0x1EC00] =	vst v63  }
0x152: {  	_ =	swait.ge [sflag:s28], $0x4000  }
0x153: {  	[sflag:s28] =	ssyncset.done $0x0  }
0x154: {  	[sflag:s28] =	ssyncadd.s32 $0xFFFFC000  }
0x155: {  	[tilespmem:s0], [sflag:$0x2] =	stream.indirect.gather [hbm4b:s5+s31], $0x80, s7, s31, $0xb8;
	[tilespmem:$0x1EC00] =	vst v63  }
0x156: {  	_ =	swait.ge [sflag:s3], $0x4000  }
0x157: {  	[sflag:s3] =	ssyncset.done $0x0  }
0x158: {  	[sflag:s3] =	ssyncadd.s32 $0xFFFFC000  }
0x159: {  	[spmem:s1] =	stream.indirect.scatter.add.f32 [tilespmem:s26], [sflag:$0x3], $0x80, s10, s31, $0xb8;
	[tilespmem:$0x1EC00] =	vst v63  }
0x15a: {  	_ =	swait.ge [sflag:s28], $0x4000  }
0x15b: {  	[sflag:s28] =	ssyncset.done $0x0  }
0x15c: {  	[sflag:s28] =	ssyncadd.s32 $0xFFFFC000  }
0x15d: {  	p0 =	sne.s32 s15, $0x900;
	_ =	swait.ge [sflag:s6], $0x4000  }
.Ltmp0:
0x15e: {  	[sflag:s6] =	ssyncset.done $0x0;
	(pc) =	sbr.rel @p0 .LBB2_2-.Ltmp0, $4  }
0x15f: {  	[sflag:s6] =	ssyncadd.s32 $0xFFFFC000  }
0x160: {  	[spmem:s1] =	stream.indirect.scatter.add.f32 [tilespmem:s0], [sflag:$0x3], $0x80, s12, s31, $0xb8;
	[tilespmem:$0x1EC00] =	vst v63  }
0x161: {  	_ =	swait.ge [sflag:s28], $0x4000  }
0x162: {  	s15 =	sadd.s32 $0x100, s15;
	s2 =	rddreg [dreg:$0x4];
	[sflag:s28] =	ssyncset.done $0x0  }
0x163: {  	[sflag:s28] =	ssyncadd.s32 $0xFFFFC000;
	s2 =	sadd.s32 s14, s2  }
0x164: {  	[tilespmem:s29], [sflag:$0x3] =	stream.linear.gather [hbm4b:s2+s4], $0x800, $0x38;
	[tilespmem:$0x1EC00] =	vst v63  }
0x165: {  	_ =	swait.ge [sflag:s28], $0x800  }
0x166: {  	s13 =	rddreg [dreg:$0x5];
	[sflag:s28] =	ssyncset.done $0x0  }
0x167: {  	s2 =	sadd.s32 s14, s13;
	[sflag:s28] =	ssyncadd.s32 $0xFFFFF800  }
0x168: {  	[tilespmem:s30], [sflag:$0x3] =	stream.linear.gather [hbm4b:s2+s4], $0x800, $0x38;
	[tilespmem:$0x1EC00] =	vst v63  }
0x169: {  	_ =	swait.ge [sflag:s28], $0x800  }
0x16a: {  	[sflag:s28] =	ssyncset.done $0x0  }
0x16b: {  	[sflag:s28] =	ssyncadd.s32 $0xFFFFF800  }
0x16c: {  	[tilespmem:s26], [sflag:$0x1] =	stream.indirect.gather [hbm4b:s5+s31], $0x80, s29, s31, $0xb8;
	[tilespmem:$0x1EC00] =	vst v63  }
0x16d: {  	s15 =	rddreg [dreg:$0x6]  }
0x16e: {  	[tilespmem:s0], [sflag:$0x2] =	stream.indirect.gather [hbm4b:s5+s31], $0x80, s15, s31, $0xb8;
	[tilespmem:$0x1EC00] =	vst v63  }
0x16f: {  	_ =	swait.ge [sflag:s3], $0x4000  }
0x170: {  	[sflag:s3] =	ssyncset.done $0x0  }
0x171: {  	[sflag:s3] =	ssyncadd.s32 $0xFFFFC000  }
0x172: {  	[spmem:s1] =	stream.indirect.scatter.add.f32 [tilespmem:s26], [sflag:$0x3], $0x80, s30, s31, $0xb8;
	[tilespmem:$0x1EC00] =	vst v63  }
0x173: {  	_ =	swait.ge [sflag:s28], $0x4000  }
0x174: {  	[sflag:s28] =	ssyncset.done $0x0  }
0x175: {  	s13 =	rddreg [dreg:$0x7];
	[sflag:s28] =	ssyncadd.s32 $0xFFFFC000  }
0x176: {  	[tilespmem:s26], [sflag:$0x1] =	stream.indirect.gather [hbm4b:s5+s31], $0x80, s13, s31, $0xb8;
	[tilespmem:$0x1EC00] =	vst v63  }
0x177: {  	_ =	swait.ge [sflag:s6], $0x4000  }
0x178: {  	[sflag:s6] =	ssyncset.done $0x0  }
0x179: {  	s14 =	rddreg [dreg:$0x8];
	[sflag:s6] =	ssyncadd.s32 $0xFFFFC000  }
0x17a: {  	[spmem:s1] =	stream.indirect.scatter.add.f32 [tilespmem:s0], [sflag:$0x3], $0x80, s14, s31, $0xb8;
	[tilespmem:$0x1EC00] =	vst v63  }
0x17b: {  	_ =	swait.ge [sflag:s28], $0x4000  }
0x17c: {  	[sflag:s28] =	ssyncset.done $0x0  }
0x17d: {  	s15 =	rddreg [dreg:$0x9];
	[sflag:s28] =	ssyncadd.s32 $0xFFFFC000  }
0x17e: {  	[tilespmem:s0], [sflag:$0x2] =	stream.indirect.gather [hbm4b:s5+s31], $0x80, s15, s31, $0xb8;
	[tilespmem:$0x1EC00] =	vst v63  }
0x17f: {  	_ =	swait.ge [sflag:s3], $0x4000  }
0x180: {  	[sflag:s3] =	ssyncset.done $0x0  }
0x181: {  	s13 =	rddreg [dreg:$0xa];
	[sflag:s3] =	ssyncadd.s32 $0xFFFFC000  }
0x182: {  	[spmem:s1] =	stream.indirect.scatter.add.f32 [tilespmem:s26], [sflag:$0x3], $0x80, s13, s31, $0xb8;
	[tilespmem:$0x1EC00] =	vst v63  }
0x183: {  	_ =	swait.ge [sflag:s28], $0x4000  }
0x184: {  	[sflag:s28] =	ssyncset.done $0x0  }
0x185: {  	s14 =	rddreg [dreg:$0xb];
	[sflag:s28] =	ssyncadd.s32 $0xFFFFC000  }
0x186: {  	[tilespmem:s26], [sflag:$0x1] =	stream.indirect.gather [hbm4b:s5+s31], $0x80, s14, s31, $0xb8;
	[tilespmem:$0x1EC00] =	vst v63  }
0x187: {  	_ =	swait.ge [sflag:s6], $0x4000  }
0x188: {  	[sflag:s6] =	ssyncset.done $0x0  }
0x189: {  	s15 =	rddreg [dreg:$0xc];
	[sflag:s6] =	ssyncadd.s32 $0xFFFFC000  }
0x18a: {  	[spmem:s1] =	stream.indirect.scatter.add.f32 [tilespmem:s0], [sflag:$0x3], $0x80, s15, s31, $0xb8;
	[tilespmem:$0x1EC00] =	vst v63  }
0x18b: {  	_ =	swait.ge [sflag:s28], $0x4000  }
0x18c: {  	[sflag:s28] =	ssyncset.done $0x0  }
0x18d: {  	s13 =	rddreg [dreg:$0xd];
	[sflag:s28] =	ssyncadd.s32 $0xFFFFC000  }
0x18e: {  	[tilespmem:s0], [sflag:$0x2] =	stream.indirect.gather [hbm4b:s5+s31], $0x80, s13, s31, $0xb8;
	[tilespmem:$0x1EC00] =	vst v63  }
0x18f: {  	_ =	swait.ge [sflag:s3], $0x4000  }
0x190: {  	[sflag:s3] =	ssyncset.done $0x0  }
0x191: {  	s14 =	rddreg [dreg:$0xe];
	[sflag:s3] =	ssyncadd.s32 $0xFFFFC000  }
0x192: {  	[spmem:s1] =	stream.indirect.scatter.add.f32 [tilespmem:s26], [sflag:$0x3], $0x80, s14, s31, $0xb8;
	[tilespmem:$0x1EC00] =	vst v63  }
0x193: {  	_ =	swait.ge [sflag:s28], $0x4000  }
0x194: {  	[sflag:s28] =	ssyncset.done $0x0  }
0x195: {  	s15 =	rddreg [dreg:$0xf];
	[sflag:s28] =	ssyncadd.s32 $0xFFFFC000  }
0x196: {  	[tilespmem:s26], [sflag:$0x1] =	stream.indirect.gather [hbm4b:s5+s31], $0x80, s15, s31, $0xb8;
	[tilespmem:$0x1EC00] =	vst v63  }
0x197: {  	_ =	swait.ge [sflag:s6], $0x4000  }
0x198: {  	[sflag:s6] =	ssyncset.done $0x0  }
0x199: {  	s13 =	rddreg [dreg:$0x10];
	[sflag:s6] =	ssyncadd.s32 $0xFFFFC000  }
0x19a: {  	[spmem:s1] =	stream.indirect.scatter.add.f32 [tilespmem:s0], [sflag:$0x3], $0x80, s13, s31, $0xb8;
	[tilespmem:$0x1EC00] =	vst v63  }
0x19b: {  	_ =	swait.ge [sflag:s28], $0x4000  }
0x19c: {  	[sflag:s28] =	ssyncset.done $0x0  }
0x19d: {  	s14 =	rddreg [dreg:$0x11];
	[sflag:s28] =	ssyncadd.s32 $0xFFFFC000  }
0x19e: {  	[tilespmem:s0], [sflag:$0x2] =	stream.indirect.gather [hbm4b:s5+s31], $0x80, s14, s31, $0xb8;
	[tilespmem:$0x1EC00] =	vst v63  }
0x19f: {  	_ =	swait.ge [sflag:s3], $0x4000  }
0x1a0: {  	[sflag:s3] =	ssyncset.done $0x0  }
0x1a1: {  	s15 =	rddreg [dreg:$0x12];
	[sflag:s3] =	ssyncadd.s32 $0xFFFFC000  }
0x1a2: {  	[spmem:s1] =	stream.indirect.scatter.add.f32 [tilespmem:s26], [sflag:$0x3], $0x80, s15, s31, $0xb8;
	[tilespmem:$0x1EC00] =	vst v63  }
0x1a3: {  	_ =	swait.ge [sflag:s28], $0x4000  }
0x1a4: {  	[sflag:s28] =	ssyncset.done $0x0  }
0x1a5: {  	s13 =	rddreg [dreg:$0x13];
	[sflag:s28] =	ssyncadd.s32 $0xFFFFC000  }
0x1a6: {  	[tilespmem:s26], [sflag:$0x1] =	stream.indirect.gather [hbm4b:s5+s31], $0x80, s13, s31, $0xb8;
	[tilespmem:$0x1EC00] =	vst v63  }
0x1a7: {  	_ =	swait.ge [sflag:s6], $0x4000  }
0x1a8: {  	[sflag:s6] =	ssyncset.done $0x0  }
0x1a9: {  	[sflag:s6] =	ssyncadd.s32 $0xFFFFC000  }
0x1aa: {  	[spmem:s1] =	stream.indirect.scatter.add.f32 [tilespmem:s0], [sflag:$0x3], $0x80, s8, s31, $0xb8;
	[tilespmem:$0x1EC00] =	vst v63  }
0x1ab: {  	_ =	swait.ge [sflag:s28], $0x4000  }
0x1ac: {  	[sflag:s28] =	ssyncset.done $0x0  }
0x1ad: {  	[sflag:s28] =	ssyncadd.s32 $0xFFFFC000  }
0x1ae: {  	[tilespmem:s0], [sflag:$0x2] =	stream.indirect.gather [hbm4b:s5+s31], $0x80, s9, s31, $0xb8;
	[tilespmem:$0x1EC00] =	vst v63  }
0x1af: {  	_ =	swait.ge [sflag:s3], $0x4000  }
0x1b0: {  	[sflag:s3] =	ssyncset.done $0x0  }
0x1b1: {  	[sflag:s3] =	ssyncadd.s32 $0xFFFFC000  }
0x1b2: {  	[spmem:s1] =	stream.indirect.scatter.add.f32 [tilespmem:s26], [sflag:$0x3], $0x80, s11, s31, $0xb8;
	[tilespmem:$0x1EC00] =	vst v63  }
0x1b3: {  	_ =	swait.ge [sflag:s28], $0x4000  }
0x1b4: {  	[sflag:s28] =	ssyncset.done $0x0  }
0x1b5: {  	[sflag:s28] =	ssyncadd.s32 $0xFFFFC000  }
0x1b6: {  	[tilespmem:s26], [sflag:$0x1] =	stream.indirect.gather [hbm4b:s5+s31], $0x80, s16, s31, $0xb8;
	[tilespmem:$0x1EC00] =	vst v63  }
0x1b7: {  	_ =	swait.ge [sflag:s6], $0x4000  }
0x1b8: {  	[sflag:s6] =	ssyncset.done $0x0  }
0x1b9: {  	[sflag:s6] =	ssyncadd.s32 $0xFFFFC000  }
0x1ba: {  	[spmem:s1] =	stream.indirect.scatter.add.f32 [tilespmem:s0], [sflag:$0x3], $0x80, s17, s31, $0xb8;
	[tilespmem:$0x1EC00] =	vst v63  }
0x1bb: {  	_ =	swait.ge [sflag:s28], $0x4000  }
0x1bc: {  	[sflag:s28] =	ssyncset.done $0x0  }
0x1bd: {  	[sflag:s28] =	ssyncadd.s32 $0xFFFFC000  }
0x1be: {  	[tilespmem:s0], [sflag:$0x2] =	stream.indirect.gather [hbm4b:s5+s31], $0x80, s18, s31, $0xb8;
	[tilespmem:$0x1EC00] =	vst v63  }
0x1bf: {  	_ =	swait.ge [sflag:s3], $0x4000  }
0x1c0: {  	[sflag:s3] =	ssyncset.done $0x0  }
0x1c1: {  	[sflag:s3] =	ssyncadd.s32 $0xFFFFC000  }
0x1c2: {  	[spmem:s1] =	stream.indirect.scatter.add.f32 [tilespmem:s26], [sflag:$0x3], $0x80, s19, s31, $0xb8;
	[tilespmem:$0x1EC00] =	vst v63  }
0x1c3: {  	_ =	swait.ge [sflag:s28], $0x4000  }
0x1c4: {  	[sflag:s28] =	ssyncset.done $0x0  }
0x1c5: {  	[sflag:s28] =	ssyncadd.s32 $0xFFFFC000  }
0x1c6: {  	[tilespmem:s26], [sflag:$0x1] =	stream.indirect.gather [hbm4b:s5+s31], $0x80, s20, s31, $0xb8;
	[tilespmem:$0x1EC00] =	vst v63  }
0x1c7: {  	_ =	swait.ge [sflag:s6], $0x4000  }
0x1c8: {  	[sflag:s6] =	ssyncset.done $0x0  }
0x1c9: {  	[sflag:s6] =	ssyncadd.s32 $0xFFFFC000  }
0x1ca: {  	[spmem:s1] =	stream.indirect.scatter.add.f32 [tilespmem:s0], [sflag:$0x3], $0x80, s21, s31, $0xb8;
	[tilespmem:$0x1EC00] =	vst v63  }
0x1cb: {  	_ =	swait.ge [sflag:s28], $0x4000  }
0x1cc: {  	[sflag:s28] =	ssyncset.done $0x0  }
0x1cd: {  	[sflag:s28] =	ssyncadd.s32 $0xFFFFC000  }
0x1ce: {  	[tilespmem:s0], [sflag:$0x2] =	stream.indirect.gather [hbm4b:s5+s31], $0x80, s22, s31, $0xb8;
	[tilespmem:$0x1EC00] =	vst v63  }
0x1cf: {  	_ =	swait.ge [sflag:s3], $0x4000  }
0x1d0: {  	[sflag:s3] =	ssyncset.done $0x0  }
0x1d1: {  	[sflag:s3] =	ssyncadd.s32 $0xFFFFC000  }
0x1d2: {  	[spmem:s1] =	stream.indirect.scatter.add.f32 [tilespmem:s26], [sflag:$0x3], $0x80, s23, s31, $0xb8;
	[tilespmem:$0x1EC00] =	vst v63  }
0x1d3: {  	_ =	swait.ge [sflag:s28], $0x4000  }
0x1d4: {  	[sflag:s28] =	ssyncset.done $0x0  }
0x1d5: {  	[sflag:s28] =	ssyncadd.s32 $0xFFFFC000  }
0x1d6: {  	[tilespmem:s26], [sflag:$0x1] =	stream.indirect.gather [hbm4b:s5+s31], $0x80, s24, s31, $0xb8;
	[tilespmem:$0x1EC00] =	vst v63  }
0x1d7: {  	_ =	swait.ge [sflag:s6], $0x4000  }
0x1d8: {  	[sflag:s6] =	ssyncset.done $0x0  }
0x1d9: {  	[sflag:s6] =	ssyncadd.s32 $0xFFFFC000  }
0x1da: {  	[spmem:s1] =	stream.indirect.scatter.add.f32 [tilespmem:s0], [sflag:$0x3], $0x80, s25, s31, $0xb8;
	[tilespmem:$0x1EC00] =	vst v63  }
0x1db: {  	_ =	swait.ge [sflag:s28], $0x4000  }
0x1dc: {  	[sflag:s28] =	ssyncset.done $0x0  }
0x1dd: {  	[sflag:s28] =	ssyncadd.s32 $0xFFFFC000  }
0x1de: {  	[tilespmem:s0], [sflag:$0x2] =	stream.indirect.gather [hbm4b:s5+s31], $0x80, s7, s31, $0xb8;
	[tilespmem:$0x1EC00] =	vst v63  }
0x1df: {  	_ =	swait.ge [sflag:s3], $0x4000  }
0x1e0: {  	[sflag:s3] =	ssyncset.done $0x0  }
0x1e1: {  	[sflag:s3] =	ssyncadd.s32 $0xFFFFC000  }
0x1e2: {  	[spmem:s1] =	stream.indirect.scatter.add.f32 [tilespmem:s26], [sflag:$0x3], $0x80, s10, s31, $0xb8;
	[tilespmem:$0x1EC00] =	vst v63  }
0x1e3: {  	_ =	swait.ge [sflag:s28], $0x4000  }
0x1e4: {  	[sflag:s28] =	ssyncset.done $0x0  }
0x1e5: {  	[sflag:s28] =	ssyncadd.s32 $0xFFFFC000  }
0x1e6: {  	_ =	swait.ge [sflag:s6], $0x4000  }
0x1e7: {  	[sflag:s6] =	ssyncset.done $0x0  }
0x1e8: {  	[sflag:s6] =	ssyncadd.s32 $0xFFFFC000  }
0x1e9: {  	[spmem:s1] =	stream.indirect.scatter.add.f32 [tilespmem:s0], [sflag:$0x3], $0x80, s12, s31, $0xb8;
	[tilespmem:$0x1EC00] =	vst v63  }
0x1ea: {  	_ =	swait.ge [sflag:s28], $0x4000  }
0x1eb: {  	[sflag:s28] =	ssyncset.done $0x0  }
0x1ec: {  	s13 =	simm.s32 $0x16400;
	s14 =	rddreg [dreg:$0x16];
	[sflag:s28] =	ssyncadd.s32 $0xFFFFC000  }
0x1ed: {  	[tilespmem:s13], [sflag:$0x3] =	stream.linear.gather [hbm4b:s14+s4], $0x800, $0x38;
	[tilespmem:$0x1EC00] =	vst v63  }
0x1ee: {  	_ =	swait.ge [sflag:s28], $0x800  }
0x1ef: {  	[sflag:s28] =	ssyncset.done $0x0  }
0x1f0: {  	s15 =	rddreg [dreg:$0x1e];
	[sflag:s28] =	ssyncadd.s32 $0xFFFFF800  }
0x1f1: {  	[tilespmem:s26], [sflag:$0x3] =	stream.linear.gather [hbm4b:s15+s4], $0x4000, $0x38;
	[tilespmem:$0x1EC00] =	vst v63  }
0x1f2: {  	_ =	swait.ge [sflag:s28], $0x4000  }
0x1f3: {  	[sflag:s28] =	ssyncset.done $0x0  }
0x1f4: {  	[sflag:s28] =	ssyncadd.s32 $0xFFFFC000  }
0x1f5: {  	s2 =	rddreg [dreg:$0x2]  }
0x1f6: {  	[spmem:s2] =	stream.indirect.scatter.add.f32 [tilespmem:s26], [sflag:$0x3], $0x80, s13, s31, $0xb8;
	[tilespmem:$0x1EC00] =	vst v63  }
0x1f7: {  	_ =	swait.ge [sflag:s28], $0x4000  }
0x1f8: {  	[sflag:s28] =	ssyncset.done $0x0  }
0x1f9: {  	s14 =	rddreg [dreg:$0x1f];
	[sflag:s28] =	ssyncadd.s32 $0xFFFFC000  }
0x1fa: {  	[tilespmem:s26], [sflag:$0x3] =	stream.linear.gather [hbm4b:s14+s4], $0x4000, $0x38;
	[tilespmem:$0x1EC00] =	vst v63  }
0x1fb: {  	_ =	swait.ge [sflag:s28], $0x4000  }
0x1fc: {  	[sflag:s28] =	ssyncset.done $0x0  }
0x1fd: {  	s15 =	simm.s32 $0x16480;
	[sflag:s28] =	ssyncadd.s32 $0xFFFFC000  }
0x1fe: {  	[spmem:s2] =	stream.indirect.scatter.add.f32 [tilespmem:s26], [sflag:$0x3], $0x80, s15, s31, $0xb8;
	[tilespmem:$0x1EC00] =	vst v63  }
0x1ff: {  	_ =	swait.ge [sflag:s28], $0x4000  }
0x200: {  	s14 =	sld [smem:$0x7F5]  }
0x201: {  	[sflag:s28] =	ssyncset.done $0x0  }
0x202: {  	[sflag:s28] =	ssyncadd.s32 $0xFFFFC000  }
0x203: {  	[tilespmem:s26], [sflag:$0x3] =	stream.linear.gather [hbm4b:s14+s4], $0x4000, $0x38;
	[tilespmem:$0x1EC00] =	vst v63  }
0x204: {  	_ =	swait.ge [sflag:s28], $0x4000  }
0x205: {  	[sflag:s28] =	ssyncset.done $0x0  }
0x206: {  	s15 =	simm.s32 $0x16500;
	[sflag:s28] =	ssyncadd.s32 $0xFFFFC000  }
0x207: {  	[spmem:s2] =	stream.indirect.scatter.add.f32 [tilespmem:s26], [sflag:$0x3], $0x80, s15, s31, $0xb8;
	[tilespmem:$0x1EC00] =	vst v63  }
0x208: {  	_ =	swait.ge [sflag:s28], $0x4000  }
0x209: {  	s14 =	sld [smem:$0x7F6]  }
0x20a: {  	[sflag:s28] =	ssyncset.done $0x0  }
0x20b: {  	[sflag:s28] =	ssyncadd.s32 $0xFFFFC000  }
0x20c: {  	[tilespmem:s26], [sflag:$0x3] =	stream.linear.gather [hbm4b:s14+s4], $0x4000, $0x38;
	[tilespmem:$0x1EC00] =	vst v63  }
0x20d: {  	_ =	swait.ge [sflag:s28], $0x4000  }
0x20e: {  	[sflag:s28] =	ssyncset.done $0x0  }
0x20f: {  	s15 =	simm.s32 $0x16580;
	[sflag:s28] =	ssyncadd.s32 $0xFFFFC000  }
0x210: {  	[spmem:s2] =	stream.indirect.scatter.add.f32 [tilespmem:s26], [sflag:$0x3], $0x80, s15, s31, $0xb8;
	[tilespmem:$0x1EC00] =	vst v63  }
0x211: {  	_ =	swait.ge [sflag:s28], $0x4000  }
0x212: {  	s14 =	sld [smem:$0x7FC]  }
0x213: {  	[sflag:s28] =	ssyncset.done $0x0  }
0x214: {  	[sflag:s28] =	ssyncadd.s32 $0xFFFFC000  }
0x215: {  	[tilespmem:s26], [sflag:$0x3] =	stream.linear.gather [hbm4b:s14+s4], $0x4000, $0x38;
	[tilespmem:$0x1EC00] =	vst v63  }
0x216: {  	_ =	swait.ge [sflag:s28], $0x4000  }
0x217: {  	[sflag:s28] =	ssyncset.done $0x0  }
0x218: {  	s15 =	simm.s32 $0x16600;
	[sflag:s28] =	ssyncadd.s32 $0xFFFFC000  }
0x219: {  	[spmem:s2] =	stream.indirect.scatter.add.f32 [tilespmem:s26], [sflag:$0x3], $0x80, s15, s31, $0xb8;
	[tilespmem:$0x1EC00] =	vst v63  }
0x21a: {  	_ =	swait.ge [sflag:s28], $0x4000  }
0x21b: {  	[sflag:s28] =	ssyncset.done $0x0  }
0x21c: {  	[sflag:s28] =	ssyncadd.s32 $0xFFFFC000  }
0x21d: {  	[bflag:$0x0] =	sbarrier.arrive $0xFFFF  }
0x21e: {  	s14 =	rddreg [dreg:$0x18]  }
0x21f: {  	[tilespmem:s26], [sflag:$0x3] =	stream.linear.gather [spmem:s14], $0x4000, $0x38;
	[tilespmem:$0x1EC00] =	vst v63  }
0x220: {  	_ =	swait.ge [sflag:s28], $0x4000  }
0x221: {  	s15 =	sld [smem:$0x7F7]  }
0x222: {  	[sflag:s28] =	ssyncset.done $0x0  }
0x223: {  	[sflag:s28] =	ssyncadd.s32 $0xFFFFC000  }
0x224: {  	[hbm4b:s15+s4] =	stream.linear.scatter [tilespmem:s26], [sflag:$0x3], $0x4000, $0x38;
	[tilespmem:$0x1EC00] =	vst v63  }
0x225: {  	_ =	swait.ge [sflag:s28], $0x4000  }
0x226: {  	[sflag:s28] =	ssyncset.done $0x0  }
0x227: {  	s15 =	rddreg [dreg:$0x1a];
	[sflag:s28] =	ssyncadd.s32 $0xFFFFC000  }
0x228: {  	[tilespmem:s26], [sflag:$0x3] =	stream.linear.gather [spmem:s15], $0x4000, $0x38;
	[tilespmem:$0x1EC00] =	vst v63  }
0x229: {  	_ =	swait.ge [sflag:s28], $0x4000  }
0x22a: {  	s13 =	sld [smem:$0x7F8]  }
0x22b: {  	[sflag:s28] =	ssyncset.done $0x0  }
0x22c: {  	[sflag:s28] =	ssyncadd.s32 $0xFFFFC000  }
0x22d: {  	[hbm4b:s13+s4] =	stream.linear.scatter [tilespmem:s26], [sflag:$0x3], $0x4000, $0x38;
	[tilespmem:$0x1EC00] =	vst v63  }
0x22e: {  	_ =	swait.ge [sflag:s28], $0x4000  }
0x22f: {  	[sflag:s28] =	ssyncset.done $0x0  }
0x230: {  	s14 =	rddreg [dreg:$0x1b];
	[sflag:s28] =	ssyncadd.s32 $0xFFFFC000  }
0x231: {  	[tilespmem:s26], [sflag:$0x3] =	stream.linear.gather [spmem:s14], $0x4000, $0x38;
	[tilespmem:$0x1EC00] =	vst v63  }
0x232: {  	_ =	swait.ge [sflag:s28], $0x4000  }
0x233: {  	s13 =	sld [smem:$0x7F9]  }
0x234: {  	[sflag:s28] =	ssyncset.done $0x0  }
0x235: {  	[sflag:s28] =	ssyncadd.s32 $0xFFFFC000  }
0x236: {  	[hbm4b:s13+s4] =	stream.linear.scatter [tilespmem:s26], [sflag:$0x3], $0x4000, $0x38;
	[tilespmem:$0x1EC00] =	vst v63  }
0x237: {  	_ =	swait.ge [sflag:s28], $0x4000  }
0x238: {  	[sflag:s28] =	ssyncset.done $0x0  }
0x239: {  	s14 =	rddreg [dreg:$0x1c];
	[sflag:s28] =	ssyncadd.s32 $0xFFFFC000  }
0x23a: {  	[tilespmem:s26], [sflag:$0x3] =	stream.linear.gather [spmem:s14], $0x4000, $0x38;
	[tilespmem:$0x1EC00] =	vst v63  }
0x23b: {  	_ =	swait.ge [sflag:s28], $0x4000  }
0x23c: {  	s13 =	sld [smem:$0x7FA]  }
0x23d: {  	[sflag:s28] =	ssyncset.done $0x0  }
0x23e: {  	[sflag:s28] =	ssyncadd.s32 $0xFFFFC000  }
0x23f: {  	[hbm4b:s13+s4] =	stream.linear.scatter [tilespmem:s26], [sflag:$0x3], $0x4000, $0x38;
	[tilespmem:$0x1EC00] =	vst v63  }
0x240: {  	_ =	swait.ge [sflag:s28], $0x4000  }
0x241: {  	[sflag:s28] =	ssyncset.done $0x0  }
0x242: {  	s13 =	rddreg [dreg:$0x1d];
	[sflag:s28] =	ssyncadd.s32 $0xFFFFC000  }
0x243: {  	[tilespmem:s26], [sflag:$0x3] =	stream.linear.gather [spmem:s13], $0x4000, $0x38;
	[tilespmem:$0x1EC00] =	vst v63  }
0x244: {  	_ =	swait.ge [sflag:s28], $0x4000  }
0x245: {  	s14 =	sld [smem:$0x7FB]  }
0x246: {  	[sflag:s28] =	ssyncset.done $0x0  }
0x247: {  	[sflag:s28] =	ssyncadd.s32 $0xFFFFC000  }
0x248: {  	[hbm4b:s14+s4] =	stream.linear.scatter [tilespmem:s26], [sflag:$0x3], $0x4000, $0x38;
	[tilespmem:$0x1EC00] =	vst v63  }
0x249: {  	_ =	swait.ge [sflag:s28], $0x4000  }
0x24a: {  	[sflag:s28] =	ssyncset.done $0x0  }
0x24b: {  	s14 =	rddreg [dreg:$0x15];
	[sflag:s28] =	ssyncadd.s32 $0xFFFFC000  }
0x24c: {  	[tilespmem:s26], [sflag:$0x3] =	stream.linear.gather [spmem:s14], $0x1400, $0x38;
	[tilespmem:$0x1EC00] =	vst v63  }
0x24d: {  	_ =	swait.ge [sflag:s28], $0x1400  }
0x24e: {  	[sflag:s28] =	ssyncset.done $0x0  }
0x24f: {  	s14 =	rddreg [dreg:$0x17];
	[sflag:s28] =	ssyncadd.s32 $0xFFFFEC00  }
0x250: {  	[hbm4b:s14+s4] =	stream.linear.scatter [tilespmem:s26], [sflag:$0x3], $0x1400, $0x38;
	[tilespmem:$0x1EC00] =	vst v63  }
0x251: {  	_ =	swait.ge [sflag:s28], $0x1400  }
0x252: {  	s2 =	sld [smem:$0x7FD];
	_ =	sdelay $0x2  }
0x253: {  	s14 =	sadd.s32 $0x1, s2;
	s2 =	rddreg [dreg:$0x19]  }
0x254: {  	p0 =	sne.s32 s14, s2  }
.Ltmp1:
0x255: {  	_ = 	snop;
	(pc) =	sbr.rel @p0 .LBB2_1-.Ltmp1, $3  }
0x256: {  	_ =	sdelay $0x1  }
0x257: {  	[sflag:s28] =	ssyncset.done $0x0;
	[smem:$0x7FD] =	sst s14  }
0x258: {  	[sflag:s28] =	ssyncadd.s32 $0xFFFFEC00;
	s14 =	rddreg [dreg:$0x18]  }
0x259: {  	_ =	sfence.sel $0x180000  }
0x25a: {  	[bflag:$0x0] =	sbarrier.arrive $0xFFFF  }
0x25b: {  	_ =	strace $0x9000004A  }
0x25c: {  	s0 =	stileid.u32;
	[bflag:$0x2] =	sbarrier.arrive $0xFFFF  }
0x25d: {  	p0 =	sne.s32 s0, $0x0;
	s0 =	rddreg [dreg:$0x3]  }
0x25e: {  	s0 =	sadd.s32 @!p0 $0x100000, s0  }
0x25f: {  	[sflag:s0] =	ssyncadd.tile.s32 @!p0 $0x1;
	_ =	shalt  }
.Lfunc_end2:
_tile_overlayer_lowered:
.L_overlay_start_2:
0x260: {  	(tag) =	ssettag $0x2  }
0x261: {  	s0 =	rddreg [dreg:$0x0];
	s2 =	stileid.u32  }
0x262: {  	s1 =	rddreg [dreg:$0x1];
	p0 =	sne.s32 s2, $0x0  }
0x263: {  	s3 =	rddreg [dreg:$0x2];
	[bflag:$0x3] =	sbarrier.arrive $0xFFFF;
	s2 =	simm.s32 @!p0 $0x1C03  }
0x264: {  	[timem:s3], [sflag:s2] =	dma.local @!p0 [hbm:s0], s1  }
0x265: {  	s0 =	simm.s32 @!p0 $0x3  }
0x266: {  	_ =	swait.ge @!p0 [sflag:s0], s1  }
0x267: {  	s1 =	ssub.s32 @!p0 $0x0, s1;
	[sflag:s0] =	ssyncset.done @!p0 $0x0  }
0x268: {  	[sflag:s0] =	ssyncadd.s32 @!p0 s1  }
0x269: {  	[bflag:$0x3] =	sbarrier.arrive $0xFFFF  }
0x26a: {  	_ =	shalt  }

// kernel: kernel.15.cloned.1.call-start
scs
__scs_entry_jumppad:
0x0: {  	(pc) =	sbr.rel $0x88, $3  }
0x1: {  	(tag) =	ssettag $0x0;
	lr =	simm.s32 $0x1  }
0x2: {  	[smem:$0x3F97] =	sst lr;
	_ =	strace $0xD0000000  }
0x3: {  	_ = 	snop  }
0x4: {  	_ = 	snop  }
0x5: {  	_ = 	snop  }
0x6: {  	_ = 	snop  }
0x7: {  	_ = 	snop  }
__scs_overlays_trampoline_lowered:
0x8: {  	[smem:$0x3FA6] =	sst s0  }
0x9: {  	[smem:$0x3FA7] =	sst s1  }
0xa: {  	[smem:$0x3FA8] =	sst s2  }
0xb: {  	[smem:$0x3FA9] =	sst s3  }
0xc: {  	[smem:$0x3FAA] =	sst s4  }
0xd: {  	[smem:$0x3FAB] =	sst s5  }
0xe: {  	[smem:$0x3FAC] =	sst s6  }
0xf: {  	[smem:$0x3FAD] =	sst s7  }
0x10: {  	[smem:$0x3FAE] =	sst s8  }
0x11: {  	[smem:$0x3FAF] =	sst s9;
	s0 =	simm.s32 @!p0 $0x0  }
0x12: {  	s1 =	sld [smem:$0x3F95];
	s0 =	simm.s32 @p0 $0x1  }
0x13: {  	[smem:$0x3FB0] =	sst s0;
	s0 =	simm.s32 @!p1 $0x0  }
0x14: {  	s2 =	sld [smem:$0x3F94];
	s0 =	simm.s32 @p1 $0x1  }
0x15: {  	[smem:$0x3FB1] =	sst s0;
	s0 =	simm.s32 @!p2 $0x0  }
0x16: {  	s3 =	sld [smem:$0x3FDB];
	s0 =	simm.s32 @p2 $0x1  }
0x17: {  	s4 =	simm.s32 $0x1BF5;
	[smem:$0x3FB3] =	sst s0  }
0x18: {  	s0 =	sld [smem:$0x3F96];
	_ =	swait.ge [sflag:s4], $0x0  }
0x19: {  	s7 =	sld [smem:$0x3F97]  }
0x1a: {  	s8 =	sadd.s32 $0xFFFFE003, lr  }
0x1b: {  	s9 =	sadd.s32 $0xFFFFFEF7, lr;
	s5 =	simm.s32 $0xFFFFFFFF;
	p2 =	slt.u32 s8, $0xFFFFF086  }
0x1c: {  	p1 =	slt.u32 s9, $0xF7A;
	s5 =	simm.s32 @!p2 $0x0  }
0x1d: {  	s5 =	simm.s32 @p1 $0x1;
	p0 =	seq.s32 s7, s2  }
0x1e: {  	s7 =	smul.u32 @!p0 $0xF7A, s2;
	p2 =	seq.s32 @!p0 s5, $0x0  }
0x1f: {  	s9 =	smul.u32 $0xF7A, s1;
	s8 =	simm.s32 @!p0 $0x1BF5;
	p2 =	por !p2, p0  }
0x20: {  	[sflag:s8] =	ssyncset.s32 @!p0 $0xFFFFF086;
	s6 =	sadd.s32 @!p0 s3, s7;
	s7 =	simm.s32 @!p0 $0x108  }
0x21: {  	s3 =	sadd.s32 s3, s9;
	s6 =	sadd.s32 @!p0 $0x88, s6;
	s7 =	simm.s32 @p2 $0x1082  }
0x22: {  	[simem:s7], [sflag:s8] =	dma.local @!p0 [hbm:s6], $0xF7A  }
0x23: {  	s9 =	sor.u32 $0xD0000000, s2;
	s6 =	simm.s32 $0x108;
	_ =	swait.ge @!p0 [sflag:s8], $0x0  }
0x24: {  	s3 =	sadd.s32 $0x88, s3;
	s6 =	simm.s32 @!p1 $0x1082;
	[sflag:s4] =	ssyncset.s32 $0xFFFFF086  }
0x25: {  	[simem:s6], [sflag:s4] =	dma.local [hbm:s3], $0xF7A  }
0x26: {  	[smem:$0x3F97] =	sst s1;
	(tag) =	ssettag s2;
	_ =	strace s9  }
0x27: {  	s1 =	sld [smem:$0x3FA7]  }
0x28: {  	s2 =	sld [smem:$0x3FA8]  }
0x29: {  	s4 =	sld [smem:$0x3FAA]  }
0x2a: {  	p0 =	seq.s32 s5, $0x0;
	s5 =	sld [smem:$0x3FAB]  }
0x2b: {  	s6 =	sld [smem:$0x3FAC]  }
0x2c: {  	s7 =	sld [smem:$0x3FAD]  }
0x2d: {  	s3 =	simm.s32 $0x108;
	s8 =	sld [smem:$0x3FAE]  }
0x2e: {  	s3 =	simm.s32 @!p0 $0x1082;
	s9 =	sld [smem:$0x3FAF]  }
0x2f: {  	lr =	sadd.s32 s0, s3;
	s0 =	sld [smem:$0x3FA6]  }
0x30: {  	s3 =	sld [smem:$0x3FA9]  }
0x31: {  	[smem:$0x3FB2] =	sst s10  }
0x32: {  	s10 =	sld [smem:$0x3FB0];
	_ =	sdelay $0x3  }
0x33: {  	p0 =	seq.s32 s10, $0x1;
	s10 =	sld [smem:$0x3FB2];
	_ =	sdelay $0x3  }
0x34: {  	[smem:$0x3FB2] =	sst s10  }
0x35: {  	s10 =	sld [smem:$0x3FB1];
	_ =	sdelay $0x3  }
0x36: {  	p1 =	seq.s32 s10, $0x1;
	s10 =	sld [smem:$0x3FB2];
	_ =	sdelay $0x3  }
0x37: {  	[smem:$0x3FB2] =	sst s10  }
0x38: {  	s10 =	sld [smem:$0x3FB3]  }
0x39: {  	_ = 	snop;
	(pc) =	sbr.ind lr, $3  }
0x3a: {  	_ = 	snop  }
0x3b: {  	_ = 	snop  }
0x3c: {  	p2 =	seq.s32 s10, $0x1;
	s10 =	sld [smem:$0x3FB2]  }
0x3d: {  	_ =	shalt  }
0x3e: {  	_ =	shalt  }
0x3f: {  	_ =	shalt  }
0x40: {  	_ =	shalt  }
0x41: {  	_ =	shalt  }
0x42: {  	_ =	shalt  }
0x43: {  	_ =	shalt  }
0x44: {  	_ =	shalt  }
0x45: {  	_ =	shalt  }
0x46: {  	_ =	shalt  }
0x47: {  	_ =	shalt  }
0x48: {  	_ =	shalt  }
0x49: {  	_ =	shalt  }
0x4a: {  	_ =	shalt  }
0x4b: {  	_ =	shalt  }
0x4c: {  	_ =	shalt  }
0x4d: {  	_ =	shalt  }
0x4e: {  	_ =	shalt  }
0x4f: {  	_ =	shalt  }
0x50: {  	_ =	shalt  }
0x51: {  	_ =	shalt  }
0x52: {  	_ =	shalt  }
0x53: {  	_ =	shalt  }
0x54: {  	_ =	shalt  }
0x55: {  	_ =	shalt  }
0x56: {  	_ =	shalt  }
0x57: {  	_ =	shalt  }
0x58: {  	_ =	shalt  }
0x59: {  	_ =	shalt  }
0x5a: {  	_ =	shalt  }
0x5b: {  	_ =	shalt  }
0x5c: {  	_ =	shalt  }
0x5d: {  	_ =	shalt  }
0x5e: {  	_ =	shalt  }
0x5f: {  	_ =	shalt  }
0x60: {  	_ =	shalt  }
0x61: {  	_ =	shalt  }
0x62: {  	_ =	shalt  }
0x63: {  	_ =	shalt  }
0x64: {  	_ =	shalt  }
0x65: {  	_ =	shalt  }
0x66: {  	_ =	shalt  }
0x67: {  	_ =	shalt  }
0x68: {  	_ =	shalt  }
0x69: {  	_ =	shalt  }
0x6a: {  	_ =	shalt  }
0x6b: {  	_ =	shalt  }
0x6c: {  	_ =	shalt  }
0x6d: {  	_ =	shalt  }
0x6e: {  	_ =	shalt  }
0x6f: {  	_ =	shalt  }
0x70: {  	_ =	shalt  }
0x71: {  	_ =	shalt  }
0x72: {  	_ =	shalt  }
0x73: {  	_ =	shalt  }
0x74: {  	_ =	shalt  }
0x75: {  	_ =	shalt  }
0x76: {  	_ =	shalt  }
0x77: {  	_ =	shalt  }
0x78: {  	_ =	shalt  }
0x79: {  	_ =	shalt  }
0x7a: {  	_ =	shalt  }
0x7b: {  	_ =	shalt  }
0x7c: {  	_ =	shalt  }
0x7d: {  	_ =	shalt  }
0x7e: {  	_ =	shalt  }
0x7f: {  	_ =	shalt  }
0x80: {  	_ =	shalt  }
0x81: {  	_ =	shalt  }
0x82: {  	_ =	shalt  }
0x83: {  	_ =	shalt  }
0x84: {  	_ =	shalt  }
0x85: {  	_ =	shalt  }
0x86: {  	_ =	shalt  }
0x87: {  	_ =	shalt  }
.Lfunc_end0:
.L_simem_size_0:
called_computation.2_lowered:
.L_overlay_start_0:
0x88: {  	s2 =	sld [smem:$0x3FD9]  }
0x89: {  	s3 =	sld [smem:$0x3FFE];
	_ =	sdelay $0x1  }
0x8a: {  	s1 =	srdreg.scid  }
0x8b: {  	s0 =	sand.u32 $0x1, s1  }
0x8c: {  	s16 =	sshll.u32 s0, $0xA;
	s2 =	sadd.s32 s3, s2  }
0x8d: {  	s2 =	sadd.s32 s2, s16  }
0x8e: {  	[smem:$0x3FBE] =	sst s2  }
0x8f: {  	_ = 	snop  }
0x90: {  	(tm) =	ssettm $0x1  }
0x91: {  	s17 =	sld [smem:$0x3FFB];
	_ =	sdelay $0x3  }
0x92: {  	_ =	strace s17  }
0x93: {  	s2 =	sld [smem:$0x3FFC];
	_ =	sdelay $0x3  }
0x94: {  	_ =	strace s2  }
0x95: {  	s2 =	sld [smem:$0x3FFD];
	_ =	sdelay $0x3  }
0x96: {  	_ =	strace s2  }
0x97: {  	_ =	strace $0x8FFFFFFF  }
0x98: {  	s18 =	sld [smem:$0x3FDB];
	_ =	sdelay $0x1  }
0x99: {  	s19 =	simm.s32 $_scs_section_size  }
0x9a: {  	s4 =	simm.s32 $_size__tile_overlayer_lowered;
	s5 =	simm.s32 $_tile_overlayer_lowered  }
0x9b: {  	s22 =	simm.s32 $0x1BFF;
	s21 =	sshll.u32 s5, $0x1;
	s2 =	sadd.s32 s19, s18  }
0x9c: {  	s6 =	simm.s32 $0x0;
	s20 =	sshll.u32 s4, $0x1;
	s4 =	sadd.s32 s21, s2  }
0x9d: {  	[timem:s6], [sflag:s22] =	dma.local [hbm:s4], s20  }
0x9e: {  	_ =	swait.ge [sflag:s22], s20  }
0x9f: {  	s3 =	ssub.s32 $0x0, s20;
	[sflag:s22] =	ssyncset.done $0x0  }
0xa0: {  	[sflag:s22] =	ssyncadd.s32 s3;
	_ =	sdelay $0x1  }
0xa1: {  	s23 =	simm.s32 $0x1B8B  }
0xa2: {  	_ =	swait.ge [sflag:s23], $0x1  }
0xa3: {  	[sflag:s23] =	ssyncset.done $0x0  }
0xa4: {  	s25 =	simm.s32 $0x1B8E;
	s24 =	sld [smem:$0x3FFE];
	[sflag:s23] =	ssyncadd.s32 $0xFFFFFFFF  }
0xa5: {  	s26 =	simm.s32 $execute0_lowered;
	[smem:$0x3FD2] =	sst s25  }
0xa6: {  	s4 =	sshll.u32 s26, $0x1;
	_ =	strace $0x8000004C;
	[dreg:$0x1] =	wrdreg $0xFFFFFFFF  }
0xa7: {  	s28 =	simm.s32 $_size_execute0_lowered;
	s2 =	sadd.s32 s2, s4;
	[dreg:$0x0] =	wrdreg $0x0  }
0xa8: {  	s4 =	sshll.u32 s28, $0x1;
	[dreg:$0x2] =	wrdreg s2  }
0xa9: {  	[dreg:$0x3] =	wrdreg s4  }
0xaa: {  	[dreg:$0x4] =	wrdreg $0xC0  }
0xab: {  	_ =	task [dreg:s6], $0x5FFFF  }
0xac: {  	[dreg:$0x1] =	wrdreg $0xFFFFFFFF  }
0xad: {  	[dreg:$0x0] =	wrdreg $0x60  }
0xae: {  	[dreg:$0x2] =	wrdreg s24  }
0xaf: {  	[dreg:$0x3] =	wrdreg $0x0  }
0xb0: {  	[dreg:$0x4] =	wrdreg $0x140000  }
0xb1: {  	[dreg:$0x5] =	wrdreg $0x9  }
0xb2: {  	_ =	task.clear_ibuf [dreg:s6], $0x6FFFF;
	_ =	strace $0x9000004C  }
0xb3: {  	s29 =	simm.s32 $0x9;
	_ =	strace $0x8000004E  }
0xb4: {  	_ =	swait.ge [sflag:s29], $0x1  }
0xb5: {  	[sflag:s29] =	ssyncadd.s32 $0xFFFFFFFF  }
0xb6: {  	_ =	strace $0x9000004E  }
0xb7: {  	_ =	sfence  }
0xb8: {  	s30 =	sld [smem:$0x0];
	_ =	sdelay $0x2  }
0xb9: {  	s31 =	sshll.u32 s1, $0xD;
	s1 =	sshrl.u32 s1, $0x2  }
0xba: {  	s3 =	sand.u32 $0x4000, s31;
	s1 =	sadd.s32 s1, s30  }
0xbb: {  	s0 =	sor.u32 s3, s0;
	s1 =	sshll.u32 s1, $0x11  }
0xbc: {  	s0 =	sor.u32 s1, s0  }
0xbd: {  	s0 =	sadd.s32 $0x8F2B, s0  }
0xbe: {  	[sflag:s0] =	ssyncadd.remote.s32 $0x1  }
0xbf: {  	_ =	sfence.sel $0xFFFF  }
0xc0: {  	[dreg:$0x0] =	wrdreg $0xFFFFFFFF;
	(pc) =	sbr.abs _section_cstart, $3  }
0xc1: {  	[dreg:$0x1] =	wrdreg $0xFFFFFFFF  }
0xc2: {  	_ =	task.clear_ibuf [dreg:s6], $0x2FFFF;
	_ =	strace $0x9FFFFFFF  }
0xc3: {  	(tm) =	ssettm $0x7FFFFFFF  }
tec
execute0_lowered:
.L_overlay_start_1:
0x0: {  	(tag) =	ssettag $0x1  }
0x1: {  	s2 =	rddreg [dreg:$0x0]  }
0x2: {  	s1 =	rddreg [dreg:$0x1]  }
0x3: {  	s11 =	rddreg [dreg:$0x2];
	s0 =	srdreg.scid;
	s4 =	simm.s32 $0x0  }
0x4: {  	s12 =	stileid.u32;
	s18 =	simm.s32 $0x15480;
	s19 =	simm.s32 $0x15500  }
0x5: {  	s20 =	simm.s32 $0x15C80;
	s28 =	simm.s32 $0x3;
	s29 =	simm.s32 $0x15400  }
0x6: {  	s30 =	simm.s32 $0x15C00;
	s31 =	simm.s32 $0x80;
	s8 =	smul.u32 $0x1400, s12  }
0x7: {  	s3 =	sand.u32 $0x1, s0;
	[smem:$0x7FF] =	sst s4;
	s10 =	smul.u32 $0x5000, s12  }
0x8: {  	s7 =	sshll.u32 s12, $0x8;
	s21 =	sadd.s32 $0x38000, s2;
	s25 =	smul.u32 $0x50000, s12  }
0x9: {  	s26 =	smul.u32 $0x14000, s12;
	_ =	strace $0x8000004D;
	[dreg:$0x14] =	wrdreg s21  }
0xa: {  	s5 =	sadd.s32 $0x38800, s2;
	s0 =	smul.u32 $0xA000, s3;
	[dreg:$0x6] =	wrdreg s18  }
0xb: {  	s6 =	smul.u32 $0x14000, s3;
	s7 =	sadd.s32 s7, s2;
	[dreg:$0x7] =	wrdreg s19  }
0xc: {  	s22 =	ssub.s32 $0x2, s3;
	s3 =	smul.u32 $0x140000, s3;
	[dreg:$0x8] =	wrdreg s20  }
0xd: {  	s21 =	simm.s32 $0x15580;
	s18 =	simm.s32 $0x15E80;
	s19 =	simm.s32 $0x15780  }
0xe: {  	s23 =	sshrl.u32 s22, $0x1;
	s24 =	sshrl.u32 s10, $0x2;
	[dreg:$0x9] =	wrdreg s21  }
0xf: {  	s7 =	sadd.s32 $0x9C800, s7;
	s10 =	smul.u32 $0xA00, s12;
	[dreg:$0x10] =	wrdreg s18  }
0x10: {  	s12 =	sadd.s32 $0x4000, s26;
	[dreg:$0x11] =	wrdreg s19;
	s21 =	simm.s32 $0x15F00  }
0x11: {  	s18 =	simm.s32 $0x15980;
	s9 =	sadd.s32 s0, s2;
	s0 =	sadd.s32 $0xB1800, s2  }
0x12: {  	s6 =	sadd.s32 s8, s6;
	s8 =	sadd.s32 s24, s11;
	[dreg:$0x16] =	wrdreg s7  }
0x13: {  	s15 =	sadd.s32 s12, s1;
	s7 =	sadd.s32 s3, s26;
	[dreg:$0x12] =	wrdreg s21  }
0x14: {  	s24 =	simm.s32 $0x15600;
	s6 =	sshrl.u32 s6, $0x3;
	[dreg:$0x15] =	wrdreg s8  }
0x15: {  	s8 =	sshrl.u32 s25, $0x2;
	s7 =	sshrl.u32 s7, $0x3;
	[dreg:$0xb] =	wrdreg s24  }
0x16: {  	s25 =	simm.s32 $0x15D80;
	[dreg:$0x1a] =	wrdreg s15;
	s2 =	sadd.s32 s6, s2  }
0x17: {  	s6 =	ssub.s32 s22, s23;
	s22 =	sadd.s32 s5, s7;
	[dreg:$0xc] =	wrdreg s25  }
0x18: {  	s19 =	simm.s32 $0x16100;
	s23 =	simm.s32 $0x15D00;
	[dreg:$0x1e] =	wrdreg s22  }
0x19: {  	s21 =	simm.s32 $0x16180;
	s7 =	sadd.s32 s0, s7;
	[dreg:$0xa] =	wrdreg s23  }
0x1a: {  	s14 =	sadd.s32 s8, s1;
	s8 =	sadd.s32 s10, s9;
	[smem:$0x7F7] =	sst s7  }
0x1b: {  	s9 =	sadd.s32 $0xC000, s26;
	s2 =	sadd.s32 $0xB000, s2;
	[dreg:$0x18] =	wrdreg s14  }
0x1c: {  	s10 =	sadd.s32 $0x10000, s26;
	s11 =	smax.u32 s6, $0x1;
	[dreg:$0x17] =	wrdreg s2  }
0x1d: {  	s6 =	sadd.s32 $0x8000, s26;
	s17 =	sadd.s32 s9, s1;
	[dreg:$0x19] =	wrdreg s11  }
0x1e: {  	s16 =	sadd.s32 $0x88800, s8;
	s8 =	sadd.s32 $0x9D800, s8;
	[dreg:$0x1c] =	wrdreg s17  }
0x1f: {  	s9 =	sadd.s32 s3, s9;
	s22 =	simm.s32 $0x15800;
	[dreg:$0x4] =	wrdreg s16  }
0x20: {  	s7 =	simm.s32 $0x15B80;
	s13 =	sadd.s32 s6, s1;
	[dreg:$0x5] =	wrdreg s8  }
0x21: {  	s2 =	sadd.s32 s3, s12;
	s12 =	simm.s32 $0x15680;
	s6 =	sadd.s32 s3, s6  }
0x22: {  	s16 =	simm.s32 $0x15E00;
	s17 =	simm.s32 $0x15700;
	[dreg:$0x13] =	wrdreg s22  }
0x23: {  	s3 =	sadd.s32 s3, s10;
	s9 =	sshrl.u32 s9, $0x3;
	[dreg:$0x1b] =	wrdreg s13  }
0x24: {  	s8 =	simm.s32 $0x15F80;
	s11 =	simm.s32 $0x16000;
	[dreg:$0xd] =	wrdreg s12  }
0x25: {  	s22 =	simm.s32 $0x15A80;
	s13 =	sadd.s32 s10, s1;
	[dreg:$0xe] =	wrdreg s16  }
0x26: {  	s2 =	sshrl.u32 s2, $0x3;
	[dreg:$0xf] =	wrdreg s17;
	s23 =	sadd.s32 s5, s9  }
0x27: {  	s6 =	sshrl.u32 s6, $0x3;
	s25 =	sadd.s32 s0, s9;
	[smem:$0x7F6] =	sst s23  }
0x28: {  	s3 =	sshrl.u32 s3, $0x3;
	s9 =	simm.s32 $0x15880;
	[smem:$0x7FA] =	sst s25  }
0x29: {  	s16 =	simm.s32 $0x15900;
	s26 =	sadd.s32 s5, s2;
	[dreg:$0x1d] =	wrdreg s13  }
0x2a: {  	s17 =	simm.s32 $0x16080;
	s20 =	sadd.s32 s5, s6;
	[dreg:$0x1f] =	wrdreg s26  }
0x2b: {  	s10 =	simm.s32 $0x16300;
	s2 =	sadd.s32 s0, s2;
	[smem:$0x7F5] =	sst s20  }
0x2c: {  	s12 =	simm.s32 $0x16380;
	s24 =	sadd.s32 s0, s6;
	[smem:$0x7F8] =	sst s2  }
0x2d: {  	s0 =	sadd.s32 s0, s3;
	s6 =	simm.s32 $0x2;
	[smem:$0x7F9] =	sst s24  }
0x2e: {  	s23 =	simm.s32 $0x16200;
	s25 =	simm.s32 $0x16280;
	[smem:$0x7FB] =	sst s0  }
0x2f: {  	s26 =	sadd.s32 s5, s3;
	s0 =	simm.s32 $0x1AC00;
	s3 =	simm.s32 $0x1  }
0x30: {  	s20 =	simm.s32 $0x15A00;
	s2 =	simm.s32 $0x0;
	[smem:$0x7FC] =	sst s26  }
0x31: {  	s24 =	simm.s32 $0x15B00;
	s26 =	simm.s32 $0x16C00;
	[smem:$0x7FD] =	sst s2  }
.LBB2_1:
0x32: {  	s2 =	rddreg [dreg:$0x14]  }
0x33: {  	[tilespmem:s26], [sflag:$0x3] =	stream.linear.gather [hbm4b:s2+s4], $0x4000, $0x38;
	[tilespmem:$0x1EC00] =	vst v63  }
0x34: {  	_ =	swait.ge [sflag:s28], $0x4000  }
0x35: {  	[sflag:s28] =	ssyncset.done $0x0  }
0x36: {  	[sflag:s28] =	ssyncadd.s32 $0xFFFFC000  }
0x37: {  	[spmem:s14] =	stream.linear.scatter [tilespmem:s26], [sflag:$0x3], $0x4000, $0x38;
	[tilespmem:$0x1EC00] =	vst v63  }
0x38: {  	_ =	swait.ge [sflag:s28], $0x4000  }
0x39: {  	[sflag:s28] =	ssyncset.done $0x0  }
0x3a: {  	[sflag:s28] =	ssyncadd.s32 $0xFFFFC000  }
0x3b: {  	[spmem:s15] =	stream.linear.scatter [tilespmem:s26], [sflag:$0x3], $0x4000, $0x38;
	[tilespmem:$0x1EC00] =	vst v63  }
0x3c: {  	_ =	swait.ge [sflag:s28], $0x4000  }
0x3d: {  	[sflag:s28] =	ssyncset.done $0x0  }
0x3e: {  	s14 =	rddreg [dreg:$0x1b];
	[sflag:s28] =	ssyncadd.s32 $0xFFFFC000  }
0x3f: {  	[spmem:s14] =	stream.linear.scatter [tilespmem:s26], [sflag:$0x3], $0x4000, $0x38;
	[tilespmem:$0x1EC00] =	vst v63  }
0x40: {  	_ =	swait.ge [sflag:s28], $0x4000  }
0x41: {  	[sflag:s28] =	ssyncset.done $0x0  }
0x42: {  	s15 =	rddreg [dreg:$0x1c];
	[sflag:s28] =	ssyncadd.s32 $0xFFFFC000  }
0x43: {  	[spmem:s15] =	stream.linear.scatter [tilespmem:s26], [sflag:$0x3], $0x4000, $0x38;
	[tilespmem:$0x1EC00] =	vst v63  }
0x44: {  	_ =	swait.ge [sflag:s28], $0x4000  }
0x45: {  	[sflag:s28] =	ssyncset.done $0x0  }
0x46: {  	[sflag:s28] =	ssyncadd.s32 $0xFFFFC000  }
0x47: {  	[spmem:s13] =	stream.linear.scatter [tilespmem:s26], [sflag:$0x3], $0x4000, $0x38;
	[tilespmem:$0x1EC00] =	vst v63  }
0x48: {  	_ =	swait.ge [sflag:s28], $0x4000  }
0x49: {  	[sflag:s28] =	ssyncset.done $0x0  }
0x4a: {  	s14 =	rddreg [dreg:$0x15];
	[sflag:s28] =	ssyncadd.s32 $0xFFFFC000  }
0x4b: {  	[spmem:s14] =	stream.linear.scatter [tilespmem:s26], [sflag:$0x3], $0x1400, $0x38;
	[tilespmem:$0x1EC00] =	vst v63  }
0x4c: {  	_ =	swait.ge [sflag:s28], $0x1400  }
0x4d: {  	[sflag:s28] =	ssyncset.done $0x0  }
0x4e: {  	[sflag:s28] =	ssyncadd.s32 $0xFFFFEC00  }
0x4f: {  	[bflag:$0x0] =	sbarrier.arrive $0xFFFF  }
0x50: {  	s15 =	rddreg [dreg:$0x4]  }
0x51: {  	s2 =	sadd.s32 $0x0, s15  }
0x52: {  	[tilespmem:s29], [sflag:$0x3] =	stream.linear.gather [hbm4b:s2+s4], $0x800, $0x38;
	[tilespmem:$0x1EC00] =	vst v63  }
0x53: {  	_ =	swait.ge [sflag:s28], $0x800  }
0x54: {  	s13 =	rddreg [dreg:$0x5];
	[sflag:s28] =	ssyncset.done $0x0  }
0x55: {  	[sflag:s28] =	ssyncadd.s32 $0xFFFFF800;
	s2 =	sadd.s32 $0x0, s13  }
0x56: {  	[tilespmem:s30], [sflag:$0x3] =	stream.linear.gather [hbm4b:s2+s4], $0x800, $0x38;
	[tilespmem:$0x1EC00] =	vst v63  }
0x57: {  	_ =	swait.ge [sflag:s28], $0x800  }
0x58: {  	[sflag:s28] =	ssyncset.done $0x0  }
0x59: {  	[sflag:s28] =	ssyncadd.s32 $0xFFFFF800  }
0x5a: {  	[tilespmem:s26], [sflag:$0x1] =	stream.indirect.gather [hbm4b:s5+s31], $0x80, s29, s31, $0xb8;
	[tilespmem:$0x1EC00] =	vst v63  }
0x5b: {  	s14 =	rddreg [dreg:$0x6]  }
0x5c: {  	[tilespmem:s0], [sflag:$0x2] =	stream.indirect.gather [hbm4b:s5+s31], $0x80, s14, s31, $0xb8;
	[tilespmem:$0x1EC00] =	vst v63  }
0x5d: {  	_ =	swait.ge [sflag:s3], $0x4000  }
0x5e: {  	[sflag:s3] =	ssyncset.done $0x0  }
0x5f: {  	[sflag:s3] =	ssyncadd.s32 $0xFFFFC000  }
0x60: {  	[spmem:s1] =	stream.indirect.scatter.add.f32 [tilespmem:s26], [sflag:$0x3], $0x80, s30, s31, $0xb8;
	[tilespmem:$0x1EC00] =	vst v63  }
0x61: {  	_ =	swait.ge [sflag:s28], $0x4000  }
0x62: {  	[sflag:s28] =	ssyncset.done $0x0  }
0x63: {  	s15 =	rddreg [dreg:$0x7];
	[sflag:s28] =	ssyncadd.s32 $0xFFFFC000  }
0x64: {  	[tilespmem:s26], [sflag:$0x1] =	stream.indirect.gather [hbm4b:s5+s31], $0x80, s15, s31, $0xb8;
	[tilespmem:$0x1EC00] =	vst v63  }
0x65: {  	_ =	swait.ge [sflag:s6], $0x4000  }
0x66: {  	[sflag:s6] =	ssyncset.done $0x0  }
0x67: {  	s13 =	rddreg [dreg:$0x8];
	[sflag:s6] =	ssyncadd.s32 $0xFFFFC000  }
0x68: {  	[spmem:s1] =	stream.indirect.scatter.add.f32 [tilespmem:s0], [sflag:$0x3], $0x80, s13, s31, $0xb8;
	[tilespmem:$0x1EC00] =	vst v63  }
0x69: {  	_ =	swait.ge [sflag:s28], $0x4000  }
0x6a: {  	[sflag:s28] =	ssyncset.done $0x0  }
0x6b: {  	s14 =	rddreg [dreg:$0x9];
	[sflag:s28] =	ssyncadd.s32 $0xFFFFC000  }
0x6c: {  	[tilespmem:s0], [sflag:$0x2] =	stream.indirect.gather [hbm4b:s5+s31], $0x80, s14, s31, $0xb8;
	[tilespmem:$0x1EC00] =	vst v63  }
0x6d: {  	_ =	swait.ge [sflag:s3], $0x4000  }
0x6e: {  	[sflag:s3] =	ssyncset.done $0x0  }
0x6f: {  	s15 =	rddreg [dreg:$0xa];
	[sflag:s3] =	ssyncadd.s32 $0xFFFFC000  }
0x70: {  	[spmem:s1] =	stream.indirect.scatter.add.f32 [tilespmem:s26], [sflag:$0x3], $0x80, s15, s31, $0xb8;
	[tilespmem:$0x1EC00] =	vst v63  }
0x71: {  	_ =	swait.ge [sflag:s28], $0x4000  }
0x72: {  	[sflag:s28] =	ssyncset.done $0x0  }
0x73: {  	s13 =	rddreg [dreg:$0xb];
	[sflag:s28] =	ssyncadd.s32 $0xFFFFC000  }
0x74: {  	[tilespmem:s26], [sflag:$0x1] =	stream.indirect.gather [hbm4b:s5+s31], $0x80, s13, s31, $0xb8;
	[tilespmem:$0x1EC00] =	vst v63  }
0x75: {  	_ =	swait.ge [sflag:s6], $0x4000  }
0x76: {  	[sflag:s6] =	ssyncset.done $0x0  }
0x77: {  	s14 =	rddreg [dreg:$0xc];
	[sflag:s6] =	ssyncadd.s32 $0xFFFFC000  }
0x78: {  	[spmem:s1] =	stream.indirect.scatter.add.f32 [tilespmem:s0], [sflag:$0x3], $0x80, s14, s31, $0xb8;
	[tilespmem:$0x1EC00] =	vst v63  }
0x79: {  	_ =	swait.ge [sflag:s28], $0x4000  }
0x7a: {  	[sflag:s28] =	ssyncset.done $0x0  }
0x7b: {  	s15 =	rddreg [dreg:$0xd];
	[sflag:s28] =	ssyncadd.s32 $0xFFFFC000  }
0x7c: {  	[tilespmem:s0], [sflag:$0x2] =	stream.indirect.gather [hbm4b:s5+s31], $0x80, s15, s31, $0xb8;
	[tilespmem:$0x1EC00] =	vst v63  }
0x7d: {  	_ =	swait.ge [sflag:s3], $0x4000  }
0x7e: {  	[sflag:s3] =	ssyncset.done $0x0  }
0x7f: {  	s13 =	rddreg [dreg:$0xe];
	[sflag:s3] =	ssyncadd.s32 $0xFFFFC000  }
0x80: {  	[spmem:s1] =	stream.indirect.scatter.add.f32 [tilespmem:s26], [sflag:$0x3], $0x80, s13, s31, $0xb8;
	[tilespmem:$0x1EC00] =	vst v63  }
0x81: {  	_ =	swait.ge [sflag:s28], $0x4000  }
0x82: {  	[sflag:s28] =	ssyncset.done $0x0  }
0x83: {  	s14 =	rddreg [dreg:$0xf];
	[sflag:s28] =	ssyncadd.s32 $0xFFFFC000  }
0x84: {  	[tilespmem:s26], [sflag:$0x1] =	stream.indirect.gather [hbm4b:s5+s31], $0x80, s14, s31, $0xb8;
	[tilespmem:$0x1EC00] =	vst v63  }
0x85: {  	_ =	swait.ge [sflag:s6], $0x4000  }
0x86: {  	[sflag:s6] =	ssyncset.done $0x0  }
0x87: {  	s15 =	rddreg [dreg:$0x10];
	[sflag:s6] =	ssyncadd.s32 $0xFFFFC000  }
0x88: {  	[spmem:s1] =	stream.indirect.scatter.add.f32 [tilespmem:s0], [sflag:$0x3], $0x80, s15, s31, $0xb8;
	[tilespmem:$0x1EC00] =	vst v63  }
0x89: {  	_ =	swait.ge [sflag:s28], $0x4000  }
0x8a: {  	[sflag:s28] =	ssyncset.done $0x0  }
0x8b: {  	s13 =	rddreg [dreg:$0x11];
	[sflag:s28] =	ssyncadd.s32 $0xFFFFC000  }
0x8c: {  	[tilespmem:s0], [sflag:$0x2] =	stream.indirect.gather [hbm4b:s5+s31], $0x80, s13, s31, $0xb8;
	[tilespmem:$0x1EC00] =	vst v63  }
0x8d: {  	_ =	swait.ge [sflag:s3], $0x4000  }
0x8e: {  	[sflag:s3] =	ssyncset.done $0x0  }
0x8f: {  	s14 =	rddreg [dreg:$0x12];
	[sflag:s3] =	ssyncadd.s32 $0xFFFFC000  }
0x90: {  	[spmem:s1] =	stream.indirect.scatter.add.f32 [tilespmem:s26], [sflag:$0x3], $0x80, s14, s31, $0xb8;
	[tilespmem:$0x1EC00] =	vst v63  }
0x91: {  	_ =	swait.ge [sflag:s28], $0x4000  }
0x92: {  	[sflag:s28] =	ssyncset.done $0x0  }
0x93: {  	s15 =	rddreg [dreg:$0x13];
	[sflag:s28] =	ssyncadd.s32 $0xFFFFC000  }
0x94: {  	[tilespmem:s26], [sflag:$0x1] =	stream.indirect.gather [hbm4b:s5+s31], $0x80, s15, s31, $0xb8;
	[tilespmem:$0x1EC00] =	vst v63  }
0x95: {  	_ =	swait.ge [sflag:s6], $0x4000  }
0x96: {  	[sflag:s6] =	ssyncset.done $0x0  }
0x97: {  	[sflag:s6] =	ssyncadd.s32 $0xFFFFC000  }
0x98: {  	[spmem:s1] =	stream.indirect.scatter.add.f32 [tilespmem:s0], [sflag:$0x3], $0x80, s8, s31, $0xb8;
	[tilespmem:$0x1EC00] =	vst v63  }
0x99: {  	_ =	swait.ge [sflag:s28], $0x4000  }
0x9a: {  	[sflag:s28] =	ssyncset.done $0x0  }
0x9b: {  	[sflag:s28] =	ssyncadd.s32 $0xFFFFC000  }
0x9c: {  	[tilespmem:s0], [sflag:$0x2] =	stream.indirect.gather [hbm4b:s5+s31], $0x80, s9, s31, $0xb8;
	[tilespmem:$0x1EC00] =	vst v63  }
0x9d: {  	_ =	swait.ge [sflag:s3], $0x4000  }
0x9e: {  	[sflag:s3] =	ssyncset.done $0x0  }
0x9f: {  	[sflag:s3] =	ssyncadd.s32 $0xFFFFC000  }
0xa0: {  	[spmem:s1] =	stream.indirect.scatter.add.f32 [tilespmem:s26], [sflag:$0x3], $0x80, s11, s31, $0xb8;
	[tilespmem:$0x1EC00] =	vst v63  }
0xa1: {  	_ =	swait.ge [sflag:s28], $0x4000  }
0xa2: {  	[sflag:s28] =	ssyncset.done $0x0  }
0xa3: {  	[sflag:s28] =	ssyncadd.s32 $0xFFFFC000  }
0xa4: {  	[tilespmem:s26], [sflag:$0x1] =	stream.indirect.gather [hbm4b:s5+s31], $0x80, s16, s31, $0xb8;
	[tilespmem:$0x1EC00] =	vst v63  }
0xa5: {  	_ =	swait.ge [sflag:s6], $0x4000  }
0xa6: {  	[sflag:s6] =	ssyncset.done $0x0  }
0xa7: {  	[sflag:s6] =	ssyncadd.s32 $0xFFFFC000  }
0xa8: {  	[spmem:s1] =	stream.indirect.scatter.add.f32 [tilespmem:s0], [sflag:$0x3], $0x80, s17, s31, $0xb8;
	[tilespmem:$0x1EC00] =	vst v63  }
0xa9: {  	_ =	swait.ge [sflag:s28], $0x4000  }
0xaa: {  	[sflag:s28] =	ssyncset.done $0x0  }
0xab: {  	[sflag:s28] =	ssyncadd.s32 $0xFFFFC000  }
0xac: {  	[tilespmem:s0], [sflag:$0x2] =	stream.indirect.gather [hbm4b:s5+s31], $0x80, s18, s31, $0xb8;
	[tilespmem:$0x1EC00] =	vst v63  }
0xad: {  	_ =	swait.ge [sflag:s3], $0x4000  }
0xae: {  	[sflag:s3] =	ssyncset.done $0x0  }
0xaf: {  	[sflag:s3] =	ssyncadd.s32 $0xFFFFC000  }
0xb0: {  	[spmem:s1] =	stream.indirect.scatter.add.f32 [tilespmem:s26], [sflag:$0x3], $0x80, s19, s31, $0xb8;
	[tilespmem:$0x1EC00] =	vst v63  }
0xb1: {  	_ =	swait.ge [sflag:s28], $0x4000  }
0xb2: {  	[sflag:s28] =	ssyncset.done $0x0  }
0xb3: {  	[sflag:s28] =	ssyncadd.s32 $0xFFFFC000  }
0xb4: {  	[tilespmem:s26], [sflag:$0x1] =	stream.indirect.gather [hbm4b:s5+s31], $0x80, s20, s31, $0xb8;
	[tilespmem:$0x1EC00] =	vst v63  }
0xb5: {  	_ =	swait.ge [sflag:s6], $0x4000  }
0xb6: {  	[sflag:s6] =	ssyncset.done $0x0  }
0xb7: {  	[sflag:s6] =	ssyncadd.s32 $0xFFFFC000  }
0xb8: {  	[spmem:s1] =	stream.indirect.scatter.add.f32 [tilespmem:s0], [sflag:$0x3], $0x80, s21, s31, $0xb8;
	[tilespmem:$0x1EC00] =	vst v63  }
0xb9: {  	_ =	swait.ge [sflag:s28], $0x4000  }
0xba: {  	[sflag:s28] =	ssyncset.done $0x0  }
0xbb: {  	[sflag:s28] =	ssyncadd.s32 $0xFFFFC000  }
0xbc: {  	[tilespmem:s0], [sflag:$0x2] =	stream.indirect.gather [hbm4b:s5+s31], $0x80, s22, s31, $0xb8;
	[tilespmem:$0x1EC00] =	vst v63  }
0xbd: {  	_ =	swait.ge [sflag:s3], $0x4000  }
0xbe: {  	[sflag:s3] =	ssyncset.done $0x0  }
0xbf: {  	[sflag:s3] =	ssyncadd.s32 $0xFFFFC000  }
0xc0: {  	[spmem:s1] =	stream.indirect.scatter.add.f32 [tilespmem:s26], [sflag:$0x3], $0x80, s23, s31, $0xb8;
	[tilespmem:$0x1EC00] =	vst v63  }
0xc1: {  	_ =	swait.ge [sflag:s28], $0x4000  }
0xc2: {  	[sflag:s28] =	ssyncset.done $0x0  }
0xc3: {  	[sflag:s28] =	ssyncadd.s32 $0xFFFFC000  }
0xc4: {  	[tilespmem:s26], [sflag:$0x1] =	stream.indirect.gather [hbm4b:s5+s31], $0x80, s24, s31, $0xb8;
	[tilespmem:$0x1EC00] =	vst v63  }
0xc5: {  	_ =	swait.ge [sflag:s6], $0x4000  }
0xc6: {  	[sflag:s6] =	ssyncset.done $0x0  }
0xc7: {  	[sflag:s6] =	ssyncadd.s32 $0xFFFFC000  }
0xc8: {  	[spmem:s1] =	stream.indirect.scatter.add.f32 [tilespmem:s0], [sflag:$0x3], $0x80, s25, s31, $0xb8;
	[tilespmem:$0x1EC00] =	vst v63  }
0xc9: {  	_ =	swait.ge [sflag:s28], $0x4000  }
0xca: {  	[sflag:s28] =	ssyncset.done $0x0  }
0xcb: {  	[sflag:s28] =	ssyncadd.s32 $0xFFFFC000  }
0xcc: {  	[tilespmem:s0], [sflag:$0x2] =	stream.indirect.gather [hbm4b:s5+s31], $0x80, s7, s31, $0xb8;
	[tilespmem:$0x1EC00] =	vst v63  }
0xcd: {  	_ =	swait.ge [sflag:s3], $0x4000  }
0xce: {  	[sflag:s3] =	ssyncset.done $0x0  }
0xcf: {  	[sflag:s3] =	ssyncadd.s32 $0xFFFFC000  }
0xd0: {  	[spmem:s1] =	stream.indirect.scatter.add.f32 [tilespmem:s26], [sflag:$0x3], $0x80, s10, s31, $0xb8;
	[tilespmem:$0x1EC00] =	vst v63  }
0xd1: {  	_ =	swait.ge [sflag:s28], $0x4000  }
0xd2: {  	[sflag:s28] =	ssyncset.done $0x0  }
0xd3: {  	[sflag:s28] =	ssyncadd.s32 $0xFFFFC000  }
0xd4: {  	_ =	swait.ge [sflag:s6], $0x4000  }
0xd5: {  	[sflag:s6] =	ssyncset.done $0x0  }
0xd6: {  	[sflag:s6] =	ssyncadd.s32 $0xFFFFC000  }
0xd7: {  	[spmem:s1] =	stream.indirect.scatter.add.f32 [tilespmem:s0], [sflag:$0x3], $0x80, s12, s31, $0xb8;
	[tilespmem:$0x1EC00] =	vst v63  }
0xd8: {  	s14 =	simm.s32 $0x100;
	_ =	swait.ge [sflag:s28], $0x4000  }
0xd9: {  	s15 =	simm.s32 $0x200;
	s2 =	rddreg [dreg:$0x4];
	[sflag:s28] =	ssyncset.done $0x0  }
.LBB2_2:
0xda: {  	[sflag:s28] =	ssyncadd.s32 $0xFFFFC000;
	s2 =	sadd.s32 s14, s2  }
0xdb: {  	[tilespmem:s29], [sflag:$0x3] =	stream.linear.gather [hbm4b:s2+s4], $0x800, $0x38;
	[tilespmem:$0x1EC00] =	vst v63  }
0xdc: {  	_ =	swait.ge [sflag:s28], $0x800  }
0xdd: {  	s2 =	rddreg [dreg:$0x5];
	[sflag:s28] =	ssyncset.done $0x0  }
0xde: {  	[sflag:s28] =	ssyncadd.s32 $0xFFFFF800;
	s2 =	sadd.s32 s14, s2  }
0xdf: {  	[tilespmem:s30], [sflag:$0x3] =	stream.linear.gather [hbm4b:s2+s4], $0x800, $0x38;
	[tilespmem:$0x1EC00] =	vst v63  }
0xe0: {  	_ =	swait.ge [sflag:s28], $0x800  }
0xe1: {  	[sflag:s28] =	ssyncset.done $0x0  }
0xe2: {  	s13 =	smov.u32 s15;
	[sflag:s28] =	ssyncadd.s32 $0xFFFFF800  }
0xe3: {  	[tilespmem:s26], [sflag:$0x1] =	stream.indirect.gather [hbm4b:s5+s31], $0x80, s29, s31, $0xb8;
	[tilespmem:$0x1EC00] =	vst v63  }
0xe4: {  	s14 =	smov.u32 s13;
	s13 =	rddreg [dreg:$0x6]  }
0xe5: {  	[tilespmem:s0], [sflag:$0x2] =	stream.indirect.gather [hbm4b:s5+s31], $0x80, s13, s31, $0xb8;
	[tilespmem:$0x1EC00] =	vst v63  }
0xe6: {  	_ =	swait.ge [sflag:s3], $0x4000  }
0xe7: {  	[sflag:s3] =	ssyncset.done $0x0  }
0xe8: {  	[sflag:s3] =	ssyncadd.s32 $0xFFFFC000  }
0xe9: {  	[spmem:s1] =	stream.indirect.scatter.add.f32 [tilespmem:s26], [sflag:$0x3], $0x80, s30, s31, $0xb8;
	[tilespmem:$0x1EC00] =	vst v63  }
0xea: {  	_ =	swait.ge [sflag:s28], $0x4000  }
0xeb: {  	[sflag:s28] =	ssyncset.done $0x0  }
0xec: {  	s13 =	rddreg [dreg:$0x7];
	[sflag:s28] =	ssyncadd.s32 $0xFFFFC000  }
0xed: {  	[tilespmem:s26], [sflag:$0x1] =	stream.indirect.gather [hbm4b:s5+s31], $0x80, s13, s31, $0xb8;
	[tilespmem:$0x1EC00] =	vst v63  }
0xee: {  	_ =	swait.ge [sflag:s6], $0x4000  }
0xef: {  	[sflag:s6] =	ssyncset.done $0x0  }
0xf0: {  	s13 =	rddreg [dreg:$0x8];
	[sflag:s6] =	ssyncadd.s32 $0xFFFFC000  }
0xf1: {  	[spmem:s1] =	stream.indirect.scatter.add.f32 [tilespmem:s0], [sflag:$0x3], $0x80, s13, s31, $0xb8;
	[tilespmem:$0x1EC00] =	vst v63  }
0xf2: {  	_ =	swait.ge [sflag:s28], $0x4000  }
0xf3: {  	[sflag:s28] =	ssyncset.done $0x0  }
0xf4: {  	s13 =	rddreg [dreg:$0x9];
	[sflag:s28] =	ssyncadd.s32 $0xFFFFC000  }
0xf5: {  	[tilespmem:s0], [sflag:$0x2] =	stream.indirect.gather [hbm4b:s5+s31], $0x80, s13, s31, $0xb8;
	[tilespmem:$0x1EC00] =	vst v63  }
0xf6: {  	_ =	swait.ge [sflag:s3], $0x4000  }
0xf7: {  	[sflag:s3] =	ssyncset.done $0x0  }
0xf8: {  	s13 =	rddreg [dreg:$0xa];
	[sflag:s3] =	ssyncadd.s32 $0xFFFFC000  }
0xf9: {  	[spmem:s1] =	stream.indirect.scatter.add.f32 [tilespmem:s26], [sflag:$0x3], $0x80, s13, s31, $0xb8;
	[tilespmem:$0x1EC00] =	vst v63  }
0xfa: {  	_ =	swait.ge [sflag:s28], $0x4000  }
0xfb: {  	[sflag:s28] =	ssyncset.done $0x0  }
0xfc: {  	s13 =	rddreg [dreg:$0xb];
	[sflag:s28] =	ssyncadd.s32 $0xFFFFC000  }
0xfd: {  	[tilespmem:s26], [sflag:$0x1] =	stream.indirect.gather [hbm4b:s5+s31], $0x80, s13, s31, $0xb8;
	[tilespmem:$0x1EC00] =	vst v63  }
0xfe: {  	_ =	swait.ge [sflag:s6], $0x4000  }
0xff: {  	[sflag:s6] =	ssyncset.done $0x0  }
0x100: {  	s13 =	rddreg [dreg:$0xc];
	[sflag:s6] =	ssyncadd.s32 $0xFFFFC000  }
0x101: {  	[spmem:s1] =	stream.indirect.scatter.add.f32 [tilespmem:s0], [sflag:$0x3], $0x80, s13, s31, $0xb8;
	[tilespmem:$0x1EC00] =	vst v63  }
0x102: {  	_ =	swait.ge [sflag:s28], $0x4000  }
0x103: {  	[sflag:s28] =	ssyncset.done $0x0  }
0x104: {  	s13 =	rddreg [dreg:$0xd];
	[sflag:s28] =	ssyncadd.s32 $0xFFFFC000  }
0x105: {  	[tilespmem:s0], [sflag:$0x2] =	stream.indirect.gather [hbm4b:s5+s31], $0x80, s13, s31, $0xb8;
	[tilespmem:$0x1EC00] =	vst v63  }
0x106: {  	_ =	swait.ge [sflag:s3], $0x4000  }
0x107: {  	[sflag:s3] =	ssyncset.done $0x0  }
0x108: {  	s13 =	rddreg [dreg:$0xe];
	[sflag:s3] =	ssyncadd.s32 $0xFFFFC000  }
0x109: {  	[spmem:s1] =	stream.indirect.scatter.add.f32 [tilespmem:s26], [sflag:$0x3], $0x80, s13, s31, $0xb8;
	[tilespmem:$0x1EC00] =	vst v63  }
0x10a: {  	_ =	swait.ge [sflag:s28], $0x4000  }
0x10b: {  	[sflag:s28] =	ssyncset.done $0x0  }
0x10c: {  	s13 =	rddreg [dreg:$0xf];
	[sflag:s28] =	ssyncadd.s32 $0xFFFFC000  }
0x10d: {  	[tilespmem:s26], [sflag:$0x1] =	stream.indirect.gather [hbm4b:s5+s31], $0x80, s13, s31, $0xb8;
	[tilespmem:$0x1EC00] =	vst v63  }
0x10e: {  	_ =	swait.ge [sflag:s6], $0x4000  }
0x10f: {  	[sflag:s6] =	ssyncset.done $0x0  }
0x110: {  	s13 =	rddreg [dreg:$0x10];
	[sflag:s6] =	ssyncadd.s32 $0xFFFFC000  }
0x111: {  	[spmem:s1] =	stream.indirect.scatter.add.f32 [tilespmem:s0], [sflag:$0x3], $0x80, s13, s31, $0xb8;
	[tilespmem:$0x1EC00] =	vst v63  }
0x112: {  	_ =	swait.ge [sflag:s28], $0x4000  }
0x113: {  	[sflag:s28] =	ssyncset.done $0x0  }
0x114: {  	s13 =	rddreg [dreg:$0x11];
	[sflag:s28] =	ssyncadd.s32 $0xFFFFC000  }
0x115: {  	[tilespmem:s0], [sflag:$0x2] =	stream.indirect.gather [hbm4b:s5+s31], $0x80, s13, s31, $0xb8;
	[tilespmem:$0x1EC00] =	vst v63  }
0x116: {  	_ =	swait.ge [sflag:s3], $0x4000  }
0x117: {  	[sflag:s3] =	ssyncset.done $0x0  }
0x118: {  	s13 =	rddreg [dreg:$0x12];
	[sflag:s3] =	ssyncadd.s32 $0xFFFFC000  }
0x119: {  	[spmem:s1] =	stream.indirect.scatter.add.f32 [tilespmem:s26], [sflag:$0x3], $0x80, s13, s31, $0xb8;
	[tilespmem:$0x1EC00] =	vst v63  }
0x11a: {  	_ =	swait.ge [sflag:s28], $0x4000  }
0x11b: {  	[sflag:s28] =	ssyncset.done $0x0  }
0x11c: {  	s13 =	rddreg [dreg:$0x13];
	[sflag:s28] =	ssyncadd.s32 $0xFFFFC000  }
0x11d: {  	[tilespmem:s26], [sflag:$0x1] =	stream.indirect.gather [hbm4b:s5+s31], $0x80, s13, s31, $0xb8;
	[tilespmem:$0x1EC00] =	vst v63  }
0x11e: {  	_ =	swait.ge [sflag:s6], $0x4000  }
0x11f: {  	[sflag:s6] =	ssyncset.done $0x0  }
0x120: {  	[sflag:s6] =	ssyncadd.s32 $0xFFFFC000  }
0x121: {  	[spmem:s1] =	stream.indirect.scatter.add.f32 [tilespmem:s0], [sflag:$0x3], $0x80, s8, s31, $0xb8;
	[tilespmem:$0x1EC00] =	vst v63  }
0x122: {  	_ =	swait.ge [sflag:s28], $0x4000  }
0x123: {  	[sflag:s28] =	ssyncset.done $0x0  }
0x124: {  	[sflag:s28] =	ssyncadd.s32 $0xFFFFC000  }
0x125: {  	[tilespmem:s0], [sflag:$0x2] =	stream.indirect.gather [hbm4b:s5+s31], $0x80, s9, s31, $0xb8;
	[tilespmem:$0x1EC00] =	vst v63  }
0x126: {  	_ =	swait.ge [sflag:s3], $0x4000  }
0x127: {  	[sflag:s3] =	ssyncset.done $0x0  }
0x128: {  	[sflag:s3] =	ssyncadd.s32 $0xFFFFC000  }
0x129: {  	[spmem:s1] =	stream.indirect.scatter.add.f32 [tilespmem:s26], [sflag:$0x3], $0x80, s11, s31, $0xb8;
	[tilespmem:$0x1EC00] =	vst v63  }
0x12a: {  	_ =	swait.ge [sflag:s28], $0x4000  }
0x12b: {  	[sflag:s28] =	ssyncset.done $0x0  }
0x12c: {  	[sflag:s28] =	ssyncadd.s32 $0xFFFFC000  }
0x12d: {  	[tilespmem:s26], [sflag:$0x1] =	stream.indirect.gather [hbm4b:s5+s31], $0x80, s16, s31, $0xb8;
	[tilespmem:$0x1EC00] =	vst v63  }
0x12e: {  	_ =	swait.ge [sflag:s6], $0x4000  }
0x12f: {  	[sflag:s6] =	ssyncset.done $0x0  }
0x130: {  	[sflag:s6] =	ssyncadd.s32 $0xFFFFC000  }
0x131: {  	[spmem:s1] =	stream.indirect.scatter.add.f32 [tilespmem:s0], [sflag:$0x3], $0x80, s17, s31, $0xb8;
	[tilespmem:$0x1EC00] =	vst v63  }
0x132: {  	_ =	swait.ge [sflag:s28], $0x4000  }
0x133: {  	[sflag:s28] =	ssyncset.done $0x0  }
0x134: {  	[sflag:s28] =	ssyncadd.s32 $0xFFFFC000  }
0x135: {  	[tilespmem:s0], [sflag:$0x2] =	stream.indirect.gather [hbm4b:s5+s31], $0x80, s18, s31, $0xb8;
	[tilespmem:$0x1EC00] =	vst v63  }
0x136: {  	_ =	swait.ge [sflag:s3], $0x4000  }
0x137: {  	[sflag:s3] =	ssyncset.done $0x0  }
0x138: {  	[sflag:s3] =	ssyncadd.s32 $0xFFFFC000  }
0x139: {  	[spmem:s1] =	stream.indirect.scatter.add.f32 [tilespmem:s26], [sflag:$0x3], $0x80, s19, s31, $0xb8;
	[tilespmem:$0x1EC00] =	vst v63  }
0x13a: {  	_ =	swait.ge [sflag:s28], $0x4000  }
0x13b: {  	[sflag:s28] =	ssyncset.done $0x0  }
0x13c: {  	[sflag:s28] =	ssyncadd.s32 $0xFFFFC000  }
0x13d: {  	[tilespmem:s26], [sflag:$0x1] =	stream.indirect.gather [hbm4b:s5+s31], $0x80, s20, s31, $0xb8;
	[tilespmem:$0x1EC00] =	vst v63  }
0x13e: {  	_ =	swait.ge [sflag:s6], $0x4000  }
0x13f: {  	[sflag:s6] =	ssyncset.done $0x0  }
0x140: {  	[sflag:s6] =	ssyncadd.s32 $0xFFFFC000  }
0x141: {  	[spmem:s1] =	stream.indirect.scatter.add.f32 [tilespmem:s0], [sflag:$0x3], $0x80, s21, s31, $0xb8;
	[tilespmem:$0x1EC00] =	vst v63  }
0x142: {  	_ =	swait.ge [sflag:s28], $0x4000  }
0x143: {  	[sflag:s28] =	ssyncset.done $0x0  }
0x144: {  	[sflag:s28] =	ssyncadd.s32 $0xFFFFC000  }
0x145: {  	[tilespmem:s0], [sflag:$0x2] =	stream.indirect.gather [hbm4b:s5+s31], $0x80, s22, s31, $0xb8;
	[tilespmem:$0x1EC00] =	vst v63  }
0x146: {  	_ =	swait.ge [sflag:s3], $0x4000  }
0x147: {  	[sflag:s3] =	ssyncset.done $0x0  }
0x148: {  	[sflag:s3] =	ssyncadd.s32 $0xFFFFC000  }
0x149: {  	[spmem:s1] =	stream.indirect.scatter.add.f32 [tilespmem:s26], [sflag:$0x3], $0x80, s23, s31, $0xb8;
	[tilespmem:$0x1EC00] =	vst v63  }
0x14a: {  	_ =	swait.ge [sflag:s28], $0x4000  }
0x14b: {  	[sflag:s28] =	ssyncset.done $0x0  }
0x14c: {  	[sflag:s28] =	ssyncadd.s32 $0xFFFFC000  }
0x14d: {  	[tilespmem:s26], [sflag:$0x1] =	stream.indirect.gather [hbm4b:s5+s31], $0x80, s24, s31, $0xb8;
	[tilespmem:$0x1EC00] =	vst v63  }
0x14e: {  	_ =	swait.ge [sflag:s6], $0x4000  }
0x14f: {  	[sflag:s6] =	ssyncset.done $0x0  }
0x150: {  	[sflag:s6] =	ssyncadd.s32 $0xFFFFC000  }
0x151: {  	[spmem:s1] =	stream.indirect.scatter.add.f32 [tilespmem:s0], [sflag:$0x3], $0x80, s25, s31, $0xb8;
	[tilespmem:$0x1EC00] =	vst v63  }
0x152: {  	_ =	swait.ge [sflag:s28], $0x4000  }
0x153: {  	[sflag:s28] =	ssyncset.done $0x0  }
0x154: {  	[sflag:s28] =	ssyncadd.s32 $0xFFFFC000  }
0x155: {  	[tilespmem:s0], [sflag:$0x2] =	stream.indirect.gather [hbm4b:s5+s31], $0x80, s7, s31, $0xb8;
	[tilespmem:$0x1EC00] =	vst v63  }
0x156: {  	_ =	swait.ge [sflag:s3], $0x4000  }
0x157: {  	[sflag:s3] =	ssyncset.done $0x0  }
0x158: {  	[sflag:s3] =	ssyncadd.s32 $0xFFFFC000  }
0x159: {  	[spmem:s1] =	stream.indirect.scatter.add.f32 [tilespmem:s26], [sflag:$0x3], $0x80, s10, s31, $0xb8;
	[tilespmem:$0x1EC00] =	vst v63  }
0x15a: {  	_ =	swait.ge [sflag:s28], $0x4000  }
0x15b: {  	[sflag:s28] =	ssyncset.done $0x0  }
0x15c: {  	[sflag:s28] =	ssyncadd.s32 $0xFFFFC000  }
0x15d: {  	p0 =	sne.s32 s15, $0x900;
	_ =	swait.ge [sflag:s6], $0x4000  }
.Ltmp0:
0x15e: {  	[sflag:s6] =	ssyncset.done $0x0;
	(pc) =	sbr.rel @p0 .LBB2_2-.Ltmp0, $4  }
0x15f: {  	[sflag:s6] =	ssyncadd.s32 $0xFFFFC000  }
0x160: {  	[spmem:s1] =	stream.indirect.scatter.add.f32 [tilespmem:s0], [sflag:$0x3], $0x80, s12, s31, $0xb8;
	[tilespmem:$0x1EC00] =	vst v63  }
0x161: {  	_ =	swait.ge [sflag:s28], $0x4000  }
0x162: {  	s15 =	sadd.s32 $0x100, s15;
	s2 =	rddreg [dreg:$0x4];
	[sflag:s28] =	ssyncset.done $0x0  }
0x163: {  	[sflag:s28] =	ssyncadd.s32 $0xFFFFC000;
	s2 =	sadd.s32 s14, s2  }
0x164: {  	[tilespmem:s29], [sflag:$0x3] =	stream.linear.gather [hbm4b:s2+s4], $0x800, $0x38;
	[tilespmem:$0x1EC00] =	vst v63  }
0x165: {  	_ =	swait.ge [sflag:s28], $0x800  }
0x166: {  	s13 =	rddreg [dreg:$0x5];
	[sflag:s28] =	ssyncset.done $0x0  }
0x167: {  	s2 =	sadd.s32 s14, s13;
	[sflag:s28] =	ssyncadd.s32 $0xFFFFF800  }
0x168: {  	[tilespmem:s30], [sflag:$0x3] =	stream.linear.gather [hbm4b:s2+s4], $0x800, $0x38;
	[tilespmem:$0x1EC00] =	vst v63  }
0x169: {  	_ =	swait.ge [sflag:s28], $0x800  }
0x16a: {  	[sflag:s28] =	ssyncset.done $0x0  }
0x16b: {  	[sflag:s28] =	ssyncadd.s32 $0xFFFFF800  }
0x16c: {  	[tilespmem:s26], [sflag:$0x1] =	stream.indirect.gather [hbm4b:s5+s31], $0x80, s29, s31, $0xb8;
	[tilespmem:$0x1EC00] =	vst v63  }
0x16d: {  	s15 =	rddreg [dreg:$0x6]  }
0x16e: {  	[tilespmem:s0], [sflag:$0x2] =	stream.indirect.gather [hbm4b:s5+s31], $0x80, s15, s31, $0xb8;
	[tilespmem:$0x1EC00] =	vst v63  }
0x16f: {  	_ =	swait.ge [sflag:s3], $0x4000  }
0x170: {  	[sflag:s3] =	ssyncset.done $0x0  }
0x171: {  	[sflag:s3] =	ssyncadd.s32 $0xFFFFC000  }
0x172: {  	[spmem:s1] =	stream.indirect.scatter.add.f32 [tilespmem:s26], [sflag:$0x3], $0x80, s30, s31, $0xb8;
	[tilespmem:$0x1EC00] =	vst v63  }
0x173: {  	_ =	swait.ge [sflag:s28], $0x4000  }
0x174: {  	[sflag:s28] =	ssyncset.done $0x0  }
0x175: {  	s13 =	rddreg [dreg:$0x7];
	[sflag:s28] =	ssyncadd.s32 $0xFFFFC000  }
0x176: {  	[tilespmem:s26], [sflag:$0x1] =	stream.indirect.gather [hbm4b:s5+s31], $0x80, s13, s31, $0xb8;
	[tilespmem:$0x1EC00] =	vst v63  }
0x177: {  	_ =	swait.ge [sflag:s6], $0x4000  }
0x178: {  	[sflag:s6] =	ssyncset.done $0x0  }
0x179: {  	s14 =	rddreg [dreg:$0x8];
	[sflag:s6] =	ssyncadd.s32 $0xFFFFC000  }
0x17a: {  	[spmem:s1] =	stream.indirect.scatter.add.f32 [tilespmem:s0], [sflag:$0x3], $0x80, s14, s31, $0xb8;
	[tilespmem:$0x1EC00] =	vst v63  }
0x17b: {  	_ =	swait.ge [sflag:s28], $0x4000  }
0x17c: {  	[sflag:s28] =	ssyncset.done $0x0  }
0x17d: {  	s15 =	rddreg [dreg:$0x9];
	[sflag:s28] =	ssyncadd.s32 $0xFFFFC000  }
0x17e: {  	[tilespmem:s0], [sflag:$0x2] =	stream.indirect.gather [hbm4b:s5+s31], $0x80, s15, s31, $0xb8;
	[tilespmem:$0x1EC00] =	vst v63  }
0x17f: {  	_ =	swait.ge [sflag:s3], $0x4000  }
0x180: {  	[sflag:s3] =	ssyncset.done $0x0  }
0x181: {  	s13 =	rddreg [dreg:$0xa];
	[sflag:s3] =	ssyncadd.s32 $0xFFFFC000  }
0x182: {  	[spmem:s1] =	stream.indirect.scatter.add.f32 [tilespmem:s26], [sflag:$0x3], $0x80, s13, s31, $0xb8;
	[tilespmem:$0x1EC00] =	vst v63  }
0x183: {  	_ =	swait.ge [sflag:s28], $0x4000  }
0x184: {  	[sflag:s28] =	ssyncset.done $0x0  }
0x185: {  	s14 =	rddreg [dreg:$0xb];
	[sflag:s28] =	ssyncadd.s32 $0xFFFFC000  }
0x186: {  	[tilespmem:s26], [sflag:$0x1] =	stream.indirect.gather [hbm4b:s5+s31], $0x80, s14, s31, $0xb8;
	[tilespmem:$0x1EC00] =	vst v63  }
0x187: {  	_ =	swait.ge [sflag:s6], $0x4000  }
0x188: {  	[sflag:s6] =	ssyncset.done $0x0  }
0x189: {  	s15 =	rddreg [dreg:$0xc];
	[sflag:s6] =	ssyncadd.s32 $0xFFFFC000  }
0x18a: {  	[spmem:s1] =	stream.indirect.scatter.add.f32 [tilespmem:s0], [sflag:$0x3], $0x80, s15, s31, $0xb8;
	[tilespmem:$0x1EC00] =	vst v63  }
0x18b: {  	_ =	swait.ge [sflag:s28], $0x4000  }
0x18c: {  	[sflag:s28] =	ssyncset.done $0x0  }
0x18d: {  	s13 =	rddreg [dreg:$0xd];
	[sflag:s28] =	ssyncadd.s32 $0xFFFFC000  }
0x18e: {  	[tilespmem:s0], [sflag:$0x2] =	stream.indirect.gather [hbm4b:s5+s31], $0x80, s13, s31, $0xb8;
	[tilespmem:$0x1EC00] =	vst v63  }
0x18f: {  	_ =	swait.ge [sflag:s3], $0x4000  }
0x190: {  	[sflag:s3] =	ssyncset.done $0x0  }
0x191: {  	s14 =	rddreg [dreg:$0xe];
	[sflag:s3] =	ssyncadd.s32 $0xFFFFC000  }
0x192: {  	[spmem:s1] =	stream.indirect.scatter.add.f32 [tilespmem:s26], [sflag:$0x3], $0x80, s14, s31, $0xb8;
	[tilespmem:$0x1EC00] =	vst v63  }
0x193: {  	_ =	swait.ge [sflag:s28], $0x4000  }
0x194: {  	[sflag:s28] =	ssyncset.done $0x0  }
0x195: {  	s15 =	rddreg [dreg:$0xf];
	[sflag:s28] =	ssyncadd.s32 $0xFFFFC000  }
0x196: {  	[tilespmem:s26], [sflag:$0x1] =	stream.indirect.gather [hbm4b:s5+s31], $0x80, s15, s31, $0xb8;
	[tilespmem:$0x1EC00] =	vst v63  }
0x197: {  	_ =	swait.ge [sflag:s6], $0x4000  }
0x198: {  	[sflag:s6] =	ssyncset.done $0x0  }
0x199: {  	s13 =	rddreg [dreg:$0x10];
	[sflag:s6] =	ssyncadd.s32 $0xFFFFC000  }
0x19a: {  	[spmem:s1] =	stream.indirect.scatter.add.f32 [tilespmem:s0], [sflag:$0x3], $0x80, s13, s31, $0xb8;
	[tilespmem:$0x1EC00] =	vst v63  }
0x19b: {  	_ =	swait.ge [sflag:s28], $0x4000  }
0x19c: {  	[sflag:s28] =	ssyncset.done $0x0  }
0x19d: {  	s14 =	rddreg [dreg:$0x11];
	[sflag:s28] =	ssyncadd.s32 $0xFFFFC000  }
0x19e: {  	[tilespmem:s0], [sflag:$0x2] =	stream.indirect.gather [hbm4b:s5+s31], $0x80, s14, s31, $0xb8;
	[tilespmem:$0x1EC00] =	vst v63  }
0x19f: {  	_ =	swait.ge [sflag:s3], $0x4000  }
0x1a0: {  	[sflag:s3] =	ssyncset.done $0x0  }
0x1a1: {  	s15 =	rddreg [dreg:$0x12];
	[sflag:s3] =	ssyncadd.s32 $0xFFFFC000  }
0x1a2: {  	[spmem:s1] =	stream.indirect.scatter.add.f32 [tilespmem:s26], [sflag:$0x3], $0x80, s15, s31, $0xb8;
	[tilespmem:$0x1EC00] =	vst v63  }
0x1a3: {  	_ =	swait.ge [sflag:s28], $0x4000  }
0x1a4: {  	[sflag:s28] =	ssyncset.done $0x0  }
0x1a5: {  	s13 =	rddreg [dreg:$0x13];
	[sflag:s28] =	ssyncadd.s32 $0xFFFFC000  }
0x1a6: {  	[tilespmem:s26], [sflag:$0x1] =	stream.indirect.gather [hbm4b:s5+s31], $0x80, s13, s31, $0xb8;
	[tilespmem:$0x1EC00] =	vst v63  }
0x1a7: {  	_ =	swait.ge [sflag:s6], $0x4000  }
0x1a8: {  	[sflag:s6] =	ssyncset.done $0x0  }
0x1a9: {  	[sflag:s6] =	ssyncadd.s32 $0xFFFFC000  }
0x1aa: {  	[spmem:s1] =	stream.indirect.scatter.add.f32 [tilespmem:s0], [sflag:$0x3], $0x80, s8, s31, $0xb8;
	[tilespmem:$0x1EC00] =	vst v63  }
0x1ab: {  	_ =	swait.ge [sflag:s28], $0x4000  }
0x1ac: {  	[sflag:s28] =	ssyncset.done $0x0  }
0x1ad: {  	[sflag:s28] =	ssyncadd.s32 $0xFFFFC000  }
0x1ae: {  	[tilespmem:s0], [sflag:$0x2] =	stream.indirect.gather [hbm4b:s5+s31], $0x80, s9, s31, $0xb8;
	[tilespmem:$0x1EC00] =	vst v63  }
0x1af: {  	_ =	swait.ge [sflag:s3], $0x4000  }
0x1b0: {  	[sflag:s3] =	ssyncset.done $0x0  }
0x1b1: {  	[sflag:s3] =	ssyncadd.s32 $0xFFFFC000  }
0x1b2: {  	[spmem:s1] =	stream.indirect.scatter.add.f32 [tilespmem:s26], [sflag:$0x3], $0x80, s11, s31, $0xb8;
	[tilespmem:$0x1EC00] =	vst v63  }
0x1b3: {  	_ =	swait.ge [sflag:s28], $0x4000  }
0x1b4: {  	[sflag:s28] =	ssyncset.done $0x0  }
0x1b5: {  	[sflag:s28] =	ssyncadd.s32 $0xFFFFC000  }
0x1b6: {  	[tilespmem:s26], [sflag:$0x1] =	stream.indirect.gather [hbm4b:s5+s31], $0x80, s16, s31, $0xb8;
	[tilespmem:$0x1EC00] =	vst v63  }
0x1b7: {  	_ =	swait.ge [sflag:s6], $0x4000  }
0x1b8: {  	[sflag:s6] =	ssyncset.done $0x0  }
0x1b9: {  	[sflag:s6] =	ssyncadd.s32 $0xFFFFC000  }
0x1ba: {  	[spmem:s1] =	stream.indirect.scatter.add.f32 [tilespmem:s0], [sflag:$0x3], $0x80, s17, s31, $0xb8;
	[tilespmem:$0x1EC00] =	vst v63  }
0x1bb: {  	_ =	swait.ge [sflag:s28], $0x4000  }
0x1bc: {  	[sflag:s28] =	ssyncset.done $0x0  }
0x1bd: {  	[sflag:s28] =	ssyncadd.s32 $0xFFFFC000  }
0x1be: {  	[tilespmem:s0], [sflag:$0x2] =	stream.indirect.gather [hbm4b:s5+s31], $0x80, s18, s31, $0xb8;
	[tilespmem:$0x1EC00] =	vst v63  }
0x1bf: {  	_ =	swait.ge [sflag:s3], $0x4000  }
0x1c0: {  	[sflag:s3] =	ssyncset.done $0x0  }
0x1c1: {  	[sflag:s3] =	ssyncadd.s32 $0xFFFFC000  }
0x1c2: {  	[spmem:s1] =	stream.indirect.scatter.add.f32 [tilespmem:s26], [sflag:$0x3], $0x80, s19, s31, $0xb8;
	[tilespmem:$0x1EC00] =	vst v63  }
0x1c3: {  	_ =	swait.ge [sflag:s28], $0x4000  }
0x1c4: {  	[sflag:s28] =	ssyncset.done $0x0  }
0x1c5: {  	[sflag:s28] =	ssyncadd.s32 $0xFFFFC000  }
0x1c6: {  	[tilespmem:s26], [sflag:$0x1] =	stream.indirect.gather [hbm4b:s5+s31], $0x80, s20, s31, $0xb8;
	[tilespmem:$0x1EC00] =	vst v63  }
0x1c7: {  	_ =	swait.ge [sflag:s6], $0x4000  }
0x1c8: {  	[sflag:s6] =	ssyncset.done $0x0  }
0x1c9: {  	[sflag:s6] =	ssyncadd.s32 $0xFFFFC000  }
0x1ca: {  	[spmem:s1] =	stream.indirect.scatter.add.f32 [tilespmem:s0], [sflag:$0x3], $0x80, s21, s31, $0xb8;
	[tilespmem:$0x1EC00] =	vst v63  }
0x1cb: {  	_ =	swait.ge [sflag:s28], $0x4000  }
0x1cc: {  	[sflag:s28] =	ssyncset.done $0x0  }
0x1cd: {  	[sflag:s28] =	ssyncadd.s32 $0xFFFFC000  }
0x1ce: {  	[tilespmem:s0], [sflag:$0x2] =	stream.indirect.gather [hbm4b:s5+s31], $0x80, s22, s31, $0xb8;
	[tilespmem:$0x1EC00] =	vst v63  }
0x1cf: {  	_ =	swait.ge [sflag:s3], $0x4000  }
0x1d0: {  	[sflag:s3] =	ssyncset.done $0x0  }
0x1d1: {  	[sflag:s3] =	ssyncadd.s32 $0xFFFFC000  }
0x1d2: {  	[spmem:s1] =	stream.indirect.scatter.add.f32 [tilespmem:s26], [sflag:$0x3], $0x80, s23, s31, $0xb8;
	[tilespmem:$0x1EC00] =	vst v63  }
0x1d3: {  	_ =	swait.ge [sflag:s28], $0x4000  }
0x1d4: {  	[sflag:s28] =	ssyncset.done $0x0  }
0x1d5: {  	[sflag:s28] =	ssyncadd.s32 $0xFFFFC000  }
0x1d6: {  	[tilespmem:s26], [sflag:$0x1] =	stream.indirect.gather [hbm4b:s5+s31], $0x80, s24, s31, $0xb8;
	[tilespmem:$0x1EC00] =	vst v63  }
0x1d7: {  	_ =	swait.ge [sflag:s6], $0x4000  }
0x1d8: {  	[sflag:s6] =	ssyncset.done $0x0  }
0x1d9: {  	[sflag:s6] =	ssyncadd.s32 $0xFFFFC000  }
0x1da: {  	[spmem:s1] =	stream.indirect.scatter.add.f32 [tilespmem:s0], [sflag:$0x3], $0x80, s25, s31, $0xb8;
	[tilespmem:$0x1EC00] =	vst v63  }
0x1db: {  	_ =	swait.ge [sflag:s28], $0x4000  }
0x1dc: {  	[sflag:s28] =	ssyncset.done $0x0  }
0x1dd: {  	[sflag:s28] =	ssyncadd.s32 $0xFFFFC000  }
0x1de: {  	[tilespmem:s0], [sflag:$0x2] =	stream.indirect.gather [hbm4b:s5+s31], $0x80, s7, s31, $0xb8;
	[tilespmem:$0x1EC00] =	vst v63  }
0x1df: {  	_ =	swait.ge [sflag:s3], $0x4000  }
0x1e0: {  	[sflag:s3] =	ssyncset.done $0x0  }
0x1e1: {  	[sflag:s3] =	ssyncadd.s32 $0xFFFFC000  }
0x1e2: {  	[spmem:s1] =	stream.indirect.scatter.add.f32 [tilespmem:s26], [sflag:$0x3], $0x80, s10, s31, $0xb8;
	[tilespmem:$0x1EC00] =	vst v63  }
0x1e3: {  	_ =	swait.ge [sflag:s28], $0x4000  }
0x1e4: {  	[sflag:s28] =	ssyncset.done $0x0  }
0x1e5: {  	[sflag:s28] =	ssyncadd.s32 $0xFFFFC000  }
0x1e6: {  	_ =	swait.ge [sflag:s6], $0x4000  }
0x1e7: {  	[sflag:s6] =	ssyncset.done $0x0  }
0x1e8: {  	[sflag:s6] =	ssyncadd.s32 $0xFFFFC000  }
0x1e9: {  	[spmem:s1] =	stream.indirect.scatter.add.f32 [tilespmem:s0], [sflag:$0x3], $0x80, s12, s31, $0xb8;
	[tilespmem:$0x1EC00] =	vst v63  }
0x1ea: {  	_ =	swait.ge [sflag:s28], $0x4000  }
0x1eb: {  	[sflag:s28] =	ssyncset.done $0x0  }
0x1ec: {  	s13 =	simm.s32 $0x16400;
	s14 =	rddreg [dreg:$0x16];
	[sflag:s28] =	ssyncadd.s32 $0xFFFFC000  }
0x1ed: {  	[tilespmem:s13], [sflag:$0x3] =	stream.linear.gather [hbm4b:s14+s4], $0x800, $0x38;
	[tilespmem:$0x1EC00] =	vst v63  }
0x1ee: {  	_ =	swait.ge [sflag:s28], $0x800  }
0x1ef: {  	[sflag:s28] =	ssyncset.done $0x0  }
0x1f0: {  	s15 =	rddreg [dreg:$0x1e];
	[sflag:s28] =	ssyncadd.s32 $0xFFFFF800  }
0x1f1: {  	[tilespmem:s26], [sflag:$0x3] =	stream.linear.gather [hbm4b:s15+s4], $0x4000, $0x38;
	[tilespmem:$0x1EC00] =	vst v63  }
0x1f2: {  	_ =	swait.ge [sflag:s28], $0x4000  }
0x1f3: {  	[sflag:s28] =	ssyncset.done $0x0  }
0x1f4: {  	[sflag:s28] =	ssyncadd.s32 $0xFFFFC000  }
0x1f5: {  	s2 =	rddreg [dreg:$0x2]  }
0x1f6: {  	[spmem:s2] =	stream.indirect.scatter.add.f32 [tilespmem:s26], [sflag:$0x3], $0x80, s13, s31, $0xb8;
	[tilespmem:$0x1EC00] =	vst v63  }
0x1f7: {  	_ =	swait.ge [sflag:s28], $0x4000  }
0x1f8: {  	[sflag:s28] =	ssyncset.done $0x0  }
0x1f9: {  	s14 =	rddreg [dreg:$0x1f];
	[sflag:s28] =	ssyncadd.s32 $0xFFFFC000  }
0x1fa: {  	[tilespmem:s26], [sflag:$0x3] =	stream.linear.gather [hbm4b:s14+s4], $0x4000, $0x38;
	[tilespmem:$0x1EC00] =	vst v63  }
0x1fb: {  	_ =	swait.ge [sflag:s28], $0x4000  }
0x1fc: {  	[sflag:s28] =	ssyncset.done $0x0  }
0x1fd: {  	s15 =	simm.s32 $0x16480;
	[sflag:s28] =	ssyncadd.s32 $0xFFFFC000  }
0x1fe: {  	[spmem:s2] =	stream.indirect.scatter.add.f32 [tilespmem:s26], [sflag:$0x3], $0x80, s15, s31, $0xb8;
	[tilespmem:$0x1EC00] =	vst v63  }
0x1ff: {  	_ =	swait.ge [sflag:s28], $0x4000  }
0x200: {  	s14 =	sld [smem:$0x7F5]  }
0x201: {  	[sflag:s28] =	ssyncset.done $0x0  }
0x202: {  	[sflag:s28] =	ssyncadd.s32 $0xFFFFC000  }
0x203: {  	[tilespmem:s26], [sflag:$0x3] =	stream.linear.gather [hbm4b:s14+s4], $0x4000, $0x38;
	[tilespmem:$0x1EC00] =	vst v63  }
0x204: {  	_ =	swait.ge [sflag:s28], $0x4000  }
0x205: {  	[sflag:s28] =	ssyncset.done $0x0  }
0x206: {  	s15 =	simm.s32 $0x16500;
	[sflag:s28] =	ssyncadd.s32 $0xFFFFC000  }
0x207: {  	[spmem:s2] =	stream.indirect.scatter.add.f32 [tilespmem:s26], [sflag:$0x3], $0x80, s15, s31, $0xb8;
	[tilespmem:$0x1EC00] =	vst v63  }
0x208: {  	_ =	swait.ge [sflag:s28], $0x4000  }
0x209: {  	s14 =	sld [smem:$0x7F6]  }
0x20a: {  	[sflag:s28] =	ssyncset.done $0x0  }
0x20b: {  	[sflag:s28] =	ssyncadd.s32 $0xFFFFC000  }
0x20c: {  	[tilespmem:s26], [sflag:$0x3] =	stream.linear.gather [hbm4b:s14+s4], $0x4000, $0x38;
	[tilespmem:$0x1EC00] =	vst v63  }
0x20d: {  	_ =	swait.ge [sflag:s28], $0x4000  }
0x20e: {  	[sflag:s28] =	ssyncset.done $0x0  }
0x20f: {  	s15 =	simm.s32 $0x16580;
	[sflag:s28] =	ssyncadd.s32 $0xFFFFC000  }
0x210: {  	[spmem:s2] =	stream.indirect.scatter.add.f32 [tilespmem:s26], [sflag:$0x3], $0x80, s15, s31, $0xb8;
	[tilespmem:$0x1EC00] =	vst v63  }
0x211: {  	_ =	swait.ge [sflag:s28], $0x4000  }
0x212: {  	s14 =	sld [smem:$0x7FC]  }
0x213: {  	[sflag:s28] =	ssyncset.done $0x0  }
0x214: {  	[sflag:s28] =	ssyncadd.s32 $0xFFFFC000  }
0x215: {  	[tilespmem:s26], [sflag:$0x3] =	stream.linear.gather [hbm4b:s14+s4], $0x4000, $0x38;
	[tilespmem:$0x1EC00] =	vst v63  }
0x216: {  	_ =	swait.ge [sflag:s28], $0x4000  }
0x217: {  	[sflag:s28] =	ssyncset.done $0x0  }
0x218: {  	s15 =	simm.s32 $0x16600;
	[sflag:s28] =	ssyncadd.s32 $0xFFFFC000  }
0x219: {  	[spmem:s2] =	stream.indirect.scatter.add.f32 [tilespmem:s26], [sflag:$0x3], $0x80, s15, s31, $0xb8;
	[tilespmem:$0x1EC00] =	vst v63  }
0x21a: {  	_ =	swait.ge [sflag:s28], $0x4000  }
0x21b: {  	[sflag:s28] =	ssyncset.done $0x0  }
0x21c: {  	[sflag:s28] =	ssyncadd.s32 $0xFFFFC000  }
0x21d: {  	[bflag:$0x0] =	sbarrier.arrive $0xFFFF  }
0x21e: {  	s14 =	rddreg [dreg:$0x18]  }
0x21f: {  	[tilespmem:s26], [sflag:$0x3] =	stream.linear.gather [spmem:s14], $0x4000, $0x38;
	[tilespmem:$0x1EC00] =	vst v63  }
0x220: {  	_ =	swait.ge [sflag:s28], $0x4000  }
0x221: {  	s15 =	sld [smem:$0x7F7]  }
0x222: {  	[sflag:s28] =	ssyncset.done $0x0  }
0x223: {  	[sflag:s28] =	ssyncadd.s32 $0xFFFFC000  }
0x224: {  	[hbm4b:s15+s4] =	stream.linear.scatter [tilespmem:s26], [sflag:$0x3], $0x4000, $0x38;
	[tilespmem:$0x1EC00] =	vst v63  }
0x225: {  	_ =	swait.ge [sflag:s28], $0x4000  }
0x226: {  	[sflag:s28] =	ssyncset.done $0x0  }
0x227: {  	s15 =	rddreg [dreg:$0x1a];
	[sflag:s28] =	ssyncadd.s32 $0xFFFFC000  }
0x228: {  	[tilespmem:s26], [sflag:$0x3] =	stream.linear.gather [spmem:s15], $0x4000, $0x38;
	[tilespmem:$0x1EC00] =	vst v63  }
0x229: {  	_ =	swait.ge [sflag:s28], $0x4000  }
0x22a: {  	s13 =	sld [smem:$0x7F8]  }
0x22b: {  	[sflag:s28] =	ssyncset.done $0x0  }
0x22c: {  	[sflag:s28] =	ssyncadd.s32 $0xFFFFC000  }
0x22d: {  	[hbm4b:s13+s4] =	stream.linear.scatter [tilespmem:s26], [sflag:$0x3], $0x4000, $0x38;
	[tilespmem:$0x1EC00] =	vst v63  }
0x22e: {  	_ =	swait.ge [sflag:s28], $0x4000  }
0x22f: {  	[sflag:s28] =	ssyncset.done $0x0  }
0x230: {  	s14 =	rddreg [dreg:$0x1b];
	[sflag:s28] =	ssyncadd.s32 $0xFFFFC000  }
0x231: {  	[tilespmem:s26], [sflag:$0x3] =	stream.linear.gather [spmem:s14], $0x4000, $0x38;
	[tilespmem:$0x1EC00] =	vst v63  }
0x232: {  	_ =	swait.ge [sflag:s28], $0x4000  }
0x233: {  	s13 =	sld [smem:$0x7F9]  }
0x234: {  	[sflag:s28] =	ssyncset.done $0x0  }
0x235: {  	[sflag:s28] =	ssyncadd.s32 $0xFFFFC000  }
0x236: {  	[hbm4b:s13+s4] =	stream.linear.scatter [tilespmem:s26], [sflag:$0x3], $0x4000, $0x38;
	[tilespmem:$0x1EC00] =	vst v63  }
0x237: {  	_ =	swait.ge [sflag:s28], $0x4000  }
0x238: {  	[sflag:s28] =	ssyncset.done $0x0  }
0x239: {  	s14 =	rddreg [dreg:$0x1c];
	[sflag:s28] =	ssyncadd.s32 $0xFFFFC000  }
0x23a: {  	[tilespmem:s26], [sflag:$0x3] =	stream.linear.gather [spmem:s14], $0x4000, $0x38;
	[tilespmem:$0x1EC00] =	vst v63  }
0x23b: {  	_ =	swait.ge [sflag:s28], $0x4000  }
0x23c: {  	s13 =	sld [smem:$0x7FA]  }
0x23d: {  	[sflag:s28] =	ssyncset.done $0x0  }
0x23e: {  	[sflag:s28] =	ssyncadd.s32 $0xFFFFC000  }
0x23f: {  	[hbm4b:s13+s4] =	stream.linear.scatter [tilespmem:s26], [sflag:$0x3], $0x4000, $0x38;
	[tilespmem:$0x1EC00] =	vst v63  }
0x240: {  	_ =	swait.ge [sflag:s28], $0x4000  }
0x241: {  	[sflag:s28] =	ssyncset.done $0x0  }
0x242: {  	s13 =	rddreg [dreg:$0x1d];
	[sflag:s28] =	ssyncadd.s32 $0xFFFFC000  }
0x243: {  	[tilespmem:s26], [sflag:$0x3] =	stream.linear.gather [spmem:s13], $0x4000, $0x38;
	[tilespmem:$0x1EC00] =	vst v63  }
0x244: {  	_ =	swait.ge [sflag:s28], $0x4000  }
0x245: {  	s14 =	sld [smem:$0x7FB]  }
0x246: {  	[sflag:s28] =	ssyncset.done $0x0  }
0x247: {  	[sflag:s28] =	ssyncadd.s32 $0xFFFFC000  }
0x248: {  	[hbm4b:s14+s4] =	stream.linear.scatter [tilespmem:s26], [sflag:$0x3], $0x4000, $0x38;
	[tilespmem:$0x1EC00] =	vst v63  }
0x249: {  	_ =	swait.ge [sflag:s28], $0x4000  }
0x24a: {  	[sflag:s28] =	ssyncset.done $0x0  }
0x24b: {  	s14 =	rddreg [dreg:$0x15];
	[sflag:s28] =	ssyncadd.s32 $0xFFFFC000  }
0x24c: {  	[tilespmem:s26], [sflag:$0x3] =	stream.linear.gather [spmem:s14], $0x1400, $0x38;
	[tilespmem:$0x1EC00] =	vst v63  }
0x24d: {  	_ =	swait.ge [sflag:s28], $0x1400  }
0x24e: {  	[sflag:s28] =	ssyncset.done $0x0  }
0x24f: {  	s14 =	rddreg [dreg:$0x17];
	[sflag:s28] =	ssyncadd.s32 $0xFFFFEC00  }
0x250: {  	[hbm4b:s14+s4] =	stream.linear.scatter [tilespmem:s26], [sflag:$0x3], $0x1400, $0x38;
	[tilespmem:$0x1EC00] =	vst v63  }
0x251: {  	_ =	swait.ge [sflag:s28], $0x1400  }
0x252: {  	s2 =	sld [smem:$0x7FD];
	_ =	sdelay $0x2  }
0x253: {  	s14 =	sadd.s32 $0x1, s2;
	s2 =	rddreg [dreg:$0x19]  }
0x254: {  	p0 =	sne.s32 s14, s2  }
.Ltmp1:
0x255: {  	_ = 	snop;
	(pc) =	sbr.rel @p0 .LBB2_1-.Ltmp1, $3  }
0x256: {  	_ =	sdelay $0x1  }
0x257: {  	[sflag:s28] =	ssyncset.done $0x0;
	[smem:$0x7FD] =	sst s14  }
0x258: {  	[sflag:s28] =	ssyncadd.s32 $0xFFFFEC00;
	s14 =	rddreg [dreg:$0x18]  }
0x259: {  	_ =	sfence.sel $0x180000  }
0x25a: {  	[bflag:$0x0] =	sbarrier.arrive $0xFFFF  }
0x25b: {  	_ =	strace $0x9000004D  }
0x25c: {  	s0 =	stileid.u32;
	[bflag:$0x2] =	sbarrier.arrive $0xFFFF  }
0x25d: {  	p0 =	sne.s32 s0, $0x0;
	s0 =	rddreg [dreg:$0x3]  }
0x25e: {  	s0 =	sadd.s32 @!p0 $0x100000, s0  }
0x25f: {  	[sflag:s0] =	ssyncadd.tile.s32 @!p0 $0x1;
	_ =	shalt  }
.Lfunc_end2:
_tile_overlayer_lowered:
.L_overlay_start_2:
0x260: {  	(tag) =	ssettag $0x2  }
0x261: {  	s0 =	rddreg [dreg:$0x0];
	s2 =	stileid.u32  }
0x262: {  	s1 =	rddreg [dreg:$0x1];
	p0 =	sne.s32 s2, $0x0  }
0x263: {  	s3 =	rddreg [dreg:$0x2];
	[bflag:$0x3] =	sbarrier.arrive $0xFFFF;
	s2 =	simm.s32 @!p0 $0x1C03  }
0x264: {  	[timem:s3], [sflag:s2] =	dma.local @!p0 [hbm:s0], s1  }
0x265: {  	s0 =	simm.s32 @!p0 $0x3  }
0x266: {  	_ =	swait.ge @!p0 [sflag:s0], s1  }
0x267: {  	s1 =	ssub.s32 @!p0 $0x0, s1;
	[sflag:s0] =	ssyncset.done @!p0 $0x0  }
0x268: {  	[sflag:s0] =	ssyncadd.s32 @!p0 s1  }
0x269: {  	[bflag:$0x3] =	sbarrier.arrive $0xFFFF  }
0x26a: {  	_ =	shalt  }

// kernel: kernel.18.cloned.1.call-start
scs
__scs_entry_jumppad:
0x0: {  	(pc) =	sbr.rel $0x88, $3  }
0x1: {  	(tag) =	ssettag $0x0;
	lr =	simm.s32 $0x1  }
0x2: {  	[smem:$0x3F97] =	sst lr;
	_ =	strace $0xD0000000  }
0x3: {  	_ = 	snop  }
0x4: {  	_ = 	snop  }
0x5: {  	_ = 	snop  }
0x6: {  	_ = 	snop  }
0x7: {  	_ = 	snop  }
__scs_overlays_trampoline_lowered:
0x8: {  	[smem:$0x3FA6] =	sst s0  }
0x9: {  	[smem:$0x3FA7] =	sst s1  }
0xa: {  	[smem:$0x3FA8] =	sst s2  }
0xb: {  	[smem:$0x3FA9] =	sst s3  }
0xc: {  	[smem:$0x3FAA] =	sst s4  }
0xd: {  	[smem:$0x3FAB] =	sst s5  }
0xe: {  	[smem:$0x3FAC] =	sst s6  }
0xf: {  	[smem:$0x3FAD] =	sst s7  }
0x10: {  	[smem:$0x3FAE] =	sst s8  }
0x11: {  	[smem:$0x3FAF] =	sst s9;
	s0 =	simm.s32 @!p0 $0x0  }
0x12: {  	s1 =	sld [smem:$0x3F95];
	s0 =	simm.s32 @p0 $0x1  }
0x13: {  	[smem:$0x3FB0] =	sst s0;
	s0 =	simm.s32 @!p1 $0x0  }
0x14: {  	s2 =	sld [smem:$0x3F94];
	s0 =	simm.s32 @p1 $0x1  }
0x15: {  	[smem:$0x3FB1] =	sst s0;
	s0 =	simm.s32 @!p2 $0x0  }
0x16: {  	s3 =	sld [smem:$0x3FDB];
	s0 =	simm.s32 @p2 $0x1  }
0x17: {  	s4 =	simm.s32 $0x1BF5;
	[smem:$0x3FB3] =	sst s0  }
0x18: {  	s0 =	sld [smem:$0x3F96];
	_ =	swait.ge [sflag:s4], $0x0  }
0x19: {  	s7 =	sld [smem:$0x3F97]  }
0x1a: {  	s8 =	sadd.s32 $0xFFFFE003, lr  }
0x1b: {  	s9 =	sadd.s32 $0xFFFFFEF7, lr;
	s5 =	simm.s32 $0xFFFFFFFF;
	p2 =	slt.u32 s8, $0xFFFFF086  }
0x1c: {  	p1 =	slt.u32 s9, $0xF7A;
	s5 =	simm.s32 @!p2 $0x0  }
0x1d: {  	s5 =	simm.s32 @p1 $0x1;
	p0 =	seq.s32 s7, s2  }
0x1e: {  	s7 =	smul.u32 @!p0 $0xF7A, s2;
	p2 =	seq.s32 @!p0 s5, $0x0  }
0x1f: {  	s9 =	smul.u32 $0xF7A, s1;
	s8 =	simm.s32 @!p0 $0x1BF5;
	p2 =	por !p2, p0  }
0x20: {  	[sflag:s8] =	ssyncset.s32 @!p0 $0xFFFFF086;
	s6 =	sadd.s32 @!p0 s3, s7;
	s7 =	simm.s32 @!p0 $0x108  }
0x21: {  	s3 =	sadd.s32 s3, s9;
	s6 =	sadd.s32 @!p0 $0x88, s6;
	s7 =	simm.s32 @p2 $0x1082  }
0x22: {  	[simem:s7], [sflag:s8] =	dma.local @!p0 [hbm:s6], $0xF7A  }
0x23: {  	s9 =	sor.u32 $0xD0000000, s2;
	s6 =	simm.s32 $0x108;
	_ =	swait.ge @!p0 [sflag:s8], $0x0  }
0x24: {  	s3 =	sadd.s32 $0x88, s3;
	s6 =	simm.s32 @!p1 $0x1082;
	[sflag:s4] =	ssyncset.s32 $0xFFFFF086  }
0x25: {  	[simem:s6], [sflag:s4] =	dma.local [hbm:s3], $0xF7A  }
0x26: {  	[smem:$0x3F97] =	sst s1;
	(tag) =	ssettag s2;
	_ =	strace s9  }
0x27: {  	s1 =	sld [smem:$0x3FA7]  }
0x28: {  	s2 =	sld [smem:$0x3FA8]  }
0x29: {  	s4 =	sld [smem:$0x3FAA]  }
0x2a: {  	p0 =	seq.s32 s5, $0x0;
	s5 =	sld [smem:$0x3FAB]  }
0x2b: {  	s6 =	sld [smem:$0x3FAC]  }
0x2c: {  	s7 =	sld [smem:$0x3FAD]  }
0x2d: {  	s3 =	simm.s32 $0x108;
	s8 =	sld [smem:$0x3FAE]  }
0x2e: {  	s3 =	simm.s32 @!p0 $0x1082;
	s9 =	sld [smem:$0x3FAF]  }
0x2f: {  	lr =	sadd.s32 s0, s3;
	s0 =	sld [smem:$0x3FA6]  }
0x30: {  	s3 =	sld [smem:$0x3FA9]  }
0x31: {  	[smem:$0x3FB2] =	sst s10  }
0x32: {  	s10 =	sld [smem:$0x3FB0];
	_ =	sdelay $0x3  }
0x33: {  	p0 =	seq.s32 s10, $0x1;
	s10 =	sld [smem:$0x3FB2];
	_ =	sdelay $0x3  }
0x34: {  	[smem:$0x3FB2] =	sst s10  }
0x35: {  	s10 =	sld [smem:$0x3FB1];
	_ =	sdelay $0x3  }
0x36: {  	p1 =	seq.s32 s10, $0x1;
	s10 =	sld [smem:$0x3FB2];
	_ =	sdelay $0x3  }
0x37: {  	[smem:$0x3FB2] =	sst s10  }
0x38: {  	s10 =	sld [smem:$0x3FB3]  }
0x39: {  	_ = 	snop;
	(pc) =	sbr.ind lr, $3  }
0x3a: {  	_ = 	snop  }
0x3b: {  	_ = 	snop  }
0x3c: {  	p2 =	seq.s32 s10, $0x1;
	s10 =	sld [smem:$0x3FB2]  }
0x3d: {  	_ =	shalt  }
0x3e: {  	_ =	shalt  }
0x3f: {  	_ =	shalt  }
0x40: {  	_ =	shalt  }
0x41: {  	_ =	shalt  }
0x42: {  	_ =	shalt  }
0x43: {  	_ =	shalt  }
0x44: {  	_ =	shalt  }
0x45: {  	_ =	shalt  }
0x46: {  	_ =	shalt  }
0x47: {  	_ =	shalt  }
0x48: {  	_ =	shalt  }
0x49: {  	_ =	shalt  }
0x4a: {  	_ =	shalt  }
0x4b: {  	_ =	shalt  }
0x4c: {  	_ =	shalt  }
0x4d: {  	_ =	shalt  }
0x4e: {  	_ =	shalt  }
0x4f: {  	_ =	shalt  }
0x50: {  	_ =	shalt  }
0x51: {  	_ =	shalt  }
0x52: {  	_ =	shalt  }
0x53: {  	_ =	shalt  }
0x54: {  	_ =	shalt  }
0x55: {  	_ =	shalt  }
0x56: {  	_ =	shalt  }
0x57: {  	_ =	shalt  }
0x58: {  	_ =	shalt  }
0x59: {  	_ =	shalt  }
0x5a: {  	_ =	shalt  }
0x5b: {  	_ =	shalt  }
0x5c: {  	_ =	shalt  }
0x5d: {  	_ =	shalt  }
0x5e: {  	_ =	shalt  }
0x5f: {  	_ =	shalt  }
0x60: {  	_ =	shalt  }
0x61: {  	_ =	shalt  }
0x62: {  	_ =	shalt  }
0x63: {  	_ =	shalt  }
0x64: {  	_ =	shalt  }
0x65: {  	_ =	shalt  }
0x66: {  	_ =	shalt  }
0x67: {  	_ =	shalt  }
0x68: {  	_ =	shalt  }
0x69: {  	_ =	shalt  }
0x6a: {  	_ =	shalt  }
0x6b: {  	_ =	shalt  }
0x6c: {  	_ =	shalt  }
0x6d: {  	_ =	shalt  }
0x6e: {  	_ =	shalt  }
0x6f: {  	_ =	shalt  }
0x70: {  	_ =	shalt  }
0x71: {  	_ =	shalt  }
0x72: {  	_ =	shalt  }
0x73: {  	_ =	shalt  }
0x74: {  	_ =	shalt  }
0x75: {  	_ =	shalt  }
0x76: {  	_ =	shalt  }
0x77: {  	_ =	shalt  }
0x78: {  	_ =	shalt  }
0x79: {  	_ =	shalt  }
0x7a: {  	_ =	shalt  }
0x7b: {  	_ =	shalt  }
0x7c: {  	_ =	shalt  }
0x7d: {  	_ =	shalt  }
0x7e: {  	_ =	shalt  }
0x7f: {  	_ =	shalt  }
0x80: {  	_ =	shalt  }
0x81: {  	_ =	shalt  }
0x82: {  	_ =	shalt  }
0x83: {  	_ =	shalt  }
0x84: {  	_ =	shalt  }
0x85: {  	_ =	shalt  }
0x86: {  	_ =	shalt  }
0x87: {  	_ =	shalt  }
.Lfunc_end0:
.L_simem_size_0:
called_computation.3_lowered:
.L_overlay_start_0:
0x88: {  	s2 =	sld [smem:$0x3FD9]  }
0x89: {  	s3 =	sld [smem:$0x3FFE];
	_ =	sdelay $0x1  }
0x8a: {  	s1 =	srdreg.scid  }
0x8b: {  	s0 =	sand.u32 $0x1, s1  }
0x8c: {  	s17 =	sshll.u32 s0, $0xA;
	s2 =	sadd.s32 s3, s2  }
0x8d: {  	s2 =	sadd.s32 s2, s17  }
0x8e: {  	[smem:$0x3FBE] =	sst s2  }
0x8f: {  	_ = 	snop  }
0x90: {  	s2 =	sld [smem:$0x3FD0];
	(tm) =	ssettm $0x1  }
0x91: {  	s18 =	sld [smem:$0x3FFB];
	_ =	sdelay $0x3  }
0x92: {  	_ =	strace s18  }
0x93: {  	s3 =	sld [smem:$0x3FFC];
	_ =	sdelay $0x3  }
0x94: {  	_ =	strace s3  }
0x95: {  	s3 =	sld [smem:$0x3FFD];
	_ =	sdelay $0x3  }
0x96: {  	_ =	strace s3  }
0x97: {  	_ =	strace $0x8FFFFFFF  }
0x98: {  	s19 =	sld [smem:$0x3FDB];
	_ =	sdelay $0x1  }
0x99: {  	s4 =	simm.s32 $_scs_section_size  }
0x9a: {  	s5 =	simm.s32 $_size__tile_overlayer_lowered;
	s6 =	simm.s32 $_tile_overlayer_lowered  }
0x9b: {  	s22 =	simm.s32 $0x1BFF;
	s21 =	sshll.u32 s6, $0x1;
	s3 =	sadd.s32 s4, s19  }
0x9c: {  	s7 =	simm.s32 $0x0;
	s20 =	sshll.u32 s5, $0x1;
	s5 =	sadd.s32 s21, s3  }
0x9d: {  	[timem:s7], [sflag:s22] =	dma.local [hbm:s5], s20  }
0x9e: {  	_ =	swait.ge [sflag:s22], s20  }
0x9f: {  	s4 =	ssub.s32 $0x0, s20;
	[sflag:s22] =	ssyncset.done $0x0  }
0xa0: {  	[sflag:s22] =	ssyncadd.s32 s4;
	_ =	sdelay $0x1  }
0xa1: {  	s23 =	simm.s32 $0x1B8B  }
0xa2: {  	_ =	swait.ge [sflag:s23], $0x1  }
0xa3: {  	[sflag:s23] =	ssyncset.done $0x0  }
0xa4: {  	s25 =	simm.s32 $0x1B8E;
	s24 =	sld [smem:$0x3FFE];
	[sflag:s23] =	ssyncadd.s32 $0xFFFFFFFF  }
0xa5: {  	s26 =	simm.s32 $execute0_lowered;
	[smem:$0x3FD2] =	sst s25  }
0xa6: {  	s5 =	sshll.u32 s26, $0x1;
	_ =	strace $0x8000004F;
	[dreg:$0x1] =	wrdreg $0xFFFFFFFF  }
0xa7: {  	s28 =	simm.s32 $_size_execute0_lowered;
	s3 =	sadd.s32 s3, s5;
	[dreg:$0x0] =	wrdreg $0x0  }
0xa8: {  	s5 =	sshll.u32 s28, $0x1;
	[dreg:$0x2] =	wrdreg s3  }
0xa9: {  	[dreg:$0x3] =	wrdreg s5  }
0xaa: {  	[dreg:$0x4] =	wrdreg $0xC0  }
0xab: {  	_ =	task [dreg:s7], $0x5FFFF  }
0xac: {  	[dreg:$0x1] =	wrdreg $0xFFFFFFFF  }
0xad: {  	[dreg:$0x0] =	wrdreg $0x60  }
0xae: {  	[dreg:$0x2] =	wrdreg s24  }
0xaf: {  	[dreg:$0x3] =	wrdreg s2  }
0xb0: {  	[dreg:$0x4] =	wrdreg $0x0  }
0xb1: {  	[dreg:$0x5] =	wrdreg $0x9  }
0xb2: {  	_ =	task.clear_ibuf [dreg:s7], $0x6FFFF;
	_ =	strace $0x9000004F  }
0xb3: {  	s29 =	simm.s32 $0x9;
	_ =	strace $0x80000051  }
0xb4: {  	_ =	swait.ge [sflag:s29], $0x1  }
0xb5: {  	[sflag:s29] =	ssyncadd.s32 $0xFFFFFFFF  }
0xb6: {  	_ =	strace $0x90000051  }
0xb7: {  	_ =	sfence  }
0xb8: {  	s30 =	sld [smem:$0x0];
	_ =	sdelay $0x2  }
0xb9: {  	s31 =	sshll.u32 s1, $0xD;
	s1 =	sshrl.u32 s1, $0x2  }
0xba: {  	s3 =	sand.u32 $0x4000, s31;
	s1 =	sadd.s32 s1, s30  }
0xbb: {  	s0 =	sor.u32 s3, s0;
	s1 =	sshll.u32 s1, $0x11  }
0xbc: {  	s0 =	sor.u32 s1, s0  }
0xbd: {  	s0 =	sadd.s32 $0x8F2B, s0  }
0xbe: {  	[sflag:s0] =	ssyncadd.remote.s32 $0x1  }
0xbf: {  	_ =	sfence.sel $0xFFFF  }
0xc0: {  	[dreg:$0x0] =	wrdreg $0xFFFFFFFF;
	(pc) =	sbr.abs _section_cstart, $3  }
0xc1: {  	[dreg:$0x1] =	wrdreg $0xFFFFFFFF  }
0xc2: {  	_ =	task.clear_ibuf [dreg:s7], $0x2FFFF;
	_ =	strace $0x9FFFFFFF  }
0xc3: {  	(tm) =	ssettm $0x7FFFFFFF  }
tec
execute0_lowered:
.L_overlay_start_1:
0x0: {  	(tag) =	ssettag $0x1  }
0x1: {  	s10 =	rddreg [dreg:$0x0]  }
0x2: {  	s20 =	rddreg [dreg:$0x1]  }
0x3: {  	s2 =	rddreg [dreg:$0x2]  }
0x4: {  	s0 =	rddreg [dreg:$0x3];
	s3 =	simm.s32 $0x0;
	s1 =	stileid.u32  }
0x5: {  	s6 =	simm.s32 $0x1C00;
	s5 =	simm.s32 $0x1;
	[smem:$0x7FF] =	sst s3  }
0x6: {  	s4 =	sadd.s32 $0x38000, s10;
	s7 =	smul.u32 $0x5000, s1;
	_ =	strace $0x80000050  }
0x7: {  	[tilespmem:s6], [sflag:$0x1] =	stream.linear.gather [hbm4b:s4+s3], $0x4000, $0x38;
	[tilespmem:$0x5C00] =	vst v63  }
0x8: {  	s8 =	srdreg.scid;
	_ =	swait.ge [sflag:s5], $0x4000  }
0x9: {  	s21 =	sand.u32 $0x1, s8;
	s7 =	sshrl.u32 s7, $0x2;
	[sflag:s5] =	ssyncset.done $0x0  }
0xa: {  	s9 =	smul.u32 $0x14000, s1;
	s7 =	sadd.s32 s7, s2;
	[sflag:s5] =	ssyncadd.s32 $0xFFFFC000  }
0xb: {  	[spmem:s7] =	stream.linear.scatter [tilespmem:s6], [sflag:$0x1], $0x1400, $0x38;
	[tilespmem:$0x5C00] =	vst v63  }
0xc: {  	s8 =	smul.u32 $0x140000, s21;
	_ =	swait.ge [sflag:s5], $0x1400  }
0xd: {  	s11 =	sshll.u32 s1, $0x8;
	[sflag:s5] =	ssyncset.done $0x0  }
0xe: {  	s29 =	sadd.s32 s11, s10;
	s12 =	sadd.s32 s8, s9;
	[sflag:s5] =	ssyncadd.s32 $0xFFFFEC00  }
0xf: {  	s8 =	sadd.s32 $0x9C800, s29;
	s9 =	simm.s32 $0x1400;
	[bflag:$0x0] =	sbarrier.arrive $0xFFFF  }
0x10: {  	[tilespmem:s9], [sflag:$0x1] =	stream.linear.gather [hbm4b:s8+s3], $0x800, $0x38;
	[tilespmem:$0x5C00] =	vst v63  }
0x11: {  	s30 =	sshrl.u32 s12, $0x3;
	_ =	swait.ge [sflag:s5], $0x800  }
0x12: {  	s18 =	sadd.s32 s30, s10;
	[sflag:s5] =	ssyncset.done $0x0  }
0x13: {  	s10 =	sadd.s32 $0x38800, s18;
	[sflag:s5] =	ssyncadd.s32 $0xFFFFF800  }
0x14: {  	[tilespmem:s6], [sflag:$0x1] =	stream.linear.gather [hbm4b:s10+s3], $0x4000, $0x38;
	[tilespmem:$0x5C00] =	vst v63  }
0x15: {  	_ =	swait.ge [sflag:s5], $0x4000  }
0x16: {  	[sflag:s5] =	ssyncset.done $0x0  }
0x17: {  	s11 =	simm.s32 $0x80;
	[sflag:s5] =	ssyncadd.s32 $0xFFFFC000  }
0x18: {  	[spmem:s2] =	stream.indirect.scatter.add.f32 [tilespmem:s6], [sflag:$0x1], $0x80, s9, s11, $0xb8;
	[tilespmem:$0x5C00] =	vst v63  }
0x19: {  	_ =	swait.ge [sflag:s5], $0x4000  }
0x1a: {  	[sflag:s5] =	ssyncset.done $0x0  }
0x1b: {  	s12 =	sadd.s32 $0x39000, s18;
	[sflag:s5] =	ssyncadd.s32 $0xFFFFC000  }
0x1c: {  	[tilespmem:s6], [sflag:$0x1] =	stream.linear.gather [hbm4b:s12+s3], $0x4000, $0x38;
	[tilespmem:$0x5C00] =	vst v63  }
0x1d: {  	_ =	swait.ge [sflag:s5], $0x4000  }
0x1e: {  	[sflag:s5] =	ssyncset.done $0x0  }
0x1f: {  	s13 =	simm.s32 $0x1480;
	[sflag:s5] =	ssyncadd.s32 $0xFFFFC000  }
0x20: {  	[spmem:s2] =	stream.indirect.scatter.add.f32 [tilespmem:s6], [sflag:$0x1], $0x80, s13, s11, $0xb8;
	[tilespmem:$0x5C00] =	vst v63  }
0x21: {  	_ =	swait.ge [sflag:s5], $0x4000  }
0x22: {  	[sflag:s5] =	ssyncset.done $0x0  }
0x23: {  	s14 =	sadd.s32 $0x39800, s18;
	[sflag:s5] =	ssyncadd.s32 $0xFFFFC000  }
0x24: {  	[tilespmem:s6], [sflag:$0x1] =	stream.linear.gather [hbm4b:s14+s3], $0x4000, $0x38;
	[tilespmem:$0x5C00] =	vst v63  }
0x25: {  	_ =	swait.ge [sflag:s5], $0x4000  }
0x26: {  	[sflag:s5] =	ssyncset.done $0x0  }
0x27: {  	s15 =	simm.s32 $0x1500;
	[sflag:s5] =	ssyncadd.s32 $0xFFFFC000  }
0x28: {  	[spmem:s2] =	stream.indirect.scatter.add.f32 [tilespmem:s6], [sflag:$0x1], $0x80, s15, s11, $0xb8;
	[tilespmem:$0x5C00] =	vst v63  }
0x29: {  	_ =	swait.ge [sflag:s5], $0x4000  }
0x2a: {  	[sflag:s5] =	ssyncset.done $0x0  }
0x2b: {  	s16 =	sadd.s32 $0x3A000, s18;
	[sflag:s5] =	ssyncadd.s32 $0xFFFFC000  }
0x2c: {  	[tilespmem:s6], [sflag:$0x1] =	stream.linear.gather [hbm4b:s16+s3], $0x4000, $0x38;
	[tilespmem:$0x5C00] =	vst v63  }
0x2d: {  	_ =	swait.ge [sflag:s5], $0x4000  }
0x2e: {  	[sflag:s5] =	ssyncset.done $0x0  }
0x2f: {  	s17 =	simm.s32 $0x1580;
	[sflag:s5] =	ssyncadd.s32 $0xFFFFC000  }
0x30: {  	[spmem:s2] =	stream.indirect.scatter.add.f32 [tilespmem:s6], [sflag:$0x1], $0x80, s17, s11, $0xb8;
	[tilespmem:$0x5C00] =	vst v63  }
0x31: {  	_ =	swait.ge [sflag:s5], $0x4000  }
0x32: {  	[sflag:s5] =	ssyncset.done $0x0  }
0x33: {  	s18 =	sadd.s32 $0x3A800, s18;
	[sflag:s5] =	ssyncadd.s32 $0xFFFFC000  }
0x34: {  	[tilespmem:s6], [sflag:$0x1] =	stream.linear.gather [hbm4b:s18+s3], $0x4000, $0x38;
	[tilespmem:$0x5C00] =	vst v63  }
0x35: {  	_ =	swait.ge [sflag:s5], $0x4000  }
0x36: {  	[sflag:s5] =	ssyncset.done $0x0  }
0x37: {  	s19 =	simm.s32 $0x1600;
	[sflag:s5] =	ssyncadd.s32 $0xFFFFC000  }
0x38: {  	[spmem:s2] =	stream.indirect.scatter.add.f32 [tilespmem:s6], [sflag:$0x1], $0x80, s19, s11, $0xb8;
	[tilespmem:$0x5C00] =	vst v63  }
0x39: {  	s22 =	smul.u32 $0x14000, s21;
	s21 =	ssub.s32 $0x2, s21;
	_ =	swait.ge [sflag:s5], $0x4000  }
0x3a: {  	s31 =	sshrl.u32 s21, $0x1;
	[sflag:s5] =	ssyncset.done $0x0  }
0x3b: {  	s21 =	ssub.s32 s21, s31;
	[sflag:s5] =	ssyncadd.s32 $0xFFFFC000  }
0x3c: {  	s23 =	smul.u32 $0x1400, s1;
	s21 =	smax.u32 s21, $0x1;
	[bflag:$0x0] =	sbarrier.arrive $0xFFFF  }
0x3d: {  	[tilespmem:s6], [sflag:$0x1] =	stream.linear.gather [spmem:s7], $0x1400, $0x38;
	[tilespmem:$0x5C00] =	vst v63  }
0x3e: {  	s22 =	sadd.s32 s23, s22;
	p0 =	sne.s32 s21, $0x1;
	_ =	swait.ge [sflag:s5], $0x1400  }
.Ltmp0:
0x3f: {  	s22 =	sshrl.u32 s22, $0x3;
	[sflag:s5] =	ssyncset.done $0x0;
	(pc) =	sbr.rel @!p0 .LBB2_2-.Ltmp0, $4  }
0x40: {  	s20 =	sadd.s32 s20, s22;
	[sflag:s5] =	ssyncadd.s32 $0xFFFFEC00  }
0x41: {  	[hbm4b:s20+s3] =	stream.linear.scatter [tilespmem:s6], [sflag:$0x1], $0x1400, $0x38;
	[tilespmem:$0x5C00] =	vst v63  }
0x42: {  	_ =	swait.ge [sflag:s5], $0x1400  }
0x43: {  	s21 =	sadd.s32 $0xFFFFFFFF, s21;
	[sflag:s5] =	ssyncset.done $0x0  }
.LBB2_1:
0x44: {  	p0 =	sne.s32 s21, $0x1;
	s21 =	sadd.s32 $0xFFFFFFFF, s21;
	[sflag:s5] =	ssyncadd.s32 $0xFFFFEC00  }
0x45: {  	[tilespmem:s6], [sflag:$0x1] =	stream.linear.gather [hbm4b:s4+s3], $0x4000, $0x38;
	[tilespmem:$0x5C00] =	vst v63  }
0x46: {  	_ =	swait.ge [sflag:s5], $0x4000  }
0x47: {  	[sflag:s5] =	ssyncset.done $0x0  }
0x48: {  	[sflag:s5] =	ssyncadd.s32 $0xFFFFC000  }
0x49: {  	[spmem:s7] =	stream.linear.scatter [tilespmem:s6], [sflag:$0x1], $0x1400, $0x38;
	[tilespmem:$0x5C00] =	vst v63  }
0x4a: {  	_ =	swait.ge [sflag:s5], $0x1400  }
0x4b: {  	[sflag:s5] =	ssyncset.done $0x0  }
0x4c: {  	[sflag:s5] =	ssyncadd.s32 $0xFFFFEC00  }
0x4d: {  	[bflag:$0x0] =	sbarrier.arrive $0xFFFF  }
0x4e: {  	[tilespmem:s9], [sflag:$0x1] =	stream.linear.gather [hbm4b:s8+s3], $0x800, $0x38;
	[tilespmem:$0x5C00] =	vst v63  }
0x4f: {  	_ =	swait.ge [sflag:s5], $0x800  }
0x50: {  	[sflag:s5] =	ssyncset.done $0x0  }
0x51: {  	[sflag:s5] =	ssyncadd.s32 $0xFFFFF800  }
0x52: {  	[tilespmem:s6], [sflag:$0x1] =	stream.linear.gather [hbm4b:s10+s3], $0x4000, $0x38;
	[tilespmem:$0x5C00] =	vst v63  }
0x53: {  	_ =	swait.ge [sflag:s5], $0x4000  }
0x54: {  	[sflag:s5] =	ssyncset.done $0x0  }
0x55: {  	[sflag:s5] =	ssyncadd.s32 $0xFFFFC000  }
0x56: {  	[spmem:s2] =	stream.indirect.scatter.add.f32 [tilespmem:s6], [sflag:$0x1], $0x80, s9, s11, $0xb8;
	[tilespmem:$0x5C00] =	vst v63  }
0x57: {  	_ =	swait.ge [sflag:s5], $0x4000  }
0x58: {  	[sflag:s5] =	ssyncset.done $0x0  }
0x59: {  	[sflag:s5] =	ssyncadd.s32 $0xFFFFC000  }
0x5a: {  	[tilespmem:s6], [sflag:$0x1] =	stream.linear.gather [hbm4b:s12+s3], $0x4000, $0x38;
	[tilespmem:$0x5C00] =	vst v63  }
0x5b: {  	_ =	swait.ge [sflag:s5], $0x4000  }
0x5c: {  	[sflag:s5] =	ssyncset.done $0x0  }
0x5d: {  	[sflag:s5] =	ssyncadd.s32 $0xFFFFC000  }
0x5e: {  	[spmem:s2] =	stream.indirect.scatter.add.f32 [tilespmem:s6], [sflag:$0x1], $0x80, s13, s11, $0xb8;
	[tilespmem:$0x5C00] =	vst v63  }
0x5f: {  	_ =	swait.ge [sflag:s5], $0x4000  }
0x60: {  	[sflag:s5] =	ssyncset.done $0x0  }
0x61: {  	[sflag:s5] =	ssyncadd.s32 $0xFFFFC000  }
0x62: {  	[tilespmem:s6], [sflag:$0x1] =	stream.linear.gather [hbm4b:s14+s3], $0x4000, $0x38;
	[tilespmem:$0x5C00] =	vst v63  }
0x63: {  	_ =	swait.ge [sflag:s5], $0x4000  }
0x64: {  	[sflag:s5] =	ssyncset.done $0x0  }
0x65: {  	[sflag:s5] =	ssyncadd.s32 $0xFFFFC000  }
0x66: {  	[spmem:s2] =	stream.indirect.scatter.add.f32 [tilespmem:s6], [sflag:$0x1], $0x80, s15, s11, $0xb8;
	[tilespmem:$0x5C00] =	vst v63  }
0x67: {  	_ =	swait.ge [sflag:s5], $0x4000  }
0x68: {  	[sflag:s5] =	ssyncset.done $0x0  }
0x69: {  	[sflag:s5] =	ssyncadd.s32 $0xFFFFC000  }
0x6a: {  	[tilespmem:s6], [sflag:$0x1] =	stream.linear.gather [hbm4b:s16+s3], $0x4000, $0x38;
	[tilespmem:$0x5C00] =	vst v63  }
0x6b: {  	_ =	swait.ge [sflag:s5], $0x4000  }
0x6c: {  	[sflag:s5] =	ssyncset.done $0x0  }
0x6d: {  	[sflag:s5] =	ssyncadd.s32 $0xFFFFC000  }
0x6e: {  	[spmem:s2] =	stream.indirect.scatter.add.f32 [tilespmem:s6], [sflag:$0x1], $0x80, s17, s11, $0xb8;
	[tilespmem:$0x5C00] =	vst v63  }
0x6f: {  	_ =	swait.ge [sflag:s5], $0x4000  }
0x70: {  	[sflag:s5] =	ssyncset.done $0x0  }
0x71: {  	[sflag:s5] =	ssyncadd.s32 $0xFFFFC000  }
0x72: {  	[tilespmem:s6], [sflag:$0x1] =	stream.linear.gather [hbm4b:s18+s3], $0x4000, $0x38;
	[tilespmem:$0x5C00] =	vst v63  }
0x73: {  	_ =	swait.ge [sflag:s5], $0x4000  }
0x74: {  	[sflag:s5] =	ssyncset.done $0x0  }
0x75: {  	[sflag:s5] =	ssyncadd.s32 $0xFFFFC000  }
0x76: {  	[spmem:s2] =	stream.indirect.scatter.add.f32 [tilespmem:s6], [sflag:$0x1], $0x80, s19, s11, $0xb8;
	[tilespmem:$0x5C00] =	vst v63  }
0x77: {  	_ =	swait.ge [sflag:s5], $0x4000  }
0x78: {  	[sflag:s5] =	ssyncset.done $0x0  }
0x79: {  	[sflag:s5] =	ssyncadd.s32 $0xFFFFC000  }
0x7a: {  	[bflag:$0x0] =	sbarrier.arrive $0xFFFF  }
0x7b: {  	[tilespmem:s6], [sflag:$0x1] =	stream.linear.gather [spmem:s7], $0x1400, $0x38;
	[tilespmem:$0x5C00] =	vst v63  }
0x7c: {  	_ =	swait.ge [sflag:s5], $0x1400  }
.Ltmp1:
0x7d: {  	[sflag:s5] =	ssyncset.done $0x0;
	(pc) =	sbr.rel @p0 .LBB2_1-.Ltmp1, $4  }
0x7e: {  	[sflag:s5] =	ssyncadd.s32 $0xFFFFEC00  }
0x7f: {  	[hbm4b:s20+s3] =	stream.linear.scatter [tilespmem:s6], [sflag:$0x1], $0x1400, $0x38;
	[tilespmem:$0x5C00] =	vst v63  }
0x80: {  	_ =	swait.ge [sflag:s5], $0x1400  }
0x81: {  	[sflag:s5] =	ssyncset.done $0x0  }
.LBB2_2:
0x82: {  	[sflag:s5] =	ssyncadd.s32 $0xFFFFEC00  }
0x83: {  	_ =	sfence.sel $0x180000  }
0x84: {  	[bflag:$0x0] =	sbarrier.arrive $0xFFFF  }
0x85: {  	p0 =	sne.s32 s1, $0x0;
	_ =	strace $0x90000050  }
0x86: {  	s0 =	sadd.s32 @!p0 $0x100000, s0;
	[bflag:$0x2] =	sbarrier.arrive $0xFFFF  }
0x87: {  	[sflag:s0] =	ssyncadd.tile.s32 @!p0 $0x1;
	_ =	shalt  }
.Lfunc_end2:
_tile_overlayer_lowered:
.L_overlay_start_2:
0x88: {  	(tag) =	ssettag $0x2  }
0x89: {  	s0 =	rddreg [dreg:$0x0];
	s2 =	stileid.u32  }
0x8a: {  	s1 =	rddreg [dreg:$0x1];
	p0 =	sne.s32 s2, $0x0  }
0x8b: {  	s3 =	rddreg [dreg:$0x2];
	[bflag:$0x3] =	sbarrier.arrive $0xFFFF;
	s2 =	simm.s32 @!p0 $0x1C01  }
0x8c: {  	[timem:s3], [sflag:s2] =	dma.local @!p0 [hbm:s0], s1  }
0x8d: {  	s0 =	simm.s32 @!p0 $0x1  }
0x8e: {  	_ =	swait.ge @!p0 [sflag:s0], s1  }
0x8f: {  	s1 =	ssub.s32 @!p0 $0x0, s1;
	[sflag:s0] =	ssyncset.done @!p0 $0x0  }
0x90: {  	[sflag:s0] =	ssyncadd.s32 @!p0 s1  }
0x91: {  	[bflag:$0x3] =	sbarrier.arrive $0xFFFF  }
0x92: {  	_ =	shalt  }

// kernel: kernel.9.cloned.1.call-start
scs
__scs_entry_jumppad:
0x0: {  	(pc) =	sbr.rel $0x88, $3  }
0x1: {  	(tag) =	ssettag $0x0;
	lr =	simm.s32 $0x1  }
0x2: {  	[smem:$0x3F97] =	sst lr;
	_ =	strace $0xD0000000  }
0x3: {  	_ = 	snop  }
0x4: {  	_ = 	snop  }
0x5: {  	_ = 	snop  }
0x6: {  	_ = 	snop  }
0x7: {  	_ = 	snop  }
__scs_overlays_trampoline_lowered:
0x8: {  	[smem:$0x3FA6] =	sst s0  }
0x9: {  	[smem:$0x3FA7] =	sst s1  }
0xa: {  	[smem:$0x3FA8] =	sst s2  }
0xb: {  	[smem:$0x3FA9] =	sst s3  }
0xc: {  	[smem:$0x3FAA] =	sst s4  }
0xd: {  	[smem:$0x3FAB] =	sst s5  }
0xe: {  	[smem:$0x3FAC] =	sst s6  }
0xf: {  	[smem:$0x3FAD] =	sst s7  }
0x10: {  	[smem:$0x3FAE] =	sst s8  }
0x11: {  	[smem:$0x3FAF] =	sst s9;
	s0 =	simm.s32 @!p0 $0x0  }
0x12: {  	s1 =	sld [smem:$0x3F95];
	s0 =	simm.s32 @p0 $0x1  }
0x13: {  	[smem:$0x3FB0] =	sst s0;
	s0 =	simm.s32 @!p1 $0x0  }
0x14: {  	s2 =	sld [smem:$0x3F94];
	s0 =	simm.s32 @p1 $0x1  }
0x15: {  	[smem:$0x3FB1] =	sst s0;
	s0 =	simm.s32 @!p2 $0x0  }
0x16: {  	s3 =	sld [smem:$0x3FDB];
	s0 =	simm.s32 @p2 $0x1  }
0x17: {  	s4 =	simm.s32 $0x1BF5;
	[smem:$0x3FB3] =	sst s0  }
0x18: {  	s0 =	sld [smem:$0x3F96];
	_ =	swait.ge [sflag:s4], $0x0  }
0x19: {  	s7 =	sld [smem:$0x3F97]  }
0x1a: {  	s8 =	sadd.s32 $0xFFFFE003, lr  }
0x1b: {  	s9 =	sadd.s32 $0xFFFFFEF7, lr;
	s5 =	simm.s32 $0xFFFFFFFF;
	p2 =	slt.u32 s8, $0xFFFFF086  }
0x1c: {  	p1 =	slt.u32 s9, $0xF7A;
	s5 =	simm.s32 @!p2 $0x0  }
0x1d: {  	s5 =	simm.s32 @p1 $0x1;
	p0 =	seq.s32 s7, s2  }
0x1e: {  	s7 =	smul.u32 @!p0 $0xF7A, s2;
	p2 =	seq.s32 @!p0 s5, $0x0  }
0x1f: {  	s9 =	smul.u32 $0xF7A, s1;
	s8 =	simm.s32 @!p0 $0x1BF5;
	p2 =	por !p2, p0  }
0x20: {  	[sflag:s8] =	ssyncset.s32 @!p0 $0xFFFFF086;
	s6 =	sadd.s32 @!p0 s3, s7;
	s7 =	simm.s32 @!p0 $0x108  }
0x21: {  	s3 =	sadd.s32 s3, s9;
	s6 =	sadd.s32 @!p0 $0x88, s6;
	s7 =	simm.s32 @p2 $0x1082  }
0x22: {  	[simem:s7], [sflag:s8] =	dma.local @!p0 [hbm:s6], $0xF7A  }
0x23: {  	s9 =	sor.u32 $0xD0000000, s2;
	s6 =	simm.s32 $0x108;
	_ =	swait.ge @!p0 [sflag:s8], $0x0  }
0x24: {  	s3 =	sadd.s32 $0x88, s3;
	s6 =	simm.s32 @!p1 $0x1082;
	[sflag:s4] =	ssyncset.s32 $0xFFFFF086  }
0x25: {  	[simem:s6], [sflag:s4] =	dma.local [hbm:s3], $0xF7A  }
0x26: {  	[smem:$0x3F97] =	sst s1;
	(tag) =	ssettag s2;
	_ =	strace s9  }
0x27: {  	s1 =	sld [smem:$0x3FA7]  }
0x28: {  	s2 =	sld [smem:$0x3FA8]  }
0x29: {  	s4 =	sld [smem:$0x3FAA]  }
0x2a: {  	p0 =	seq.s32 s5, $0x0;
	s5 =	sld [smem:$0x3FAB]  }
0x2b: {  	s6 =	sld [smem:$0x3FAC]  }
0x2c: {  	s7 =	sld [smem:$0x3FAD]  }
0x2d: {  	s3 =	simm.s32 $0x108;
	s8 =	sld [smem:$0x3FAE]  }
0x2e: {  	s3 =	simm.s32 @!p0 $0x1082;
	s9 =	sld [smem:$0x3FAF]  }
0x2f: {  	lr =	sadd.s32 s0, s3;
	s0 =	sld [smem:$0x3FA6]  }
0x30: {  	s3 =	sld [smem:$0x3FA9]  }
0x31: {  	[smem:$0x3FB2] =	sst s10  }
0x32: {  	s10 =	sld [smem:$0x3FB0];
	_ =	sdelay $0x3  }
0x33: {  	p0 =	seq.s32 s10, $0x1;
	s10 =	sld [smem:$0x3FB2];
	_ =	sdelay $0x3  }
0x34: {  	[smem:$0x3FB2] =	sst s10  }
0x35: {  	s10 =	sld [smem:$0x3FB1];
	_ =	sdelay $0x3  }
0x36: {  	p1 =	seq.s32 s10, $0x1;
	s10 =	sld [smem:$0x3FB2];
	_ =	sdelay $0x3  }
0x37: {  	[smem:$0x3FB2] =	sst s10  }
0x38: {  	s10 =	sld [smem:$0x3FB3]  }
0x39: {  	_ = 	snop;
	(pc) =	sbr.ind lr, $3  }
0x3a: {  	_ = 	snop  }
0x3b: {  	_ = 	snop  }
0x3c: {  	p2 =	seq.s32 s10, $0x1;
	s10 =	sld [smem:$0x3FB2]  }
0x3d: {  	_ =	shalt  }
0x3e: {  	_ =	shalt  }
0x3f: {  	_ =	shalt  }
0x40: {  	_ =	shalt  }
0x41: {  	_ =	shalt  }
0x42: {  	_ =	shalt  }
0x43: {  	_ =	shalt  }
0x44: {  	_ =	shalt  }
0x45: {  	_ =	shalt  }
0x46: {  	_ =	shalt  }
0x47: {  	_ =	shalt  }
0x48: {  	_ =	shalt  }
0x49: {  	_ =	shalt  }
0x4a: {  	_ =	shalt  }
0x4b: {  	_ =	shalt  }
0x4c: {  	_ =	shalt  }
0x4d: {  	_ =	shalt  }
0x4e: {  	_ =	shalt  }
0x4f: {  	_ =	shalt  }
0x50: {  	_ =	shalt  }
0x51: {  	_ =	shalt  }
0x52: {  	_ =	shalt  }
0x53: {  	_ =	shalt  }
0x54: {  	_ =	shalt  }
0x55: {  	_ =	shalt  }
0x56: {  	_ =	shalt  }
0x57: {  	_ =	shalt  }
0x58: {  	_ =	shalt  }
0x59: {  	_ =	shalt  }
0x5a: {  	_ =	shalt  }
0x5b: {  	_ =	shalt  }
0x5c: {  	_ =	shalt  }
0x5d: {  	_ =	shalt  }
0x5e: {  	_ =	shalt  }
0x5f: {  	_ =	shalt  }
0x60: {  	_ =	shalt  }
0x61: {  	_ =	shalt  }
0x62: {  	_ =	shalt  }
0x63: {  	_ =	shalt  }
0x64: {  	_ =	shalt  }
0x65: {  	_ =	shalt  }
0x66: {  	_ =	shalt  }
0x67: {  	_ =	shalt  }
0x68: {  	_ =	shalt  }
0x69: {  	_ =	shalt  }
0x6a: {  	_ =	shalt  }
0x6b: {  	_ =	shalt  }
0x6c: {  	_ =	shalt  }
0x6d: {  	_ =	shalt  }
0x6e: {  	_ =	shalt  }
0x6f: {  	_ =	shalt  }
0x70: {  	_ =	shalt  }
0x71: {  	_ =	shalt  }
0x72: {  	_ =	shalt  }
0x73: {  	_ =	shalt  }
0x74: {  	_ =	shalt  }
0x75: {  	_ =	shalt  }
0x76: {  	_ =	shalt  }
0x77: {  	_ =	shalt  }
0x78: {  	_ =	shalt  }
0x79: {  	_ =	shalt  }
0x7a: {  	_ =	shalt  }
0x7b: {  	_ =	shalt  }
0x7c: {  	_ =	shalt  }
0x7d: {  	_ =	shalt  }
0x7e: {  	_ =	shalt  }
0x7f: {  	_ =	shalt  }
0x80: {  	_ =	shalt  }
0x81: {  	_ =	shalt  }
0x82: {  	_ =	shalt  }
0x83: {  	_ =	shalt  }
0x84: {  	_ =	shalt  }
0x85: {  	_ =	shalt  }
0x86: {  	_ =	shalt  }
0x87: {  	_ =	shalt  }
.Lfunc_end0:
.L_simem_size_0:
called_computation_lowered:
.L_overlay_start_0:
0x88: {  	s2 =	sld [smem:$0x3FD9]  }
0x89: {  	s3 =	sld [smem:$0x3FFE];
	_ =	sdelay $0x1  }
0x8a: {  	s1 =	srdreg.scid  }
0x8b: {  	s0 =	sand.u32 $0x1, s1  }
0x8c: {  	s17 =	sshll.u32 s0, $0xA;
	s2 =	sadd.s32 s3, s2  }
0x8d: {  	s2 =	sadd.s32 s2, s17  }
0x8e: {  	[smem:$0x3FBE] =	sst s2  }
0x8f: {  	_ = 	snop  }
0x90: {  	s2 =	sld [smem:$0x3FD0];
	(tm) =	ssettm $0x1  }
0x91: {  	s18 =	sld [smem:$0x3FFB];
	_ =	sdelay $0x3  }
0x92: {  	_ =	strace s18  }
0x93: {  	s3 =	sld [smem:$0x3FFC];
	_ =	sdelay $0x3  }
0x94: {  	_ =	strace s3  }
0x95: {  	s3 =	sld [smem:$0x3FFD];
	_ =	sdelay $0x3  }
0x96: {  	_ =	strace s3  }
0x97: {  	_ =	strace $0x8FFFFFFF  }
0x98: {  	s19 =	sld [smem:$0x3FDB];
	_ =	sdelay $0x1  }
0x99: {  	s4 =	simm.s32 $_scs_section_size  }
0x9a: {  	s5 =	simm.s32 $_size__tile_overlayer_lowered;
	s6 =	simm.s32 $_tile_overlayer_lowered  }
0x9b: {  	s22 =	simm.s32 $0x1BFF;
	s21 =	sshll.u32 s6, $0x1;
	s3 =	sadd.s32 s4, s19  }
0x9c: {  	s7 =	simm.s32 $0x0;
	s20 =	sshll.u32 s5, $0x1;
	s5 =	sadd.s32 s21, s3  }
0x9d: {  	[timem:s7], [sflag:s22] =	dma.local [hbm:s5], s20  }
0x9e: {  	_ =	swait.ge [sflag:s22], s20  }
0x9f: {  	s4 =	ssub.s32 $0x0, s20;
	[sflag:s22] =	ssyncset.done $0x0  }
0xa0: {  	[sflag:s22] =	ssyncadd.s32 s4;
	_ =	sdelay $0x1  }
0xa1: {  	s23 =	simm.s32 $0x1B8B  }
0xa2: {  	_ =	swait.ge [sflag:s23], $0x1  }
0xa3: {  	[sflag:s23] =	ssyncset.done $0x0  }
0xa4: {  	s25 =	simm.s32 $0x1B8E;
	s24 =	sld [smem:$0x3FFE];
	[sflag:s23] =	ssyncadd.s32 $0xFFFFFFFF  }
0xa5: {  	s26 =	simm.s32 $execute0_lowered;
	[smem:$0x3FD2] =	sst s25  }
0xa6: {  	s5 =	sshll.u32 s26, $0x1;
	_ =	strace $0x80000046;
	[dreg:$0x1] =	wrdreg $0xFFFFFFFF  }
0xa7: {  	s28 =	simm.s32 $_size_execute0_lowered;
	s3 =	sadd.s32 s3, s5;
	[dreg:$0x0] =	wrdreg $0x0  }
0xa8: {  	s5 =	sshll.u32 s28, $0x1;
	[dreg:$0x2] =	wrdreg s3  }
0xa9: {  	[dreg:$0x3] =	wrdreg s5  }
0xaa: {  	[dreg:$0x4] =	wrdreg $0xC0  }
0xab: {  	_ =	task [dreg:s7], $0x5FFFF  }
0xac: {  	[dreg:$0x1] =	wrdreg $0xFFFFFFFF  }
0xad: {  	[dreg:$0x0] =	wrdreg $0x60  }
0xae: {  	[dreg:$0x2] =	wrdreg s24  }
0xaf: {  	[dreg:$0x3] =	wrdreg s2  }
0xb0: {  	[dreg:$0x4] =	wrdreg $0x0  }
0xb1: {  	[dreg:$0x5] =	wrdreg $0x9  }
0xb2: {  	_ =	task.clear_ibuf [dreg:s7], $0x6FFFF;
	_ =	strace $0x90000046  }
0xb3: {  	s29 =	simm.s32 $0x9;
	_ =	strace $0x80000048  }
0xb4: {  	_ =	swait.ge [sflag:s29], $0x1  }
0xb5: {  	[sflag:s29] =	ssyncadd.s32 $0xFFFFFFFF  }
0xb6: {  	_ =	strace $0x90000048  }
0xb7: {  	_ =	sfence  }
0xb8: {  	s30 =	sld [smem:$0x0];
	_ =	sdelay $0x2  }
0xb9: {  	s31 =	sshll.u32 s1, $0xD;
	s1 =	sshrl.u32 s1, $0x2  }
0xba: {  	s3 =	sand.u32 $0x4000, s31;
	s1 =	sadd.s32 s1, s30  }
0xbb: {  	s0 =	sor.u32 s3, s0;
	s1 =	sshll.u32 s1, $0x11  }
0xbc: {  	s0 =	sor.u32 s1, s0  }
0xbd: {  	s0 =	sadd.s32 $0x8F2B, s0  }
0xbe: {  	[sflag:s0] =	ssyncadd.remote.s32 $0x1  }
0xbf: {  	_ =	sfence.sel $0xFFFF  }
0xc0: {  	[dreg:$0x0] =	wrdreg $0xFFFFFFFF;
	(pc) =	sbr.abs _section_cstart, $3  }
0xc1: {  	[dreg:$0x1] =	wrdreg $0xFFFFFFFF  }
0xc2: {  	_ =	task.clear_ibuf [dreg:s7], $0x2FFFF;
	_ =	strace $0x9FFFFFFF  }
0xc3: {  	(tm) =	ssettm $0x7FFFFFFF  }
tec
execute0_lowered:
.L_overlay_start_1:
0x0: {  	(tag) =	ssettag $0x1  }
0x1: {  	s0 =	rddreg [dreg:$0x0];
	s1 =	srdreg.scid  }
0x2: {  	s5 =	rddreg [dreg:$0x1];
	s11 =	stileid.u32  }
0x3: {  	s2 =	rddreg [dreg:$0x2];
	s3 =	simm.s32 $0x0;
	s17 =	simm.s32 $0x14900  }
0x4: {  	s18 =	simm.s32 $0x14200;
	s19 =	simm.s32 $0x14980;
	s28 =	simm.s32 $0x14C00  }
0x5: {  	s29 =	simm.s32 $0x14500;
	s30 =	simm.s32 $0x14C80;
	s6 =	smul.u32 $0x2800, s11  }
0x6: {  	s31 =	simm.s32 $0x14580;
	s1 =	sand.u32 $0x1, s1;
	s8 =	smul.u32 $0x50000, s11  }
0x7: {  	[smem:$0x7FF] =	sst s3;
	s9 =	sadd.s32 $0x38000, s0;
	s11 =	smul.u32 $0x14000, s11  }
0x8: {  	s4 =	smul.u32 $0x28000, s1;
	_ =	strace $0x80000047;
	[dreg:$0x14] =	wrdreg s9  }
0x9: {  	s20 =	ssub.s32 $0x2, s1;
	s1 =	smul.u32 $0x140000, s1;
	[dreg:$0xa] =	wrdreg s17  }
0xa: {  	s17 =	simm.s32 $0x15000;
	[dreg:$0xb] =	wrdreg s18;
	s18 =	simm.s32 $0x3  }
0xb: {  	[dreg:$0xc] =	wrdreg s19;
	s19 =	simm.s32 $0x14000;
	s10 =	sshrl.u32 s20, $0x1  }
0xc: {  	s8 =	sshrl.u32 s8, $0x2;
	s22 =	sadd.s32 $0x4000, s11;
	s16 =	sadd.s32 $0x8000, s11  }
0xd: {  	s24 =	sadd.s32 $0xC000, s11;
	s12 =	sadd.s32 $0x10000, s11;
	s4 =	sadd.s32 s6, s4  }
0xe: {  	s9 =	ssub.s32 s20, s10;
	s13 =	sadd.s32 s8, s2;
	s14 =	sadd.s32 s22, s2  }
0xf: {  	s23 =	sadd.s32 s16, s2;
	s25 =	sadd.s32 s24, s2;
	s11 =	sadd.s32 s1, s11  }
0x10: {  	s8 =	sadd.s32 s1, s22;
	s15 =	sadd.s32 s1, s16;
	s16 =	simm.s32 $0x14180  }
0x11: {  	s20 =	simm.s32 $0x14280;
	s22 =	simm.s32 $0x14300;
	[dreg:$0x18] =	wrdreg s23  }
0x12: {  	s6 =	sshrl.u32 s4, $0x3;
	s4 =	sadd.s32 $0x10000, s0;
	[dreg:$0x19] =	wrdreg s25  }
0x13: {  	s21 =	smax.u32 s9, $0x1;
	s9 =	sadd.s32 s12, s2;
	[dreg:$0x9] =	wrdreg s16  }
0x14: {  	s11 =	sshrl.u32 s11, $0x3;
	s8 =	sshrl.u32 s8, $0x3;
	[dreg:$0xd] =	wrdreg s20  }
0x15: {  	s26 =	sshrl.u32 s15, $0x3;
	s10 =	smov.u32 s14;
	[dreg:$0xf] =	wrdreg s22  }
0x16: {  	s14 =	simm.s32 $0x14100;
	s15 =	simm.s32 $0x14880;
	[dreg:$0x16] =	wrdreg s21  }
0x17: {  	s20 =	simm.s32 $0x14800;
	s23 =	simm.s32 $0x14A80;
	[dreg:$0x7] =	wrdreg s14  }
0x18: {  	s22 =	simm.s32 $0x19000;
	s25 =	simm.s32 $0x14B00;
	[dreg:$0x8] =	wrdreg s15  }
0x19: {  	s16 =	simm.s32 $0x14F00;
	s7 =	sadd.s32 s6, s0;
	[dreg:$0x10] =	wrdreg s23  }
0x1a: {  	s0 =	sadd.s32 $0x38800, s0;
	s5 =	sadd.s32 s6, s5;
	[dreg:$0x12] =	wrdreg s25  }
0x1b: {  	s21 =	simm.s32 $0x14A00;
	s23 =	simm.s32 $0x1;
	[dreg:$0x17] =	wrdreg s10  }
0x1c: {  	s25 =	simm.s32 $0x14B80;
	s14 =	simm.s32 $0x14E80;
	[dreg:$0x1a] =	wrdreg s9  }
0x1d: {  	s15 =	simm.s32 $0x14780;
	s11 =	sadd.s32 s0, s11;
	[dreg:$0x5] =	wrdreg s5  }
0x1e: {  	s8 =	sadd.s32 s0, s8;
	s7 =	sadd.s32 $0x6000, s7;
	[dreg:$0xe] =	wrdreg s21  }
0x1f: {  	s21 =	simm.s32 $0x80;
	s5 =	simm.s32 $0x14D80;
	[dreg:$0x1b] =	wrdreg s11  }
0x20: {  	[dreg:$0x1c] =	wrdreg s8;
	s11 =	smov.u32 s13;
	s8 =	sadd.s32 s0, s26  }
0x21: {  	[dreg:$0x4] =	wrdreg s7;
	s13 =	simm.s32 $0x14080;
	s26 =	simm.s32 $0x14400  }
0x22: {  	s7 =	simm.s32 $0x14680;
	[dreg:$0x1d] =	wrdreg s8;
	s8 =	sadd.s32 s1, s24  }
0x23: {  	[dreg:$0x6] =	wrdreg s13;
	s1 =	sadd.s32 s1, s12;
	s24 =	simm.s32 $0x14380  }
0x24: {  	[dreg:$0x13] =	wrdreg s26;
	s26 =	simm.s32 $0x14480;
	s12 =	simm.s32 $0x14E00  }
0x25: {  	s13 =	simm.s32 $0x14700;
	[dreg:$0x15] =	wrdreg s11;
	s6 =	sshrl.u32 s8, $0x3  }
0x26: {  	s1 =	sshrl.u32 s1, $0x3;
	[dreg:$0x11] =	wrdreg s24;
	s8 =	simm.s32 $0x0  }
0x27: {  	s24 =	simm.s32 $0x2;
	s6 =	sadd.s32 s0, s6;
	[smem:$0x7FD] =	sst s8  }
0x28: {  	s0 =	sadd.s32 s0, s1;
	s1 =	simm.s32 $0x14D00;
	[dreg:$0x1e] =	wrdreg s6  }
0x29: {  	[dreg:$0x1f] =	wrdreg s0;
	s0 =	simm.s32 $0x14600;
	s6 =	simm.s32 $0x14F80  }
.LBB2_1:
0x2a: {  	s8 =	rddreg [dreg:$0x14]  }
0x2b: {  	[tilespmem:s17], [sflag:$0x3] =	stream.linear.gather [hbm4b:s8+s3], $0x4000, $0x38;
	[tilespmem:$0x1D000] =	vst v63  }
0x2c: {  	_ =	swait.ge [sflag:s18], $0x4000  }
0x2d: {  	[sflag:s18] =	ssyncset.done $0x0  }
0x2e: {  	[sflag:s18] =	ssyncadd.s32 $0xFFFFC000  }
0x2f: {  	[spmem:s11] =	stream.linear.scatter [tilespmem:s17], [sflag:$0x3], $0x4000, $0x38;
	[tilespmem:$0x1D000] =	vst v63  }
0x30: {  	_ =	swait.ge [sflag:s18], $0x4000  }
0x31: {  	[sflag:s18] =	ssyncset.done $0x0  }
0x32: {  	[sflag:s18] =	ssyncadd.s32 $0xFFFFC000  }
0x33: {  	[spmem:s10] =	stream.linear.scatter [tilespmem:s17], [sflag:$0x3], $0x4000, $0x38;
	[tilespmem:$0x1D000] =	vst v63  }
0x34: {  	_ =	swait.ge [sflag:s18], $0x4000  }
0x35: {  	[sflag:s18] =	ssyncset.done $0x0  }
0x36: {  	s11 =	rddreg [dreg:$0x18];
	[sflag:s18] =	ssyncadd.s32 $0xFFFFC000  }
0x37: {  	[spmem:s11] =	stream.linear.scatter [tilespmem:s17], [sflag:$0x3], $0x4000, $0x38;
	[tilespmem:$0x1D000] =	vst v63  }
0x38: {  	_ =	swait.ge [sflag:s18], $0x4000  }
0x39: {  	[sflag:s18] =	ssyncset.done $0x0  }
0x3a: {  	s10 =	rddreg [dreg:$0x19];
	[sflag:s18] =	ssyncadd.s32 $0xFFFFC000  }
0x3b: {  	[spmem:s10] =	stream.linear.scatter [tilespmem:s17], [sflag:$0x3], $0x4000, $0x38;
	[tilespmem:$0x1D000] =	vst v63  }
0x3c: {  	_ =	swait.ge [sflag:s18], $0x4000  }
0x3d: {  	[sflag:s18] =	ssyncset.done $0x0  }
0x3e: {  	[sflag:s18] =	ssyncadd.s32 $0xFFFFC000  }
0x3f: {  	[spmem:s9] =	stream.linear.scatter [tilespmem:s17], [sflag:$0x3], $0x4000, $0x38;
	[tilespmem:$0x1D000] =	vst v63  }
0x40: {  	_ =	swait.ge [sflag:s18], $0x4000  }
0x41: {  	[sflag:s18] =	ssyncset.done $0x0  }
0x42: {  	[sflag:s18] =	ssyncadd.s32 $0xFFFFC000  }
0x43: {  	[bflag:$0x0] =	sbarrier.arrive $0xFFFF  }
0x44: {  	s11 =	rddreg [dreg:$0x5]  }
0x45: {  	s9 =	sadd.s32 $0x0, s11  }
0x46: {  	[tilespmem:s19], [sflag:$0x3] =	stream.linear.gather [hbm4b:s9+s3], $0x800, $0x38;
	[tilespmem:$0x1D000] =	vst v63  }
0x47: {  	_ =	swait.ge [sflag:s18], $0x800  }
0x48: {  	s8 =	rddreg [dreg:$0x4];
	[sflag:s18] =	ssyncset.done $0x0  }
0x49: {  	[sflag:s18] =	ssyncadd.s32 $0xFFFFF800;
	s9 =	sadd.s32 $0x0, s8  }
0x4a: {  	[tilespmem:s20], [sflag:$0x3] =	stream.linear.gather [hbm4b:s9+s3], $0x800, $0x38;
	[tilespmem:$0x1D000] =	vst v63  }
0x4b: {  	_ =	swait.ge [sflag:s18], $0x800  }
0x4c: {  	[sflag:s18] =	ssyncset.done $0x0  }
0x4d: {  	[sflag:s18] =	ssyncadd.s32 $0xFFFFF800  }
0x4e: {  	[tilespmem:s17], [sflag:$0x1] =	stream.indirect.gather [hbm4b:s4+s21], $0x80, s19, s21, $0xb8;
	[tilespmem:$0x1D000] =	vst v63  }
0x4f: {  	s10 =	rddreg [dreg:$0x6]  }
0x50: {  	[tilespmem:s22], [sflag:$0x2] =	stream.indirect.gather [hbm4b:s4+s21], $0x80, s10, s21, $0xb8;
	[tilespmem:$0x1D000] =	vst v63  }
0x51: {  	_ =	swait.ge [sflag:s23], $0x4000  }
0x52: {  	[sflag:s23] =	ssyncset.done $0x0  }
0x53: {  	[sflag:s23] =	ssyncadd.s32 $0xFFFFC000  }
0x54: {  	[spmem:s2] =	stream.indirect.scatter.add.f32 [tilespmem:s17], [sflag:$0x3], $0x80, s20, s21, $0xb8;
	[tilespmem:$0x1D000] =	vst v63  }
0x55: {  	_ =	swait.ge [sflag:s18], $0x4000  }
0x56: {  	[sflag:s18] =	ssyncset.done $0x0  }
0x57: {  	s11 =	rddreg [dreg:$0x7];
	[sflag:s18] =	ssyncadd.s32 $0xFFFFC000  }
0x58: {  	[tilespmem:s17], [sflag:$0x1] =	stream.indirect.gather [hbm4b:s4+s21], $0x80, s11, s21, $0xb8;
	[tilespmem:$0x1D000] =	vst v63  }
0x59: {  	_ =	swait.ge [sflag:s24], $0x4000  }
0x5a: {  	[sflag:s24] =	ssyncset.done $0x0  }
0x5b: {  	s8 =	rddreg [dreg:$0x8];
	[sflag:s24] =	ssyncadd.s32 $0xFFFFC000  }
0x5c: {  	[spmem:s2] =	stream.indirect.scatter.add.f32 [tilespmem:s22], [sflag:$0x3], $0x80, s8, s21, $0xb8;
	[tilespmem:$0x1D000] =	vst v63  }
0x5d: {  	_ =	swait.ge [sflag:s18], $0x4000  }
0x5e: {  	[sflag:s18] =	ssyncset.done $0x0  }
0x5f: {  	s10 =	rddreg [dreg:$0x9];
	[sflag:s18] =	ssyncadd.s32 $0xFFFFC000  }
0x60: {  	[tilespmem:s22], [sflag:$0x2] =	stream.indirect.gather [hbm4b:s4+s21], $0x80, s10, s21, $0xb8;
	[tilespmem:$0x1D000] =	vst v63  }
0x61: {  	_ =	swait.ge [sflag:s23], $0x4000  }
0x62: {  	[sflag:s23] =	ssyncset.done $0x0  }
0x63: {  	s11 =	rddreg [dreg:$0xa];
	[sflag:s23] =	ssyncadd.s32 $0xFFFFC000  }
0x64: {  	[spmem:s2] =	stream.indirect.scatter.add.f32 [tilespmem:s17], [sflag:$0x3], $0x80, s11, s21, $0xb8;
	[tilespmem:$0x1D000] =	vst v63  }
0x65: {  	_ =	swait.ge [sflag:s18], $0x4000  }
0x66: {  	[sflag:s18] =	ssyncset.done $0x0  }
0x67: {  	s8 =	rddreg [dreg:$0xb];
	[sflag:s18] =	ssyncadd.s32 $0xFFFFC000  }
0x68: {  	[tilespmem:s17], [sflag:$0x1] =	stream.indirect.gather [hbm4b:s4+s21], $0x80, s8, s21, $0xb8;
	[tilespmem:$0x1D000] =	vst v63  }
0x69: {  	_ =	swait.ge [sflag:s24], $0x4000  }
0x6a: {  	[sflag:s24] =	ssyncset.done $0x0  }
0x6b: {  	s10 =	rddreg [dreg:$0xc];
	[sflag:s24] =	ssyncadd.s32 $0xFFFFC000  }
0x6c: {  	[spmem:s2] =	stream.indirect.scatter.add.f32 [tilespmem:s22], [sflag:$0x3], $0x80, s10, s21, $0xb8;
	[tilespmem:$0x1D000] =	vst v63  }
0x6d: {  	_ =	swait.ge [sflag:s18], $0x4000  }
0x6e: {  	[sflag:s18] =	ssyncset.done $0x0  }
0x6f: {  	s11 =	rddreg [dreg:$0xd];
	[sflag:s18] =	ssyncadd.s32 $0xFFFFC000  }
0x70: {  	[tilespmem:s22], [sflag:$0x2] =	stream.indirect.gather [hbm4b:s4+s21], $0x80, s11, s21, $0xb8;
	[tilespmem:$0x1D000] =	vst v63  }
0x71: {  	_ =	swait.ge [sflag:s23], $0x4000  }
0x72: {  	[sflag:s23] =	ssyncset.done $0x0  }
0x73: {  	s8 =	rddreg [dreg:$0xe];
	[sflag:s23] =	ssyncadd.s32 $0xFFFFC000  }
0x74: {  	[spmem:s2] =	stream.indirect.scatter.add.f32 [tilespmem:s17], [sflag:$0x3], $0x80, s8, s21, $0xb8;
	[tilespmem:$0x1D000] =	vst v63  }
0x75: {  	_ =	swait.ge [sflag:s18], $0x4000  }
0x76: {  	[sflag:s18] =	ssyncset.done $0x0  }
0x77: {  	s10 =	rddreg [dreg:$0xf];
	[sflag:s18] =	ssyncadd.s32 $0xFFFFC000  }
0x78: {  	[tilespmem:s17], [sflag:$0x1] =	stream.indirect.gather [hbm4b:s4+s21], $0x80, s10, s21, $0xb8;
	[tilespmem:$0x1D000] =	vst v63  }
0x79: {  	_ =	swait.ge [sflag:s24], $0x4000  }
0x7a: {  	[sflag:s24] =	ssyncset.done $0x0  }
0x7b: {  	s11 =	rddreg [dreg:$0x10];
	[sflag:s24] =	ssyncadd.s32 $0xFFFFC000  }
0x7c: {  	[spmem:s2] =	stream.indirect.scatter.add.f32 [tilespmem:s22], [sflag:$0x3], $0x80, s11, s21, $0xb8;
	[tilespmem:$0x1D000] =	vst v63  }
0x7d: {  	_ =	swait.ge [sflag:s18], $0x4000  }
0x7e: {  	[sflag:s18] =	ssyncset.done $0x0  }
0x7f: {  	s8 =	rddreg [dreg:$0x11];
	[sflag:s18] =	ssyncadd.s32 $0xFFFFC000  }
0x80: {  	[tilespmem:s22], [sflag:$0x2] =	stream.indirect.gather [hbm4b:s4+s21], $0x80, s8, s21, $0xb8;
	[tilespmem:$0x1D000] =	vst v63  }
0x81: {  	_ =	swait.ge [sflag:s23], $0x4000  }
0x82: {  	[sflag:s23] =	ssyncset.done $0x0  }
0x83: {  	s10 =	rddreg [dreg:$0x12];
	[sflag:s23] =	ssyncadd.s32 $0xFFFFC000  }
0x84: {  	[spmem:s2] =	stream.indirect.scatter.add.f32 [tilespmem:s17], [sflag:$0x3], $0x80, s10, s21, $0xb8;
	[tilespmem:$0x1D000] =	vst v63  }
0x85: {  	_ =	swait.ge [sflag:s18], $0x4000  }
0x86: {  	[sflag:s18] =	ssyncset.done $0x0  }
0x87: {  	s11 =	rddreg [dreg:$0x13];
	[sflag:s18] =	ssyncadd.s32 $0xFFFFC000  }
0x88: {  	[tilespmem:s17], [sflag:$0x1] =	stream.indirect.gather [hbm4b:s4+s21], $0x80, s11, s21, $0xb8;
	[tilespmem:$0x1D000] =	vst v63  }
0x89: {  	_ =	swait.ge [sflag:s24], $0x4000  }
0x8a: {  	[sflag:s24] =	ssyncset.done $0x0  }
0x8b: {  	[sflag:s24] =	ssyncadd.s32 $0xFFFFC000  }
0x8c: {  	[spmem:s2] =	stream.indirect.scatter.add.f32 [tilespmem:s22], [sflag:$0x3], $0x80, s25, s21, $0xb8;
	[tilespmem:$0x1D000] =	vst v63  }
0x8d: {  	_ =	swait.ge [sflag:s18], $0x4000  }
0x8e: {  	[sflag:s18] =	ssyncset.done $0x0  }
0x8f: {  	[sflag:s18] =	ssyncadd.s32 $0xFFFFC000  }
0x90: {  	[tilespmem:s22], [sflag:$0x2] =	stream.indirect.gather [hbm4b:s4+s21], $0x80, s26, s21, $0xb8;
	[tilespmem:$0x1D000] =	vst v63  }
0x91: {  	_ =	swait.ge [sflag:s23], $0x4000  }
0x92: {  	[sflag:s23] =	ssyncset.done $0x0  }
0x93: {  	[sflag:s23] =	ssyncadd.s32 $0xFFFFC000  }
0x94: {  	[spmem:s2] =	stream.indirect.scatter.add.f32 [tilespmem:s17], [sflag:$0x3], $0x80, s28, s21, $0xb8;
	[tilespmem:$0x1D000] =	vst v63  }
0x95: {  	_ =	swait.ge [sflag:s18], $0x4000  }
0x96: {  	[sflag:s18] =	ssyncset.done $0x0  }
0x97: {  	[sflag:s18] =	ssyncadd.s32 $0xFFFFC000  }
0x98: {  	[tilespmem:s17], [sflag:$0x1] =	stream.indirect.gather [hbm4b:s4+s21], $0x80, s29, s21, $0xb8;
	[tilespmem:$0x1D000] =	vst v63  }
0x99: {  	_ =	swait.ge [sflag:s24], $0x4000  }
0x9a: {  	[sflag:s24] =	ssyncset.done $0x0  }
0x9b: {  	[sflag:s24] =	ssyncadd.s32 $0xFFFFC000  }
0x9c: {  	[spmem:s2] =	stream.indirect.scatter.add.f32 [tilespmem:s22], [sflag:$0x3], $0x80, s30, s21, $0xb8;
	[tilespmem:$0x1D000] =	vst v63  }
0x9d: {  	_ =	swait.ge [sflag:s18], $0x4000  }
0x9e: {  	[sflag:s18] =	ssyncset.done $0x0  }
0x9f: {  	[sflag:s18] =	ssyncadd.s32 $0xFFFFC000  }
0xa0: {  	[tilespmem:s22], [sflag:$0x2] =	stream.indirect.gather [hbm4b:s4+s21], $0x80, s31, s21, $0xb8;
	[tilespmem:$0x1D000] =	vst v63  }
0xa1: {  	_ =	swait.ge [sflag:s23], $0x4000  }
0xa2: {  	[sflag:s23] =	ssyncset.done $0x0  }
0xa3: {  	[sflag:s23] =	ssyncadd.s32 $0xFFFFC000  }
0xa4: {  	[spmem:s2] =	stream.indirect.scatter.add.f32 [tilespmem:s17], [sflag:$0x3], $0x80, s1, s21, $0xb8;
	[tilespmem:$0x1D000] =	vst v63  }
0xa5: {  	_ =	swait.ge [sflag:s18], $0x4000  }
0xa6: {  	[sflag:s18] =	ssyncset.done $0x0  }
0xa7: {  	[sflag:s18] =	ssyncadd.s32 $0xFFFFC000  }
0xa8: {  	[tilespmem:s17], [sflag:$0x1] =	stream.indirect.gather [hbm4b:s4+s21], $0x80, s0, s21, $0xb8;
	[tilespmem:$0x1D000] =	vst v63  }
0xa9: {  	_ =	swait.ge [sflag:s24], $0x4000  }
0xaa: {  	[sflag:s24] =	ssyncset.done $0x0  }
0xab: {  	[sflag:s24] =	ssyncadd.s32 $0xFFFFC000  }
0xac: {  	[spmem:s2] =	stream.indirect.scatter.add.f32 [tilespmem:s22], [sflag:$0x3], $0x80, s5, s21, $0xb8;
	[tilespmem:$0x1D000] =	vst v63  }
0xad: {  	_ =	swait.ge [sflag:s18], $0x4000  }
0xae: {  	[sflag:s18] =	ssyncset.done $0x0  }
0xaf: {  	[sflag:s18] =	ssyncadd.s32 $0xFFFFC000  }
0xb0: {  	[tilespmem:s22], [sflag:$0x2] =	stream.indirect.gather [hbm4b:s4+s21], $0x80, s7, s21, $0xb8;
	[tilespmem:$0x1D000] =	vst v63  }
0xb1: {  	_ =	swait.ge [sflag:s23], $0x4000  }
0xb2: {  	[sflag:s23] =	ssyncset.done $0x0  }
0xb3: {  	[sflag:s23] =	ssyncadd.s32 $0xFFFFC000  }
0xb4: {  	[spmem:s2] =	stream.indirect.scatter.add.f32 [tilespmem:s17], [sflag:$0x3], $0x80, s12, s21, $0xb8;
	[tilespmem:$0x1D000] =	vst v63  }
0xb5: {  	_ =	swait.ge [sflag:s18], $0x4000  }
0xb6: {  	[sflag:s18] =	ssyncset.done $0x0  }
0xb7: {  	[sflag:s18] =	ssyncadd.s32 $0xFFFFC000  }
0xb8: {  	[tilespmem:s17], [sflag:$0x1] =	stream.indirect.gather [hbm4b:s4+s21], $0x80, s13, s21, $0xb8;
	[tilespmem:$0x1D000] =	vst v63  }
0xb9: {  	_ =	swait.ge [sflag:s24], $0x4000  }
0xba: {  	[sflag:s24] =	ssyncset.done $0x0  }
0xbb: {  	[sflag:s24] =	ssyncadd.s32 $0xFFFFC000  }
0xbc: {  	[spmem:s2] =	stream.indirect.scatter.add.f32 [tilespmem:s22], [sflag:$0x3], $0x80, s14, s21, $0xb8;
	[tilespmem:$0x1D000] =	vst v63  }
0xbd: {  	_ =	swait.ge [sflag:s18], $0x4000  }
0xbe: {  	[sflag:s18] =	ssyncset.done $0x0  }
0xbf: {  	[sflag:s18] =	ssyncadd.s32 $0xFFFFC000  }
0xc0: {  	[tilespmem:s22], [sflag:$0x2] =	stream.indirect.gather [hbm4b:s4+s21], $0x80, s15, s21, $0xb8;
	[tilespmem:$0x1D000] =	vst v63  }
0xc1: {  	_ =	swait.ge [sflag:s23], $0x4000  }
0xc2: {  	[sflag:s23] =	ssyncset.done $0x0  }
0xc3: {  	[sflag:s23] =	ssyncadd.s32 $0xFFFFC000  }
0xc4: {  	[spmem:s2] =	stream.indirect.scatter.add.f32 [tilespmem:s17], [sflag:$0x3], $0x80, s16, s21, $0xb8;
	[tilespmem:$0x1D000] =	vst v63  }
0xc5: {  	_ =	swait.ge [sflag:s18], $0x4000  }
0xc6: {  	[sflag:s18] =	ssyncset.done $0x0  }
0xc7: {  	[sflag:s18] =	ssyncadd.s32 $0xFFFFC000  }
0xc8: {  	_ =	swait.ge [sflag:s24], $0x4000  }
0xc9: {  	[sflag:s24] =	ssyncset.done $0x0  }
0xca: {  	[sflag:s24] =	ssyncadd.s32 $0xFFFFC000  }
0xcb: {  	[spmem:s2] =	stream.indirect.scatter.add.f32 [tilespmem:s22], [sflag:$0x3], $0x80, s6, s21, $0xb8;
	[tilespmem:$0x1D000] =	vst v63  }
0xcc: {  	s9 =	simm.s32 $0x100;
	_ =	swait.ge [sflag:s18], $0x4000  }
0xcd: {  	s10 =	simm.s32 $0x200;
	s11 =	rddreg [dreg:$0x5];
	[sflag:s18] =	ssyncset.done $0x0  }
.LBB2_2:
0xce: {  	[sflag:s18] =	ssyncadd.s32 $0xFFFFC000;
	s11 =	sadd.s32 s9, s11  }
0xcf: {  	[tilespmem:s19], [sflag:$0x3] =	stream.linear.gather [hbm4b:s11+s3], $0x800, $0x38;
	[tilespmem:$0x1D000] =	vst v63  }
0xd0: {  	_ =	swait.ge [sflag:s18], $0x800  }
0xd1: {  	s11 =	rddreg [dreg:$0x4];
	[sflag:s18] =	ssyncset.done $0x0  }
0xd2: {  	[sflag:s18] =	ssyncadd.s32 $0xFFFFF800;
	s11 =	sadd.s32 s9, s11  }
0xd3: {  	[tilespmem:s20], [sflag:$0x3] =	stream.linear.gather [hbm4b:s11+s3], $0x800, $0x38;
	[tilespmem:$0x1D000] =	vst v63  }
0xd4: {  	_ =	swait.ge [sflag:s18], $0x800  }
0xd5: {  	[sflag:s18] =	ssyncset.done $0x0  }
0xd6: {  	[sflag:s18] =	ssyncadd.s32 $0xFFFFF800  }
0xd7: {  	[tilespmem:s17], [sflag:$0x1] =	stream.indirect.gather [hbm4b:s4+s21], $0x80, s19, s21, $0xb8;
	[tilespmem:$0x1D000] =	vst v63  }
0xd8: {  	s11 =	rddreg [dreg:$0x6]  }
0xd9: {  	[tilespmem:s22], [sflag:$0x2] =	stream.indirect.gather [hbm4b:s4+s21], $0x80, s11, s21, $0xb8;
	[tilespmem:$0x1D000] =	vst v63  }
0xda: {  	_ =	swait.ge [sflag:s23], $0x4000  }
0xdb: {  	[sflag:s23] =	ssyncset.done $0x0  }
0xdc: {  	[sflag:s23] =	ssyncadd.s32 $0xFFFFC000  }
0xdd: {  	[spmem:s2] =	stream.indirect.scatter.add.f32 [tilespmem:s17], [sflag:$0x3], $0x80, s20, s21, $0xb8;
	[tilespmem:$0x1D000] =	vst v63  }
0xde: {  	_ =	swait.ge [sflag:s18], $0x4000  }
0xdf: {  	[sflag:s18] =	ssyncset.done $0x0  }
0xe0: {  	s11 =	rddreg [dreg:$0x7];
	[sflag:s18] =	ssyncadd.s32 $0xFFFFC000  }
0xe1: {  	[tilespmem:s17], [sflag:$0x1] =	stream.indirect.gather [hbm4b:s4+s21], $0x80, s11, s21, $0xb8;
	[tilespmem:$0x1D000] =	vst v63  }
0xe2: {  	_ =	swait.ge [sflag:s24], $0x4000  }
0xe3: {  	[sflag:s24] =	ssyncset.done $0x0  }
0xe4: {  	s11 =	rddreg [dreg:$0x8];
	[sflag:s24] =	ssyncadd.s32 $0xFFFFC000  }
0xe5: {  	[spmem:s2] =	stream.indirect.scatter.add.f32 [tilespmem:s22], [sflag:$0x3], $0x80, s11, s21, $0xb8;
	[tilespmem:$0x1D000] =	vst v63  }
0xe6: {  	_ =	swait.ge [sflag:s18], $0x4000  }
0xe7: {  	[sflag:s18] =	ssyncset.done $0x0  }
0xe8: {  	s11 =	rddreg [dreg:$0x9];
	[sflag:s18] =	ssyncadd.s32 $0xFFFFC000  }
0xe9: {  	[tilespmem:s22], [sflag:$0x2] =	stream.indirect.gather [hbm4b:s4+s21], $0x80, s11, s21, $0xb8;
	[tilespmem:$0x1D000] =	vst v63  }
0xea: {  	_ =	swait.ge [sflag:s23], $0x4000  }
0xeb: {  	[sflag:s23] =	ssyncset.done $0x0  }
0xec: {  	s11 =	rddreg [dreg:$0xa];
	[sflag:s23] =	ssyncadd.s32 $0xFFFFC000  }
0xed: {  	[spmem:s2] =	stream.indirect.scatter.add.f32 [tilespmem:s17], [sflag:$0x3], $0x80, s11, s21, $0xb8;
	[tilespmem:$0x1D000] =	vst v63  }
0xee: {  	_ =	swait.ge [sflag:s18], $0x4000  }
0xef: {  	[sflag:s18] =	ssyncset.done $0x0  }
0xf0: {  	s11 =	rddreg [dreg:$0xb];
	[sflag:s18] =	ssyncadd.s32 $0xFFFFC000  }
0xf1: {  	[tilespmem:s17], [sflag:$0x1] =	stream.indirect.gather [hbm4b:s4+s21], $0x80, s11, s21, $0xb8;
	[tilespmem:$0x1D000] =	vst v63  }
0xf2: {  	_ =	swait.ge [sflag:s24], $0x4000  }
0xf3: {  	[sflag:s24] =	ssyncset.done $0x0  }
0xf4: {  	s11 =	rddreg [dreg:$0xc];
	[sflag:s24] =	ssyncadd.s32 $0xFFFFC000  }
0xf5: {  	[spmem:s2] =	stream.indirect.scatter.add.f32 [tilespmem:s22], [sflag:$0x3], $0x80, s11, s21, $0xb8;
	[tilespmem:$0x1D000] =	vst v63  }
0xf6: {  	_ =	swait.ge [sflag:s18], $0x4000  }
0xf7: {  	[sflag:s18] =	ssyncset.done $0x0  }
0xf8: {  	s11 =	rddreg [dreg:$0xd];
	[sflag:s18] =	ssyncadd.s32 $0xFFFFC000  }
0xf9: {  	[tilespmem:s22], [sflag:$0x2] =	stream.indirect.gather [hbm4b:s4+s21], $0x80, s11, s21, $0xb8;
	[tilespmem:$0x1D000] =	vst v63  }
0xfa: {  	_ =	swait.ge [sflag:s23], $0x4000  }
0xfb: {  	[sflag:s23] =	ssyncset.done $0x0  }
0xfc: {  	s11 =	rddreg [dreg:$0xe];
	[sflag:s23] =	ssyncadd.s32 $0xFFFFC000  }
0xfd: {  	[spmem:s2] =	stream.indirect.scatter.add.f32 [tilespmem:s17], [sflag:$0x3], $0x80, s11, s21, $0xb8;
	[tilespmem:$0x1D000] =	vst v63  }
0xfe: {  	_ =	swait.ge [sflag:s18], $0x4000  }
0xff: {  	[sflag:s18] =	ssyncset.done $0x0  }
0x100: {  	s11 =	rddreg [dreg:$0xf];
	[sflag:s18] =	ssyncadd.s32 $0xFFFFC000  }
0x101: {  	[tilespmem:s17], [sflag:$0x1] =	stream.indirect.gather [hbm4b:s4+s21], $0x80, s11, s21, $0xb8;
	[tilespmem:$0x1D000] =	vst v63  }
0x102: {  	_ =	swait.ge [sflag:s24], $0x4000  }
0x103: {  	[sflag:s24] =	ssyncset.done $0x0  }
0x104: {  	s11 =	rddreg [dreg:$0x10];
	[sflag:s24] =	ssyncadd.s32 $0xFFFFC000  }
0x105: {  	[spmem:s2] =	stream.indirect.scatter.add.f32 [tilespmem:s22], [sflag:$0x3], $0x80, s11, s21, $0xb8;
	[tilespmem:$0x1D000] =	vst v63  }
0x106: {  	_ =	swait.ge [sflag:s18], $0x4000  }
0x107: {  	[sflag:s18] =	ssyncset.done $0x0  }
0x108: {  	s11 =	rddreg [dreg:$0x11];
	[sflag:s18] =	ssyncadd.s32 $0xFFFFC000  }
0x109: {  	[tilespmem:s22], [sflag:$0x2] =	stream.indirect.gather [hbm4b:s4+s21], $0x80, s11, s21, $0xb8;
	[tilespmem:$0x1D000] =	vst v63  }
0x10a: {  	_ =	swait.ge [sflag:s23], $0x4000  }
0x10b: {  	[sflag:s23] =	ssyncset.done $0x0  }
0x10c: {  	s11 =	rddreg [dreg:$0x12];
	[sflag:s23] =	ssyncadd.s32 $0xFFFFC000  }
0x10d: {  	[spmem:s2] =	stream.indirect.scatter.add.f32 [tilespmem:s17], [sflag:$0x3], $0x80, s11, s21, $0xb8;
	[tilespmem:$0x1D000] =	vst v63  }
0x10e: {  	_ =	swait.ge [sflag:s18], $0x4000  }
0x10f: {  	[sflag:s18] =	ssyncset.done $0x0  }
0x110: {  	s11 =	rddreg [dreg:$0x13];
	[sflag:s18] =	ssyncadd.s32 $0xFFFFC000  }
0x111: {  	[tilespmem:s17], [sflag:$0x1] =	stream.indirect.gather [hbm4b:s4+s21], $0x80, s11, s21, $0xb8;
	[tilespmem:$0x1D000] =	vst v63  }
0x112: {  	_ =	swait.ge [sflag:s24], $0x4000  }
0x113: {  	[sflag:s24] =	ssyncset.done $0x0  }
0x114: {  	[sflag:s24] =	ssyncadd.s32 $0xFFFFC000  }
0x115: {  	[spmem:s2] =	stream.indirect.scatter.add.f32 [tilespmem:s22], [sflag:$0x3], $0x80, s25, s21, $0xb8;
	[tilespmem:$0x1D000] =	vst v63  }
0x116: {  	_ =	swait.ge [sflag:s18], $0x4000  }
0x117: {  	[sflag:s18] =	ssyncset.done $0x0  }
0x118: {  	[sflag:s18] =	ssyncadd.s32 $0xFFFFC000  }
0x119: {  	[tilespmem:s22], [sflag:$0x2] =	stream.indirect.gather [hbm4b:s4+s21], $0x80, s26, s21, $0xb8;
	[tilespmem:$0x1D000] =	vst v63  }
0x11a: {  	_ =	swait.ge [sflag:s23], $0x4000  }
0x11b: {  	[sflag:s23] =	ssyncset.done $0x0  }
0x11c: {  	[sflag:s23] =	ssyncadd.s32 $0xFFFFC000  }
0x11d: {  	[spmem:s2] =	stream.indirect.scatter.add.f32 [tilespmem:s17], [sflag:$0x3], $0x80, s28, s21, $0xb8;
	[tilespmem:$0x1D000] =	vst v63  }
0x11e: {  	_ =	swait.ge [sflag:s18], $0x4000  }
0x11f: {  	[sflag:s18] =	ssyncset.done $0x0  }
0x120: {  	[sflag:s18] =	ssyncadd.s32 $0xFFFFC000  }
0x121: {  	[tilespmem:s17], [sflag:$0x1] =	stream.indirect.gather [hbm4b:s4+s21], $0x80, s29, s21, $0xb8;
	[tilespmem:$0x1D000] =	vst v63  }
0x122: {  	_ =	swait.ge [sflag:s24], $0x4000  }
0x123: {  	[sflag:s24] =	ssyncset.done $0x0  }
0x124: {  	[sflag:s24] =	ssyncadd.s32 $0xFFFFC000  }
0x125: {  	[spmem:s2] =	stream.indirect.scatter.add.f32 [tilespmem:s22], [sflag:$0x3], $0x80, s30, s21, $0xb8;
	[tilespmem:$0x1D000] =	vst v63  }
0x126: {  	_ =	swait.ge [sflag:s18], $0x4000  }
0x127: {  	[sflag:s18] =	ssyncset.done $0x0  }
0x128: {  	[sflag:s18] =	ssyncadd.s32 $0xFFFFC000  }
0x129: {  	[tilespmem:s22], [sflag:$0x2] =	stream.indirect.gather [hbm4b:s4+s21], $0x80, s31, s21, $0xb8;
	[tilespmem:$0x1D000] =	vst v63  }
0x12a: {  	_ =	swait.ge [sflag:s23], $0x4000  }
0x12b: {  	[sflag:s23] =	ssyncset.done $0x0  }
0x12c: {  	[sflag:s23] =	ssyncadd.s32 $0xFFFFC000  }
0x12d: {  	[spmem:s2] =	stream.indirect.scatter.add.f32 [tilespmem:s17], [sflag:$0x3], $0x80, s1, s21, $0xb8;
	[tilespmem:$0x1D000] =	vst v63  }
0x12e: {  	_ =	swait.ge [sflag:s18], $0x4000  }
0x12f: {  	[sflag:s18] =	ssyncset.done $0x0  }
0x130: {  	[sflag:s18] =	ssyncadd.s32 $0xFFFFC000  }
0x131: {  	[tilespmem:s17], [sflag:$0x1] =	stream.indirect.gather [hbm4b:s4+s21], $0x80, s0, s21, $0xb8;
	[tilespmem:$0x1D000] =	vst v63  }
0x132: {  	_ =	swait.ge [sflag:s24], $0x4000  }
0x133: {  	[sflag:s24] =	ssyncset.done $0x0  }
0x134: {  	[sflag:s24] =	ssyncadd.s32 $0xFFFFC000  }
0x135: {  	[spmem:s2] =	stream.indirect.scatter.add.f32 [tilespmem:s22], [sflag:$0x3], $0x80, s5, s21, $0xb8;
	[tilespmem:$0x1D000] =	vst v63  }
0x136: {  	_ =	swait.ge [sflag:s18], $0x4000  }
0x137: {  	[sflag:s18] =	ssyncset.done $0x0  }
0x138: {  	[sflag:s18] =	ssyncadd.s32 $0xFFFFC000  }
0x139: {  	[tilespmem:s22], [sflag:$0x2] =	stream.indirect.gather [hbm4b:s4+s21], $0x80, s7, s21, $0xb8;
	[tilespmem:$0x1D000] =	vst v63  }
0x13a: {  	_ =	swait.ge [sflag:s23], $0x4000  }
0x13b: {  	[sflag:s23] =	ssyncset.done $0x0  }
0x13c: {  	[sflag:s23] =	ssyncadd.s32 $0xFFFFC000  }
0x13d: {  	[spmem:s2] =	stream.indirect.scatter.add.f32 [tilespmem:s17], [sflag:$0x3], $0x80, s12, s21, $0xb8;
	[tilespmem:$0x1D000] =	vst v63  }
0x13e: {  	_ =	swait.ge [sflag:s18], $0x4000  }
0x13f: {  	[sflag:s18] =	ssyncset.done $0x0  }
0x140: {  	[sflag:s18] =	ssyncadd.s32 $0xFFFFC000  }
0x141: {  	[tilespmem:s17], [sflag:$0x1] =	stream.indirect.gather [hbm4b:s4+s21], $0x80, s13, s21, $0xb8;
	[tilespmem:$0x1D000] =	vst v63  }
0x142: {  	_ =	swait.ge [sflag:s24], $0x4000  }
0x143: {  	[sflag:s24] =	ssyncset.done $0x0  }
0x144: {  	[sflag:s24] =	ssyncadd.s32 $0xFFFFC000  }
0x145: {  	[spmem:s2] =	stream.indirect.scatter.add.f32 [tilespmem:s22], [sflag:$0x3], $0x80, s14, s21, $0xb8;
	[tilespmem:$0x1D000] =	vst v63  }
0x146: {  	_ =	swait.ge [sflag:s18], $0x4000  }
0x147: {  	[sflag:s18] =	ssyncset.done $0x0  }
0x148: {  	[sflag:s18] =	ssyncadd.s32 $0xFFFFC000  }
0x149: {  	[tilespmem:s22], [sflag:$0x2] =	stream.indirect.gather [hbm4b:s4+s21], $0x80, s15, s21, $0xb8;
	[tilespmem:$0x1D000] =	vst v63  }
0x14a: {  	_ =	swait.ge [sflag:s23], $0x4000  }
0x14b: {  	[sflag:s23] =	ssyncset.done $0x0  }
0x14c: {  	[sflag:s23] =	ssyncadd.s32 $0xFFFFC000  }
0x14d: {  	[spmem:s2] =	stream.indirect.scatter.add.f32 [tilespmem:s17], [sflag:$0x3], $0x80, s16, s21, $0xb8;
	[tilespmem:$0x1D000] =	vst v63  }
0x14e: {  	_ =	swait.ge [sflag:s18], $0x4000  }
0x14f: {  	[sflag:s18] =	ssyncset.done $0x0  }
0x150: {  	[sflag:s18] =	ssyncadd.s32 $0xFFFFC000  }
0x151: {  	p0 =	sne.s32 s10, $0x400;
	_ =	swait.ge [sflag:s24], $0x4000  }
.Ltmp0:
0x152: {  	[sflag:s24] =	ssyncset.done $0x0;
	(pc) =	sbr.rel @p0 .LBB2_2-.Ltmp0, $4  }
0x153: {  	[sflag:s24] =	ssyncadd.s32 $0xFFFFC000  }
0x154: {  	[spmem:s2] =	stream.indirect.scatter.add.f32 [tilespmem:s22], [sflag:$0x3], $0x80, s6, s21, $0xb8;
	[tilespmem:$0x1D000] =	vst v63  }
0x155: {  	s8 =	smov.u32 s10;
	s10 =	sadd.s32 $0x100, s10;
	_ =	swait.ge [sflag:s18], $0x4000  }
0x156: {  	s9 =	smov.u32 s8;
	s11 =	rddreg [dreg:$0x5];
	[sflag:s18] =	ssyncset.done $0x0  }
0x157: {  	[sflag:s18] =	ssyncadd.s32 $0xFFFFC000;
	s8 =	sadd.s32 s9, s11  }
0x158: {  	[tilespmem:s19], [sflag:$0x3] =	stream.linear.gather [hbm4b:s8+s3], $0x800, $0x38;
	[tilespmem:$0x1D000] =	vst v63  }
0x159: {  	_ =	swait.ge [sflag:s18], $0x800  }
0x15a: {  	s10 =	rddreg [dreg:$0x4];
	[sflag:s18] =	ssyncset.done $0x0  }
0x15b: {  	s8 =	sadd.s32 s9, s10;
	[sflag:s18] =	ssyncadd.s32 $0xFFFFF800  }
0x15c: {  	[tilespmem:s20], [sflag:$0x3] =	stream.linear.gather [hbm4b:s8+s3], $0x800, $0x38;
	[tilespmem:$0x1D000] =	vst v63  }
0x15d: {  	_ =	swait.ge [sflag:s18], $0x800  }
0x15e: {  	[sflag:s18] =	ssyncset.done $0x0  }
0x15f: {  	[sflag:s18] =	ssyncadd.s32 $0xFFFFF800  }
0x160: {  	[tilespmem:s17], [sflag:$0x1] =	stream.indirect.gather [hbm4b:s4+s21], $0x80, s19, s21, $0xb8;
	[tilespmem:$0x1D000] =	vst v63  }
0x161: {  	s11 =	rddreg [dreg:$0x6]  }
0x162: {  	[tilespmem:s22], [sflag:$0x2] =	stream.indirect.gather [hbm4b:s4+s21], $0x80, s11, s21, $0xb8;
	[tilespmem:$0x1D000] =	vst v63  }
0x163: {  	_ =	swait.ge [sflag:s23], $0x4000  }
0x164: {  	[sflag:s23] =	ssyncset.done $0x0  }
0x165: {  	[sflag:s23] =	ssyncadd.s32 $0xFFFFC000  }
0x166: {  	[spmem:s2] =	stream.indirect.scatter.add.f32 [tilespmem:s17], [sflag:$0x3], $0x80, s20, s21, $0xb8;
	[tilespmem:$0x1D000] =	vst v63  }
0x167: {  	_ =	swait.ge [sflag:s18], $0x4000  }
0x168: {  	[sflag:s18] =	ssyncset.done $0x0  }
0x169: {  	s9 =	rddreg [dreg:$0x7];
	[sflag:s18] =	ssyncadd.s32 $0xFFFFC000  }
0x16a: {  	[tilespmem:s17], [sflag:$0x1] =	stream.indirect.gather [hbm4b:s4+s21], $0x80, s9, s21, $0xb8;
	[tilespmem:$0x1D000] =	vst v63  }
0x16b: {  	_ =	swait.ge [sflag:s24], $0x4000  }
0x16c: {  	[sflag:s24] =	ssyncset.done $0x0  }
0x16d: {  	s10 =	rddreg [dreg:$0x8];
	[sflag:s24] =	ssyncadd.s32 $0xFFFFC000  }
0x16e: {  	[spmem:s2] =	stream.indirect.scatter.add.f32 [tilespmem:s22], [sflag:$0x3], $0x80, s10, s21, $0xb8;
	[tilespmem:$0x1D000] =	vst v63  }
0x16f: {  	_ =	swait.ge [sflag:s18], $0x4000  }
0x170: {  	[sflag:s18] =	ssyncset.done $0x0  }
0x171: {  	s11 =	rddreg [dreg:$0x9];
	[sflag:s18] =	ssyncadd.s32 $0xFFFFC000  }
0x172: {  	[tilespmem:s22], [sflag:$0x2] =	stream.indirect.gather [hbm4b:s4+s21], $0x80, s11, s21, $0xb8;
	[tilespmem:$0x1D000] =	vst v63  }
0x173: {  	_ =	swait.ge [sflag:s23], $0x4000  }
0x174: {  	[sflag:s23] =	ssyncset.done $0x0  }
0x175: {  	s9 =	rddreg [dreg:$0xa];
	[sflag:s23] =	ssyncadd.s32 $0xFFFFC000  }
0x176: {  	[spmem:s2] =	stream.indirect.scatter.add.f32 [tilespmem:s17], [sflag:$0x3], $0x80, s9, s21, $0xb8;
	[tilespmem:$0x1D000] =	vst v63  }
0x177: {  	_ =	swait.ge [sflag:s18], $0x4000  }
0x178: {  	[sflag:s18] =	ssyncset.done $0x0  }
0x179: {  	s10 =	rddreg [dreg:$0xb];
	[sflag:s18] =	ssyncadd.s32 $0xFFFFC000  }
0x17a: {  	[tilespmem:s17], [sflag:$0x1] =	stream.indirect.gather [hbm4b:s4+s21], $0x80, s10, s21, $0xb8;
	[tilespmem:$0x1D000] =	vst v63  }
0x17b: {  	_ =	swait.ge [sflag:s24], $0x4000  }
0x17c: {  	[sflag:s24] =	ssyncset.done $0x0  }
0x17d: {  	s11 =	rddreg [dreg:$0xc];
	[sflag:s24] =	ssyncadd.s32 $0xFFFFC000  }
0x17e: {  	[spmem:s2] =	stream.indirect.scatter.add.f32 [tilespmem:s22], [sflag:$0x3], $0x80, s11, s21, $0xb8;
	[tilespmem:$0x1D000] =	vst v63  }
0x17f: {  	_ =	swait.ge [sflag:s18], $0x4000  }
0x180: {  	[sflag:s18] =	ssyncset.done $0x0  }
0x181: {  	s9 =	rddreg [dreg:$0xd];
	[sflag:s18] =	ssyncadd.s32 $0xFFFFC000  }
0x182: {  	[tilespmem:s22], [sflag:$0x2] =	stream.indirect.gather [hbm4b:s4+s21], $0x80, s9, s21, $0xb8;
	[tilespmem:$0x1D000] =	vst v63  }
0x183: {  	_ =	swait.ge [sflag:s23], $0x4000  }
0x184: {  	[sflag:s23] =	ssyncset.done $0x0  }
0x185: {  	s10 =	rddreg [dreg:$0xe];
	[sflag:s23] =	ssyncadd.s32 $0xFFFFC000  }
0x186: {  	[spmem:s2] =	stream.indirect.scatter.add.f32 [tilespmem:s17], [sflag:$0x3], $0x80, s10, s21, $0xb8;
	[tilespmem:$0x1D000] =	vst v63  }
0x187: {  	_ =	swait.ge [sflag:s18], $0x4000  }
0x188: {  	[sflag:s18] =	ssyncset.done $0x0  }
0x189: {  	s11 =	rddreg [dreg:$0xf];
	[sflag:s18] =	ssyncadd.s32 $0xFFFFC000  }
0x18a: {  	[tilespmem:s17], [sflag:$0x1] =	stream.indirect.gather [hbm4b:s4+s21], $0x80, s11, s21, $0xb8;
	[tilespmem:$0x1D000] =	vst v63  }
0x18b: {  	_ =	swait.ge [sflag:s24], $0x4000  }
0x18c: {  	[sflag:s24] =	ssyncset.done $0x0  }
0x18d: {  	s9 =	rddreg [dreg:$0x10];
	[sflag:s24] =	ssyncadd.s32 $0xFFFFC000  }
0x18e: {  	[spmem:s2] =	stream.indirect.scatter.add.f32 [tilespmem:s22], [sflag:$0x3], $0x80, s9, s21, $0xb8;
	[tilespmem:$0x1D000] =	vst v63  }
0x18f: {  	_ =	swait.ge [sflag:s18], $0x4000  }
0x190: {  	[sflag:s18] =	ssyncset.done $0x0  }
0x191: {  	s10 =	rddreg [dreg:$0x11];
	[sflag:s18] =	ssyncadd.s32 $0xFFFFC000  }
0x192: {  	[tilespmem:s22], [sflag:$0x2] =	stream.indirect.gather [hbm4b:s4+s21], $0x80, s10, s21, $0xb8;
	[tilespmem:$0x1D000] =	vst v63  }
0x193: {  	_ =	swait.ge [sflag:s23], $0x4000  }
0x194: {  	[sflag:s23] =	ssyncset.done $0x0  }
0x195: {  	s11 =	rddreg [dreg:$0x12];
	[sflag:s23] =	ssyncadd.s32 $0xFFFFC000  }
0x196: {  	[spmem:s2] =	stream.indirect.scatter.add.f32 [tilespmem:s17], [sflag:$0x3], $0x80, s11, s21, $0xb8;
	[tilespmem:$0x1D000] =	vst v63  }
0x197: {  	_ =	swait.ge [sflag:s18], $0x4000  }
0x198: {  	[sflag:s18] =	ssyncset.done $0x0  }
0x199: {  	s9 =	rddreg [dreg:$0x13];
	[sflag:s18] =	ssyncadd.s32 $0xFFFFC000  }
0x19a: {  	[tilespmem:s17], [sflag:$0x1] =	stream.indirect.gather [hbm4b:s4+s21], $0x80, s9, s21, $0xb8;
	[tilespmem:$0x1D000] =	vst v63  }
0x19b: {  	_ =	swait.ge [sflag:s24], $0x4000  }
0x19c: {  	[sflag:s24] =	ssyncset.done $0x0  }
0x19d: {  	[sflag:s24] =	ssyncadd.s32 $0xFFFFC000  }
0x19e: {  	[spmem:s2] =	stream.indirect.scatter.add.f32 [tilespmem:s22], [sflag:$0x3], $0x80, s25, s21, $0xb8;
	[tilespmem:$0x1D000] =	vst v63  }
0x19f: {  	_ =	swait.ge [sflag:s18], $0x4000  }
0x1a0: {  	[sflag:s18] =	ssyncset.done $0x0  }
0x1a1: {  	[sflag:s18] =	ssyncadd.s32 $0xFFFFC000  }
0x1a2: {  	[tilespmem:s22], [sflag:$0x2] =	stream.indirect.gather [hbm4b:s4+s21], $0x80, s26, s21, $0xb8;
	[tilespmem:$0x1D000] =	vst v63  }
0x1a3: {  	_ =	swait.ge [sflag:s23], $0x4000  }
0x1a4: {  	[sflag:s23] =	ssyncset.done $0x0  }
0x1a5: {  	[sflag:s23] =	ssyncadd.s32 $0xFFFFC000  }
0x1a6: {  	[spmem:s2] =	stream.indirect.scatter.add.f32 [tilespmem:s17], [sflag:$0x3], $0x80, s28, s21, $0xb8;
	[tilespmem:$0x1D000] =	vst v63  }
0x1a7: {  	_ =	swait.ge [sflag:s18], $0x4000  }
0x1a8: {  	[sflag:s18] =	ssyncset.done $0x0  }
0x1a9: {  	[sflag:s18] =	ssyncadd.s32 $0xFFFFC000  }
0x1aa: {  	[tilespmem:s17], [sflag:$0x1] =	stream.indirect.gather [hbm4b:s4+s21], $0x80, s29, s21, $0xb8;
	[tilespmem:$0x1D000] =	vst v63  }
0x1ab: {  	_ =	swait.ge [sflag:s24], $0x4000  }
0x1ac: {  	[sflag:s24] =	ssyncset.done $0x0  }
0x1ad: {  	[sflag:s24] =	ssyncadd.s32 $0xFFFFC000  }
0x1ae: {  	[spmem:s2] =	stream.indirect.scatter.add.f32 [tilespmem:s22], [sflag:$0x3], $0x80, s30, s21, $0xb8;
	[tilespmem:$0x1D000] =	vst v63  }
0x1af: {  	_ =	swait.ge [sflag:s18], $0x4000  }
0x1b0: {  	[sflag:s18] =	ssyncset.done $0x0  }
0x1b1: {  	[sflag:s18] =	ssyncadd.s32 $0xFFFFC000  }
0x1b2: {  	[tilespmem:s22], [sflag:$0x2] =	stream.indirect.gather [hbm4b:s4+s21], $0x80, s31, s21, $0xb8;
	[tilespmem:$0x1D000] =	vst v63  }
0x1b3: {  	_ =	swait.ge [sflag:s23], $0x4000  }
0x1b4: {  	[sflag:s23] =	ssyncset.done $0x0  }
0x1b5: {  	[sflag:s23] =	ssyncadd.s32 $0xFFFFC000  }
0x1b6: {  	[spmem:s2] =	stream.indirect.scatter.add.f32 [tilespmem:s17], [sflag:$0x3], $0x80, s1, s21, $0xb8;
	[tilespmem:$0x1D000] =	vst v63  }
0x1b7: {  	_ =	swait.ge [sflag:s18], $0x4000  }
0x1b8: {  	[sflag:s18] =	ssyncset.done $0x0  }
0x1b9: {  	[sflag:s18] =	ssyncadd.s32 $0xFFFFC000  }
0x1ba: {  	[tilespmem:s17], [sflag:$0x1] =	stream.indirect.gather [hbm4b:s4+s21], $0x80, s0, s21, $0xb8;
	[tilespmem:$0x1D000] =	vst v63  }
0x1bb: {  	_ =	swait.ge [sflag:s24], $0x4000  }
0x1bc: {  	[sflag:s24] =	ssyncset.done $0x0  }
0x1bd: {  	[sflag:s24] =	ssyncadd.s32 $0xFFFFC000  }
0x1be: {  	[spmem:s2] =	stream.indirect.scatter.add.f32 [tilespmem:s22], [sflag:$0x3], $0x80, s5, s21, $0xb8;
	[tilespmem:$0x1D000] =	vst v63  }
0x1bf: {  	_ =	swait.ge [sflag:s18], $0x4000  }
0x1c0: {  	[sflag:s18] =	ssyncset.done $0x0  }
0x1c1: {  	[sflag:s18] =	ssyncadd.s32 $0xFFFFC000  }
0x1c2: {  	[tilespmem:s22], [sflag:$0x2] =	stream.indirect.gather [hbm4b:s4+s21], $0x80, s7, s21, $0xb8;
	[tilespmem:$0x1D000] =	vst v63  }
0x1c3: {  	_ =	swait.ge [sflag:s23], $0x4000  }
0x1c4: {  	[sflag:s23] =	ssyncset.done $0x0  }
0x1c5: {  	[sflag:s23] =	ssyncadd.s32 $0xFFFFC000  }
0x1c6: {  	[spmem:s2] =	stream.indirect.scatter.add.f32 [tilespmem:s17], [sflag:$0x3], $0x80, s12, s21, $0xb8;
	[tilespmem:$0x1D000] =	vst v63  }
0x1c7: {  	_ =	swait.ge [sflag:s18], $0x4000  }
0x1c8: {  	[sflag:s18] =	ssyncset.done $0x0  }
0x1c9: {  	[sflag:s18] =	ssyncadd.s32 $0xFFFFC000  }
0x1ca: {  	[tilespmem:s17], [sflag:$0x1] =	stream.indirect.gather [hbm4b:s4+s21], $0x80, s13, s21, $0xb8;
	[tilespmem:$0x1D000] =	vst v63  }
0x1cb: {  	_ =	swait.ge [sflag:s24], $0x4000  }
0x1cc: {  	[sflag:s24] =	ssyncset.done $0x0  }
0x1cd: {  	[sflag:s24] =	ssyncadd.s32 $0xFFFFC000  }
0x1ce: {  	[spmem:s2] =	stream.indirect.scatter.add.f32 [tilespmem:s22], [sflag:$0x3], $0x80, s14, s21, $0xb8;
	[tilespmem:$0x1D000] =	vst v63  }
0x1cf: {  	_ =	swait.ge [sflag:s18], $0x4000  }
0x1d0: {  	[sflag:s18] =	ssyncset.done $0x0  }
0x1d1: {  	[sflag:s18] =	ssyncadd.s32 $0xFFFFC000  }
0x1d2: {  	[tilespmem:s22], [sflag:$0x2] =	stream.indirect.gather [hbm4b:s4+s21], $0x80, s15, s21, $0xb8;
	[tilespmem:$0x1D000] =	vst v63  }
0x1d3: {  	_ =	swait.ge [sflag:s23], $0x4000  }
0x1d4: {  	[sflag:s23] =	ssyncset.done $0x0  }
0x1d5: {  	[sflag:s23] =	ssyncadd.s32 $0xFFFFC000  }
0x1d6: {  	[spmem:s2] =	stream.indirect.scatter.add.f32 [tilespmem:s17], [sflag:$0x3], $0x80, s16, s21, $0xb8;
	[tilespmem:$0x1D000] =	vst v63  }
0x1d7: {  	_ =	swait.ge [sflag:s18], $0x4000  }
0x1d8: {  	[sflag:s18] =	ssyncset.done $0x0  }
0x1d9: {  	[sflag:s18] =	ssyncadd.s32 $0xFFFFC000  }
0x1da: {  	_ =	swait.ge [sflag:s24], $0x4000  }
0x1db: {  	[sflag:s24] =	ssyncset.done $0x0  }
0x1dc: {  	[sflag:s24] =	ssyncadd.s32 $0xFFFFC000  }
0x1dd: {  	[spmem:s2] =	stream.indirect.scatter.add.f32 [tilespmem:s22], [sflag:$0x3], $0x80, s6, s21, $0xb8;
	[tilespmem:$0x1D000] =	vst v63  }
0x1de: {  	_ =	swait.ge [sflag:s18], $0x4000  }
0x1df: {  	[sflag:s18] =	ssyncset.done $0x0  }
0x1e0: {  	[sflag:s18] =	ssyncadd.s32 $0xFFFFC000  }
0x1e1: {  	[bflag:$0x0] =	sbarrier.arrive $0xFFFF  }
0x1e2: {  	s10 =	rddreg [dreg:$0x15]  }
0x1e3: {  	[tilespmem:s17], [sflag:$0x3] =	stream.linear.gather [spmem:s10], $0x4000, $0x38;
	[tilespmem:$0x1D000] =	vst v63  }
0x1e4: {  	_ =	swait.ge [sflag:s18], $0x4000  }
0x1e5: {  	[sflag:s18] =	ssyncset.done $0x0  }
0x1e6: {  	s11 =	rddreg [dreg:$0x1b];
	[sflag:s18] =	ssyncadd.s32 $0xFFFFC000  }
0x1e7: {  	[hbm4b:s11+s3] =	stream.linear.scatter [tilespmem:s17], [sflag:$0x3], $0x4000, $0x38;
	[tilespmem:$0x1D000] =	vst v63  }
0x1e8: {  	_ =	swait.ge [sflag:s18], $0x4000  }
0x1e9: {  	[sflag:s18] =	ssyncset.done $0x0  }
0x1ea: {  	s10 =	rddreg [dreg:$0x17];
	[sflag:s18] =	ssyncadd.s32 $0xFFFFC000  }
0x1eb: {  	[tilespmem:s17], [sflag:$0x3] =	stream.linear.gather [spmem:s10], $0x4000, $0x38;
	[tilespmem:$0x1D000] =	vst v63  }
0x1ec: {  	_ =	swait.ge [sflag:s18], $0x4000  }
0x1ed: {  	[sflag:s18] =	ssyncset.done $0x0  }
0x1ee: {  	s9 =	rddreg [dreg:$0x1c];
	[sflag:s18] =	ssyncadd.s32 $0xFFFFC000  }
0x1ef: {  	[hbm4b:s9+s3] =	stream.linear.scatter [tilespmem:s17], [sflag:$0x3], $0x4000, $0x38;
	[tilespmem:$0x1D000] =	vst v63  }
0x1f0: {  	_ =	swait.ge [sflag:s18], $0x4000  }
0x1f1: {  	[sflag:s18] =	ssyncset.done $0x0  }
0x1f2: {  	s11 =	rddreg [dreg:$0x18];
	[sflag:s18] =	ssyncadd.s32 $0xFFFFC000  }
0x1f3: {  	[tilespmem:s17], [sflag:$0x3] =	stream.linear.gather [spmem:s11], $0x4000, $0x38;
	[tilespmem:$0x1D000] =	vst v63  }
0x1f4: {  	_ =	swait.ge [sflag:s18], $0x4000  }
0x1f5: {  	[sflag:s18] =	ssyncset.done $0x0  }
0x1f6: {  	s9 =	rddreg [dreg:$0x1d];
	[sflag:s18] =	ssyncadd.s32 $0xFFFFC000  }
0x1f7: {  	[hbm4b:s9+s3] =	stream.linear.scatter [tilespmem:s17], [sflag:$0x3], $0x4000, $0x38;
	[tilespmem:$0x1D000] =	vst v63  }
0x1f8: {  	_ =	swait.ge [sflag:s18], $0x4000  }
0x1f9: {  	[sflag:s18] =	ssyncset.done $0x0  }
0x1fa: {  	s11 =	rddreg [dreg:$0x19];
	[sflag:s18] =	ssyncadd.s32 $0xFFFFC000  }
0x1fb: {  	[tilespmem:s17], [sflag:$0x3] =	stream.linear.gather [spmem:s11], $0x4000, $0x38;
	[tilespmem:$0x1D000] =	vst v63  }
0x1fc: {  	_ =	swait.ge [sflag:s18], $0x4000  }
0x1fd: {  	[sflag:s18] =	ssyncset.done $0x0  }
0x1fe: {  	s9 =	rddreg [dreg:$0x1e];
	[sflag:s18] =	ssyncadd.s32 $0xFFFFC000  }
0x1ff: {  	[hbm4b:s9+s3] =	stream.linear.scatter [tilespmem:s17], [sflag:$0x3], $0x4000, $0x38;
	[tilespmem:$0x1D000] =	vst v63  }
0x200: {  	_ =	swait.ge [sflag:s18], $0x4000  }
0x201: {  	[sflag:s18] =	ssyncset.done $0x0  }
0x202: {  	s9 =	rddreg [dreg:$0x1a];
	[sflag:s18] =	ssyncadd.s32 $0xFFFFC000  }
0x203: {  	[tilespmem:s17], [sflag:$0x3] =	stream.linear.gather [spmem:s9], $0x4000, $0x38;
	[tilespmem:$0x1D000] =	vst v63  }
0x204: {  	_ =	swait.ge [sflag:s18], $0x4000  }
0x205: {  	[sflag:s18] =	ssyncset.done $0x0  }
0x206: {  	s11 =	rddreg [dreg:$0x1f];
	[sflag:s18] =	ssyncadd.s32 $0xFFFFC000  }
0x207: {  	[hbm4b:s11+s3] =	stream.linear.scatter [tilespmem:s17], [sflag:$0x3], $0x4000, $0x38;
	[tilespmem:$0x1D000] =	vst v63  }
0x208: {  	_ =	swait.ge [sflag:s18], $0x4000  }
0x209: {  	s8 =	sld [smem:$0x7FD];
	_ =	sdelay $0x2  }
0x20a: {  	s11 =	sadd.s32 $0x1, s8;
	s8 =	rddreg [dreg:$0x16]  }
0x20b: {  	p0 =	sne.s32 s11, s8  }
.Ltmp1:
0x20c: {  	_ = 	snop;
	(pc) =	sbr.rel @p0 .LBB2_1-.Ltmp1, $3  }
0x20d: {  	_ =	sdelay $0x1  }
0x20e: {  	[sflag:s18] =	ssyncset.done $0x0;
	[smem:$0x7FD] =	sst s11  }
0x20f: {  	[sflag:s18] =	ssyncadd.s32 $0xFFFFC000;
	s11 =	rddreg [dreg:$0x15]  }
0x210: {  	_ =	sfence.sel $0x180000  }
0x211: {  	[bflag:$0x0] =	sbarrier.arrive $0xFFFF  }
0x212: {  	_ =	strace $0x90000047  }
0x213: {  	s0 =	stileid.u32;
	[bflag:$0x2] =	sbarrier.arrive $0xFFFF  }
0x214: {  	p0 =	sne.s32 s0, $0x0;
	s0 =	rddreg [dreg:$0x3]  }
0x215: {  	s0 =	sadd.s32 @!p0 $0x100000, s0  }
0x216: {  	[sflag:s0] =	ssyncadd.tile.s32 @!p0 $0x1;
	_ =	shalt  }
.Lfunc_end2:
_tile_overlayer_lowered:
.L_overlay_start_2:
0x217: {  	(tag) =	ssettag $0x2  }
0x218: {  	s0 =	rddreg [dreg:$0x0];
	s2 =	stileid.u32  }
0x219: {  	s1 =	rddreg [dreg:$0x1];
	p0 =	sne.s32 s2, $0x0  }
0x21a: {  	s3 =	rddreg [dreg:$0x2];
	[bflag:$0x3] =	sbarrier.arrive $0xFFFF;
	s2 =	simm.s32 @!p0 $0x1C03  }
0x21b: {  	[timem:s3], [sflag:s2] =	dma.local @!p0 [hbm:s0], s1  }
0x21c: {  	s0 =	simm.s32 @!p0 $0x3  }
0x21d: {  	_ =	swait.ge @!p0 [sflag:s0], s1  }
0x21e: {  	s1 =	ssub.s32 @!p0 $0x0, s1;
	[sflag:s0] =	ssyncset.done @!p0 $0x0  }
0x21f: {  	[sflag:s0] =	ssyncadd.s32 @!p0 s1  }
0x220: {  	[bflag:$0x3] =	sbarrier.arrive $0xFFFF  }
0x221: {  	_ =	shalt  }

</sc_bundles>
